<compile_context>
chip_gen: v7x
topology: tpu7x:2x2x1
jax: 0.10.2.dev20260603
libtpu: 0.0.44.dev20260713+nightly
codegen_flags: <defaults>
</compile_context>

<pallas_src>
import functools
import math

import jax
import jax.numpy as jnp
import numpy as np
from jax import lax
from jax.experimental import pallas as pl
from jax.experimental.pallas import tpu as pltpu
from jax.experimental.pallas import tpu_sc as plsc

_K = 8
_TAUS = [0.5, 1.5, 4.0]
_M = len(_TAUS)


def _bessel_i(k, x):
    s = 0.0
    for m in range(40):
        s += (0.5 * x) ** (2 * m + k) / (math.factorial(m) * math.factorial(m + k))
    return s


def _cheb_coeffs(tau, K):
    a = np.zeros(K + 1, dtype=np.float64)
    if tau == 0.0:
        a[0] = 1.0
        return a
    e = math.exp(-tau)
    a[0] = e * _bessel_i(0, tau)
    for k in range(1, K + 1):
        a[k] = 2.0 * e * ((-1.0) ** k) * _bessel_i(k, tau)
    return a


_A = np.stack([_cheb_coeffs(t, _K) for t in [0.0] + _TAUS], axis=0)


def _make_spmm(N, D, E):
    NC, NS = 2, 16
    NW = NC * NS
    EPW = E // NW
    CHUNK = 80
    NCH = EPW // CHUNK
    RPT = -(-N // NS // 8) * 8
    RPT_TAIL = N - (NS - 1) * RPT
    LANES = 16

    mesh = plsc.VectorSubcoreMesh(core_axis_name="c", subcore_axis_name="s")

    @functools.partial(
        pl.kernel,
        out_type=jax.ShapeDtypeStruct((NC, N, D), jnp.float32),
        mesh=mesh,
        scratch_types=[
            pltpu.VMEM((CHUNK,), jnp.int32),
            pltpu.VMEM((CHUNK,), jnp.int32),
            pltpu.VMEM((CHUNK, LANES), jnp.float32),
            pltpu.VMEM((CHUNK, D), jnp.float32),
            pltpu.VMEM_SHARED((N, D), jnp.float32),
            pltpu.SemaphoreType.DMA,
        ],
    )
    def spmm(x_hbm, rows_hbm, cols_hbm, w_hbm, zero_hbm, out_hbm,
             colv, rowv, wv, gbuf, acc, sem):
        cid = lax.axis_index("c")
        sid = lax.axis_index("s")
        wid = sid * NC + cid

        rbase = pl.multiple_of(sid * RPT, 8)

        @pl.when(sid < NS - 1)
        def _():
            pltpu.sync_copy(zero_hbm.at[pl.ds(rbase, RPT)],
                            acc.at[pl.ds(rbase, RPT)])

        @pl.when(sid == NS - 1)
        def _():
            pltpu.sync_copy(zero_hbm.at[pl.ds((NS - 1) * RPT, RPT_TAIL)],
                            acc.at[pl.ds((NS - 1) * RPT, RPT_TAIL)])

        plsc.subcore_barrier()

        base0 = wid * EPW

        def chunk_body(ci, carry):
            base = pl.multiple_of(base0 + ci * CHUNK, 8)
            pltpu.sync_copy(cols_hbm.at[pl.ds(base, CHUNK)], colv)
            pltpu.sync_copy(rows_hbm.at[pl.ds(base, CHUNK)], rowv)
            pltpu.sync_copy(w_hbm.at[pl.ds(base, CHUNK)], wv)
            pltpu.async_copy(x_hbm.at[colv], gbuf, sem).wait()

            def edge_body(ei, c2):
                wsplat = wv[ei, :]
                for j in range(D // LANES):
                    seg = gbuf[ei, pl.ds(j * LANES, LANES)]
                    gbuf[ei, pl.ds(j * LANES, LANES)] = seg * wsplat
                return c2

            lax.fori_loop(0, CHUNK, edge_body, 0, unroll=False)
            pltpu.sync_copy(gbuf, acc.at[rowv], add=True)
            return carry

        lax.fori_loop(0, NCH, chunk_body, 0, unroll=False)

        plsc.subcore_barrier()

        @pl.when(sid < NS - 1)
        def _():
            pltpu.sync_copy(acc.at[pl.ds(rbase, RPT)],
                            out_hbm.at[cid, pl.ds(rbase, RPT)])

        @pl.when(sid == NS - 1)
        def _():
            pltpu.sync_copy(acc.at[pl.ds((NS - 1) * RPT, RPT_TAIL)],
                            out_hbm.at[cid, pl.ds((NS - 1) * RPT, RPT_TAIL)])

    return spmm


def _combine(p, prev, scale, sub):
    N, D = prev.shape
    BN = 1000

    def body(p_ref, prev_ref, o_ref):
        s = p_ref[0] + p_ref[1]
        o_ref[...] = scale * s - sub * prev_ref[...]

    return pl.pallas_call(
        body,
        grid=(N // BN,),
        in_specs=[
            pl.BlockSpec((2, BN, D), lambda i: (0, i, 0)),
            pl.BlockSpec((BN, D), lambda i: (i, 0)),
        ],
        out_specs=pl.BlockSpec((BN, D), lambda i: (i, 0)),
        out_shape=jax.ShapeDtypeStruct((N, D), jnp.float32),
    )(p, prev)


def _tail(psis, X, W_band, b_band, W_fuse, b_fuse):
    N, D = X.shape
    BN = 1000
    KP1 = len(psis)
    A = _A.astype(np.float32)

    def body(*refs):
        psi_refs = refs[:KP1]
        x_ref, wb_ref, bb_ref, wf_ref, bf_ref, o_ref = refs[KP1:]
        psi = [r[...] for r in psi_refs]
        Y = []
        for i in range(_M + 1):
            acc = float(A[i, 0]) * psi[0]
            for k in range(1, KP1):
                acc = acc + float(A[i, k]) * psi[k]
            Y.append(acc)
        wf = wf_ref[...]
        z = jnp.zeros((BN, D), jnp.float32) + bf_ref[0]
        for i in range(1, _M + 1):
            band = Y[i - 1] - Y[i]
            h = jnp.maximum(
                jnp.dot(band, wb_ref[i - 1],
                        preferred_element_type=jnp.float32) + bb_ref[i - 1],
                0.0)
            z = z + jnp.dot(h, wf[(i - 1) * D:i * D],
                            preferred_element_type=jnp.float32)
        h0 = jnp.maximum(
            jnp.dot(Y[_M], wb_ref[_M],
                    preferred_element_type=jnp.float32) + bb_ref[_M],
            0.0)
        z = z + jnp.dot(h0, wf[_M * D:(_M + 1) * D],
                        preferred_element_type=jnp.float32)
        z = z + jnp.dot(x_ref[...], wf[(_M + 1) * D:(_M + 2) * D],
                        preferred_element_type=jnp.float32)
        o_ref[...] = z

    FIN = (_M + 2) * D
    in_specs = (
        [pl.BlockSpec((BN, D), lambda i: (i, 0)) for _ in range(KP1)]
        + [
            pl.BlockSpec((BN, D), lambda i: (i, 0)),
            pl.BlockSpec((_M + 1, D, D), lambda i: (0, 0, 0)),
            pl.BlockSpec((_M + 1, D), lambda i: (0, 0)),
            pl.BlockSpec((FIN, D), lambda i: (0, 0)),
            pl.BlockSpec((1, D), lambda i: (0, 0)),
        ]
    )
    return pl.pallas_call(
        body,
        grid=(N // BN,),
        in_specs=in_specs,
        out_specs=pl.BlockSpec((BN, D), lambda i: (i, 0)),
        out_shape=jax.ShapeDtypeStruct((N, D), jnp.float32),
    )(*psis, X, W_band, b_band, W_fuse, b_fuse.reshape(1, D))


def kernel(X, edge_index, edge_weight, W_band, b_band, W_fuse, b_fuse):
    N, D = X.shape
    E = edge_weight.shape[0]

    rows = edge_index[0]
    cols = edge_index[1]
    w16 = jnp.broadcast_to(edge_weight[:, None], (E, 16))
    zero = jnp.zeros((N, D), jnp.float32)

    spmm = _make_spmm(N, D, E)

    psis = [X]
    p = spmm(X, rows, cols, w16, zero)
    psis.append(_combine(p, X, 1.0, 0.0))
    for _ in range(2, _K + 1):
        p = spmm(psis[-1], rows, cols, w16, zero)
        psis.append(_combine(p, psis[-2], 2.0, 1.0))

    return _tail(psis, X, W_band, b_band, W_fuse, b_fuse)

# --- scband reference (transcript-rebuilt; emitter-appended) ---
"""Pipeline reference for scband-mbtfeconv-38328288150258 (READ-ONLY COPY).

The authoritative reference and input builder live on the scoring server;
editing this copy changes nothing except your own understanding.
"""

import jax, jax.numpy as jnp
import numpy as np
import math

K = 8
TAUS = [0.5, 1.5, 4.0]
N = 10000
E = 320000
IN_DIM = 128
OUT_DIM = 128
M = len(TAUS)

def _iv(k, x):
    s = 0.0
    for m in range(40):
        s += (0.5 * x) ** (2 * m + k) / (math.factorial(m) * math.factorial(m + k))
    return s

def _coeffs(tau, K):
    a = np.zeros(K + 1, dtype=np.float64)
    if tau == 0.0:
        a[0] = 1.0
        return a
    e = math.exp(-tau)
    a[0] = e * _iv(0, tau)
    for k in range(1, K + 1):
        a[k] = 2.0 * e * ((-1.0) ** k) * _iv(k, tau)
    return a

A_NP = np.stack([_coeffs(t, K) for t in [0.0] + TAUS], axis=0)

def setup_inputs(seed: int = 0):
    key = jax.random.key(seed)
    ks = jax.random.split(key, 8)
    X = jax.random.normal(ks[0], (N, IN_DIM), dtype=jnp.float32)
    edge_index = jax.random.randint(ks[1], (2, E), 0, N, dtype=jnp.int32)
    edge_weight = jax.random.uniform(ks[2], (E,), dtype=jnp.float32)
    W_band = jax.random.normal(ks[3], (M + 1, IN_DIM, OUT_DIM), dtype=jnp.float32) * (1.0 / math.sqrt(IN_DIM))
    b_band = jnp.zeros((M + 1, OUT_DIM), dtype=jnp.float32)
    fuse_in = M * OUT_DIM + OUT_DIM + IN_DIM
    W_fuse = jax.random.normal(ks[4], (fuse_in, OUT_DIM), dtype=jnp.float32) * (1.0 / math.sqrt(fuse_in))
    b_fuse = jnp.zeros((OUT_DIM,), dtype=jnp.float32)
    return {"X": X, "edge_index": edge_index, "edge_weight": edge_weight, "W_band": W_band, "b_band": b_band, "W_fuse": W_fuse, "b_fuse": b_fuse}

def reference(X, edge_index, edge_weight, W_band, b_band, W_fuse, b_fuse):
    n = X.shape[0]
    row = edge_index[0]
    col = edge_index[1]
    def spmm(x):
        return jax.ops.segment_sum(edge_weight[:, None] * jnp.take(x, col, axis=0), row, num_segments=n)
    Psi = [X, spmm(X)]
    for k in range(2, K + 1):
        Psi.append(2.0 * spmm(Psi[-1]) - Psi[-2])
    A = jnp.asarray(A_NP, dtype=jnp.float32)
    PsiS = jnp.stack(Psi, axis=0)
    Y = jnp.einsum('ik,knf->inf', A, PsiS)
    bands = [Y[i - 1] - Y[i] for i in range(1, M + 1)]
    ultra = Y[M]
    Hs = [jax.nn.relu(bands[i] @ W_band[i] + b_band[i]) for i in range(M)]
    H0 = jax.nn.relu(ultra @ W_band[M] + b_band[M])
    U = jnp.concatenate(Hs + [H0, X], axis=1)
    Z = U @ W_fuse + b_fuse
    return Z

if __name__ == "__main__":
    import jax
    _d = setup_inputs()
    print(jax.jit(kernel)(*tuple(_d.values())))

</pallas_src>

<mosaic_0001>
#map = affine_map<(d0, d1) -> (0, 0)>
#map1 = affine_map<(d0, d1) -> (0)>
#map2 = affine_map<(d0, d1) -> (0, 0, 0)>
module attributes {stable_mosaic.version = 14 : i64} {
  func.func @spmm(%arg0: i32, %arg1: i32, %arg2: memref<10000x128xf32, #tpu.memory_space<hbm>>, %arg3: memref<320000xi32, #tpu.memory_space<hbm>>, %arg4: memref<320000xi32, #tpu.memory_space<hbm>>, %arg5: memref<320000x16xf32, #tpu.memory_space<hbm>>, %arg6: memref<10000x128xf32, #tpu.memory_space<hbm>>, %arg7: memref<2x10000x128xf32, #tpu.memory_space<hbm>>, %arg8: memref<80xi32, #tpu.memory_space<vmem>>, %arg9: memref<80xi32, #tpu.memory_space<vmem>>, %arg10: memref<80x16xf32, #tpu.memory_space<vmem>>, %arg11: memref<80x128xf32, #tpu.memory_space<vmem>>, %arg12: memref<10000x128xf32, #tpu.memory_space<vmem_shared>>, %arg13: memref<!tpu.dma_semaphore, #tpu.memory_space<semaphore_mem>>) attributes {dimension_semantics = [#tpu.dimension_semantics<core_parallel>, #tpu.dimension_semantics<subcore_parallel>], iteration_bounds = array<i64: 2, 16>, scalar_prefetch = 0 : i64, scratch_operands = 6 : i64, tpu.core_type = #tpu.core_type<sc_vector_subcore>, window_params = [{transform_indices = #map}, {transform_indices = #map1}, {transform_indices = #map1}, {transform_indices = #map}, {transform_indices = #map}, {transform_indices = #map2}]} {
    %mul3A = arith.constant 2 : i32
    %mul3A_0 = arith.muli %arg1, %mul3A : i32
    %add3A = arith.addi %mul3A_0, %arg0 : i32
    %mul3A_1 = arith.constant 632 : i32
    %mul3A_2 = arith.muli %arg1, %mul3A_1 : i32
    %multiple_of3A = tpu.assume_multiple %mul3A_2, 8 : i32
    %lt3A = arith.constant 15 : i32
    %lt3A_3 = arith.cmpi slt, %arg1, %lt3A : i32
    %convert_element_type3A = arith.extui %lt3A_3 : i1 to i32
    %cond3A = arith.constant 0 : i32
    %cond3A_4 = arith.cmpi ne, %convert_element_type3A, %cond3A : i32
    scf.if %cond3A_4 {
      "tpu.region"() ({
        %run_scoped3A = tpu.sem_alloc : memref<!tpu.dma_semaphore, #tpu.memory_space<semaphore_mem>>
        %dma_start3A = arith.constant 0 : i32
        %dma_start3A_27 = tpu.memref_slice %arg12[%multiple_of3A, %dma_start3A] : memref<10000x128xf32, #tpu.memory_space<vmem_shared>> -> memref<632x128xf32, #tpu.memory_space<vmem_shared>>
        %dma_start3A_28 = arith.constant 0 : i32
        %dma_start3A_29 = tpu.memref_slice %arg6[%multiple_of3A, %dma_start3A_28] : memref<10000x128xf32, #tpu.memory_space<hbm>> -> memref<632x128xf32, #tpu.memory_space<hbm>>
        tpu.enqueue_dma source(%dma_start3A_29 : memref<632x128xf32, #tpu.memory_space<hbm>>) target(%dma_start3A_27 : memref<632x128xf32, #tpu.memory_space<vmem_shared>>) target_semaphore(%run_scoped3A : memref<!tpu.dma_semaphore, #tpu.memory_space<semaphore_mem>>)
        %dma_wait3A = arith.constant 0 : i32
        %dma_wait3A_30 = tpu.memref_slice %arg12[%multiple_of3A, %dma_wait3A] : memref<10000x128xf32, #tpu.memory_space<vmem_shared>> -> memref<632x128xf32, #tpu.memory_space<vmem_shared>>
        %dma_wait3A_31 = arith.constant 0 : i32
        %dma_wait3A_32 = tpu.memref_slice %arg6[%multiple_of3A, %dma_wait3A_31] : memref<10000x128xf32, #tpu.memory_space<hbm>> -> memref<632x128xf32, #tpu.memory_space<hbm>>
        tpu.wait_dma2 semaphore(%run_scoped3A : memref<!tpu.dma_semaphore, #tpu.memory_space<semaphore_mem>>) src(%dma_wait3A_32 : memref<632x128xf32, #tpu.memory_space<hbm>>) dst(%dma_wait3A_30 : memref<632x128xf32, #tpu.memory_space<vmem_shared>>)
        tpu.yield
      }) : () -> ()
    } else {
    }
    %eq3A = arith.constant 15 : i32
    %eq3A_5 = arith.cmpi eq, %arg1, %eq3A : i32
    %convert_element_type3A_6 = arith.extui %eq3A_5 : i1 to i32
    %cond3A_7 = arith.constant 0 : i32
    %cond3A_8 = arith.cmpi ne, %convert_element_type3A_6, %cond3A_7 : i32
    scf.if %cond3A_8 {
      "tpu.region"() ({
        %run_scoped3A = tpu.sem_alloc : memref<!tpu.dma_semaphore, #tpu.memory_space<semaphore_mem>>
        %dma_start3A = arith.constant 9480 : i32
        %dma_start3A_27 = arith.constant 0 : i32
        %dma_start3A_28 = tpu.memref_slice %arg12[%dma_start3A, %dma_start3A_27] : memref<10000x128xf32, #tpu.memory_space<vmem_shared>> -> memref<520x128xf32, #tpu.memory_space<vmem_shared>>
        %dma_start3A_29 = arith.constant 9480 : i32
        %dma_start3A_30 = arith.constant 0 : i32
        %dma_start3A_31 = tpu.memref_slice %arg6[%dma_start3A_29, %dma_start3A_30] : memref<10000x128xf32, #tpu.memory_space<hbm>> -> memref<520x128xf32, #tpu.memory_space<hbm>>
        tpu.enqueue_dma source(%dma_start3A_31 : memref<520x128xf32, #tpu.memory_space<hbm>>) target(%dma_start3A_28 : memref<520x128xf32, #tpu.memory_space<vmem_shared>>) target_semaphore(%run_scoped3A : memref<!tpu.dma_semaphore, #tpu.memory_space<semaphore_mem>>)
        %dma_wait3A = arith.constant 9480 : i32
        %dma_wait3A_32 = arith.constant 0 : i32
        %dma_wait3A_33 = tpu.memref_slice %arg12[%dma_wait3A, %dma_wait3A_32] : memref<10000x128xf32, #tpu.memory_space<vmem_shared>> -> memref<520x128xf32, #tpu.memory_space<vmem_shared>>
        %dma_wait3A_34 = arith.constant 9480 : i32
        %dma_wait3A_35 = arith.constant 0 : i32
        %dma_wait3A_36 = tpu.memref_slice %arg6[%dma_wait3A_34, %dma_wait3A_35] : memref<10000x128xf32, #tpu.memory_space<hbm>> -> memref<520x128xf32, #tpu.memory_space<hbm>>
        tpu.wait_dma2 semaphore(%run_scoped3A : memref<!tpu.dma_semaphore, #tpu.memory_space<semaphore_mem>>) src(%dma_wait3A_36 : memref<520x128xf32, #tpu.memory_space<hbm>>) dst(%dma_wait3A_33 : memref<520x128xf32, #tpu.memory_space<vmem_shared>>)
        tpu.yield
      }) : () -> ()
    } else {
    }
    %barrier3A = arith.constant 0 : index
    tpu.barrier barrier_id(%barrier3A)
    %mul3A_9 = arith.constant 10000 : i32
    %mul3A_10 = arith.muli %add3A, %mul3A_9 : i32
    %scan3A = arith.constant 0 : i32
    %scan3A_11 = arith.constant 0 : i32
    %scan3A_12 = arith.constant 125 : i32
    %scan3A_13 = arith.addi %scan3A_11, %scan3A_12 : i32
    %scan3A_14 = arith.constant 1 : i32
    scf.for %scan3A_27 = %scan3A_11 to %scan3A_13 step %scan3A_14  : i32 {
      %mul3A_28 = arith.constant 80 : i32
      %mul3A_29 = arith.muli %scan3A_27, %mul3A_28 : i32
      %add3A_30 = arith.addi %mul3A_10, %mul3A_29 : i32
      %multiple_of3A_31 = tpu.assume_multiple %add3A_30, 8 : i32
      "tpu.region"() ({
        %run_scoped3A = tpu.sem_alloc : memref<!tpu.dma_semaphore, #tpu.memory_space<semaphore_mem>>
        %dma_start3A_42 = tpu.memref_slice %arg4[%multiple_of3A_31] : memref<320000xi32, #tpu.memory_space<hbm>> -> memref<80xi32, #tpu.memory_space<hbm>>
        %dma_start3A_43 = tpu.memref_slice %arg4[%multiple_of3A_31] : memref<320000xi32, #tpu.memory_space<hbm>> -> memref<80xi32, #tpu.memory_space<hbm>>
        tpu.enqueue_dma source(%dma_start3A_43 : memref<80xi32, #tpu.memory_space<hbm>>) target(%arg8 : memref<80xi32, #tpu.memory_space<vmem>>) target_semaphore(%run_scoped3A : memref<!tpu.dma_semaphore, #tpu.memory_space<semaphore_mem>>)
        %dma_wait3A_44 = tpu.memref_slice %arg4[%multiple_of3A_31] : memref<320000xi32, #tpu.memory_space<hbm>> -> memref<80xi32, #tpu.memory_space<hbm>>
        %dma_wait3A_45 = tpu.memref_slice %arg4[%multiple_of3A_31] : memref<320000xi32, #tpu.memory_space<hbm>> -> memref<80xi32, #tpu.memory_space<hbm>>
        tpu.wait_dma2 semaphore(%run_scoped3A : memref<!tpu.dma_semaphore, #tpu.memory_space<semaphore_mem>>) src(%dma_wait3A_45 : memref<80xi32, #tpu.memory_space<hbm>>) dst(%arg8 : memref<80xi32, #tpu.memory_space<vmem>>)
        tpu.yield
      }) : () -> ()
      "tpu.region"() ({
        %run_scoped3A = tpu.sem_alloc : memref<!tpu.dma_semaphore, #tpu.memory_space<semaphore_mem>>
        %dma_start3A_42 = tpu.memref_slice %arg3[%multiple_of3A_31] : memref<320000xi32, #tpu.memory_space<hbm>> -> memref<80xi32, #tpu.memory_space<hbm>>
        %dma_start3A_43 = tpu.memref_slice %arg3[%multiple_of3A_31] : memref<320000xi32, #tpu.memory_space<hbm>> -> memref<80xi32, #tpu.memory_space<hbm>>
        tpu.enqueue_dma source(%dma_start3A_43 : memref<80xi32, #tpu.memory_space<hbm>>) target(%arg9 : memref<80xi32, #tpu.memory_space<vmem>>) target_semaphore(%run_scoped3A : memref<!tpu.dma_semaphore, #tpu.memory_space<semaphore_mem>>)
        %dma_wait3A_44 = tpu.memref_slice %arg3[%multiple_of3A_31] : memref<320000xi32, #tpu.memory_space<hbm>> -> memref<80xi32, #tpu.memory_space<hbm>>
        %dma_wait3A_45 = tpu.memref_slice %arg3[%multiple_of3A_31] : memref<320000xi32, #tpu.memory_space<hbm>> -> memref<80xi32, #tpu.memory_space<hbm>>
        tpu.wait_dma2 semaphore(%run_scoped3A : memref<!tpu.dma_semaphore, #tpu.memory_space<semaphore_mem>>) src(%dma_wait3A_45 : memref<80xi32, #tpu.memory_space<hbm>>) dst(%arg9 : memref<80xi32, #tpu.memory_space<vmem>>)
        tpu.yield
      }) : () -> ()
      "tpu.region"() ({
        %run_scoped3A = tpu.sem_alloc : memref<!tpu.dma_semaphore, #tpu.memory_space<semaphore_mem>>
        %dma_start3A_42 = arith.constant 0 : i32
        %dma_start3A_43 = tpu.memref_slice %arg5[%multiple_of3A_31, %dma_start3A_42] : memref<320000x16xf32, #tpu.memory_space<hbm>> -> memref<80x16xf32, #tpu.memory_space<hbm>>
        %dma_start3A_44 = arith.constant 0 : i32
        %dma_start3A_45 = tpu.memref_slice %arg5[%multiple_of3A_31, %dma_start3A_44] : memref<320000x16xf32, #tpu.memory_space<hbm>> -> memref<80x16xf32, #tpu.memory_space<hbm>>
        tpu.enqueue_dma source(%dma_start3A_45 : memref<80x16xf32, #tpu.memory_space<hbm>>) target(%arg10 : memref<80x16xf32, #tpu.memory_space<vmem>>) target_semaphore(%run_scoped3A : memref<!tpu.dma_semaphore, #tpu.memory_space<semaphore_mem>>)
        %dma_wait3A_46 = arith.constant 0 : i32
        %dma_wait3A_47 = tpu.memref_slice %arg5[%multiple_of3A_31, %dma_wait3A_46] : memref<320000x16xf32, #tpu.memory_space<hbm>> -> memref<80x16xf32, #tpu.memory_space<hbm>>
        %dma_wait3A_48 = arith.constant 0 : i32
        %dma_wait3A_49 = tpu.memref_slice %arg5[%multiple_of3A_31, %dma_wait3A_48] : memref<320000x16xf32, #tpu.memory_space<hbm>> -> memref<80x16xf32, #tpu.memory_space<hbm>>
        tpu.wait_dma2 semaphore(%run_scoped3A : memref<!tpu.dma_semaphore, #tpu.memory_space<semaphore_mem>>) src(%dma_wait3A_49 : memref<80x16xf32, #tpu.memory_space<hbm>>) dst(%arg10 : memref<80x16xf32, #tpu.memory_space<vmem>>)
        tpu.yield
      }) : () -> ()
      %dma_start3A = arith.constant 0 : i32
      %dma_start3A_32 = arith.constant 0 : i32
      %dma_start3A_33 = tpu.memref_slice %arg2[%dma_start3A, %dma_start3A_32] : memref<10000x128xf32, #tpu.memory_space<hbm>> -> memref<10000x128xf32, #tpu.memory_space<hbm>>
      tpu.enqueue_indirect_dma source(%dma_start3A_33 : memref<10000x128xf32, #tpu.memory_space<hbm>>) target(%arg11 : memref<80x128xf32, #tpu.memory_space<vmem>>) offsets(%arg8 : memref<80xi32, #tpu.memory_space<vmem>>) semaphore(%arg13 : memref<!tpu.dma_semaphore, #tpu.memory_space<semaphore_mem>>)
      %dma_wait3A = arith.constant 0 : i32
      %dma_wait3A_34 = arith.constant 0 : i32
      %dma_wait3A_35 = tpu.memref_slice %arg2[%dma_wait3A, %dma_wait3A_34] : memref<10000x128xf32, #tpu.memory_space<hbm>> -> memref<10000x128xf32, #tpu.memory_space<hbm>>
      tpu.wait_indirect_dma semaphore(%arg13 : memref<!tpu.dma_semaphore, #tpu.memory_space<semaphore_mem>>) src(%dma_wait3A_35 : memref<10000x128xf32, #tpu.memory_space<hbm>>) dst(%arg11 : memref<80x128xf32, #tpu.memory_space<vmem>>)
      %scan3A_36 = arith.constant 0 : i32
      %scan3A_37 = arith.constant 0 : i32
      %scan3A_38 = arith.constant 80 : i32
      %scan3A_39 = arith.addi %scan3A_37, %scan3A_38 : i32
      %scan3A_40 = arith.constant 1 : i32
      scf.for %scan3A_42 = %scan3A_37 to %scan3A_39 step %scan3A_40  : i32 {
        %get3A = arith.index_cast %scan3A_42 : i32 to index
        %get3A_43 = arith.constant 0 : index
        %get3A_44 = tpu.vector_load %arg10[%get3A, %get3A_43] {strides = array<i32>} : memref<80x16xf32, #tpu.memory_space<vmem>>, vector<1x16xf32>,
        %get3A_45 = vector.shape_cast %get3A_44 : vector<1x16xf32> to vector<16xf32>
        %get3A_46 = arith.index_cast %scan3A_42 : i32 to index
        %get3A_47 = arith.constant 0 : index
        %get3A_48 = tpu.vector_load %arg11[%get3A_46, %get3A_47] {strides = array<i32>} : memref<80x128xf32, #tpu.memory_space<vmem>>, vector<1x16xf32>,
        %get3A_49 = vector.shape_cast %get3A_48 : vector<1x16xf32> to vector<16xf32>
        %mul3A_50 = arith.mulf %get3A_49, %get3A_45 : vector<16xf32>
        %swap3A = arith.index_cast %scan3A_42 : i32 to index
        %swap3A_51 = arith.constant 0 : index
        %swap3A_52 = tpu.vector_load %arg11[%swap3A, %swap3A_51] {strides = array<i32>} : memref<80x128xf32, #tpu.memory_space<vmem>>, vector<1x16xf32>,
        %swap3A_53 = vector.shape_cast %swap3A_52 : vector<1x16xf32> to vector<16xf32>
        %swap3A_54 = vector.shape_cast %mul3A_50 : vector<16xf32> to vector<1x16xf32>
        tpu.vector_store %arg11[%swap3A, %swap3A_51], %swap3A_54 {strides = array<i32>} : memref<80x128xf32, #tpu.memory_space<vmem>>, vector<1x16xf32>,
        %get3A_55 = arith.index_cast %scan3A_42 : i32 to index
        %get3A_56 = arith.constant 16 : index
        %get3A_57 = tpu.vector_load %arg11[%get3A_55, %get3A_56] {strides = array<i32>} : memref<80x128xf32, #tpu.memory_space<vmem>>, vector<1x16xf32>,
        %get3A_58 = vector.shape_cast %get3A_57 : vector<1x16xf32> to vector<16xf32>
        %mul3A_59 = arith.mulf %get3A_58, %get3A_45 : vector<16xf32>
        %swap3A_60 = arith.index_cast %scan3A_42 : i32 to index
        %swap3A_61 = arith.constant 16 : index
        %swap3A_62 = tpu.vector_load %arg11[%swap3A_60, %swap3A_61] {strides = array<i32>} : memref<80x128xf32, #tpu.memory_space<vmem>>, vector<1x16xf32>,
        %swap3A_63 = vector.shape_cast %swap3A_62 : vector<1x16xf32> to vector<16xf32>
        %swap3A_64 = vector.shape_cast %mul3A_59 : vector<16xf32> to vector<1x16xf32>
        tpu.vector_store %arg11[%swap3A_60, %swap3A_61], %swap3A_64 {strides = array<i32>} : memref<80x128xf32, #tpu.memory_space<vmem>>, vector<1x16xf32>,
        %get3A_65 = arith.index_cast %scan3A_42 : i32 to index
        %get3A_66 = arith.constant 32 : index
        %get3A_67 = tpu.vector_load %arg11[%get3A_65, %get3A_66] {strides = array<i32>} : memref<80x128xf32, #tpu.memory_space<vmem>>, vector<1x16xf32>,
        %get3A_68 = vector.shape_cast %get3A_67 : vector<1x16xf32> to vector<16xf32>
        %mul3A_69 = arith.mulf %get3A_68, %get3A_45 : vector<16xf32>
        %swap3A_70 = arith.index_cast %scan3A_42 : i32 to index
        %swap3A_71 = arith.constant 32 : index
        %swap3A_72 = tpu.vector_load %arg11[%swap3A_70, %swap3A_71] {strides = array<i32>} : memref<80x128xf32, #tpu.memory_space<vmem>>, vector<1x16xf32>,
        %swap3A_73 = vector.shape_cast %swap3A_72 : vector<1x16xf32> to vector<16xf32>
        %swap3A_74 = vector.shape_cast %mul3A_69 : vector<16xf32> to vector<1x16xf32>
        tpu.vector_store %arg11[%swap3A_70, %swap3A_71], %swap3A_74 {strides = array<i32>} : memref<80x128xf32, #tpu.memory_space<vmem>>, vector<1x16xf32>,
        %get3A_75 = arith.index_cast %scan3A_42 : i32 to index
        %get3A_76 = arith.constant 48 : index
        %get3A_77 = tpu.vector_load %arg11[%get3A_75, %get3A_76] {strides = array<i32>} : memref<80x128xf32, #tpu.memory_space<vmem>>, vector<1x16xf32>,
        %get3A_78 = vector.shape_cast %get3A_77 : vector<1x16xf32> to vector<16xf32>
        %mul3A_79 = arith.mulf %get3A_78, %get3A_45 : vector<16xf32>
        %swap3A_80 = arith.index_cast %scan3A_42 : i32 to index
        %swap3A_81 = arith.constant 48 : index
        %swap3A_82 = tpu.vector_load %arg11[%swap3A_80, %swap3A_81] {strides = array<i32>} : memref<80x128xf32, #tpu.memory_space<vmem>>, vector<1x16xf32>,
        %swap3A_83 = vector.shape_cast %swap3A_82 : vector<1x16xf32> to vector<16xf32>
        %swap3A_84 = vector.shape_cast %mul3A_79 : vector<16xf32> to vector<1x16xf32>
        tpu.vector_store %arg11[%swap3A_80, %swap3A_81], %swap3A_84 {strides = array<i32>} : memref<80x128xf32, #tpu.memory_space<vmem>>, vector<1x16xf32>,
        %get3A_85 = arith.index_cast %scan3A_42 : i32 to index
        %get3A_86 = arith.constant 64 : index
        %get3A_87 = tpu.vector_load %arg11[%get3A_85, %get3A_86] {strides = array<i32>} : memref<80x128xf32, #tpu.memory_space<vmem>>, vector<1x16xf32>,
        %get3A_88 = vector.shape_cast %get3A_87 : vector<1x16xf32> to vector<16xf32>
        %mul3A_89 = arith.mulf %get3A_88, %get3A_45 : vector<16xf32>
        %swap3A_90 = arith.index_cast %scan3A_42 : i32 to index
        %swap3A_91 = arith.constant 64 : index
        %swap3A_92 = tpu.vector_load %arg11[%swap3A_90, %swap3A_91] {strides = array<i32>} : memref<80x128xf32, #tpu.memory_space<vmem>>, vector<1x16xf32>,
        %swap3A_93 = vector.shape_cast %swap3A_92 : vector<1x16xf32> to vector<16xf32>
        %swap3A_94 = vector.shape_cast %mul3A_89 : vector<16xf32> to vector<1x16xf32>
        tpu.vector_store %arg11[%swap3A_90, %swap3A_91], %swap3A_94 {strides = array<i32>} : memref<80x128xf32, #tpu.memory_space<vmem>>, vector<1x16xf32>,
        %get3A_95 = arith.index_cast %scan3A_42 : i32 to index
        %get3A_96 = arith.constant 80 : index
        %get3A_97 = tpu.vector_load %arg11[%get3A_95, %get3A_96] {strides = array<i32>} : memref<80x128xf32, #tpu.memory_space<vmem>>, vector<1x16xf32>,
        %get3A_98 = vector.shape_cast %get3A_97 : vector<1x16xf32> to vector<16xf32>
        %mul3A_99 = arith.mulf %get3A_98, %get3A_45 : vector<16xf32>
        %swap3A_100 = arith.index_cast %scan3A_42 : i32 to index
        %swap3A_101 = arith.constant 80 : index
        %swap3A_102 = tpu.vector_load %arg11[%swap3A_100, %swap3A_101] {strides = array<i32>} : memref<80x128xf32, #tpu.memory_space<vmem>>, vector<1x16xf32>,
        %swap3A_103 = vector.shape_cast %swap3A_102 : vector<1x16xf32> to vector<16xf32>
        %swap3A_104 = vector.shape_cast %mul3A_99 : vector<16xf32> to vector<1x16xf32>
        tpu.vector_store %arg11[%swap3A_100, %swap3A_101], %swap3A_104 {strides = array<i32>} : memref<80x128xf32, #tpu.memory_space<vmem>>, vector<1x16xf32>,
        %get3A_105 = arith.index_cast %scan3A_42 : i32 to index
        %get3A_106 = arith.constant 96 : index
        %get3A_107 = tpu.vector_load %arg11[%get3A_105, %get3A_106] {strides = array<i32>} : memref<80x128xf32, #tpu.memory_space<vmem>>, vector<1x16xf32>,
        %get3A_108 = vector.shape_cast %get3A_107 : vector<1x16xf32> to vector<16xf32>
        %mul3A_109 = arith.mulf %get3A_108, %get3A_45 : vector<16xf32>
        %swap3A_110 = arith.index_cast %scan3A_42 : i32 to index
        %swap3A_111 = arith.constant 96 : index
        %swap3A_112 = tpu.vector_load %arg11[%swap3A_110, %swap3A_111] {strides = array<i32>} : memref<80x128xf32, #tpu.memory_space<vmem>>, vector<1x16xf32>,
        %swap3A_113 = vector.shape_cast %swap3A_112 : vector<1x16xf32> to vector<16xf32>
        %swap3A_114 = vector.shape_cast %mul3A_109 : vector<16xf32> to vector<1x16xf32>
        tpu.vector_store %arg11[%swap3A_110, %swap3A_111], %swap3A_114 {strides = array<i32>} : memref<80x128xf32, #tpu.memory_space<vmem>>, vector<1x16xf32>,
        %get3A_115 = arith.index_cast %scan3A_42 : i32 to index
        %get3A_116 = arith.constant 112 : index
        %get3A_117 = tpu.vector_load %arg11[%get3A_115, %get3A_116] {strides = array<i32>} : memref<80x128xf32, #tpu.memory_space<vmem>>, vector<1x16xf32>,
        %get3A_118 = vector.shape_cast %get3A_117 : vector<1x16xf32> to vector<16xf32>
        %mul3A_119 = arith.mulf %get3A_118, %get3A_45 : vector<16xf32>
        %swap3A_120 = arith.index_cast %scan3A_42 : i32 to index
        %swap3A_121 = arith.constant 112 : index
        %swap3A_122 = tpu.vector_load %arg11[%swap3A_120, %swap3A_121] {strides = array<i32>} : memref<80x128xf32, #tpu.memory_space<vmem>>, vector<1x16xf32>,
        %swap3A_123 = vector.shape_cast %swap3A_122 : vector<1x16xf32> to vector<16xf32>
        %swap3A_124 = vector.shape_cast %mul3A_119 : vector<16xf32> to vector<1x16xf32>
        tpu.vector_store %arg11[%swap3A_120, %swap3A_121], %swap3A_124 {strides = array<i32>} : memref<80x128xf32, #tpu.memory_space<vmem>>, vector<1x16xf32>,
      }
      %scan3A_41 = arith.constant 80 : i32
      "tpu.region"() ({
        %run_scoped3A = tpu.sem_alloc : memref<!tpu.dma_semaphore, #tpu.memory_space<semaphore_mem>>
        %dma_start3A_42 = arith.constant 0 : i32
        %dma_start3A_43 = arith.constant 0 : i32
        %dma_start3A_44 = tpu.memref_slice %arg12[%dma_start3A_42, %dma_start3A_43] : memref<10000x128xf32, #tpu.memory_space<vmem_shared>> -> memref<10000x128xf32, #tpu.memory_space<vmem_shared>>
        tpu.enqueue_indirect_dma source(%arg11 : memref<80x128xf32, #tpu.memory_space<vmem>>) target(%dma_start3A_44 : memref<10000x128xf32, #tpu.memory_space<vmem_shared>>) offsets(%arg9 : memref<80xi32, #tpu.memory_space<vmem>>) semaphore(%run_scoped3A : memref<!tpu.dma_semaphore, #tpu.memory_space<semaphore_mem>>) {add = true}
        %dma_wait3A_45 = arith.constant 0 : i32
        %dma_wait3A_46 = arith.constant 0 : i32
        %dma_wait3A_47 = tpu.memref_slice %arg12[%dma_wait3A_45, %dma_wait3A_46] : memref<10000x128xf32, #tpu.memory_space<vmem_shared>> -> memref<10000x128xf32, #tpu.memory_space<vmem_shared>>
        tpu.wait_indirect_dma semaphore(%run_scoped3A : memref<!tpu.dma_semaphore, #tpu.memory_space<semaphore_mem>>) src(%arg11 : memref<80x128xf32, #tpu.memory_space<vmem>>) dst(%dma_wait3A_47 : memref<10000x128xf32, #tpu.memory_space<vmem_shared>>)
        tpu.yield
      }) : () -> ()
    }
    %scan3A_15 = arith.constant 125 : i32
    %barrier3A_16 = arith.constant 0 : index
    tpu.barrier barrier_id(%barrier3A_16)
    %lt3A_17 = arith.constant 15 : i32
    %lt3A_18 = arith.cmpi slt, %arg1, %lt3A_17 : i32
    %convert_element_type3A_19 = arith.extui %lt3A_18 : i1 to i32
    %cond3A_20 = arith.constant 0 : i32
    %cond3A_21 = arith.cmpi ne, %convert_element_type3A_19, %cond3A_20 : i32
    scf.if %cond3A_21 {
      "tpu.region"() ({
        %run_scoped3A = tpu.sem_alloc : memref<!tpu.dma_semaphore, #tpu.memory_space<semaphore_mem>>
        %dma_start3A = arith.constant 0 : i32
        %dma_start3A_27 = tpu.memref_slice %arg7[%arg0, %multiple_of3A, %dma_start3A] : memref<2x10000x128xf32, #tpu.memory_space<hbm>> -> memref<1x632x128xf32, #tpu.memory_space<hbm>>
        %dma_start3A_28 = tpu.memref_squeeze %dma_start3A_27 : memref<1x632x128xf32, #tpu.memory_space<hbm>> -> memref<632x128xf32, #tpu.memory_space<hbm>>
        %dma_start3A_29 = arith.constant 0 : i32
        %dma_start3A_30 = tpu.memref_slice %arg12[%multiple_of3A, %dma_start3A_29] : memref<10000x128xf32, #tpu.memory_space<vmem_shared>> -> memref<632x128xf32, #tpu.memory_space<vmem_shared>>
        tpu.enqueue_dma source(%dma_start3A_30 : memref<632x128xf32, #tpu.memory_space<vmem_shared>>) target(%dma_start3A_28 : memref<632x128xf32, #tpu.memory_space<hbm>>) target_semaphore(%run_scoped3A : memref<!tpu.dma_semaphore, #tpu.memory_space<semaphore_mem>>)
        %dma_wait3A = arith.constant 0 : i32
        %dma_wait3A_31 = tpu.memref_slice %arg7[%arg0, %multiple_of3A, %dma_wait3A] : memref<2x10000x128xf32, #tpu.memory_space<hbm>> -> memref<1x632x128xf32, #tpu.memory_space<hbm>>
        %dma_wait3A_32 = tpu.memref_squeeze %dma_wait3A_31 : memref<1x632x128xf32, #tpu.memory_space<hbm>> -> memref<632x128xf32, #tpu.memory_space<hbm>>
        %dma_wait3A_33 = arith.constant 0 : i32
        %dma_wait3A_34 = tpu.memref_slice %arg12[%multiple_of3A, %dma_wait3A_33] : memref<10000x128xf32, #tpu.memory_space<vmem_shared>> -> memref<632x128xf32, #tpu.memory_space<vmem_shared>>
        tpu.wait_dma2 semaphore(%run_scoped3A : memref<!tpu.dma_semaphore, #tpu.memory_space<semaphore_mem>>) src(%dma_wait3A_34 : memref<632x128xf32, #tpu.memory_space<vmem_shared>>) dst(%dma_wait3A_32 : memref<632x128xf32, #tpu.memory_space<hbm>>)
        tpu.yield
      }) : () -> ()
    } else {
    }
    %eq3A_22 = arith.constant 15 : i32
    %eq3A_23 = arith.cmpi eq, %arg1, %eq3A_22 : i32
    %convert_element_type3A_24 = arith.extui %eq3A_23 : i1 to i32
    %cond3A_25 = arith.constant 0 : i32
    %cond3A_26 = arith.cmpi ne, %convert_element_type3A_24, %cond3A_25 : i32
    scf.if %cond3A_26 {
      "tpu.region"() ({
        %run_scoped3A = tpu.sem_alloc : memref<!tpu.dma_semaphore, #tpu.memory_space<semaphore_mem>>
        %dma_start3A = arith.constant 9480 : i32
        %dma_start3A_27 = arith.constant 0 : i32
        %dma_start3A_28 = tpu.memref_slice %arg7[%arg0, %dma_start3A, %dma_start3A_27] : memref<2x10000x128xf32, #tpu.memory_space<hbm>> -> memref<1x520x128xf32, #tpu.memory_space<hbm>>
        %dma_start3A_29 = tpu.memref_squeeze %dma_start3A_28 : memref<1x520x128xf32, #tpu.memory_space<hbm>> -> memref<520x128xf32, #tpu.memory_space<hbm>>
        %dma_start3A_30 = arith.constant 9480 : i32
        %dma_start3A_31 = arith.constant 0 : i32
        %dma_start3A_32 = tpu.memref_slice %arg12[%dma_start3A_30, %dma_start3A_31] : memref<10000x128xf32, #tpu.memory_space<vmem_shared>> -> memref<520x128xf32, #tpu.memory_space<vmem_shared>>
        tpu.enqueue_dma source(%dma_start3A_32 : memref<520x128xf32, #tpu.memory_space<vmem_shared>>) target(%dma_start3A_29 : memref<520x128xf32, #tpu.memory_space<hbm>>) target_semaphore(%run_scoped3A : memref<!tpu.dma_semaphore, #tpu.memory_space<semaphore_mem>>)
        %dma_wait3A = arith.constant 9480 : i32
        %dma_wait3A_33 = arith.constant 0 : i32
        %dma_wait3A_34 = tpu.memref_slice %arg7[%arg0, %dma_wait3A, %dma_wait3A_33] : memref<2x10000x128xf32, #tpu.memory_space<hbm>> -> memref<1x520x128xf32, #tpu.memory_space<hbm>>
        %dma_wait3A_35 = tpu.memref_squeeze %dma_wait3A_34 : memref<1x520x128xf32, #tpu.memory_space<hbm>> -> memref<520x128xf32, #tpu.memory_space<hbm>>
        %dma_wait3A_36 = arith.constant 9480 : i32
        %dma_wait3A_37 = arith.constant 0 : i32
        %dma_wait3A_38 = tpu.memref_slice %arg12[%dma_wait3A_36, %dma_wait3A_37] : memref<10000x128xf32, #tpu.memory_space<vmem_shared>> -> memref<520x128xf32, #tpu.memory_space<vmem_shared>>
        tpu.wait_dma2 semaphore(%run_scoped3A : memref<!tpu.dma_semaphore, #tpu.memory_space<semaphore_mem>>) src(%dma_wait3A_38 : memref<520x128xf32, #tpu.memory_space<vmem_shared>>) dst(%dma_wait3A_35 : memref<520x128xf32, #tpu.memory_space<hbm>>)
        tpu.yield
      }) : () -> ()
    } else {
    }
    return
  }
}

#map = affine_map<(d0, d1) -> (0, 0)>
#map1 = affine_map<(d0, d1) -> (0)>
#map2 = affine_map<(d0, d1) -> (0, 0, 0)>
module attributes {stable_mosaic.version = 14 : i64} {
  func.func @spmm(%arg0: i32, %arg1: i32, %arg2: memref<10000x128xf32, #tpu.memory_space<hbm>>, %arg3: memref<320000xi32, #tpu.memory_space<hbm>>, %arg4: memref<320000xi32, #tpu.memory_space<hbm>>, %arg5: memref<320000x16xf32, #tpu.memory_space<hbm>>, %arg6: memref<10000x128xf32, #tpu.memory_space<hbm>>, %arg7: memref<2x10000x128xf32, #tpu.memory_space<hbm>>, %arg8: memref<80xi32, #tpu.memory_space<vmem>>, %arg9: memref<80xi32, #tpu.memory_space<vmem>>, %arg10: memref<80x16xf32, #tpu.memory_space<vmem>>, %arg11: memref<80x128xf32, #tpu.memory_space<vmem>>, %arg12: memref<10000x128xf32, #tpu.memory_space<vmem_shared>>, %arg13: memref<!tpu.dma_semaphore, #tpu.memory_space<semaphore_mem>>) attributes {dimension_semantics = [#tpu.dimension_semantics<core_parallel>, #tpu.dimension_semantics<subcore_parallel>], iteration_bounds = array<i64: 2, 16>, scalar_prefetch = 0 : i64, scratch_operands = 6 : i64, tpu.core_type = #tpu.core_type<sc_vector_subcore>, window_params = [{transform_indices = #map}, {transform_indices = #map1}, {transform_indices = #map1}, {transform_indices = #map}, {transform_indices = #map}, {transform_indices = #map2}]} {
    %mul3A = arith.constant 2 : i32
    %mul3A_0 = arith.muli %arg1, %mul3A : i32
    %add3A = arith.addi %mul3A_0, %arg0 : i32
    %mul3A_1 = arith.constant 632 : i32
    %mul3A_2 = arith.muli %arg1, %mul3A_1 : i32
    %multiple_of3A = tpu.assume_multiple %mul3A_2, 8 : i32
    %lt3A = arith.constant 15 : i32
    %lt3A_3 = arith.cmpi slt, %arg1, %lt3A : i32
    %convert_element_type3A = arith.extui %lt3A_3 : i1 to i32
    %cond3A = arith.constant 0 : i32
    %cond3A_4 = arith.cmpi ne, %convert_element_type3A, %cond3A : i32
    scf.if %cond3A_4 {
      "tpu.region"() ({
        %run_scoped3A = tpu.sem_alloc : memref<!tpu.dma_semaphore, #tpu.memory_space<semaphore_mem>>
        %dma_start3A = arith.constant 0 : i32
        %dma_start3A_27 = tpu.memref_slice %arg12[%multiple_of3A, %dma_start3A] : memref<10000x128xf32, #tpu.memory_space<vmem_shared>> -> memref<632x128xf32, #tpu.memory_space<vmem_shared>>
        %dma_start3A_28 = arith.constant 0 : i32
        %dma_start3A_29 = tpu.memref_slice %arg6[%multiple_of3A, %dma_start3A_28] : memref<10000x128xf32, #tpu.memory_space<hbm>> -> memref<632x128xf32, #tpu.memory_space<hbm>>
        tpu.enqueue_dma source(%dma_start3A_29 : memref<632x128xf32, #tpu.memory_space<hbm>>) target(%dma_start3A_27 : memref<632x128xf32, #tpu.memory_space<vmem_shared>>) target_semaphore(%run_scoped3A : memref<!tpu.dma_semaphore, #tpu.memory_space<semaphore_mem>>)
        %dma_wait3A = arith.constant 0 : i32
        %dma_wait3A_30 = tpu.memref_slice %arg12[%multiple_of3A, %dma_wait3A] : memref<10000x128xf32, #tpu.memory_space<vmem_shared>> -> memref<632x128xf32, #tpu.memory_space<vmem_shared>>
        %dma_wait3A_31 = arith.constant 0 : i32
        %dma_wait3A_32 = tpu.memref_slice %arg6[%multiple_of3A, %dma_wait3A_31] : memref<10000x128xf32, #tpu.memory_space<hbm>> -> memref<632x128xf32, #tpu.memory_space<hbm>>
        tpu.wait_dma2 semaphore(%run_scoped3A : memref<!tpu.dma_semaphore, #tpu.memory_space<semaphore_mem>>) src(%dma_wait3A_32 : memref<632x128xf32, #tpu.memory_space<hbm>>) dst(%dma_wait3A_30 : memref<632x128xf32, #tpu.memory_space<vmem_shared>>)
        tpu.yield
      }) : () -> ()
    } else {
    }
    %eq3A = arith.constant 15 : i32
    %eq3A_5 = arith.cmpi eq, %arg1, %eq3A : i32
    %convert_element_type3A_6 = arith.extui %eq3A_5 : i1 to i32
    %cond3A_7 = arith.constant 0 : i32
    %cond3A_8 = arith.cmpi ne, %convert_element_type3A_6, %cond3A_7 : i32
    scf.if %cond3A_8 {
      "tpu.region"() ({
        %run_scoped3A = tpu.sem_alloc : memref<!tpu.dma_semaphore, #tpu.memory_space<semaphore_mem>>
        %dma_start3A = arith.constant 9480 : i32
        %dma_start3A_27 = arith.constant 0 : i32
        %dma_start3A_28 = tpu.memref_slice %arg12[%dma_start3A, %dma_start3A_27] : memref<10000x128xf32, #tpu.memory_space<vmem_shared>> -> memref<520x128xf32, #tpu.memory_space<vmem_shared>>
        %dma_start3A_29 = arith.constant 9480 : i32
        %dma_start3A_30 = arith.constant 0 : i32
        %dma_start3A_31 = tpu.memref_slice %arg6[%dma_start3A_29, %dma_start3A_30] : memref<10000x128xf32, #tpu.memory_space<hbm>> -> memref<520x128xf32, #tpu.memory_space<hbm>>
        tpu.enqueue_dma source(%dma_start3A_31 : memref<520x128xf32, #tpu.memory_space<hbm>>) target(%dma_start3A_28 : memref<520x128xf32, #tpu.memory_space<vmem_shared>>) target_semaphore(%run_scoped3A : memref<!tpu.dma_semaphore, #tpu.memory_space<semaphore_mem>>)
        %dma_wait3A = arith.constant 9480 : i32
        %dma_wait3A_32 = arith.constant 0 : i32
        %dma_wait3A_33 = tpu.memref_slice %arg12[%dma_wait3A, %dma_wait3A_32] : memref<10000x128xf32, #tpu.memory_space<vmem_shared>> -> memref<520x128xf32, #tpu.memory_space<vmem_shared>>
        %dma_wait3A_34 = arith.constant 9480 : i32
        %dma_wait3A_35 = arith.constant 0 : i32
        %dma_wait3A_36 = tpu.memref_slice %arg6[%dma_wait3A_34, %dma_wait3A_35] : memref<10000x128xf32, #tpu.memory_space<hbm>> -> memref<520x128xf32, #tpu.memory_space<hbm>>
        tpu.wait_dma2 semaphore(%run_scoped3A : memref<!tpu.dma_semaphore, #tpu.memory_space<semaphore_mem>>) src(%dma_wait3A_36 : memref<520x128xf32, #tpu.memory_space<hbm>>) dst(%dma_wait3A_33 : memref<520x128xf32, #tpu.memory_space<vmem_shared>>)
        tpu.yield
      }) : () -> ()
    } else {
    }
    %barrier3A = arith.constant 0 : index
    tpu.barrier barrier_id(%barrier3A)
    %mul3A_9 = arith.constant 10000 : i32
    %mul3A_10 = arith.muli %add3A, %mul3A_9 : i32
    %scan3A = arith.constant 0 : i32
    %scan3A_11 = arith.constant 0 : i32
    %scan3A_12 = arith.constant 125 : i32
    %scan3A_13 = arith.addi %scan3A_11, %scan3A_12 : i32
    %scan3A_14 = arith.constant 1 : i32
    scf.for %scan3A_27 = %scan3A_11 to %scan3A_13 step %scan3A_14  : i32 {
      %mul3A_28 = arith.constant 80 : i32
      %mul3A_29 = arith.muli %scan3A_27, %mul3A_28 : i32
      %add3A_30 = arith.addi %mul3A_10, %mul3A_29 : i32
      %multiple_of3A_31 = tpu.assume_multiple %add3A_30, 8 : i32
      "tpu.region"() ({
        %run_scoped3A = tpu.sem_alloc : memref<!tpu.dma_semaphore, #tpu.memory_space<semaphore_mem>>
        %dma_start3A_42 = tpu.memref_slice %arg4[%multiple_of3A_31] : memref<320000xi32, #tpu.memory_space<hbm>> -> memref<80xi32, #tpu.memory_space<hbm>>
        %dma_start3A_43 = tpu.memref_slice %arg4[%multiple_of3A_31] : memref<320000xi32, #tpu.memory_space<hbm>> -> memref<80xi32, #tpu.memory_space<hbm>>
        tpu.enqueue_dma source(%dma_start3A_43 : memref<80xi32, #tpu.memory_space<hbm>>) target(%arg8 : memref<80xi32, #tpu.memory_space<vmem>>) target_semaphore(%run_scoped3A : memref<!tpu.dma_semaphore, #tpu.memory_space<semaphore_mem>>)
        %dma_wait3A_44 = tpu.memref_slice %arg4[%multiple_of3A_31] : memref<320000xi32, #tpu.memory_space<hbm>> -> memref<80xi32, #tpu.memory_space<hbm>>
        %dma_wait3A_45 = tpu.memref_slice %arg4[%multiple_of3A_31] : memref<320000xi32, #tpu.memory_space<hbm>> -> memref<80xi32, #tpu.memory_space<hbm>>
        tpu.wait_dma2 semaphore(%run_scoped3A : memref<!tpu.dma_semaphore, #tpu.memory_space<semaphore_mem>>) src(%dma_wait3A_45 : memref<80xi32, #tpu.memory_space<hbm>>) dst(%arg8 : memref<80xi32, #tpu.memory_space<vmem>>)
        tpu.yield
      }) : () -> ()
      "tpu.region"() ({
        %run_scoped3A = tpu.sem_alloc : memref<!tpu.dma_semaphore, #tpu.memory_space<semaphore_mem>>
        %dma_start3A_42 = tpu.memref_slice %arg3[%multiple_of3A_31] : memref<320000xi32, #tpu.memory_space<hbm>> -> memref<80xi32, #tpu.memory_space<hbm>>
        %dma_start3A_43 = tpu.memref_slice %arg3[%multiple_of3A_31] : memref<320000xi32, #tpu.memory_space<hbm>> -> memref<80xi32, #tpu.memory_space<hbm>>
        tpu.enqueue_dma source(%dma_start3A_43 : memref<80xi32, #tpu.memory_space<hbm>>) target(%arg9 : memref<80xi32, #tpu.memory_space<vmem>>) target_semaphore(%run_scoped3A : memref<!tpu.dma_semaphore, #tpu.memory_space<semaphore_mem>>)
        %dma_wait3A_44 = tpu.memref_slice %arg3[%multiple_of3A_31] : memref<320000xi32, #tpu.memory_space<hbm>> -> memref<80xi32, #tpu.memory_space<hbm>>
        %dma_wait3A_45 = tpu.memref_slice %arg3[%multiple_of3A_31] : memref<320000xi32, #tpu.memory_space<hbm>> -> memref<80xi32, #tpu.memory_space<hbm>>
        tpu.wait_dma2 semaphore(%run_scoped3A : memref<!tpu.dma_semaphore, #tpu.memory_space<semaphore_mem>>) src(%dma_wait3A_45 : memref<80xi32, #tpu.memory_space<hbm>>) dst(%arg9 : memref<80xi32, #tpu.memory_space<vmem>>)
        tpu.yield
      }) : () -> ()
      "tpu.region"() ({
        %run_scoped3A = tpu.sem_alloc : memref<!tpu.dma_semaphore, #tpu.memory_space<semaphore_mem>>
        %dma_start3A_42 = arith.constant 0 : i32
        %dma_start3A_43 = tpu.memref_slice %arg5[%multiple_of3A_31, %dma_start3A_42] : memref<320000x16xf32, #tpu.memory_space<hbm>> -> memref<80x16xf32, #tpu.memory_space<hbm>>
        %dma_start3A_44 = arith.constant 0 : i32
        %dma_start3A_45 = tpu.memref_slice %arg5[%multiple_of3A_31, %dma_start3A_44] : memref<320000x16xf32, #tpu.memory_space<hbm>> -> memref<80x16xf32, #tpu.memory_space<hbm>>
        tpu.enqueue_dma source(%dma_start3A_45 : memref<80x16xf32, #tpu.memory_space<hbm>>) target(%arg10 : memref<80x16xf32, #tpu.memory_space<vmem>>) target_semaphore(%run_scoped3A : memref<!tpu.dma_semaphore, #tpu.memory_space<semaphore_mem>>)
        %dma_wait3A_46 = arith.constant 0 : i32
        %dma_wait3A_47 = tpu.memref_slice %arg5[%multiple_of3A_31, %dma_wait3A_46] : memref<320000x16xf32, #tpu.memory_space<hbm>> -> memref<80x16xf32, #tpu.memory_space<hbm>>
        %dma_wait3A_48 = arith.constant 0 : i32
        %dma_wait3A_49 = tpu.memref_slice %arg5[%multiple_of3A_31, %dma_wait3A_48] : memref<320000x16xf32, #tpu.memory_space<hbm>> -> memref<80x16xf32, #tpu.memory_space<hbm>>
        tpu.wait_dma2 semaphore(%run_scoped3A : memref<!tpu.dma_semaphore, #tpu.memory_space<semaphore_mem>>) src(%dma_wait3A_49 : memref<80x16xf32, #tpu.memory_space<hbm>>) dst(%arg10 : memref<80x16xf32, #tpu.memory_space<vmem>>)
        tpu.yield
      }) : () -> ()
      %dma_start3A = arith.constant 0 : i32
      %dma_start3A_32 = arith.constant 0 : i32
      %dma_start3A_33 = tpu.memref_slice %arg2[%dma_start3A, %dma_start3A_32] : memref<10000x128xf32, #tpu.memory_space<hbm>> -> memref<10000x128xf32, #tpu.memory_space<hbm>>
      tpu.enqueue_indirect_dma source(%dma_start3A_33 : memref<10000x128xf32, #tpu.memory_space<hbm>>) target(%arg11 : memref<80x128xf32, #tpu.memory_space<vmem>>) offsets(%arg8 : memref<80xi32, #tpu.memory_space<vmem>>) semaphore(%arg13 : memref<!tpu.dma_semaphore, #tpu.memory_space<semaphore_mem>>)
      %dma_wait3A = arith.constant 0 : i32
      %dma_wait3A_34 = arith.constant 0 : i32
      %dma_wait3A_35 = tpu.memref_slice %arg2[%dma_wait3A, %dma_wait3A_34] : memref<10000x128xf32, #tpu.memory_space<hbm>> -> memref<10000x128xf32, #tpu.memory_space<hbm>>
      tpu.wait_indirect_dma semaphore(%arg13 : memref<!tpu.dma_semaphore, #tpu.memory_space<semaphore_mem>>) src(%dma_wait3A_35 : memref<10000x128xf32, #tpu.memory_space<hbm>>) dst(%arg11 : memref<80x128xf32, #tpu.memory_space<vmem>>)
      %scan3A_36 = arith.constant 0 : i32
      %scan3A_37 = arith.constant 0 : i32
      %scan3A_38 = arith.constant 80 : i32
      %scan3A_39 = arith.addi %scan3A_37, %scan3A_38 : i32
      %scan3A_40 = arith.constant 1 : i32
      scf.for %scan3A_42 = %scan3A_37 to %scan3A_39 step %scan3A_40  : i32 {
        %get3A = arith.index_cast %scan3A_42 : i32 to index
        %get3A_43 = arith.constant 0 : index
        %get3A_44 = tpu.vector_load %arg10[%get3A, %get3A_43] {strides = array<i32>} : memref<80x16xf32, #tpu.memory_space<vmem>>, vector<1x16xf32>,
        %get3A_45 = vector.shape_cast %get3A_44 : vector<1x16xf32> to vector<16xf32>
        %get3A_46 = arith.index_cast %scan3A_42 : i32 to index
        %get3A_47 = arith.constant 0 : index
        %get3A_48 = tpu.vector_load %arg11[%get3A_46, %get3A_47] {strides = array<i32>} : memref<80x128xf32, #tpu.memory_space<vmem>>, vector<1x16xf32>,
        %get3A_49 = vector.shape_cast %get3A_48 : vector<1x16xf32> to vector<16xf32>
        %mul3A_50 = arith.mulf %get3A_49, %get3A_45 : vector<16xf32>
        %swap3A = arith.index_cast %scan3A_42 : i32 to index
        %swap3A_51 = arith.constant 0 : index
        %swap3A_52 = tpu.vector_load %arg11[%swap3A, %swap3A_51] {strides = array<i32>} : memref<80x128xf32, #tpu.memory_space<vmem>>, vector<1x16xf32>,
        %swap3A_53 = vector.shape_cast %swap3A_52 : vector<1x16xf32> to vector<16xf32>
        %swap3A_54 = vector.shape_cast %mul3A_50 : vector<16xf32> to vector<1x16xf32>
        tpu.vector_store %arg11[%swap3A, %swap3A_51], %swap3A_54 {strides = array<i32>} : memref<80x128xf32, #tpu.memory_space<vmem>>, vector<1x16xf32>,
        %get3A_55 = arith.index_cast %scan3A_42 : i32 to index
        %get3A_56 = arith.constant 16 : index
        %get3A_57 = tpu.vector_load %arg11[%get3A_55, %get3A_56] {strides = array<i32>} : memref<80x128xf32, #tpu.memory_space<vmem>>, vector<1x16xf32>,
        %get3A_58 = vector.shape_cast %get3A_57 : vector<1x16xf32> to vector<16xf32>
        %mul3A_59 = arith.mulf %get3A_58, %get3A_45 : vector<16xf32>
        %swap3A_60 = arith.index_cast %scan3A_42 : i32 to index
        %swap3A_61 = arith.constant 16 : index
        %swap3A_62 = tpu.vector_load %arg11[%swap3A_60, %swap3A_61] {strides = array<i32>} : memref<80x128xf32, #tpu.memory_space<vmem>>, vector<1x16xf32>,
        %swap3A_63 = vector.shape_cast %swap3A_62 : vector<1x16xf32> to vector<16xf32>
        %swap3A_64 = vector.shape_cast %mul3A_59 : vector<16xf32> to vector<1x16xf32>
        tpu.vector_store %arg11[%swap3A_60, %swap3A_61], %swap3A_64 {strides = array<i32>} : memref<80x128xf32, #tpu.memory_space<vmem>>, vector<1x16xf32>,
        %get3A_65 = arith.index_cast %scan3A_42 : i32 to index
        %get3A_66 = arith.constant 32 : index
        %get3A_67 = tpu.vector_load %arg11[%get3A_65, %get3A_66] {strides = array<i32>} : memref<80x128xf32, #tpu.memory_space<vmem>>, vector<1x16xf32>,
        %get3A_68 = vector.shape_cast %get3A_67 : vector<1x16xf32> to vector<16xf32>
        %mul3A_69 = arith.mulf %get3A_68, %get3A_45 : vector<16xf32>
        %swap3A_70 = arith.index_cast %scan3A_42 : i32 to index
        %swap3A_71 = arith.constant 32 : index
        %swap3A_72 = tpu.vector_load %arg11[%swap3A_70, %swap3A_71] {strides = array<i32>} : memref<80x128xf32, #tpu.memory_space<vmem>>, vector<1x16xf32>,
        %swap3A_73 = vector.shape_cast %swap3A_72 : vector<1x16xf32> to vector<16xf32>
        %swap3A_74 = vector.shape_cast %mul3A_69 : vector<16xf32> to vector<1x16xf32>
        tpu.vector_store %arg11[%swap3A_70, %swap3A_71], %swap3A_74 {strides = array<i32>} : memref<80x128xf32, #tpu.memory_space<vmem>>, vector<1x16xf32>,
        %get3A_75 = arith.index_cast %scan3A_42 : i32 to index
        %get3A_76 = arith.constant 48 : index
        %get3A_77 = tpu.vector_load %arg11[%get3A_75, %get3A_76] {strides = array<i32>} : memref<80x128xf32, #tpu.memory_space<vmem>>, vector<1x16xf32>,
        %get3A_78 = vector.shape_cast %get3A_77 : vector<1x16xf32> to vector<16xf32>
        %mul3A_79 = arith.mulf %get3A_78, %get3A_45 : vector<16xf32>
        %swap3A_80 = arith.index_cast %scan3A_42 : i32 to index
        %swap3A_81 = arith.constant 48 : index
        %swap3A_82 = tpu.vector_load %arg11[%swap3A_80, %swap3A_81] {strides = array<i32>} : memref<80x128xf32, #tpu.memory_space<vmem>>, vector<1x16xf32>,
        %swap3A_83 = vector.shape_cast %swap3A_82 : vector<1x16xf32> to vector<16xf32>
        %swap3A_84 = vector.shape_cast %mul3A_79 : vector<16xf32> to vector<1x16xf32>
        tpu.vector_store %arg11[%swap3A_80, %swap3A_81], %swap3A_84 {strides = array<i32>} : memref<80x128xf32, #tpu.memory_space<vmem>>, vector<1x16xf32>,
        %get3A_85 = arith.index_cast %scan3A_42 : i32 to index
        %get3A_86 = arith.constant 64 : index
        %get3A_87 = tpu.vector_load %arg11[%get3A_85, %get3A_86] {strides = array<i32>} : memref<80x128xf32, #tpu.memory_space<vmem>>, vector<1x16xf32>,
        %get3A_88 = vector.shape_cast %get3A_87 : vector<1x16xf32> to vector<16xf32>
        %mul3A_89 = arith.mulf %get3A_88, %get3A_45 : vector<16xf32>
        %swap3A_90 = arith.index_cast %scan3A_42 : i32 to index
        %swap3A_91 = arith.constant 64 : index
        %swap3A_92 = tpu.vector_load %arg11[%swap3A_90, %swap3A_91] {strides = array<i32>} : memref<80x128xf32, #tpu.memory_space<vmem>>, vector<1x16xf32>,
        %swap3A_93 = vector.shape_cast %swap3A_92 : vector<1x16xf32> to vector<16xf32>
        %swap3A_94 = vector.shape_cast %mul3A_89 : vector<16xf32> to vector<1x16xf32>
        tpu.vector_store %arg11[%swap3A_90, %swap3A_91], %swap3A_94 {strides = array<i32>} : memref<80x128xf32, #tpu.memory_space<vmem>>, vector<1x16xf32>,
        %get3A_95 = arith.index_cast %scan3A_42 : i32 to index
        %get3A_96 = arith.constant 80 : index
        %get3A_97 = tpu.vector_load %arg11[%get3A_95, %get3A_96] {strides = array<i32>} : memref<80x128xf32, #tpu.memory_space<vmem>>, vector<1x16xf32>,
        %get3A_98 = vector.shape_cast %get3A_97 : vector<1x16xf32> to vector<16xf32>
        %mul3A_99 = arith.mulf %get3A_98, %get3A_45 : vector<16xf32>
        %swap3A_100 = arith.index_cast %scan3A_42 : i32 to index
        %swap3A_101 = arith.constant 80 : index
        %swap3A_102 = tpu.vector_load %arg11[%swap3A_100, %swap3A_101] {strides = array<i32>} : memref<80x128xf32, #tpu.memory_space<vmem>>, vector<1x16xf32>,
        %swap3A_103 = vector.shape_cast %swap3A_102 : vector<1x16xf32> to vector<16xf32>
        %swap3A_104 = vector.shape_cast %mul3A_99 : vector<16xf32> to vector<1x16xf32>
        tpu.vector_store %arg11[%swap3A_100, %swap3A_101], %swap3A_104 {strides = array<i32>} : memref<80x128xf32, #tpu.memory_space<vmem>>, vector<1x16xf32>,
        %get3A_105 = arith.index_cast %scan3A_42 : i32 to index
        %get3A_106 = arith.constant 96 : index
        %get3A_107 = tpu.vector_load %arg11[%get3A_105, %get3A_106] {strides = array<i32>} : memref<80x128xf32, #tpu.memory_space<vmem>>, vector<1x16xf32>,
        %get3A_108 = vector.shape_cast %get3A_107 : vector<1x16xf32> to vector<16xf32>
        %mul3A_109 = arith.mulf %get3A_108, %get3A_45 : vector<16xf32>
        %swap3A_110 = arith.index_cast %scan3A_42 : i32 to index
        %swap3A_111 = arith.constant 96 : index
        %swap3A_112 = tpu.vector_load %arg11[%swap3A_110, %swap3A_111] {strides = array<i32>} : memref<80x128xf32, #tpu.memory_space<vmem>>, vector<1x16xf32>,
        %swap3A_113 = vector.shape_cast %swap3A_112 : vector<1x16xf32> to vector<16xf32>
        %swap3A_114 = vector.shape_cast %mul3A_109 : vector<16xf32> to vector<1x16xf32>
        tpu.vector_store %arg11[%swap3A_110, %swap3A_111], %swap3A_114 {strides = array<i32>} : memref<80x128xf32, #tpu.memory_space<vmem>>, vector<1x16xf32>,
        %get3A_115 = arith.index_cast %scan3A_42 : i32 to index
        %get3A_116 = arith.constant 112 : index
        %get3A_117 = tpu.vector_load %arg11[%get3A_115, %get3A_116] {strides = array<i32>} : memref<80x128xf32, #tpu.memory_space<vmem>>, vector<1x16xf32>,
        %get3A_118 = vector.shape_cast %get3A_117 : vector<1x16xf32> to vector<16xf32>
        %mul3A_119 = arith.mulf %get3A_118, %get3A_45 : vector<16xf32>
        %swap3A_120 = arith.index_cast %scan3A_42 : i32 to index
        %swap3A_121 = arith.constant 112 : index
        %swap3A_122 = tpu.vector_load %arg11[%swap3A_120, %swap3A_121] {strides = array<i32>} : memref<80x128xf32, #tpu.memory_space<vmem>>, vector<1x16xf32>,
        %swap3A_123 = vector.shape_cast %swap3A_122 : vector<1x16xf32> to vector<16xf32>
        %swap3A_124 = vector.shape_cast %mul3A_119 : vector<16xf32> to vector<1x16xf32>
        tpu.vector_store %arg11[%swap3A_120, %swap3A_121], %swap3A_124 {strides = array<i32>} : memref<80x128xf32, #tpu.memory_space<vmem>>, vector<1x16xf32>,
      }
      %scan3A_41 = arith.constant 80 : i32
      "tpu.region"() ({
        %run_scoped3A = tpu.sem_alloc : memref<!tpu.dma_semaphore, #tpu.memory_space<semaphore_mem>>
        %dma_start3A_42 = arith.constant 0 : i32
        %dma_start3A_43 = arith.constant 0 : i32
        %dma_start3A_44 = tpu.memref_slice %arg12[%dma_start3A_42, %dma_start3A_43] : memref<10000x128xf32, #tpu.memory_space<vmem_shared>> -> memref<10000x128xf32, #tpu.memory_space<vmem_shared>>
        tpu.enqueue_indirect_dma source(%arg11 : memref<80x128xf32, #tpu.memory_space<vmem>>) target(%dma_start3A_44 : memref<10000x128xf32, #tpu.memory_space<vmem_shared>>) offsets(%arg9 : memref<80xi32, #tpu.memory_space<vmem>>) semaphore(%run_scoped3A : memref<!tpu.dma_semaphore, #tpu.memory_space<semaphore_mem>>) {add = true}
        %dma_wait3A_45 = arith.constant 0 : i32
        %dma_wait3A_46 = arith.constant 0 : i32
        %dma_wait3A_47 = tpu.memref_slice %arg12[%dma_wait3A_45, %dma_wait3A_46] : memref<10000x128xf32, #tpu.memory_space<vmem_shared>> -> memref<10000x128xf32, #tpu.memory_space<vmem_shared>>
        tpu.wait_indirect_dma semaphore(%run_scoped3A : memref<!tpu.dma_semaphore, #tpu.memory_space<semaphore_mem>>) src(%arg11 : memref<80x128xf32, #tpu.memory_space<vmem>>) dst(%dma_wait3A_47 : memref<10000x128xf32, #tpu.memory_space<vmem_shared>>)
        tpu.yield
      }) : () -> ()
    }
    %scan3A_15 = arith.constant 125 : i32
    %barrier3A_16 = arith.constant 0 : index
    tpu.barrier barrier_id(%barrier3A_16)
    %lt3A_17 = arith.constant 15 : i32
    %lt3A_18 = arith.cmpi slt, %arg1, %lt3A_17 : i32
    %convert_element_type3A_19 = arith.extui %lt3A_18 : i1 to i32
    %cond3A_20 = arith.constant 0 : i32
    %cond3A_21 = arith.cmpi ne, %convert_element_type3A_19, %cond3A_20 : i32
    scf.if %cond3A_21 {
      "tpu.region"() ({
        %run_scoped3A = tpu.sem_alloc : memref<!tpu.dma_semaphore, #tpu.memory_space<semaphore_mem>>
        %dma_start3A = arith.constant 0 : i32
        %dma_start3A_27 = tpu.memref_slice %arg7[%arg0, %multiple_of3A, %dma_start3A] : memref<2x10000x128xf32, #tpu.memory_space<hbm>> -> memref<1x632x128xf32, #tpu.memory_space<hbm>>
        %dma_start3A_28 = tpu.memref_squeeze %dma_start3A_27 : memref<1x632x128xf32, #tpu.memory_space<hbm>> -> memref<632x128xf32, #tpu.memory_space<hbm>>
        %dma_start3A_29 = arith.constant 0 : i32
        %dma_start3A_30 = tpu.memref_slice %arg12[%multiple_of3A, %dma_start3A_29] : memref<10000x128xf32, #tpu.memory_space<vmem_shared>> -> memref<632x128xf32, #tpu.memory_space<vmem_shared>>
        tpu.enqueue_dma source(%dma_start3A_30 : memref<632x128xf32, #tpu.memory_space<vmem_shared>>) target(%dma_start3A_28 : memref<632x128xf32, #tpu.memory_space<hbm>>) target_semaphore(%run_scoped3A : memref<!tpu.dma_semaphore, #tpu.memory_space<semaphore_mem>>)
        %dma_wait3A = arith.constant 0 : i32
        %dma_wait3A_31 = tpu.memref_slice %arg7[%arg0, %multiple_of3A, %dma_wait3A] : memref<2x10000x128xf32, #tpu.memory_space<hbm>> -> memref<1x632x128xf32, #tpu.memory_space<hbm>>
        %dma_wait3A_32 = tpu.memref_squeeze %dma_wait3A_31 : memref<1x632x128xf32, #tpu.memory_space<hbm>> -> memref<632x128xf32, #tpu.memory_space<hbm>>
        %dma_wait3A_33 = arith.constant 0 : i32
        %dma_wait3A_34 = tpu.memref_slice %arg12[%multiple_of3A, %dma_wait3A_33] : memref<10000x128xf32, #tpu.memory_space<vmem_shared>> -> memref<632x128xf32, #tpu.memory_space<vmem_shared>>
        tpu.wait_dma2 semaphore(%run_scoped3A : memref<!tpu.dma_semaphore, #tpu.memory_space<semaphore_mem>>) src(%dma_wait3A_34 : memref<632x128xf32, #tpu.memory_space<vmem_shared>>) dst(%dma_wait3A_32 : memref<632x128xf32, #tpu.memory_space<hbm>>)
        tpu.yield
      }) : () -> ()
    } else {
    }
    %eq3A_22 = arith.constant 15 : i32
    %eq3A_23 = arith.cmpi eq, %arg1, %eq3A_22 : i32
    %convert_element_type3A_24 = arith.extui %eq3A_23 : i1 to i32
    %cond3A_25 = arith.constant 0 : i32
    %cond3A_26 = arith.cmpi ne, %convert_element_type3A_24, %cond3A_25 : i32
    scf.if %cond3A_26 {
      "tpu.region"() ({
        %run_scoped3A = tpu.sem_alloc : memref<!tpu.dma_semaphore, #tpu.memory_space<semaphore_mem>>
        %dma_start3A = arith.constant 9480 : i32
        %dma_start3A_27 = arith.constant 0 : i32
        %dma_start3A_28 = tpu.memref_slice %arg7[%arg0, %dma_start3A, %dma_start3A_27] : memref<2x10000x128xf32, #tpu.memory_space<hbm>> -> memref<1x520x128xf32, #tpu.memory_space<hbm>>
        %dma_start3A_29 = tpu.memref_squeeze %dma_start3A_28 : memref<1x520x128xf32, #tpu.memory_space<hbm>> -> memref<520x128xf32, #tpu.memory_space<hbm>>
        %dma_start3A_30 = arith.constant 9480 : i32
        %dma_start3A_31 = arith.constant 0 : i32
        %dma_start3A_32 = tpu.memref_slice %arg12[%dma_start3A_30, %dma_start3A_31] : memref<10000x128xf32, #tpu.memory_space<vmem_shared>> -> memref<520x128xf32, #tpu.memory_space<vmem_shared>>
        tpu.enqueue_dma source(%dma_start3A_32 : memref<520x128xf32, #tpu.memory_space<vmem_shared>>) target(%dma_start3A_29 : memref<520x128xf32, #tpu.memory_space<hbm>>) target_semaphore(%run_scoped3A : memref<!tpu.dma_semaphore, #tpu.memory_space<semaphore_mem>>)
        %dma_wait3A = arith.constant 9480 : i32
        %dma_wait3A_33 = arith.constant 0 : i32
        %dma_wait3A_34 = tpu.memref_slice %arg7[%arg0, %dma_wait3A, %dma_wait3A_33] : memref<2x10000x128xf32, #tpu.memory_space<hbm>> -> memref<1x520x128xf32, #tpu.memory_space<hbm>>
        %dma_wait3A_35 = tpu.memref_squeeze %dma_wait3A_34 : memref<1x520x128xf32, #tpu.memory_space<hbm>> -> memref<520x128xf32, #tpu.memory_space<hbm>>
        %dma_wait3A_36 = arith.constant 9480 : i32
        %dma_wait3A_37 = arith.constant 0 : i32
        %dma_wait3A_38 = tpu.memref_slice %arg12[%dma_wait3A_36, %dma_wait3A_37] : memref<10000x128xf32, #tpu.memory_space<vmem_shared>> -> memref<520x128xf32, #tpu.memory_space<vmem_shared>>
        tpu.wait_dma2 semaphore(%run_scoped3A : memref<!tpu.dma_semaphore, #tpu.memory_space<semaphore_mem>>) src(%dma_wait3A_38 : memref<520x128xf32, #tpu.memory_space<vmem_shared>>) dst(%dma_wait3A_35 : memref<520x128xf32, #tpu.memory_space<hbm>>)
        tpu.yield
      }) : () -> ()
    } else {
    }
    return
  }
}

#map = affine_map<(d0, d1) -> (0, 0)>
#map1 = affine_map<(d0, d1) -> (0)>
#map2 = affine_map<(d0, d1) -> (0, 0, 0)>
module attributes {stable_mosaic.version = 14 : i64} {
  func.func @spmm(%arg0: i32, %arg1: i32, %arg2: memref<10000x128xf32, #tpu.memory_space<hbm>>, %arg3: memref<320000xi32, #tpu.memory_space<hbm>>, %arg4: memref<320000xi32, #tpu.memory_space<hbm>>, %arg5: memref<320000x16xf32, #tpu.memory_space<hbm>>, %arg6: memref<10000x128xf32, #tpu.memory_space<hbm>>, %arg7: memref<2x10000x128xf32, #tpu.memory_space<hbm>>, %arg8: memref<80xi32, #tpu.memory_space<vmem>>, %arg9: memref<80xi32, #tpu.memory_space<vmem>>, %arg10: memref<80x16xf32, #tpu.memory_space<vmem>>, %arg11: memref<80x128xf32, #tpu.memory_space<vmem>>, %arg12: memref<10000x128xf32, #tpu.memory_space<vmem_shared>>, %arg13: memref<!tpu.dma_semaphore, #tpu.memory_space<semaphore_mem>>) attributes {dimension_semantics = [#tpu.dimension_semantics<core_parallel>, #tpu.dimension_semantics<subcore_parallel>], iteration_bounds = array<i64: 2, 16>, scalar_prefetch = 0 : i64, scratch_operands = 6 : i64, tpu.core_type = #tpu.core_type<sc_vector_subcore>, window_params = [{transform_indices = #map}, {transform_indices = #map1}, {transform_indices = #map1}, {transform_indices = #map}, {transform_indices = #map}, {transform_indices = #map2}]} {
    %mul3A = arith.constant 2 : i32
    %mul3A_0 = arith.muli %arg1, %mul3A : i32
    %add3A = arith.addi %mul3A_0, %arg0 : i32
    %mul3A_1 = arith.constant 632 : i32
    %mul3A_2 = arith.muli %arg1, %mul3A_1 : i32
    %multiple_of3A = tpu.assume_multiple %mul3A_2, 8 : i32
    %lt3A = arith.constant 15 : i32
    %lt3A_3 = arith.cmpi slt, %arg1, %lt3A : i32
    %convert_element_type3A = arith.extui %lt3A_3 : i1 to i32
    %cond3A = arith.constant 0 : i32
    %cond3A_4 = arith.cmpi ne, %convert_element_type3A, %cond3A : i32
    scf.if %cond3A_4 {
      "tpu.region"() ({
        %run_scoped3A = tpu.sem_alloc : memref<!tpu.dma_semaphore, #tpu.memory_space<semaphore_mem>>
        %dma_start3A = arith.constant 0 : i32
        %dma_start3A_27 = tpu.memref_slice %arg12[%multiple_of3A, %dma_start3A] : memref<10000x128xf32, #tpu.memory_space<vmem_shared>> -> memref<632x128xf32, #tpu.memory_space<vmem_shared>>
        %dma_start3A_28 = arith.constant 0 : i32
        %dma_start3A_29 = tpu.memref_slice %arg6[%multiple_of3A, %dma_start3A_28] : memref<10000x128xf32, #tpu.memory_space<hbm>> -> memref<632x128xf32, #tpu.memory_space<hbm>>
        tpu.enqueue_dma source(%dma_start3A_29 : memref<632x128xf32, #tpu.memory_space<hbm>>) target(%dma_start3A_27 : memref<632x128xf32, #tpu.memory_space<vmem_shared>>) target_semaphore(%run_scoped3A : memref<!tpu.dma_semaphore, #tpu.memory_space<semaphore_mem>>)
        %dma_wait3A = arith.constant 0 : i32
        %dma_wait3A_30 = tpu.memref_slice %arg12[%multiple_of3A, %dma_wait3A] : memref<10000x128xf32, #tpu.memory_space<vmem_shared>> -> memref<632x128xf32, #tpu.memory_space<vmem_shared>>
        %dma_wait3A_31 = arith.constant 0 : i32
        %dma_wait3A_32 = tpu.memref_slice %arg6[%multiple_of3A, %dma_wait3A_31] : memref<10000x128xf32, #tpu.memory_space<hbm>> -> memref<632x128xf32, #tpu.memory_space<hbm>>
        tpu.wait_dma2 semaphore(%run_scoped3A : memref<!tpu.dma_semaphore, #tpu.memory_space<semaphore_mem>>) src(%dma_wait3A_32 : memref<632x128xf32, #tpu.memory_space<hbm>>) dst(%dma_wait3A_30 : memref<632x128xf32, #tpu.memory_space<vmem_shared>>)
        tpu.yield
      }) : () -> ()
    } else {
    }
    %eq3A = arith.constant 15 : i32
    %eq3A_5 = arith.cmpi eq, %arg1, %eq3A : i32
    %convert_element_type3A_6 = arith.extui %eq3A_5 : i1 to i32
    %cond3A_7 = arith.constant 0 : i32
    %cond3A_8 = arith.cmpi ne, %convert_element_type3A_6, %cond3A_7 : i32
    scf.if %cond3A_8 {
      "tpu.region"() ({
        %run_scoped3A = tpu.sem_alloc : memref<!tpu.dma_semaphore, #tpu.memory_space<semaphore_mem>>
        %dma_start3A = arith.constant 9480 : i32
        %dma_start3A_27 = arith.constant 0 : i32
        %dma_start3A_28 = tpu.memref_slice %arg12[%dma_start3A, %dma_start3A_27] : memref<10000x128xf32, #tpu.memory_space<vmem_shared>> -> memref<520x128xf32, #tpu.memory_space<vmem_shared>>
        %dma_start3A_29 = arith.constant 9480 : i32
        %dma_start3A_30 = arith.constant 0 : i32
        %dma_start3A_31 = tpu.memref_slice %arg6[%dma_start3A_29, %dma_start3A_30] : memref<10000x128xf32, #tpu.memory_space<hbm>> -> memref<520x128xf32, #tpu.memory_space<hbm>>
        tpu.enqueue_dma source(%dma_start3A_31 : memref<520x128xf32, #tpu.memory_space<hbm>>) target(%dma_start3A_28 : memref<520x128xf32, #tpu.memory_space<vmem_shared>>) target_semaphore(%run_scoped3A : memref<!tpu.dma_semaphore, #tpu.memory_space<semaphore_mem>>)
        %dma_wait3A = arith.constant 9480 : i32
        %dma_wait3A_32 = arith.constant 0 : i32
        %dma_wait3A_33 = tpu.memref_slice %arg12[%dma_wait3A, %dma_wait3A_32] : memref<10000x128xf32, #tpu.memory_space<vmem_shared>> -> memref<520x128xf32, #tpu.memory_space<vmem_shared>>
        %dma_wait3A_34 = arith.constant 9480 : i32
        %dma_wait3A_35 = arith.constant 0 : i32
        %dma_wait3A_36 = tpu.memref_slice %arg6[%dma_wait3A_34, %dma_wait3A_35] : memref<10000x128xf32, #tpu.memory_space<hbm>> -> memref<520x128xf32, #tpu.memory_space<hbm>>
        tpu.wait_dma2 semaphore(%run_scoped3A : memref<!tpu.dma_semaphore, #tpu.memory_space<semaphore_mem>>) src(%dma_wait3A_36 : memref<520x128xf32, #tpu.memory_space<hbm>>) dst(%dma_wait3A_33 : memref<520x128xf32, #tpu.memory_space<vmem_shared>>)
        tpu.yield
      }) : () -> ()
    } else {
    }
    %barrier3A = arith.constant 0 : index
    tpu.barrier barrier_id(%barrier3A)
    %mul3A_9 = arith.constant 10000 : i32
    %mul3A_10 = arith.muli %add3A, %mul3A_9 : i32
    %scan3A = arith.constant 0 : i32
    %scan3A_11 = arith.constant 0 : i32
    %scan3A_12 = arith.constant 125 : i32
    %scan3A_13 = arith.addi %scan3A_11, %scan3A_12 : i32
    %scan3A_14 = arith.constant 1 : i32
    scf.for %scan3A_27 = %scan3A_11 to %scan3A_13 step %scan3A_14  : i32 {
      %mul3A_28 = arith.constant 80 : i32
      %mul3A_29 = arith.muli %scan3A_27, %mul3A_28 : i32
      %add3A_30 = arith.addi %mul3A_10, %mul3A_29 : i32
      %multiple_of3A_31 = tpu.assume_multiple %add3A_30, 8 : i32
      "tpu.region"() ({
        %run_scoped3A = tpu.sem_alloc : memref<!tpu.dma_semaphore, #tpu.memory_space<semaphore_mem>>
        %dma_start3A_42 = tpu.memref_slice %arg4[%multiple_of3A_31] : memref<320000xi32, #tpu.memory_space<hbm>> -> memref<80xi32, #tpu.memory_space<hbm>>
        %dma_start3A_43 = tpu.memref_slice %arg4[%multiple_of3A_31] : memref<320000xi32, #tpu.memory_space<hbm>> -> memref<80xi32, #tpu.memory_space<hbm>>
        tpu.enqueue_dma source(%dma_start3A_43 : memref<80xi32, #tpu.memory_space<hbm>>) target(%arg8 : memref<80xi32, #tpu.memory_space<vmem>>) target_semaphore(%run_scoped3A : memref<!tpu.dma_semaphore, #tpu.memory_space<semaphore_mem>>)
        %dma_wait3A_44 = tpu.memref_slice %arg4[%multiple_of3A_31] : memref<320000xi32, #tpu.memory_space<hbm>> -> memref<80xi32, #tpu.memory_space<hbm>>
        %dma_wait3A_45 = tpu.memref_slice %arg4[%multiple_of3A_31] : memref<320000xi32, #tpu.memory_space<hbm>> -> memref<80xi32, #tpu.memory_space<hbm>>
        tpu.wait_dma2 semaphore(%run_scoped3A : memref<!tpu.dma_semaphore, #tpu.memory_space<semaphore_mem>>) src(%dma_wait3A_45 : memref<80xi32, #tpu.memory_space<hbm>>) dst(%arg8 : memref<80xi32, #tpu.memory_space<vmem>>)
        tpu.yield
      }) : () -> ()
      "tpu.region"() ({
        %run_scoped3A = tpu.sem_alloc : memref<!tpu.dma_semaphore, #tpu.memory_space<semaphore_mem>>
        %dma_start3A_42 = tpu.memref_slice %arg3[%multiple_of3A_31] : memref<320000xi32, #tpu.memory_space<hbm>> -> memref<80xi32, #tpu.memory_space<hbm>>
        %dma_start3A_43 = tpu.memref_slice %arg3[%multiple_of3A_31] : memref<320000xi32, #tpu.memory_space<hbm>> -> memref<80xi32, #tpu.memory_space<hbm>>
        tpu.enqueue_dma source(%dma_start3A_43 : memref<80xi32, #tpu.memory_space<hbm>>) target(%arg9 : memref<80xi32, #tpu.memory_space<vmem>>) target_semaphore(%run_scoped3A : memref<!tpu.dma_semaphore, #tpu.memory_space<semaphore_mem>>)
        %dma_wait3A_44 = tpu.memref_slice %arg3[%multiple_of3A_31] : memref<320000xi32, #tpu.memory_space<hbm>> -> memref<80xi32, #tpu.memory_space<hbm>>
        %dma_wait3A_45 = tpu.memref_slice %arg3[%multiple_of3A_31] : memref<320000xi32, #tpu.memory_space<hbm>> -> memref<80xi32, #tpu.memory_space<hbm>>
        tpu.wait_dma2 semaphore(%run_scoped3A : memref<!tpu.dma_semaphore, #tpu.memory_space<semaphore_mem>>) src(%dma_wait3A_45 : memref<80xi32, #tpu.memory_space<hbm>>) dst(%arg9 : memref<80xi32, #tpu.memory_space<vmem>>)
        tpu.yield
      }) : () -> ()
      "tpu.region"() ({
        %run_scoped3A = tpu.sem_alloc : memref<!tpu.dma_semaphore, #tpu.memory_space<semaphore_mem>>
        %dma_start3A_42 = arith.constant 0 : i32
        %dma_start3A_43 = tpu.memref_slice %arg5[%multiple_of3A_31, %dma_start3A_42] : memref<320000x16xf32, #tpu.memory_space<hbm>> -> memref<80x16xf32, #tpu.memory_space<hbm>>
        %dma_start3A_44 = arith.constant 0 : i32
        %dma_start3A_45 = tpu.memref_slice %arg5[%multiple_of3A_31, %dma_start3A_44] : memref<320000x16xf32, #tpu.memory_space<hbm>> -> memref<80x16xf32, #tpu.memory_space<hbm>>
        tpu.enqueue_dma source(%dma_start3A_45 : memref<80x16xf32, #tpu.memory_space<hbm>>) target(%arg10 : memref<80x16xf32, #tpu.memory_space<vmem>>) target_semaphore(%run_scoped3A : memref<!tpu.dma_semaphore, #tpu.memory_space<semaphore_mem>>)
        %dma_wait3A_46 = arith.constant 0 : i32
        %dma_wait3A_47 = tpu.memref_slice %arg5[%multiple_of3A_31, %dma_wait3A_46] : memref<320000x16xf32, #tpu.memory_space<hbm>> -> memref<80x16xf32, #tpu.memory_space<hbm>>
        %dma_wait3A_48 = arith.constant 0 : i32
        %dma_wait3A_49 = tpu.memref_slice %arg5[%multiple_of3A_31, %dma_wait3A_48] : memref<320000x16xf32, #tpu.memory_space<hbm>> -> memref<80x16xf32, #tpu.memory_space<hbm>>
        tpu.wait_dma2 semaphore(%run_scoped3A : memref<!tpu.dma_semaphore, #tpu.memory_space<semaphore_mem>>) src(%dma_wait3A_49 : memref<80x16xf32, #tpu.memory_space<hbm>>) dst(%arg10 : memref<80x16xf32, #tpu.memory_space<vmem>>)
        tpu.yield
      }) : () -> ()
      %dma_start3A = arith.constant 0 : i32
      %dma_start3A_32 = arith.constant 0 : i32
      %dma_start3A_33 = tpu.memref_slice %arg2[%dma_start3A, %dma_start3A_32] : memref<10000x128xf32, #tpu.memory_space<hbm>> -> memref<10000x128xf32, #tpu.memory_space<hbm>>
      tpu.enqueue_indirect_dma source(%dma_start3A_33 : memref<10000x128xf32, #tpu.memory_space<hbm>>) target(%arg11 : memref<80x128xf32, #tpu.memory_space<vmem>>) offsets(%arg8 : memref<80xi32, #tpu.memory_space<vmem>>) semaphore(%arg13 : memref<!tpu.dma_semaphore, #tpu.memory_space<semaphore_mem>>)
      %dma_wait3A = arith.constant 0 : i32
      %dma_wait3A_34 = arith.constant 0 : i32
      %dma_wait3A_35 = tpu.memref_slice %arg2[%dma_wait3A, %dma_wait3A_34] : memref<10000x128xf32, #tpu.memory_space<hbm>> -> memref<10000x128xf32, #tpu.memory_space<hbm>>
      tpu.wait_indirect_dma semaphore(%arg13 : memref<!tpu.dma_semaphore, #tpu.memory_space<semaphore_mem>>) src(%dma_wait3A_35 : memref<10000x128xf32, #tpu.memory_space<hbm>>) dst(%arg11 : memref<80x128xf32, #tpu.memory_space<vmem>>)
      %scan3A_36 = arith.constant 0 : i32
      %scan3A_37 = arith.constant 0 : i32
      %scan3A_38 = arith.constant 80 : i32
      %scan3A_39 = arith.addi %scan3A_37, %scan3A_38 : i32
      %scan3A_40 = arith.constant 1 : i32
      scf.for %scan3A_42 = %scan3A_37 to %scan3A_39 step %scan3A_40  : i32 {
        %get3A = arith.index_cast %scan3A_42 : i32 to index
        %get3A_43 = arith.constant 0 : index
        %get3A_44 = tpu.vector_load %arg10[%get3A, %get3A_43] {strides = array<i32>} : memref<80x16xf32, #tpu.memory_space<vmem>>, vector<1x16xf32>,
        %get3A_45 = vector.shape_cast %get3A_44 : vector<1x16xf32> to vector<16xf32>
        %get3A_46 = arith.index_cast %scan3A_42 : i32 to index
        %get3A_47 = arith.constant 0 : index
        %get3A_48 = tpu.vector_load %arg11[%get3A_46, %get3A_47] {strides = array<i32>} : memref<80x128xf32, #tpu.memory_space<vmem>>, vector<1x16xf32>,
        %get3A_49 = vector.shape_cast %get3A_48 : vector<1x16xf32> to vector<16xf32>
        %mul3A_50 = arith.mulf %get3A_49, %get3A_45 : vector<16xf32>
        %swap3A = arith.index_cast %scan3A_42 : i32 to index
        %swap3A_51 = arith.constant 0 : index
        %swap3A_52 = tpu.vector_load %arg11[%swap3A, %swap3A_51] {strides = array<i32>} : memref<80x128xf32, #tpu.memory_space<vmem>>, vector<1x16xf32>,
        %swap3A_53 = vector.shape_cast %swap3A_52 : vector<1x16xf32> to vector<16xf32>
        %swap3A_54 = vector.shape_cast %mul3A_50 : vector<16xf32> to vector<1x16xf32>
        tpu.vector_store %arg11[%swap3A, %swap3A_51], %swap3A_54 {strides = array<i32>} : memref<80x128xf32, #tpu.memory_space<vmem>>, vector<1x16xf32>,
        %get3A_55 = arith.index_cast %scan3A_42 : i32 to index
        %get3A_56 = arith.constant 16 : index
        %get3A_57 = tpu.vector_load %arg11[%get3A_55, %get3A_56] {strides = array<i32>} : memref<80x128xf32, #tpu.memory_space<vmem>>, vector<1x16xf32>,
        %get3A_58 = vector.shape_cast %get3A_57 : vector<1x16xf32> to vector<16xf32>
        %mul3A_59 = arith.mulf %get3A_58, %get3A_45 : vector<16xf32>
        %swap3A_60 = arith.index_cast %scan3A_42 : i32 to index
        %swap3A_61 = arith.constant 16 : index
        %swap3A_62 = tpu.vector_load %arg11[%swap3A_60, %swap3A_61] {strides = array<i32>} : memref<80x128xf32, #tpu.memory_space<vmem>>, vector<1x16xf32>,
        %swap3A_63 = vector.shape_cast %swap3A_62 : vector<1x16xf32> to vector<16xf32>
        %swap3A_64 = vector.shape_cast %mul3A_59 : vector<16xf32> to vector<1x16xf32>
        tpu.vector_store %arg11[%swap3A_60, %swap3A_61], %swap3A_64 {strides = array<i32>} : memref<80x128xf32, #tpu.memory_space<vmem>>, vector<1x16xf32>,
        %get3A_65 = arith.index_cast %scan3A_42 : i32 to index
        %get3A_66 = arith.constant 32 : index
        %get3A_67 = tpu.vector_load %arg11[%get3A_65, %get3A_66] {strides = array<i32>} : memref<80x128xf32, #tpu.memory_space<vmem>>, vector<1x16xf32>,
        %get3A_68 = vector.shape_cast %get3A_67 : vector<1x16xf32> to vector<16xf32>
        %mul3A_69 = arith.mulf %get3A_68, %get3A_45 : vector<16xf32>
        %swap3A_70 = arith.index_cast %scan3A_42 : i32 to index
        %swap3A_71 = arith.constant 32 : index
        %swap3A_72 = tpu.vector_load %arg11[%swap3A_70, %swap3A_71] {strides = array<i32>} : memref<80x128xf32, #tpu.memory_space<vmem>>, vector<1x16xf32>,
        %swap3A_73 = vector.shape_cast %swap3A_72 : vector<1x16xf32> to vector<16xf32>
        %swap3A_74 = vector.shape_cast %mul3A_69 : vector<16xf32> to vector<1x16xf32>
        tpu.vector_store %arg11[%swap3A_70, %swap3A_71], %swap3A_74 {strides = array<i32>} : memref<80x128xf32, #tpu.memory_space<vmem>>, vector<1x16xf32>,
        %get3A_75 = arith.index_cast %scan3A_42 : i32 to index
        %get3A_76 = arith.constant 48 : index
        %get3A_77 = tpu.vector_load %arg11[%get3A_75, %get3A_76] {strides = array<i32>} : memref<80x128xf32, #tpu.memory_space<vmem>>, vector<1x16xf32>,
        %get3A_78 = vector.shape_cast %get3A_77 : vector<1x16xf32> to vector<16xf32>
        %mul3A_79 = arith.mulf %get3A_78, %get3A_45 : vector<16xf32>
        %swap3A_80 = arith.index_cast %scan3A_42 : i32 to index
        %swap3A_81 = arith.constant 48 : index
        %swap3A_82 = tpu.vector_load %arg11[%swap3A_80, %swap3A_81] {strides = array<i32>} : memref<80x128xf32, #tpu.memory_space<vmem>>, vector<1x16xf32>,
        %swap3A_83 = vector.shape_cast %swap3A_82 : vector<1x16xf32> to vector<16xf32>
        %swap3A_84 = vector.shape_cast %mul3A_79 : vector<16xf32> to vector<1x16xf32>
        tpu.vector_store %arg11[%swap3A_80, %swap3A_81], %swap3A_84 {strides = array<i32>} : memref<80x128xf32, #tpu.memory_space<vmem>>, vector<1x16xf32>,
        %get3A_85 = arith.index_cast %scan3A_42 : i32 to index
        %get3A_86 = arith.constant 64 : index
        %get3A_87 = tpu.vector_load %arg11[%get3A_85, %get3A_86] {strides = array<i32>} : memref<80x128xf32, #tpu.memory_space<vmem>>, vector<1x16xf32>,
        %get3A_88 = vector.shape_cast %get3A_87 : vector<1x16xf32> to vector<16xf32>
        %mul3A_89 = arith.mulf %get3A_88, %get3A_45 : vector<16xf32>
        %swap3A_90 = arith.index_cast %scan3A_42 : i32 to index
        %swap3A_91 = arith.constant 64 : index
        %swap3A_92 = tpu.vector_load %arg11[%swap3A_90, %swap3A_91] {strides = array<i32>} : memref<80x128xf32, #tpu.memory_space<vmem>>, vector<1x16xf32>,
        %swap3A_93 = vector.shape_cast %swap3A_92 : vector<1x16xf32> to vector<16xf32>
        %swap3A_94 = vector.shape_cast %mul3A_89 : vector<16xf32> to vector<1x16xf32>
        tpu.vector_store %arg11[%swap3A_90, %swap3A_91], %swap3A_94 {strides = array<i32>} : memref<80x128xf32, #tpu.memory_space<vmem>>, vector<1x16xf32>,
        %get3A_95 = arith.index_cast %scan3A_42 : i32 to index
        %get3A_96 = arith.constant 80 : index
        %get3A_97 = tpu.vector_load %arg11[%get3A_95, %get3A_96] {strides = array<i32>} : memref<80x128xf32, #tpu.memory_space<vmem>>, vector<1x16xf32>,
        %get3A_98 = vector.shape_cast %get3A_97 : vector<1x16xf32> to vector<16xf32>
        %mul3A_99 = arith.mulf %get3A_98, %get3A_45 : vector<16xf32>
        %swap3A_100 = arith.index_cast %scan3A_42 : i32 to index
        %swap3A_101 = arith.constant 80 : index
        %swap3A_102 = tpu.vector_load %arg11[%swap3A_100, %swap3A_101] {strides = array<i32>} : memref<80x128xf32, #tpu.memory_space<vmem>>, vector<1x16xf32>,
        %swap3A_103 = vector.shape_cast %swap3A_102 : vector<1x16xf32> to vector<16xf32>
        %swap3A_104 = vector.shape_cast %mul3A_99 : vector<16xf32> to vector<1x16xf32>
        tpu.vector_store %arg11[%swap3A_100, %swap3A_101], %swap3A_104 {strides = array<i32>} : memref<80x128xf32, #tpu.memory_space<vmem>>, vector<1x16xf32>,
        %get3A_105 = arith.index_cast %scan3A_42 : i32 to index
        %get3A_106 = arith.constant 96 : index
        %get3A_107 = tpu.vector_load %arg11[%get3A_105, %get3A_106] {strides = array<i32>} : memref<80x128xf32, #tpu.memory_space<vmem>>, vector<1x16xf32>,
        %get3A_108 = vector.shape_cast %get3A_107 : vector<1x16xf32> to vector<16xf32>
        %mul3A_109 = arith.mulf %get3A_108, %get3A_45 : vector<16xf32>
        %swap3A_110 = arith.index_cast %scan3A_42 : i32 to index
        %swap3A_111 = arith.constant 96 : index
        %swap3A_112 = tpu.vector_load %arg11[%swap3A_110, %swap3A_111] {strides = array<i32>} : memref<80x128xf32, #tpu.memory_space<vmem>>, vector<1x16xf32>,
        %swap3A_113 = vector.shape_cast %swap3A_112 : vector<1x16xf32> to vector<16xf32>
        %swap3A_114 = vector.shape_cast %mul3A_109 : vector<16xf32> to vector<1x16xf32>
        tpu.vector_store %arg11[%swap3A_110, %swap3A_111], %swap3A_114 {strides = array<i32>} : memref<80x128xf32, #tpu.memory_space<vmem>>, vector<1x16xf32>,
        %get3A_115 = arith.index_cast %scan3A_42 : i32 to index
        %get3A_116 = arith.constant 112 : index
        %get3A_117 = tpu.vector_load %arg11[%get3A_115, %get3A_116] {strides = array<i32>} : memref<80x128xf32, #tpu.memory_space<vmem>>, vector<1x16xf32>,
        %get3A_118 = vector.shape_cast %get3A_117 : vector<1x16xf32> to vector<16xf32>
        %mul3A_119 = arith.mulf %get3A_118, %get3A_45 : vector<16xf32>
        %swap3A_120 = arith.index_cast %scan3A_42 : i32 to index
        %swap3A_121 = arith.constant 112 : index
        %swap3A_122 = tpu.vector_load %arg11[%swap3A_120, %swap3A_121] {strides = array<i32>} : memref<80x128xf32, #tpu.memory_space<vmem>>, vector<1x16xf32>,
        %swap3A_123 = vector.shape_cast %swap3A_122 : vector<1x16xf32> to vector<16xf32>
        %swap3A_124 = vector.shape_cast %mul3A_119 : vector<16xf32> to vector<1x16xf32>
        tpu.vector_store %arg11[%swap3A_120, %swap3A_121], %swap3A_124 {strides = array<i32>} : memref<80x128xf32, #tpu.memory_space<vmem>>, vector<1x16xf32>,
      }
      %scan3A_41 = arith.constant 80 : i32
      "tpu.region"() ({
        %run_scoped3A = tpu.sem_alloc : memref<!tpu.dma_semaphore, #tpu.memory_space<semaphore_mem>>
        %dma_start3A_42 = arith.constant 0 : i32
        %dma_start3A_43 = arith.constant 0 : i32
        %dma_start3A_44 = tpu.memref_slice %arg12[%dma_start3A_42, %dma_start3A_43] : memref<10000x128xf32, #tpu.memory_space<vmem_shared>> -> memref<10000x128xf32, #tpu.memory_space<vmem_shared>>
        tpu.enqueue_indirect_dma source(%arg11 : memref<80x128xf32, #tpu.memory_space<vmem>>) target(%dma_start3A_44 : memref<10000x128xf32, #tpu.memory_space<vmem_shared>>) offsets(%arg9 : memref<80xi32, #tpu.memory_space<vmem>>) semaphore(%run_scoped3A : memref<!tpu.dma_semaphore, #tpu.memory_space<semaphore_mem>>) {add = true}
        %dma_wait3A_45 = arith.constant 0 : i32
        %dma_wait3A_46 = arith.constant 0 : i32
        %dma_wait3A_47 = tpu.memref_slice %arg12[%dma_wait3A_45, %dma_wait3A_46] : memref<10000x128xf32, #tpu.memory_space<vmem_shared>> -> memref<10000x128xf32, #tpu.memory_space<vmem_shared>>
        tpu.wait_indirect_dma semaphore(%run_scoped3A : memref<!tpu.dma_semaphore, #tpu.memory_space<semaphore_mem>>) src(%arg11 : memref<80x128xf32, #tpu.memory_space<vmem>>) dst(%dma_wait3A_47 : memref<10000x128xf32, #tpu.memory_space<vmem_shared>>)
        tpu.yield
      }) : () -> ()
    }
    %scan3A_15 = arith.constant 125 : i32
    %barrier3A_16 = arith.constant 0 : index
    tpu.barrier barrier_id(%barrier3A_16)
    %lt3A_17 = arith.constant 15 : i32
    %lt3A_18 = arith.cmpi slt, %arg1, %lt3A_17 : i32
    %convert_element_type3A_19 = arith.extui %lt3A_18 : i1 to i32
    %cond3A_20 = arith.constant 0 : i32
    %cond3A_21 = arith.cmpi ne, %convert_element_type3A_19, %cond3A_20 : i32
    scf.if %cond3A_21 {
      "tpu.region"() ({
        %run_scoped3A = tpu.sem_alloc : memref<!tpu.dma_semaphore, #tpu.memory_space<semaphore_mem>>
        %dma_start3A = arith.constant 0 : i32
        %dma_start3A_27 = tpu.memref_slice %arg7[%arg0, %multiple_of3A, %dma_start3A] : memref<2x10000x128xf32, #tpu.memory_space<hbm>> -> memref<1x632x128xf32, #tpu.memory_space<hbm>>
        %dma_start3A_28 = tpu.memref_squeeze %dma_start3A_27 : memref<1x632x128xf32, #tpu.memory_space<hbm>> -> memref<632x128xf32, #tpu.memory_space<hbm>>
        %dma_start3A_29 = arith.constant 0 : i32
        %dma_start3A_30 = tpu.memref_slice %arg12[%multiple_of3A, %dma_start3A_29] : memref<10000x128xf32, #tpu.memory_space<vmem_shared>> -> memref<632x128xf32, #tpu.memory_space<vmem_shared>>
        tpu.enqueue_dma source(%dma_start3A_30 : memref<632x128xf32, #tpu.memory_space<vmem_shared>>) target(%dma_start3A_28 : memref<632x128xf32, #tpu.memory_space<hbm>>) target_semaphore(%run_scoped3A : memref<!tpu.dma_semaphore, #tpu.memory_space<semaphore_mem>>)
        %dma_wait3A = arith.constant 0 : i32
        %dma_wait3A_31 = tpu.memref_slice %arg7[%arg0, %multiple_of3A, %dma_wait3A] : memref<2x10000x128xf32, #tpu.memory_space<hbm>> -> memref<1x632x128xf32, #tpu.memory_space<hbm>>
        %dma_wait3A_32 = tpu.memref_squeeze %dma_wait3A_31 : memref<1x632x128xf32, #tpu.memory_space<hbm>> -> memref<632x128xf32, #tpu.memory_space<hbm>>
        %dma_wait3A_33 = arith.constant 0 : i32
        %dma_wait3A_34 = tpu.memref_slice %arg12[%multiple_of3A, %dma_wait3A_33] : memref<10000x128xf32, #tpu.memory_space<vmem_shared>> -> memref<632x128xf32, #tpu.memory_space<vmem_shared>>
        tpu.wait_dma2 semaphore(%run_scoped3A : memref<!tpu.dma_semaphore, #tpu.memory_space<semaphore_mem>>) src(%dma_wait3A_34 : memref<632x128xf32, #tpu.memory_space<vmem_shared>>) dst(%dma_wait3A_32 : memref<632x128xf32, #tpu.memory_space<hbm>>)
        tpu.yield
      }) : () -> ()
    } else {
    }
    %eq3A_22 = arith.constant 15 : i32
    %eq3A_23 = arith.cmpi eq, %arg1, %eq3A_22 : i32
    %convert_element_type3A_24 = arith.extui %eq3A_23 : i1 to i32
    %cond3A_25 = arith.constant 0 : i32
    %cond3A_26 = arith.cmpi ne, %convert_element_type3A_24, %cond3A_25 : i32
    scf.if %cond3A_26 {
      "tpu.region"() ({
        %run_scoped3A = tpu.sem_alloc : memref<!tpu.dma_semaphore, #tpu.memory_space<semaphore_mem>>
        %dma_start3A = arith.constant 9480 : i32
        %dma_start3A_27 = arith.constant 0 : i32
        %dma_start3A_28 = tpu.memref_slice %arg7[%arg0, %dma_start3A, %dma_start3A_27] : memref<2x10000x128xf32, #tpu.memory_space<hbm>> -> memref<1x520x128xf32, #tpu.memory_space<hbm>>
        %dma_start3A_29 = tpu.memref_squeeze %dma_start3A_28 : memref<1x520x128xf32, #tpu.memory_space<hbm>> -> memref<520x128xf32, #tpu.memory_space<hbm>>
        %dma_start3A_30 = arith.constant 9480 : i32
        %dma_start3A_31 = arith.constant 0 : i32
        %dma_start3A_32 = tpu.memref_slice %arg12[%dma_start3A_30, %dma_start3A_31] : memref<10000x128xf32, #tpu.memory_space<vmem_shared>> -> memref<520x128xf32, #tpu.memory_space<vmem_shared>>
        tpu.enqueue_dma source(%dma_start3A_32 : memref<520x128xf32, #tpu.memory_space<vmem_shared>>) target(%dma_start3A_29 : memref<520x128xf32, #tpu.memory_space<hbm>>) target_semaphore(%run_scoped3A : memref<!tpu.dma_semaphore, #tpu.memory_space<semaphore_mem>>)
        %dma_wait3A = arith.constant 9480 : i32
        %dma_wait3A_33 = arith.constant 0 : i32
        %dma_wait3A_34 = tpu.memref_slice %arg7[%arg0, %dma_wait3A, %dma_wait3A_33] : memref<2x10000x128xf32, #tpu.memory_space<hbm>> -> memref<1x520x128xf32, #tpu.memory_space<hbm>>
        %dma_wait3A_35 = tpu.memref_squeeze %dma_wait3A_34 : memref<1x520x128xf32, #tpu.memory_space<hbm>> -> memref<520x128xf32, #tpu.memory_space<hbm>>
        %dma_wait3A_36 = arith.constant 9480 : i32
        %dma_wait3A_37 = arith.constant 0 : i32
        %dma_wait3A_38 = tpu.memref_slice %arg12[%dma_wait3A_36, %dma_wait3A_37] : memref<10000x128xf32, #tpu.memory_space<vmem_shared>> -> memref<520x128xf32, #tpu.memory_space<vmem_shared>>
        tpu.wait_dma2 semaphore(%run_scoped3A : memref<!tpu.dma_semaphore, #tpu.memory_space<semaphore_mem>>) src(%dma_wait3A_38 : memref<520x128xf32, #tpu.memory_space<vmem_shared>>) dst(%dma_wait3A_35 : memref<520x128xf32, #tpu.memory_space<hbm>>)
        tpu.yield
      }) : () -> ()
    } else {
    }
    return
  }
}

#map = affine_map<(d0, d1) -> (0, 0)>
#map1 = affine_map<(d0, d1) -> (0)>
#map2 = affine_map<(d0, d1) -> (0, 0, 0)>
module attributes {stable_mosaic.version = 14 : i64} {
  func.func @spmm(%arg0: i32, %arg1: i32, %arg2: memref<10000x128xf32, #tpu.memory_space<hbm>>, %arg3: memref<320000xi32, #tpu.memory_space<hbm>>, %arg4: memref<320000xi32, #tpu.memory_space<hbm>>, %arg5: memref<320000x16xf32, #tpu.memory_space<hbm>>, %arg6: memref<10000x128xf32, #tpu.memory_space<hbm>>, %arg7: memref<2x10000x128xf32, #tpu.memory_space<hbm>>, %arg8: memref<80xi32, #tpu.memory_space<vmem>>, %arg9: memref<80xi32, #tpu.memory_space<vmem>>, %arg10: memref<80x16xf32, #tpu.memory_space<vmem>>, %arg11: memref<80x128xf32, #tpu.memory_space<vmem>>, %arg12: memref<10000x128xf32, #tpu.memory_space<vmem_shared>>, %arg13: memref<!tpu.dma_semaphore, #tpu.memory_space<semaphore_mem>>) attributes {dimension_semantics = [#tpu.dimension_semantics<core_parallel>, #tpu.dimension_semantics<subcore_parallel>], iteration_bounds = array<i64: 2, 16>, scalar_prefetch = 0 : i64, scratch_operands = 6 : i64, tpu.core_type = #tpu.core_type<sc_vector_subcore>, window_params = [{transform_indices = #map}, {transform_indices = #map1}, {transform_indices = #map1}, {transform_indices = #map}, {transform_indices = #map}, {transform_indices = #map2}]} {
    %mul3A = arith.constant 2 : i32
    %mul3A_0 = arith.muli %arg1, %mul3A : i32
    %add3A = arith.addi %mul3A_0, %arg0 : i32
    %mul3A_1 = arith.constant 632 : i32
    %mul3A_2 = arith.muli %arg1, %mul3A_1 : i32
    %multiple_of3A = tpu.assume_multiple %mul3A_2, 8 : i32
    %lt3A = arith.constant 15 : i32
    %lt3A_3 = arith.cmpi slt, %arg1, %lt3A : i32
    %convert_element_type3A = arith.extui %lt3A_3 : i1 to i32
    %cond3A = arith.constant 0 : i32
    %cond3A_4 = arith.cmpi ne, %convert_element_type3A, %cond3A : i32
    scf.if %cond3A_4 {
      "tpu.region"() ({
        %run_scoped3A = tpu.sem_alloc : memref<!tpu.dma_semaphore, #tpu.memory_space<semaphore_mem>>
        %dma_start3A = arith.constant 0 : i32
        %dma_start3A_27 = tpu.memref_slice %arg12[%multiple_of3A, %dma_start3A] : memref<10000x128xf32, #tpu.memory_space<vmem_shared>> -> memref<632x128xf32, #tpu.memory_space<vmem_shared>>
        %dma_start3A_28 = arith.constant 0 : i32
        %dma_start3A_29 = tpu.memref_slice %arg6[%multiple_of3A, %dma_start3A_28] : memref<10000x128xf32, #tpu.memory_space<hbm>> -> memref<632x128xf32, #tpu.memory_space<hbm>>
        tpu.enqueue_dma source(%dma_start3A_29 : memref<632x128xf32, #tpu.memory_space<hbm>>) target(%dma_start3A_27 : memref<632x128xf32, #tpu.memory_space<vmem_shared>>) target_semaphore(%run_scoped3A : memref<!tpu.dma_semaphore, #tpu.memory_space<semaphore_mem>>)
        %dma_wait3A = arith.constant 0 : i32
        %dma_wait3A_30 = tpu.memref_slice %arg12[%multiple_of3A, %dma_wait3A] : memref<10000x128xf32, #tpu.memory_space<vmem_shared>> -> memref<632x128xf32, #tpu.memory_space<vmem_shared>>
        %dma_wait3A_31 = arith.constant 0 : i32
        %dma_wait3A_32 = tpu.memref_slice %arg6[%multiple_of3A, %dma_wait3A_31] : memref<10000x128xf32, #tpu.memory_space<hbm>> -> memref<632x128xf32, #tpu.memory_space<hbm>>
        tpu.wait_dma2 semaphore(%run_scoped3A : memref<!tpu.dma_semaphore, #tpu.memory_space<semaphore_mem>>) src(%dma_wait3A_32 : memref<632x128xf32, #tpu.memory_space<hbm>>) dst(%dma_wait3A_30 : memref<632x128xf32, #tpu.memory_space<vmem_shared>>)
        tpu.yield
      }) : () -> ()
    } else {
    }
    %eq3A = arith.constant 15 : i32
    %eq3A_5 = arith.cmpi eq, %arg1, %eq3A : i32
    %convert_element_type3A_6 = arith.extui %eq3A_5 : i1 to i32
    %cond3A_7 = arith.constant 0 : i32
    %cond3A_8 = arith.cmpi ne, %convert_element_type3A_6, %cond3A_7 : i32
    scf.if %cond3A_8 {
      "tpu.region"() ({
        %run_scoped3A = tpu.sem_alloc : memref<!tpu.dma_semaphore, #tpu.memory_space<semaphore_mem>>
        %dma_start3A = arith.constant 9480 : i32
        %dma_start3A_27 = arith.constant 0 : i32
        %dma_start3A_28 = tpu.memref_slice %arg12[%dma_start3A, %dma_start3A_27] : memref<10000x128xf32, #tpu.memory_space<vmem_shared>> -> memref<520x128xf32, #tpu.memory_space<vmem_shared>>
        %dma_start3A_29 = arith.constant 9480 : i32
        %dma_start3A_30 = arith.constant 0 : i32
        %dma_start3A_31 = tpu.memref_slice %arg6[%dma_start3A_29, %dma_start3A_30] : memref<10000x128xf32, #tpu.memory_space<hbm>> -> memref<520x128xf32, #tpu.memory_space<hbm>>
        tpu.enqueue_dma source(%dma_start3A_31 : memref<520x128xf32, #tpu.memory_space<hbm>>) target(%dma_start3A_28 : memref<520x128xf32, #tpu.memory_space<vmem_shared>>) target_semaphore(%run_scoped3A : memref<!tpu.dma_semaphore, #tpu.memory_space<semaphore_mem>>)
        %dma_wait3A = arith.constant 9480 : i32
        %dma_wait3A_32 = arith.constant 0 : i32
        %dma_wait3A_33 = tpu.memref_slice %arg12[%dma_wait3A, %dma_wait3A_32] : memref<10000x128xf32, #tpu.memory_space<vmem_shared>> -> memref<520x128xf32, #tpu.memory_space<vmem_shared>>
        %dma_wait3A_34 = arith.constant 9480 : i32
        %dma_wait3A_35 = arith.constant 0 : i32
        %dma_wait3A_36 = tpu.memref_slice %arg6[%dma_wait3A_34, %dma_wait3A_35] : memref<10000x128xf32, #tpu.memory_space<hbm>> -> memref<520x128xf32, #tpu.memory_space<hbm>>
        tpu.wait_dma2 semaphore(%run_scoped3A : memref<!tpu.dma_semaphore, #tpu.memory_space<semaphore_mem>>) src(%dma_wait3A_36 : memref<520x128xf32, #tpu.memory_space<hbm>>) dst(%dma_wait3A_33 : memref<520x128xf32, #tpu.memory_space<vmem_shared>>)
        tpu.yield
      }) : () -> ()
    } else {
    }
    %barrier3A = arith.constant 0 : index
    tpu.barrier barrier_id(%barrier3A)
    %mul3A_9 = arith.constant 10000 : i32
    %mul3A_10 = arith.muli %add3A, %mul3A_9 : i32
    %scan3A = arith.constant 0 : i32
    %scan3A_11 = arith.constant 0 : i32
    %scan3A_12 = arith.constant 125 : i32
    %scan3A_13 = arith.addi %scan3A_11, %scan3A_12 : i32
    %scan3A_14 = arith.constant 1 : i32
    scf.for %scan3A_27 = %scan3A_11 to %scan3A_13 step %scan3A_14  : i32 {
      %mul3A_28 = arith.constant 80 : i32
      %mul3A_29 = arith.muli %scan3A_27, %mul3A_28 : i32
      %add3A_30 = arith.addi %mul3A_10, %mul3A_29 : i32
      %multiple_of3A_31 = tpu.assume_multiple %add3A_30, 8 : i32
      "tpu.region"() ({
        %run_scoped3A = tpu.sem_alloc : memref<!tpu.dma_semaphore, #tpu.memory_space<semaphore_mem>>
        %dma_start3A_42 = tpu.memref_slice %arg4[%multiple_of3A_31] : memref<320000xi32, #tpu.memory_space<hbm>> -> memref<80xi32, #tpu.memory_space<hbm>>
        %dma_start3A_43 = tpu.memref_slice %arg4[%multiple_of3A_31] : memref<320000xi32, #tpu.memory_space<hbm>> -> memref<80xi32, #tpu.memory_space<hbm>>
        tpu.enqueue_dma source(%dma_start3A_43 : memref<80xi32, #tpu.memory_space<hbm>>) target(%arg8 : memref<80xi32, #tpu.memory_space<vmem>>) target_semaphore(%run_scoped3A : memref<!tpu.dma_semaphore, #tpu.memory_space<semaphore_mem>>)
        %dma_wait3A_44 = tpu.memref_slice %arg4[%multiple_of3A_31] : memref<320000xi32, #tpu.memory_space<hbm>> -> memref<80xi32, #tpu.memory_space<hbm>>
        %dma_wait3A_45 = tpu.memref_slice %arg4[%multiple_of3A_31] : memref<320000xi32, #tpu.memory_space<hbm>> -> memref<80xi32, #tpu.memory_space<hbm>>
        tpu.wait_dma2 semaphore(%run_scoped3A : memref<!tpu.dma_semaphore, #tpu.memory_space<semaphore_mem>>) src(%dma_wait3A_45 : memref<80xi32, #tpu.memory_space<hbm>>) dst(%arg8 : memref<80xi32, #tpu.memory_space<vmem>>)
        tpu.yield
      }) : () -> ()
      "tpu.region"() ({
        %run_scoped3A = tpu.sem_alloc : memref<!tpu.dma_semaphore, #tpu.memory_space<semaphore_mem>>
        %dma_start3A_42 = tpu.memref_slice %arg3[%multiple_of3A_31] : memref<320000xi32, #tpu.memory_space<hbm>> -> memref<80xi32, #tpu.memory_space<hbm>>
        %dma_start3A_43 = tpu.memref_slice %arg3[%multiple_of3A_31] : memref<320000xi32, #tpu.memory_space<hbm>> -> memref<80xi32, #tpu.memory_space<hbm>>
        tpu.enqueue_dma source(%dma_start3A_43 : memref<80xi32, #tpu.memory_space<hbm>>) target(%arg9 : memref<80xi32, #tpu.memory_space<vmem>>) target_semaphore(%run_scoped3A : memref<!tpu.dma_semaphore, #tpu.memory_space<semaphore_mem>>)
        %dma_wait3A_44 = tpu.memref_slice %arg3[%multiple_of3A_31] : memref<320000xi32, #tpu.memory_space<hbm>> -> memref<80xi32, #tpu.memory_space<hbm>>
        %dma_wait3A_45 = tpu.memref_slice %arg3[%multiple_of3A_31] : memref<320000xi32, #tpu.memory_space<hbm>> -> memref<80xi32, #tpu.memory_space<hbm>>
        tpu.wait_dma2 semaphore(%run_scoped3A : memref<!tpu.dma_semaphore, #tpu.memory_space<semaphore_mem>>) src(%dma_wait3A_45 : memref<80xi32, #tpu.memory_space<hbm>>) dst(%arg9 : memref<80xi32, #tpu.memory_space<vmem>>)
        tpu.yield
      }) : () -> ()
      "tpu.region"() ({
        %run_scoped3A = tpu.sem_alloc : memref<!tpu.dma_semaphore, #tpu.memory_space<semaphore_mem>>
        %dma_start3A_42 = arith.constant 0 : i32
        %dma_start3A_43 = tpu.memref_slice %arg5[%multiple_of3A_31, %dma_start3A_42] : memref<320000x16xf32, #tpu.memory_space<hbm>> -> memref<80x16xf32, #tpu.memory_space<hbm>>
        %dma_start3A_44 = arith.constant 0 : i32
        %dma_start3A_45 = tpu.memref_slice %arg5[%multiple_of3A_31, %dma_start3A_44] : memref<320000x16xf32, #tpu.memory_space<hbm>> -> memref<80x16xf32, #tpu.memory_space<hbm>>
        tpu.enqueue_dma source(%dma_start3A_45 : memref<80x16xf32, #tpu.memory_space<hbm>>) target(%arg10 : memref<80x16xf32, #tpu.memory_space<vmem>>) target_semaphore(%run_scoped3A : memref<!tpu.dma_semaphore, #tpu.memory_space<semaphore_mem>>)
        %dma_wait3A_46 = arith.constant 0 : i32
        %dma_wait3A_47 = tpu.memref_slice %arg5[%multiple_of3A_31, %dma_wait3A_46] : memref<320000x16xf32, #tpu.memory_space<hbm>> -> memref<80x16xf32, #tpu.memory_space<hbm>>
        %dma_wait3A_48 = arith.constant 0 : i32
        %dma_wait3A_49 = tpu.memref_slice %arg5[%multiple_of3A_31, %dma_wait3A_48] : memref<320000x16xf32, #tpu.memory_space<hbm>> -> memref<80x16xf32, #tpu.memory_space<hbm>>
        tpu.wait_dma2 semaphore(%run_scoped3A : memref<!tpu.dma_semaphore, #tpu.memory_space<semaphore_mem>>) src(%dma_wait3A_49 : memref<80x16xf32, #tpu.memory_space<hbm>>) dst(%arg10 : memref<80x16xf32, #tpu.memory_space<vmem>>)
        tpu.yield
      }) : () -> ()
      %dma_start3A = arith.constant 0 : i32
      %dma_start3A_32 = arith.constant 0 : i32
      %dma_start3A_33 = tpu.memref_slice %arg2[%dma_start3A, %dma_start3A_32] : memref<10000x128xf32, #tpu.memory_space<hbm>> -> memref<10000x128xf32, #tpu.memory_space<hbm>>
      tpu.enqueue_indirect_dma source(%dma_start3A_33 : memref<10000x128xf32, #tpu.memory_space<hbm>>) target(%arg11 : memref<80x128xf32, #tpu.memory_space<vmem>>) offsets(%arg8 : memref<80xi32, #tpu.memory_space<vmem>>) semaphore(%arg13 : memref<!tpu.dma_semaphore, #tpu.memory_space<semaphore_mem>>)
      %dma_wait3A = arith.constant 0 : i32
      %dma_wait3A_34 = arith.constant 0 : i32
      %dma_wait3A_35 = tpu.memref_slice %arg2[%dma_wait3A, %dma_wait3A_34] : memref<10000x128xf32, #tpu.memory_space<hbm>> -> memref<10000x128xf32, #tpu.memory_space<hbm>>
      tpu.wait_indirect_dma semaphore(%arg13 : memref<!tpu.dma_semaphore, #tpu.memory_space<semaphore_mem>>) src(%dma_wait3A_35 : memref<10000x128xf32, #tpu.memory_space<hbm>>) dst(%arg11 : memref<80x128xf32, #tpu.memory_space<vmem>>)
      %scan3A_36 = arith.constant 0 : i32
      %scan3A_37 = arith.constant 0 : i32
      %scan3A_38 = arith.constant 80 : i32
      %scan3A_39 = arith.addi %scan3A_37, %scan3A_38 : i32
      %scan3A_40 = arith.constant 1 : i32
      scf.for %scan3A_42 = %scan3A_37 to %scan3A_39 step %scan3A_40  : i32 {
        %get3A = arith.index_cast %scan3A_42 : i32 to index
        %get3A_43 = arith.constant 0 : index
        %get3A_44 = tpu.vector_load %arg10[%get3A, %get3A_43] {strides = array<i32>} : memref<80x16xf32, #tpu.memory_space<vmem>>, vector<1x16xf32>,
        %get3A_45 = vector.shape_cast %get3A_44 : vector<1x16xf32> to vector<16xf32>
        %get3A_46 = arith.index_cast %scan3A_42 : i32 to index
        %get3A_47 = arith.constant 0 : index
        %get3A_48 = tpu.vector_load %arg11[%get3A_46, %get3A_47] {strides = array<i32>} : memref<80x128xf32, #tpu.memory_space<vmem>>, vector<1x16xf32>,
        %get3A_49 = vector.shape_cast %get3A_48 : vector<1x16xf32> to vector<16xf32>
        %mul3A_50 = arith.mulf %get3A_49, %get3A_45 : vector<16xf32>
        %swap3A = arith.index_cast %scan3A_42 : i32 to index
        %swap3A_51 = arith.constant 0 : index
        %swap3A_52 = tpu.vector_load %arg11[%swap3A, %swap3A_51] {strides = array<i32>} : memref<80x128xf32, #tpu.memory_space<vmem>>, vector<1x16xf32>,
        %swap3A_53 = vector.shape_cast %swap3A_52 : vector<1x16xf32> to vector<16xf32>
        %swap3A_54 = vector.shape_cast %mul3A_50 : vector<16xf32> to vector<1x16xf32>
        tpu.vector_store %arg11[%swap3A, %swap3A_51], %swap3A_54 {strides = array<i32>} : memref<80x128xf32, #tpu.memory_space<vmem>>, vector<1x16xf32>,
        %get3A_55 = arith.index_cast %scan3A_42 : i32 to index
        %get3A_56 = arith.constant 16 : index
        %get3A_57 = tpu.vector_load %arg11[%get3A_55, %get3A_56] {strides = array<i32>} : memref<80x128xf32, #tpu.memory_space<vmem>>, vector<1x16xf32>,
        %get3A_58 = vector.shape_cast %get3A_57 : vector<1x16xf32> to vector<16xf32>
        %mul3A_59 = arith.mulf %get3A_58, %get3A_45 : vector<16xf32>
        %swap3A_60 = arith.index_cast %scan3A_42 : i32 to index
        %swap3A_61 = arith.constant 16 : index
        %swap3A_62 = tpu.vector_load %arg11[%swap3A_60, %swap3A_61] {strides = array<i32>} : memref<80x128xf32, #tpu.memory_space<vmem>>, vector<1x16xf32>,
        %swap3A_63 = vector.shape_cast %swap3A_62 : vector<1x16xf32> to vector<16xf32>
        %swap3A_64 = vector.shape_cast %mul3A_59 : vector<16xf32> to vector<1x16xf32>
        tpu.vector_store %arg11[%swap3A_60, %swap3A_61], %swap3A_64 {strides = array<i32>} : memref<80x128xf32, #tpu.memory_space<vmem>>, vector<1x16xf32>,
        %get3A_65 = arith.index_cast %scan3A_42 : i32 to index
        %get3A_66 = arith.constant 32 : index
        %get3A_67 = tpu.vector_load %arg11[%get3A_65, %get3A_66] {strides = array<i32>} : memref<80x128xf32, #tpu.memory_space<vmem>>, vector<1x16xf32>,
        %get3A_68 = vector.shape_cast %get3A_67 : vector<1x16xf32> to vector<16xf32>
        %mul3A_69 = arith.mulf %get3A_68, %get3A_45 : vector<16xf32>
        %swap3A_70 = arith.index_cast %scan3A_42 : i32 to index
        %swap3A_71 = arith.constant 32 : index
        %swap3A_72 = tpu.vector_load %arg11[%swap3A_70, %swap3A_71] {strides = array<i32>} : memref<80x128xf32, #tpu.memory_space<vmem>>, vector<1x16xf32>,
        %swap3A_73 = vector.shape_cast %swap3A_72 : vector<1x16xf32> to vector<16xf32>
        %swap3A_74 = vector.shape_cast %mul3A_69 : vector<16xf32> to vector<1x16xf32>
        tpu.vector_store %arg11[%swap3A_70, %swap3A_71], %swap3A_74 {strides = array<i32>} : memref<80x128xf32, #tpu.memory_space<vmem>>, vector<1x16xf32>,
        %get3A_75 = arith.index_cast %scan3A_42 : i32 to index
        %get3A_76 = arith.constant 48 : index
        %get3A_77 = tpu.vector_load %arg11[%get3A_75, %get3A_76] {strides = array<i32>} : memref<80x128xf32, #tpu.memory_space<vmem>>, vector<1x16xf32>,
        %get3A_78 = vector.shape_cast %get3A_77 : vector<1x16xf32> to vector<16xf32>
        %mul3A_79 = arith.mulf %get3A_78, %get3A_45 : vector<16xf32>
        %swap3A_80 = arith.index_cast %scan3A_42 : i32 to index
        %swap3A_81 = arith.constant 48 : index
        %swap3A_82 = tpu.vector_load %arg11[%swap3A_80, %swap3A_81] {strides = array<i32>} : memref<80x128xf32, #tpu.memory_space<vmem>>, vector<1x16xf32>,
        %swap3A_83 = vector.shape_cast %swap3A_82 : vector<1x16xf32> to vector<16xf32>
        %swap3A_84 = vector.shape_cast %mul3A_79 : vector<16xf32> to vector<1x16xf32>
        tpu.vector_store %arg11[%swap3A_80, %swap3A_81], %swap3A_84 {strides = array<i32>} : memref<80x128xf32, #tpu.memory_space<vmem>>, vector<1x16xf32>,
        %get3A_85 = arith.index_cast %scan3A_42 : i32 to index
        %get3A_86 = arith.constant 64 : index
        %get3A_87 = tpu.vector_load %arg11[%get3A_85, %get3A_86] {strides = array<i32>} : memref<80x128xf32, #tpu.memory_space<vmem>>, vector<1x16xf32>,
        %get3A_88 = vector.shape_cast %get3A_87 : vector<1x16xf32> to vector<16xf32>
        %mul3A_89 = arith.mulf %get3A_88, %get3A_45 : vector<16xf32>
        %swap3A_90 = arith.index_cast %scan3A_42 : i32 to index
        %swap3A_91 = arith.constant 64 : index
        %swap3A_92 = tpu.vector_load %arg11[%swap3A_90, %swap3A_91] {strides = array<i32>} : memref<80x128xf32, #tpu.memory_space<vmem>>, vector<1x16xf32>,
        %swap3A_93 = vector.shape_cast %swap3A_92 : vector<1x16xf32> to vector<16xf32>
        %swap3A_94 = vector.shape_cast %mul3A_89 : vector<16xf32> to vector<1x16xf32>
        tpu.vector_store %arg11[%swap3A_90, %swap3A_91], %swap3A_94 {strides = array<i32>} : memref<80x128xf32, #tpu.memory_space<vmem>>, vector<1x16xf32>,
        %get3A_95 = arith.index_cast %scan3A_42 : i32 to index
        %get3A_96 = arith.constant 80 : index
        %get3A_97 = tpu.vector_load %arg11[%get3A_95, %get3A_96] {strides = array<i32>} : memref<80x128xf32, #tpu.memory_space<vmem>>, vector<1x16xf32>,
        %get3A_98 = vector.shape_cast %get3A_97 : vector<1x16xf32> to vector<16xf32>
        %mul3A_99 = arith.mulf %get3A_98, %get3A_45 : vector<16xf32>
        %swap3A_100 = arith.index_cast %scan3A_42 : i32 to index
        %swap3A_101 = arith.constant 80 : index
        %swap3A_102 = tpu.vector_load %arg11[%swap3A_100, %swap3A_101] {strides = array<i32>} : memref<80x128xf32, #tpu.memory_space<vmem>>, vector<1x16xf32>,
        %swap3A_103 = vector.shape_cast %swap3A_102 : vector<1x16xf32> to vector<16xf32>
        %swap3A_104 = vector.shape_cast %mul3A_99 : vector<16xf32> to vector<1x16xf32>
        tpu.vector_store %arg11[%swap3A_100, %swap3A_101], %swap3A_104 {strides = array<i32>} : memref<80x128xf32, #tpu.memory_space<vmem>>, vector<1x16xf32>,
        %get3A_105 = arith.index_cast %scan3A_42 : i32 to index
        %get3A_106 = arith.constant 96 : index
        %get3A_107 = tpu.vector_load %arg11[%get3A_105, %get3A_106] {strides = array<i32>} : memref<80x128xf32, #tpu.memory_space<vmem>>, vector<1x16xf32>,
        %get3A_108 = vector.shape_cast %get3A_107 : vector<1x16xf32> to vector<16xf32>
        %mul3A_109 = arith.mulf %get3A_108, %get3A_45 : vector<16xf32>
        %swap3A_110 = arith.index_cast %scan3A_42 : i32 to index
        %swap3A_111 = arith.constant 96 : index
        %swap3A_112 = tpu.vector_load %arg11[%swap3A_110, %swap3A_111] {strides = array<i32>} : memref<80x128xf32, #tpu.memory_space<vmem>>, vector<1x16xf32>,
        %swap3A_113 = vector.shape_cast %swap3A_112 : vector<1x16xf32> to vector<16xf32>
        %swap3A_114 = vector.shape_cast %mul3A_109 : vector<16xf32> to vector<1x16xf32>
        tpu.vector_store %arg11[%swap3A_110, %swap3A_111], %swap3A_114 {strides = array<i32>} : memref<80x128xf32, #tpu.memory_space<vmem>>, vector<1x16xf32>,
        %get3A_115 = arith.index_cast %scan3A_42 : i32 to index
        %get3A_116 = arith.constant 112 : index
        %get3A_117 = tpu.vector_load %arg11[%get3A_115, %get3A_116] {strides = array<i32>} : memref<80x128xf32, #tpu.memory_space<vmem>>, vector<1x16xf32>,
        %get3A_118 = vector.shape_cast %get3A_117 : vector<1x16xf32> to vector<16xf32>
        %mul3A_119 = arith.mulf %get3A_118, %get3A_45 : vector<16xf32>
        %swap3A_120 = arith.index_cast %scan3A_42 : i32 to index
        %swap3A_121 = arith.constant 112 : index
        %swap3A_122 = tpu.vector_load %arg11[%swap3A_120, %swap3A_121] {strides = array<i32>} : memref<80x128xf32, #tpu.memory_space<vmem>>, vector<1x16xf32>,
        %swap3A_123 = vector.shape_cast %swap3A_122 : vector<1x16xf32> to vector<16xf32>
        %swap3A_124 = vector.shape_cast %mul3A_119 : vector<16xf32> to vector<1x16xf32>
        tpu.vector_store %arg11[%swap3A_120, %swap3A_121], %swap3A_124 {strides = array<i32>} : memref<80x128xf32, #tpu.memory_space<vmem>>, vector<1x16xf32>,
      }
      %scan3A_41 = arith.constant 80 : i32
      "tpu.region"() ({
        %run_scoped3A = tpu.sem_alloc : memref<!tpu.dma_semaphore, #tpu.memory_space<semaphore_mem>>
        %dma_start3A_42 = arith.constant 0 : i32
        %dma_start3A_43 = arith.constant 0 : i32
        %dma_start3A_44 = tpu.memref_slice %arg12[%dma_start3A_42, %dma_start3A_43] : memref<10000x128xf32, #tpu.memory_space<vmem_shared>> -> memref<10000x128xf32, #tpu.memory_space<vmem_shared>>
        tpu.enqueue_indirect_dma source(%arg11 : memref<80x128xf32, #tpu.memory_space<vmem>>) target(%dma_start3A_44 : memref<10000x128xf32, #tpu.memory_space<vmem_shared>>) offsets(%arg9 : memref<80xi32, #tpu.memory_space<vmem>>) semaphore(%run_scoped3A : memref<!tpu.dma_semaphore, #tpu.memory_space<semaphore_mem>>) {add = true}
        %dma_wait3A_45 = arith.constant 0 : i32
        %dma_wait3A_46 = arith.constant 0 : i32
        %dma_wait3A_47 = tpu.memref_slice %arg12[%dma_wait3A_45, %dma_wait3A_46] : memref<10000x128xf32, #tpu.memory_space<vmem_shared>> -> memref<10000x128xf32, #tpu.memory_space<vmem_shared>>
        tpu.wait_indirect_dma semaphore(%run_scoped3A : memref<!tpu.dma_semaphore, #tpu.memory_space<semaphore_mem>>) src(%arg11 : memref<80x128xf32, #tpu.memory_space<vmem>>) dst(%dma_wait3A_47 : memref<10000x128xf32, #tpu.memory_space<vmem_shared>>)
        tpu.yield
      }) : () -> ()
    }
    %scan3A_15 = arith.constant 125 : i32
    %barrier3A_16 = arith.constant 0 : index
    tpu.barrier barrier_id(%barrier3A_16)
    %lt3A_17 = arith.constant 15 : i32
    %lt3A_18 = arith.cmpi slt, %arg1, %lt3A_17 : i32
    %convert_element_type3A_19 = arith.extui %lt3A_18 : i1 to i32
    %cond3A_20 = arith.constant 0 : i32
    %cond3A_21 = arith.cmpi ne, %convert_element_type3A_19, %cond3A_20 : i32
    scf.if %cond3A_21 {
      "tpu.region"() ({
        %run_scoped3A = tpu.sem_alloc : memref<!tpu.dma_semaphore, #tpu.memory_space<semaphore_mem>>
        %dma_start3A = arith.constant 0 : i32
        %dma_start3A_27 = tpu.memref_slice %arg7[%arg0, %multiple_of3A, %dma_start3A] : memref<2x10000x128xf32, #tpu.memory_space<hbm>> -> memref<1x632x128xf32, #tpu.memory_space<hbm>>
        %dma_start3A_28 = tpu.memref_squeeze %dma_start3A_27 : memref<1x632x128xf32, #tpu.memory_space<hbm>> -> memref<632x128xf32, #tpu.memory_space<hbm>>
        %dma_start3A_29 = arith.constant 0 : i32
        %dma_start3A_30 = tpu.memref_slice %arg12[%multiple_of3A, %dma_start3A_29] : memref<10000x128xf32, #tpu.memory_space<vmem_shared>> -> memref<632x128xf32, #tpu.memory_space<vmem_shared>>
        tpu.enqueue_dma source(%dma_start3A_30 : memref<632x128xf32, #tpu.memory_space<vmem_shared>>) target(%dma_start3A_28 : memref<632x128xf32, #tpu.memory_space<hbm>>) target_semaphore(%run_scoped3A : memref<!tpu.dma_semaphore, #tpu.memory_space<semaphore_mem>>)
        %dma_wait3A = arith.constant 0 : i32
        %dma_wait3A_31 = tpu.memref_slice %arg7[%arg0, %multiple_of3A, %dma_wait3A] : memref<2x10000x128xf32, #tpu.memory_space<hbm>> -> memref<1x632x128xf32, #tpu.memory_space<hbm>>
        %dma_wait3A_32 = tpu.memref_squeeze %dma_wait3A_31 : memref<1x632x128xf32, #tpu.memory_space<hbm>> -> memref<632x128xf32, #tpu.memory_space<hbm>>
        %dma_wait3A_33 = arith.constant 0 : i32
        %dma_wait3A_34 = tpu.memref_slice %arg12[%multiple_of3A, %dma_wait3A_33] : memref<10000x128xf32, #tpu.memory_space<vmem_shared>> -> memref<632x128xf32, #tpu.memory_space<vmem_shared>>
        tpu.wait_dma2 semaphore(%run_scoped3A : memref<!tpu.dma_semaphore, #tpu.memory_space<semaphore_mem>>) src(%dma_wait3A_34 : memref<632x128xf32, #tpu.memory_space<vmem_shared>>) dst(%dma_wait3A_32 : memref<632x128xf32, #tpu.memory_space<hbm>>)
        tpu.yield
      }) : () -> ()
    } else {
    }
    %eq3A_22 = arith.constant 15 : i32
    %eq3A_23 = arith.cmpi eq, %arg1, %eq3A_22 : i32
    %convert_element_type3A_24 = arith.extui %eq3A_23 : i1 to i32
    %cond3A_25 = arith.constant 0 : i32
    %cond3A_26 = arith.cmpi ne, %convert_element_type3A_24, %cond3A_25 : i32
    scf.if %cond3A_26 {
      "tpu.region"() ({
        %run_scoped3A = tpu.sem_alloc : memref<!tpu.dma_semaphore, #tpu.memory_space<semaphore_mem>>
        %dma_start3A = arith.constant 9480 : i32
        %dma_start3A_27 = arith.constant 0 : i32
        %dma_start3A_28 = tpu.memref_slice %arg7[%arg0, %dma_start3A, %dma_start3A_27] : memref<2x10000x128xf32, #tpu.memory_space<hbm>> -> memref<1x520x128xf32, #tpu.memory_space<hbm>>
        %dma_start3A_29 = tpu.memref_squeeze %dma_start3A_28 : memref<1x520x128xf32, #tpu.memory_space<hbm>> -> memref<520x128xf32, #tpu.memory_space<hbm>>
        %dma_start3A_30 = arith.constant 9480 : i32
        %dma_start3A_31 = arith.constant 0 : i32
        %dma_start3A_32 = tpu.memref_slice %arg12[%dma_start3A_30, %dma_start3A_31] : memref<10000x128xf32, #tpu.memory_space<vmem_shared>> -> memref<520x128xf32, #tpu.memory_space<vmem_shared>>
        tpu.enqueue_dma source(%dma_start3A_32 : memref<520x128xf32, #tpu.memory_space<vmem_shared>>) target(%dma_start3A_29 : memref<520x128xf32, #tpu.memory_space<hbm>>) target_semaphore(%run_scoped3A : memref<!tpu.dma_semaphore, #tpu.memory_space<semaphore_mem>>)
        %dma_wait3A = arith.constant 9480 : i32
        %dma_wait3A_33 = arith.constant 0 : i32
        %dma_wait3A_34 = tpu.memref_slice %arg7[%arg0, %dma_wait3A, %dma_wait3A_33] : memref<2x10000x128xf32, #tpu.memory_space<hbm>> -> memref<1x520x128xf32, #tpu.memory_space<hbm>>
        %dma_wait3A_35 = tpu.memref_squeeze %dma_wait3A_34 : memref<1x520x128xf32, #tpu.memory_space<hbm>> -> memref<520x128xf32, #tpu.memory_space<hbm>>
        %dma_wait3A_36 = arith.constant 9480 : i32
        %dma_wait3A_37 = arith.constant 0 : i32
        %dma_wait3A_38 = tpu.memref_slice %arg12[%dma_wait3A_36, %dma_wait3A_37] : memref<10000x128xf32, #tpu.memory_space<vmem_shared>> -> memref<520x128xf32, #tpu.memory_space<vmem_shared>>
        tpu.wait_dma2 semaphore(%run_scoped3A : memref<!tpu.dma_semaphore, #tpu.memory_space<semaphore_mem>>) src(%dma_wait3A_38 : memref<520x128xf32, #tpu.memory_space<vmem_shared>>) dst(%dma_wait3A_35 : memref<520x128xf32, #tpu.memory_space<hbm>>)
        tpu.yield
      }) : () -> ()
    } else {
    }
    return
  }
}

#map = affine_map<(d0, d1) -> (0, 0)>
#map1 = affine_map<(d0, d1) -> (0)>
#map2 = affine_map<(d0, d1) -> (0, 0, 0)>
module attributes {stable_mosaic.version = 14 : i64} {
  func.func @spmm(%arg0: i32, %arg1: i32, %arg2: memref<10000x128xf32, #tpu.memory_space<hbm>>, %arg3: memref<320000xi32, #tpu.memory_space<hbm>>, %arg4: memref<320000xi32, #tpu.memory_space<hbm>>, %arg5: memref<320000x16xf32, #tpu.memory_space<hbm>>, %arg6: memref<10000x128xf32, #tpu.memory_space<hbm>>, %arg7: memref<2x10000x128xf32, #tpu.memory_space<hbm>>, %arg8: memref<80xi32, #tpu.memory_space<vmem>>, %arg9: memref<80xi32, #tpu.memory_space<vmem>>, %arg10: memref<80x16xf32, #tpu.memory_space<vmem>>, %arg11: memref<80x128xf32, #tpu.memory_space<vmem>>, %arg12: memref<10000x128xf32, #tpu.memory_space<vmem_shared>>, %arg13: memref<!tpu.dma_semaphore, #tpu.memory_space<semaphore_mem>>) attributes {dimension_semantics = [#tpu.dimension_semantics<core_parallel>, #tpu.dimension_semantics<subcore_parallel>], iteration_bounds = array<i64: 2, 16>, scalar_prefetch = 0 : i64, scratch_operands = 6 : i64, tpu.core_type = #tpu.core_type<sc_vector_subcore>, window_params = [{transform_indices = #map}, {transform_indices = #map1}, {transform_indices = #map1}, {transform_indices = #map}, {transform_indices = #map}, {transform_indices = #map2}]} {
    %mul3A = arith.constant 2 : i32
    %mul3A_0 = arith.muli %arg1, %mul3A : i32
    %add3A = arith.addi %mul3A_0, %arg0 : i32
    %mul3A_1 = arith.constant 632 : i32
    %mul3A_2 = arith.muli %arg1, %mul3A_1 : i32
    %multiple_of3A = tpu.assume_multiple %mul3A_2, 8 : i32
    %lt3A = arith.constant 15 : i32
    %lt3A_3 = arith.cmpi slt, %arg1, %lt3A : i32
    %convert_element_type3A = arith.extui %lt3A_3 : i1 to i32
    %cond3A = arith.constant 0 : i32
    %cond3A_4 = arith.cmpi ne, %convert_element_type3A, %cond3A : i32
    scf.if %cond3A_4 {
      "tpu.region"() ({
        %run_scoped3A = tpu.sem_alloc : memref<!tpu.dma_semaphore, #tpu.memory_space<semaphore_mem>>
        %dma_start3A = arith.constant 0 : i32
        %dma_start3A_27 = tpu.memref_slice %arg12[%multiple_of3A, %dma_start3A] : memref<10000x128xf32, #tpu.memory_space<vmem_shared>> -> memref<632x128xf32, #tpu.memory_space<vmem_shared>>
        %dma_start3A_28 = arith.constant 0 : i32
        %dma_start3A_29 = tpu.memref_slice %arg6[%multiple_of3A, %dma_start3A_28] : memref<10000x128xf32, #tpu.memory_space<hbm>> -> memref<632x128xf32, #tpu.memory_space<hbm>>
        tpu.enqueue_dma source(%dma_start3A_29 : memref<632x128xf32, #tpu.memory_space<hbm>>) target(%dma_start3A_27 : memref<632x128xf32, #tpu.memory_space<vmem_shared>>) target_semaphore(%run_scoped3A : memref<!tpu.dma_semaphore, #tpu.memory_space<semaphore_mem>>)
        %dma_wait3A = arith.constant 0 : i32
        %dma_wait3A_30 = tpu.memref_slice %arg12[%multiple_of3A, %dma_wait3A] : memref<10000x128xf32, #tpu.memory_space<vmem_shared>> -> memref<632x128xf32, #tpu.memory_space<vmem_shared>>
        %dma_wait3A_31 = arith.constant 0 : i32
        %dma_wait3A_32 = tpu.memref_slice %arg6[%multiple_of3A, %dma_wait3A_31] : memref<10000x128xf32, #tpu.memory_space<hbm>> -> memref<632x128xf32, #tpu.memory_space<hbm>>
        tpu.wait_dma2 semaphore(%run_scoped3A : memref<!tpu.dma_semaphore, #tpu.memory_space<semaphore_mem>>) src(%dma_wait3A_32 : memref<632x128xf32, #tpu.memory_space<hbm>>) dst(%dma_wait3A_30 : memref<632x128xf32, #tpu.memory_space<vmem_shared>>)
        tpu.yield
      }) : () -> ()
    } else {
    }
    %eq3A = arith.constant 15 : i32
    %eq3A_5 = arith.cmpi eq, %arg1, %eq3A : i32
    %convert_element_type3A_6 = arith.extui %eq3A_5 : i1 to i32
    %cond3A_7 = arith.constant 0 : i32
    %cond3A_8 = arith.cmpi ne, %convert_element_type3A_6, %cond3A_7 : i32
    scf.if %cond3A_8 {
      "tpu.region"() ({
        %run_scoped3A = tpu.sem_alloc : memref<!tpu.dma_semaphore, #tpu.memory_space<semaphore_mem>>
        %dma_start3A = arith.constant 9480 : i32
        %dma_start3A_27 = arith.constant 0 : i32
        %dma_start3A_28 = tpu.memref_slice %arg12[%dma_start3A, %dma_start3A_27] : memref<10000x128xf32, #tpu.memory_space<vmem_shared>> -> memref<520x128xf32, #tpu.memory_space<vmem_shared>>
        %dma_start3A_29 = arith.constant 9480 : i32
        %dma_start3A_30 = arith.constant 0 : i32
        %dma_start3A_31 = tpu.memref_slice %arg6[%dma_start3A_29, %dma_start3A_30] : memref<10000x128xf32, #tpu.memory_space<hbm>> -> memref<520x128xf32, #tpu.memory_space<hbm>>
        tpu.enqueue_dma source(%dma_start3A_31 : memref<520x128xf32, #tpu.memory_space<hbm>>) target(%dma_start3A_28 : memref<520x128xf32, #tpu.memory_space<vmem_shared>>) target_semaphore(%run_scoped3A : memref<!tpu.dma_semaphore, #tpu.memory_space<semaphore_mem>>)
        %dma_wait3A = arith.constant 9480 : i32
        %dma_wait3A_32 = arith.constant 0 : i32
        %dma_wait3A_33 = tpu.memref_slice %arg12[%dma_wait3A, %dma_wait3A_32] : memref<10000x128xf32, #tpu.memory_space<vmem_shared>> -> memref<520x128xf32, #tpu.memory_space<vmem_shared>>
        %dma_wait3A_34 = arith.constant 9480 : i32
        %dma_wait3A_35 = arith.constant 0 : i32
        %dma_wait3A_36 = tpu.memref_slice %arg6[%dma_wait3A_34, %dma_wait3A_35] : memref<10000x128xf32, #tpu.memory_space<hbm>> -> memref<520x128xf32, #tpu.memory_space<hbm>>
        tpu.wait_dma2 semaphore(%run_scoped3A : memref<!tpu.dma_semaphore, #tpu.memory_space<semaphore_mem>>) src(%dma_wait3A_36 : memref<520x128xf32, #tpu.memory_space<hbm>>) dst(%dma_wait3A_33 : memref<520x128xf32, #tpu.memory_space<vmem_shared>>)
        tpu.yield
      }) : () -> ()
    } else {
    }
    %barrier3A = arith.constant 0 : index
    tpu.barrier barrier_id(%barrier3A)
    %mul3A_9 = arith.constant 10000 : i32
    %mul3A_10 = arith.muli %add3A, %mul3A_9 : i32
    %scan3A = arith.constant 0 : i32
    %scan3A_11 = arith.constant 0 : i32
    %scan3A_12 = arith.constant 125 : i32
    %scan3A_13 = arith.addi %scan3A_11, %scan3A_12 : i32
    %scan3A_14 = arith.constant 1 : i32
    scf.for %scan3A_27 = %scan3A_11 to %scan3A_13 step %scan3A_14  : i32 {
      %mul3A_28 = arith.constant 80 : i32
      %mul3A_29 = arith.muli %scan3A_27, %mul3A_28 : i32
      %add3A_30 = arith.addi %mul3A_10, %mul3A_29 : i32
      %multiple_of3A_31 = tpu.assume_multiple %add3A_30, 8 : i32
      "tpu.region"() ({
        %run_scoped3A = tpu.sem_alloc : memref<!tpu.dma_semaphore, #tpu.memory_space<semaphore_mem>>
        %dma_start3A_42 = tpu.memref_slice %arg4[%multiple_of3A_31] : memref<320000xi32, #tpu.memory_space<hbm>> -> memref<80xi32, #tpu.memory_space<hbm>>
        %dma_start3A_43 = tpu.memref_slice %arg4[%multiple_of3A_31] : memref<320000xi32, #tpu.memory_space<hbm>> -> memref<80xi32, #tpu.memory_space<hbm>>
        tpu.enqueue_dma source(%dma_start3A_43 : memref<80xi32, #tpu.memory_space<hbm>>) target(%arg8 : memref<80xi32, #tpu.memory_space<vmem>>) target_semaphore(%run_scoped3A : memref<!tpu.dma_semaphore, #tpu.memory_space<semaphore_mem>>)
        %dma_wait3A_44 = tpu.memref_slice %arg4[%multiple_of3A_31] : memref<320000xi32, #tpu.memory_space<hbm>> -> memref<80xi32, #tpu.memory_space<hbm>>
        %dma_wait3A_45 = tpu.memref_slice %arg4[%multiple_of3A_31] : memref<320000xi32, #tpu.memory_space<hbm>> -> memref<80xi32, #tpu.memory_space<hbm>>
        tpu.wait_dma2 semaphore(%run_scoped3A : memref<!tpu.dma_semaphore, #tpu.memory_space<semaphore_mem>>) src(%dma_wait3A_45 : memref<80xi32, #tpu.memory_space<hbm>>) dst(%arg8 : memref<80xi32, #tpu.memory_space<vmem>>)
        tpu.yield
      }) : () -> ()
      "tpu.region"() ({
        %run_scoped3A = tpu.sem_alloc : memref<!tpu.dma_semaphore, #tpu.memory_space<semaphore_mem>>
        %dma_start3A_42 = tpu.memref_slice %arg3[%multiple_of3A_31] : memref<320000xi32, #tpu.memory_space<hbm>> -> memref<80xi32, #tpu.memory_space<hbm>>
        %dma_start3A_43 = tpu.memref_slice %arg3[%multiple_of3A_31] : memref<320000xi32, #tpu.memory_space<hbm>> -> memref<80xi32, #tpu.memory_space<hbm>>
        tpu.enqueue_dma source(%dma_start3A_43 : memref<80xi32, #tpu.memory_space<hbm>>) target(%arg9 : memref<80xi32, #tpu.memory_space<vmem>>) target_semaphore(%run_scoped3A : memref<!tpu.dma_semaphore, #tpu.memory_space<semaphore_mem>>)
        %dma_wait3A_44 = tpu.memref_slice %arg3[%multiple_of3A_31] : memref<320000xi32, #tpu.memory_space<hbm>> -> memref<80xi32, #tpu.memory_space<hbm>>
        %dma_wait3A_45 = tpu.memref_slice %arg3[%multiple_of3A_31] : memref<320000xi32, #tpu.memory_space<hbm>> -> memref<80xi32, #tpu.memory_space<hbm>>
        tpu.wait_dma2 semaphore(%run_scoped3A : memref<!tpu.dma_semaphore, #tpu.memory_space<semaphore_mem>>) src(%dma_wait3A_45 : memref<80xi32, #tpu.memory_space<hbm>>) dst(%arg9 : memref<80xi32, #tpu.memory_space<vmem>>)
        tpu.yield
      }) : () -> ()
      "tpu.region"() ({
        %run_scoped3A = tpu.sem_alloc : memref<!tpu.dma_semaphore, #tpu.memory_space<semaphore_mem>>
        %dma_start3A_42 = arith.constant 0 : i32
        %dma_start3A_43 = tpu.memref_slice %arg5[%multiple_of3A_31, %dma_start3A_42] : memref<320000x16xf32, #tpu.memory_space<hbm>> -> memref<80x16xf32, #tpu.memory_space<hbm>>
        %dma_start3A_44 = arith.constant 0 : i32
        %dma_start3A_45 = tpu.memref_slice %arg5[%multiple_of3A_31, %dma_start3A_44] : memref<320000x16xf32, #tpu.memory_space<hbm>> -> memref<80x16xf32, #tpu.memory_space<hbm>>
        tpu.enqueue_dma source(%dma_start3A_45 : memref<80x16xf32, #tpu.memory_space<hbm>>) target(%arg10 : memref<80x16xf32, #tpu.memory_space<vmem>>) target_semaphore(%run_scoped3A : memref<!tpu.dma_semaphore, #tpu.memory_space<semaphore_mem>>)
        %dma_wait3A_46 = arith.constant 0 : i32
        %dma_wait3A_47 = tpu.memref_slice %arg5[%multiple_of3A_31, %dma_wait3A_46] : memref<320000x16xf32, #tpu.memory_space<hbm>> -> memref<80x16xf32, #tpu.memory_space<hbm>>
        %dma_wait3A_48 = arith.constant 0 : i32
        %dma_wait3A_49 = tpu.memref_slice %arg5[%multiple_of3A_31, %dma_wait3A_48] : memref<320000x16xf32, #tpu.memory_space<hbm>> -> memref<80x16xf32, #tpu.memory_space<hbm>>
        tpu.wait_dma2 semaphore(%run_scoped3A : memref<!tpu.dma_semaphore, #tpu.memory_space<semaphore_mem>>) src(%dma_wait3A_49 : memref<80x16xf32, #tpu.memory_space<hbm>>) dst(%arg10 : memref<80x16xf32, #tpu.memory_space<vmem>>)
        tpu.yield
      }) : () -> ()
      %dma_start3A = arith.constant 0 : i32
      %dma_start3A_32 = arith.constant 0 : i32
      %dma_start3A_33 = tpu.memref_slice %arg2[%dma_start3A, %dma_start3A_32] : memref<10000x128xf32, #tpu.memory_space<hbm>> -> memref<10000x128xf32, #tpu.memory_space<hbm>>
      tpu.enqueue_indirect_dma source(%dma_start3A_33 : memref<10000x128xf32, #tpu.memory_space<hbm>>) target(%arg11 : memref<80x128xf32, #tpu.memory_space<vmem>>) offsets(%arg8 : memref<80xi32, #tpu.memory_space<vmem>>) semaphore(%arg13 : memref<!tpu.dma_semaphore, #tpu.memory_space<semaphore_mem>>)
      %dma_wait3A = arith.constant 0 : i32
      %dma_wait3A_34 = arith.constant 0 : i32
      %dma_wait3A_35 = tpu.memref_slice %arg2[%dma_wait3A, %dma_wait3A_34] : memref<10000x128xf32, #tpu.memory_space<hbm>> -> memref<10000x128xf32, #tpu.memory_space<hbm>>
      tpu.wait_indirect_dma semaphore(%arg13 : memref<!tpu.dma_semaphore, #tpu.memory_space<semaphore_mem>>) src(%dma_wait3A_35 : memref<10000x128xf32, #tpu.memory_space<hbm>>) dst(%arg11 : memref<80x128xf32, #tpu.memory_space<vmem>>)
      %scan3A_36 = arith.constant 0 : i32
      %scan3A_37 = arith.constant 0 : i32
      %scan3A_38 = arith.constant 80 : i32
      %scan3A_39 = arith.addi %scan3A_37, %scan3A_38 : i32
      %scan3A_40 = arith.constant 1 : i32
      scf.for %scan3A_42 = %scan3A_37 to %scan3A_39 step %scan3A_40  : i32 {
        %get3A = arith.index_cast %scan3A_42 : i32 to index
        %get3A_43 = arith.constant 0 : index
        %get3A_44 = tpu.vector_load %arg10[%get3A, %get3A_43] {strides = array<i32>} : memref<80x16xf32, #tpu.memory_space<vmem>>, vector<1x16xf32>,
        %get3A_45 = vector.shape_cast %get3A_44 : vector<1x16xf32> to vector<16xf32>
        %get3A_46 = arith.index_cast %scan3A_42 : i32 to index
        %get3A_47 = arith.constant 0 : index
        %get3A_48 = tpu.vector_load %arg11[%get3A_46, %get3A_47] {strides = array<i32>} : memref<80x128xf32, #tpu.memory_space<vmem>>, vector<1x16xf32>,
        %get3A_49 = vector.shape_cast %get3A_48 : vector<1x16xf32> to vector<16xf32>
        %mul3A_50 = arith.mulf %get3A_49, %get3A_45 : vector<16xf32>
        %swap3A = arith.index_cast %scan3A_42 : i32 to index
        %swap3A_51 = arith.constant 0 : index
        %swap3A_52 = tpu.vector_load %arg11[%swap3A, %swap3A_51] {strides = array<i32>} : memref<80x128xf32, #tpu.memory_space<vmem>>, vector<1x16xf32>,
        %swap3A_53 = vector.shape_cast %swap3A_52 : vector<1x16xf32> to vector<16xf32>
        %swap3A_54 = vector.shape_cast %mul3A_50 : vector<16xf32> to vector<1x16xf32>
        tpu.vector_store %arg11[%swap3A, %swap3A_51], %swap3A_54 {strides = array<i32>} : memref<80x128xf32, #tpu.memory_space<vmem>>, vector<1x16xf32>,
        %get3A_55 = arith.index_cast %scan3A_42 : i32 to index
        %get3A_56 = arith.constant 16 : index
        %get3A_57 = tpu.vector_load %arg11[%get3A_55, %get3A_56] {strides = array<i32>} : memref<80x128xf32, #tpu.memory_space<vmem>>, vector<1x16xf32>,
        %get3A_58 = vector.shape_cast %get3A_57 : vector<1x16xf32> to vector<16xf32>
        %mul3A_59 = arith.mulf %get3A_58, %get3A_45 : vector<16xf32>
        %swap3A_60 = arith.index_cast %scan3A_42 : i32 to index
        %swap3A_61 = arith.constant 16 : index
        %swap3A_62 = tpu.vector_load %arg11[%swap3A_60, %swap3A_61] {strides = array<i32>} : memref<80x128xf32, #tpu.memory_space<vmem>>, vector<1x16xf32>,
        %swap3A_63 = vector.shape_cast %swap3A_62 : vector<1x16xf32> to vector<16xf32>
        %swap3A_64 = vector.shape_cast %mul3A_59 : vector<16xf32> to vector<1x16xf32>
        tpu.vector_store %arg11[%swap3A_60, %swap3A_61], %swap3A_64 {strides = array<i32>} : memref<80x128xf32, #tpu.memory_space<vmem>>, vector<1x16xf32>,
        %get3A_65 = arith.index_cast %scan3A_42 : i32 to index
        %get3A_66 = arith.constant 32 : index
        %get3A_67 = tpu.vector_load %arg11[%get3A_65, %get3A_66] {strides = array<i32>} : memref<80x128xf32, #tpu.memory_space<vmem>>, vector<1x16xf32>,
        %get3A_68 = vector.shape_cast %get3A_67 : vector<1x16xf32> to vector<16xf32>
        %mul3A_69 = arith.mulf %get3A_68, %get3A_45 : vector<16xf32>
        %swap3A_70 = arith.index_cast %scan3A_42 : i32 to index
        %swap3A_71 = arith.constant 32 : index
        %swap3A_72 = tpu.vector_load %arg11[%swap3A_70, %swap3A_71] {strides = array<i32>} : memref<80x128xf32, #tpu.memory_space<vmem>>, vector<1x16xf32>,
        %swap3A_73 = vector.shape_cast %swap3A_72 : vector<1x16xf32> to vector<16xf32>
        %swap3A_74 = vector.shape_cast %mul3A_69 : vector<16xf32> to vector<1x16xf32>
        tpu.vector_store %arg11[%swap3A_70, %swap3A_71], %swap3A_74 {strides = array<i32>} : memref<80x128xf32, #tpu.memory_space<vmem>>, vector<1x16xf32>,
        %get3A_75 = arith.index_cast %scan3A_42 : i32 to index
        %get3A_76 = arith.constant 48 : index
        %get3A_77 = tpu.vector_load %arg11[%get3A_75, %get3A_76] {strides = array<i32>} : memref<80x128xf32, #tpu.memory_space<vmem>>, vector<1x16xf32>,
        %get3A_78 = vector.shape_cast %get3A_77 : vector<1x16xf32> to vector<16xf32>
        %mul3A_79 = arith.mulf %get3A_78, %get3A_45 : vector<16xf32>
        %swap3A_80 = arith.index_cast %scan3A_42 : i32 to index
        %swap3A_81 = arith.constant 48 : index
        %swap3A_82 = tpu.vector_load %arg11[%swap3A_80, %swap3A_81] {strides = array<i32>} : memref<80x128xf32, #tpu.memory_space<vmem>>, vector<1x16xf32>,
        %swap3A_83 = vector.shape_cast %swap3A_82 : vector<1x16xf32> to vector<16xf32>
        %swap3A_84 = vector.shape_cast %mul3A_79 : vector<16xf32> to vector<1x16xf32>
        tpu.vector_store %arg11[%swap3A_80, %swap3A_81], %swap3A_84 {strides = array<i32>} : memref<80x128xf32, #tpu.memory_space<vmem>>, vector<1x16xf32>,
        %get3A_85 = arith.index_cast %scan3A_42 : i32 to index
        %get3A_86 = arith.constant 64 : index
        %get3A_87 = tpu.vector_load %arg11[%get3A_85, %get3A_86] {strides = array<i32>} : memref<80x128xf32, #tpu.memory_space<vmem>>, vector<1x16xf32>,
        %get3A_88 = vector.shape_cast %get3A_87 : vector<1x16xf32> to vector<16xf32>
        %mul3A_89 = arith.mulf %get3A_88, %get3A_45 : vector<16xf32>
        %swap3A_90 = arith.index_cast %scan3A_42 : i32 to index
        %swap3A_91 = arith.constant 64 : index
        %swap3A_92 = tpu.vector_load %arg11[%swap3A_90, %swap3A_91] {strides = array<i32>} : memref<80x128xf32, #tpu.memory_space<vmem>>, vector<1x16xf32>,
        %swap3A_93 = vector.shape_cast %swap3A_92 : vector<1x16xf32> to vector<16xf32>
        %swap3A_94 = vector.shape_cast %mul3A_89 : vector<16xf32> to vector<1x16xf32>
        tpu.vector_store %arg11[%swap3A_90, %swap3A_91], %swap3A_94 {strides = array<i32>} : memref<80x128xf32, #tpu.memory_space<vmem>>, vector<1x16xf32>,
        %get3A_95 = arith.index_cast %scan3A_42 : i32 to index
        %get3A_96 = arith.constant 80 : index
        %get3A_97 = tpu.vector_load %arg11[%get3A_95, %get3A_96] {strides = array<i32>} : memref<80x128xf32, #tpu.memory_space<vmem>>, vector<1x16xf32>,
        %get3A_98 = vector.shape_cast %get3A_97 : vector<1x16xf32> to vector<16xf32>
        %mul3A_99 = arith.mulf %get3A_98, %get3A_45 : vector<16xf32>
        %swap3A_100 = arith.index_cast %scan3A_42 : i32 to index
        %swap3A_101 = arith.constant 80 : index
        %swap3A_102 = tpu.vector_load %arg11[%swap3A_100, %swap3A_101] {strides = array<i32>} : memref<80x128xf32, #tpu.memory_space<vmem>>, vector<1x16xf32>,
        %swap3A_103 = vector.shape_cast %swap3A_102 : vector<1x16xf32> to vector<16xf32>
        %swap3A_104 = vector.shape_cast %mul3A_99 : vector<16xf32> to vector<1x16xf32>
        tpu.vector_store %arg11[%swap3A_100, %swap3A_101], %swap3A_104 {strides = array<i32>} : memref<80x128xf32, #tpu.memory_space<vmem>>, vector<1x16xf32>,
        %get3A_105 = arith.index_cast %scan3A_42 : i32 to index
        %get3A_106 = arith.constant 96 : index
        %get3A_107 = tpu.vector_load %arg11[%get3A_105, %get3A_106] {strides = array<i32>} : memref<80x128xf32, #tpu.memory_space<vmem>>, vector<1x16xf32>,
        %get3A_108 = vector.shape_cast %get3A_107 : vector<1x16xf32> to vector<16xf32>
        %mul3A_109 = arith.mulf %get3A_108, %get3A_45 : vector<16xf32>
        %swap3A_110 = arith.index_cast %scan3A_42 : i32 to index
        %swap3A_111 = arith.constant 96 : index
        %swap3A_112 = tpu.vector_load %arg11[%swap3A_110, %swap3A_111] {strides = array<i32>} : memref<80x128xf32, #tpu.memory_space<vmem>>, vector<1x16xf32>,
        %swap3A_113 = vector.shape_cast %swap3A_112 : vector<1x16xf32> to vector<16xf32>
        %swap3A_114 = vector.shape_cast %mul3A_109 : vector<16xf32> to vector<1x16xf32>
        tpu.vector_store %arg11[%swap3A_110, %swap3A_111], %swap3A_114 {strides = array<i32>} : memref<80x128xf32, #tpu.memory_space<vmem>>, vector<1x16xf32>,
        %get3A_115 = arith.index_cast %scan3A_42 : i32 to index
        %get3A_116 = arith.constant 112 : index
        %get3A_117 = tpu.vector_load %arg11[%get3A_115, %get3A_116] {strides = array<i32>} : memref<80x128xf32, #tpu.memory_space<vmem>>, vector<1x16xf32>,
        %get3A_118 = vector.shape_cast %get3A_117 : vector<1x16xf32> to vector<16xf32>
        %mul3A_119 = arith.mulf %get3A_118, %get3A_45 : vector<16xf32>
        %swap3A_120 = arith.index_cast %scan3A_42 : i32 to index
        %swap3A_121 = arith.constant 112 : index
        %swap3A_122 = tpu.vector_load %arg11[%swap3A_120, %swap3A_121] {strides = array<i32>} : memref<80x128xf32, #tpu.memory_space<vmem>>, vector<1x16xf32>,
        %swap3A_123 = vector.shape_cast %swap3A_122 : vector<1x16xf32> to vector<16xf32>
        %swap3A_124 = vector.shape_cast %mul3A_119 : vector<16xf32> to vector<1x16xf32>
        tpu.vector_store %arg11[%swap3A_120, %swap3A_121], %swap3A_124 {strides = array<i32>} : memref<80x128xf32, #tpu.memory_space<vmem>>, vector<1x16xf32>,
      }
      %scan3A_41 = arith.constant 80 : i32
      "tpu.region"() ({
        %run_scoped3A = tpu.sem_alloc : memref<!tpu.dma_semaphore, #tpu.memory_space<semaphore_mem>>
        %dma_start3A_42 = arith.constant 0 : i32
        %dma_start3A_43 = arith.constant 0 : i32
        %dma_start3A_44 = tpu.memref_slice %arg12[%dma_start3A_42, %dma_start3A_43] : memref<10000x128xf32, #tpu.memory_space<vmem_shared>> -> memref<10000x128xf32, #tpu.memory_space<vmem_shared>>
        tpu.enqueue_indirect_dma source(%arg11 : memref<80x128xf32, #tpu.memory_space<vmem>>) target(%dma_start3A_44 : memref<10000x128xf32, #tpu.memory_space<vmem_shared>>) offsets(%arg9 : memref<80xi32, #tpu.memory_space<vmem>>) semaphore(%run_scoped3A : memref<!tpu.dma_semaphore, #tpu.memory_space<semaphore_mem>>) {add = true}
        %dma_wait3A_45 = arith.constant 0 : i32
        %dma_wait3A_46 = arith.constant 0 : i32
        %dma_wait3A_47 = tpu.memref_slice %arg12[%dma_wait3A_45, %dma_wait3A_46] : memref<10000x128xf32, #tpu.memory_space<vmem_shared>> -> memref<10000x128xf32, #tpu.memory_space<vmem_shared>>
        tpu.wait_indirect_dma semaphore(%run_scoped3A : memref<!tpu.dma_semaphore, #tpu.memory_space<semaphore_mem>>) src(%arg11 : memref<80x128xf32, #tpu.memory_space<vmem>>) dst(%dma_wait3A_47 : memref<10000x128xf32, #tpu.memory_space<vmem_shared>>)
        tpu.yield
      }) : () -> ()
    }
    %scan3A_15 = arith.constant 125 : i32
    %barrier3A_16 = arith.constant 0 : index
    tpu.barrier barrier_id(%barrier3A_16)
    %lt3A_17 = arith.constant 15 : i32
    %lt3A_18 = arith.cmpi slt, %arg1, %lt3A_17 : i32
    %convert_element_type3A_19 = arith.extui %lt3A_18 : i1 to i32
    %cond3A_20 = arith.constant 0 : i32
    %cond3A_21 = arith.cmpi ne, %convert_element_type3A_19, %cond3A_20 : i32
    scf.if %cond3A_21 {
      "tpu.region"() ({
        %run_scoped3A = tpu.sem_alloc : memref<!tpu.dma_semaphore, #tpu.memory_space<semaphore_mem>>
        %dma_start3A = arith.constant 0 : i32
        %dma_start3A_27 = tpu.memref_slice %arg7[%arg0, %multiple_of3A, %dma_start3A] : memref<2x10000x128xf32, #tpu.memory_space<hbm>> -> memref<1x632x128xf32, #tpu.memory_space<hbm>>
        %dma_start3A_28 = tpu.memref_squeeze %dma_start3A_27 : memref<1x632x128xf32, #tpu.memory_space<hbm>> -> memref<632x128xf32, #tpu.memory_space<hbm>>
        %dma_start3A_29 = arith.constant 0 : i32
        %dma_start3A_30 = tpu.memref_slice %arg12[%multiple_of3A, %dma_start3A_29] : memref<10000x128xf32, #tpu.memory_space<vmem_shared>> -> memref<632x128xf32, #tpu.memory_space<vmem_shared>>
        tpu.enqueue_dma source(%dma_start3A_30 : memref<632x128xf32, #tpu.memory_space<vmem_shared>>) target(%dma_start3A_28 : memref<632x128xf32, #tpu.memory_space<hbm>>) target_semaphore(%run_scoped3A : memref<!tpu.dma_semaphore, #tpu.memory_space<semaphore_mem>>)
        %dma_wait3A = arith.constant 0 : i32
        %dma_wait3A_31 = tpu.memref_slice %arg7[%arg0, %multiple_of3A, %dma_wait3A] : memref<2x10000x128xf32, #tpu.memory_space<hbm>> -> memref<1x632x128xf32, #tpu.memory_space<hbm>>
        %dma_wait3A_32 = tpu.memref_squeeze %dma_wait3A_31 : memref<1x632x128xf32, #tpu.memory_space<hbm>> -> memref<632x128xf32, #tpu.memory_space<hbm>>
        %dma_wait3A_33 = arith.constant 0 : i32
        %dma_wait3A_34 = tpu.memref_slice %arg12[%multiple_of3A, %dma_wait3A_33] : memref<10000x128xf32, #tpu.memory_space<vmem_shared>> -> memref<632x128xf32, #tpu.memory_space<vmem_shared>>
        tpu.wait_dma2 semaphore(%run_scoped3A : memref<!tpu.dma_semaphore, #tpu.memory_space<semaphore_mem>>) src(%dma_wait3A_34 : memref<632x128xf32, #tpu.memory_space<vmem_shared>>) dst(%dma_wait3A_32 : memref<632x128xf32, #tpu.memory_space<hbm>>)
        tpu.yield
      }) : () -> ()
    } else {
    }
    %eq3A_22 = arith.constant 15 : i32
    %eq3A_23 = arith.cmpi eq, %arg1, %eq3A_22 : i32
    %convert_element_type3A_24 = arith.extui %eq3A_23 : i1 to i32
    %cond3A_25 = arith.constant 0 : i32
    %cond3A_26 = arith.cmpi ne, %convert_element_type3A_24, %cond3A_25 : i32
    scf.if %cond3A_26 {
      "tpu.region"() ({
        %run_scoped3A = tpu.sem_alloc : memref<!tpu.dma_semaphore, #tpu.memory_space<semaphore_mem>>
        %dma_start3A = arith.constant 9480 : i32
        %dma_start3A_27 = arith.constant 0 : i32
        %dma_start3A_28 = tpu.memref_slice %arg7[%arg0, %dma_start3A, %dma_start3A_27] : memref<2x10000x128xf32, #tpu.memory_space<hbm>> -> memref<1x520x128xf32, #tpu.memory_space<hbm>>
        %dma_start3A_29 = tpu.memref_squeeze %dma_start3A_28 : memref<1x520x128xf32, #tpu.memory_space<hbm>> -> memref<520x128xf32, #tpu.memory_space<hbm>>
        %dma_start3A_30 = arith.constant 9480 : i32
        %dma_start3A_31 = arith.constant 0 : i32
        %dma_start3A_32 = tpu.memref_slice %arg12[%dma_start3A_30, %dma_start3A_31] : memref<10000x128xf32, #tpu.memory_space<vmem_shared>> -> memref<520x128xf32, #tpu.memory_space<vmem_shared>>
        tpu.enqueue_dma source(%dma_start3A_32 : memref<520x128xf32, #tpu.memory_space<vmem_shared>>) target(%dma_start3A_29 : memref<520x128xf32, #tpu.memory_space<hbm>>) target_semaphore(%run_scoped3A : memref<!tpu.dma_semaphore, #tpu.memory_space<semaphore_mem>>)
        %dma_wait3A = arith.constant 9480 : i32
        %dma_wait3A_33 = arith.constant 0 : i32
        %dma_wait3A_34 = tpu.memref_slice %arg7[%arg0, %dma_wait3A, %dma_wait3A_33] : memref<2x10000x128xf32, #tpu.memory_space<hbm>> -> memref<1x520x128xf32, #tpu.memory_space<hbm>>
        %dma_wait3A_35 = tpu.memref_squeeze %dma_wait3A_34 : memref<1x520x128xf32, #tpu.memory_space<hbm>> -> memref<520x128xf32, #tpu.memory_space<hbm>>
        %dma_wait3A_36 = arith.constant 9480 : i32
        %dma_wait3A_37 = arith.constant 0 : i32
        %dma_wait3A_38 = tpu.memref_slice %arg12[%dma_wait3A_36, %dma_wait3A_37] : memref<10000x128xf32, #tpu.memory_space<vmem_shared>> -> memref<520x128xf32, #tpu.memory_space<vmem_shared>>
        tpu.wait_dma2 semaphore(%run_scoped3A : memref<!tpu.dma_semaphore, #tpu.memory_space<semaphore_mem>>) src(%dma_wait3A_38 : memref<520x128xf32, #tpu.memory_space<vmem_shared>>) dst(%dma_wait3A_35 : memref<520x128xf32, #tpu.memory_space<hbm>>)
        tpu.yield
      }) : () -> ()
    } else {
    }
    return
  }
}

#map = affine_map<(d0, d1) -> (0, 0)>
#map1 = affine_map<(d0, d1) -> (0)>
#map2 = affine_map<(d0, d1) -> (0, 0, 0)>
module attributes {stable_mosaic.version = 14 : i64} {
  func.func @spmm(%arg0: i32, %arg1: i32, %arg2: memref<10000x128xf32, #tpu.memory_space<hbm>>, %arg3: memref<320000xi32, #tpu.memory_space<hbm>>, %arg4: memref<320000xi32, #tpu.memory_space<hbm>>, %arg5: memref<320000x16xf32, #tpu.memory_space<hbm>>, %arg6: memref<10000x128xf32, #tpu.memory_space<hbm>>, %arg7: memref<2x10000x128xf32, #tpu.memory_space<hbm>>, %arg8: memref<80xi32, #tpu.memory_space<vmem>>, %arg9: memref<80xi32, #tpu.memory_space<vmem>>, %arg10: memref<80x16xf32, #tpu.memory_space<vmem>>, %arg11: memref<80x128xf32, #tpu.memory_space<vmem>>, %arg12: memref<10000x128xf32, #tpu.memory_space<vmem_shared>>, %arg13: memref<!tpu.dma_semaphore, #tpu.memory_space<semaphore_mem>>) attributes {dimension_semantics = [#tpu.dimension_semantics<core_parallel>, #tpu.dimension_semantics<subcore_parallel>], iteration_bounds = array<i64: 2, 16>, scalar_prefetch = 0 : i64, scratch_operands = 6 : i64, tpu.core_type = #tpu.core_type<sc_vector_subcore>, window_params = [{transform_indices = #map}, {transform_indices = #map1}, {transform_indices = #map1}, {transform_indices = #map}, {transform_indices = #map}, {transform_indices = #map2}]} {
    %mul3A = arith.constant 2 : i32
    %mul3A_0 = arith.muli %arg1, %mul3A : i32
    %add3A = arith.addi %mul3A_0, %arg0 : i32
    %mul3A_1 = arith.constant 632 : i32
    %mul3A_2 = arith.muli %arg1, %mul3A_1 : i32
    %multiple_of3A = tpu.assume_multiple %mul3A_2, 8 : i32
    %lt3A = arith.constant 15 : i32
    %lt3A_3 = arith.cmpi slt, %arg1, %lt3A : i32
    %convert_element_type3A = arith.extui %lt3A_3 : i1 to i32
    %cond3A = arith.constant 0 : i32
    %cond3A_4 = arith.cmpi ne, %convert_element_type3A, %cond3A : i32
    scf.if %cond3A_4 {
      "tpu.region"() ({
        %run_scoped3A = tpu.sem_alloc : memref<!tpu.dma_semaphore, #tpu.memory_space<semaphore_mem>>
        %dma_start3A = arith.constant 0 : i32
        %dma_start3A_27 = tpu.memref_slice %arg12[%multiple_of3A, %dma_start3A] : memref<10000x128xf32, #tpu.memory_space<vmem_shared>> -> memref<632x128xf32, #tpu.memory_space<vmem_shared>>
        %dma_start3A_28 = arith.constant 0 : i32
        %dma_start3A_29 = tpu.memref_slice %arg6[%multiple_of3A, %dma_start3A_28] : memref<10000x128xf32, #tpu.memory_space<hbm>> -> memref<632x128xf32, #tpu.memory_space<hbm>>
        tpu.enqueue_dma source(%dma_start3A_29 : memref<632x128xf32, #tpu.memory_space<hbm>>) target(%dma_start3A_27 : memref<632x128xf32, #tpu.memory_space<vmem_shared>>) target_semaphore(%run_scoped3A : memref<!tpu.dma_semaphore, #tpu.memory_space<semaphore_mem>>)
        %dma_wait3A = arith.constant 0 : i32
        %dma_wait3A_30 = tpu.memref_slice %arg12[%multiple_of3A, %dma_wait3A] : memref<10000x128xf32, #tpu.memory_space<vmem_shared>> -> memref<632x128xf32, #tpu.memory_space<vmem_shared>>
        %dma_wait3A_31 = arith.constant 0 : i32
        %dma_wait3A_32 = tpu.memref_slice %arg6[%multiple_of3A, %dma_wait3A_31] : memref<10000x128xf32, #tpu.memory_space<hbm>> -> memref<632x128xf32, #tpu.memory_space<hbm>>
        tpu.wait_dma2 semaphore(%run_scoped3A : memref<!tpu.dma_semaphore, #tpu.memory_space<semaphore_mem>>) src(%dma_wait3A_32 : memref<632x128xf32, #tpu.memory_space<hbm>>) dst(%dma_wait3A_30 : memref<632x128xf32, #tpu.memory_space<vmem_shared>>)
        tpu.yield
      }) : () -> ()
    } else {
    }
    %eq3A = arith.constant 15 : i32
    %eq3A_5 = arith.cmpi eq, %arg1, %eq3A : i32
    %convert_element_type3A_6 = arith.extui %eq3A_5 : i1 to i32
    %cond3A_7 = arith.constant 0 : i32
    %cond3A_8 = arith.cmpi ne, %convert_element_type3A_6, %cond3A_7 : i32
    scf.if %cond3A_8 {
      "tpu.region"() ({
        %run_scoped3A = tpu.sem_alloc : memref<!tpu.dma_semaphore, #tpu.memory_space<semaphore_mem>>
        %dma_start3A = arith.constant 9480 : i32
        %dma_start3A_27 = arith.constant 0 : i32
        %dma_start3A_28 = tpu.memref_slice %arg12[%dma_start3A, %dma_start3A_27] : memref<10000x128xf32, #tpu.memory_space<vmem_shared>> -> memref<520x128xf32, #tpu.memory_space<vmem_shared>>
        %dma_start3A_29 = arith.constant 9480 : i32
        %dma_start3A_30 = arith.constant 0 : i32
        %dma_start3A_31 = tpu.memref_slice %arg6[%dma_start3A_29, %dma_start3A_30] : memref<10000x128xf32, #tpu.memory_space<hbm>> -> memref<520x128xf32, #tpu.memory_space<hbm>>
        tpu.enqueue_dma source(%dma_start3A_31 : memref<520x128xf32, #tpu.memory_space<hbm>>) target(%dma_start3A_28 : memref<520x128xf32, #tpu.memory_space<vmem_shared>>) target_semaphore(%run_scoped3A : memref<!tpu.dma_semaphore, #tpu.memory_space<semaphore_mem>>)
        %dma_wait3A = arith.constant 9480 : i32
        %dma_wait3A_32 = arith.constant 0 : i32
        %dma_wait3A_33 = tpu.memref_slice %arg12[%dma_wait3A, %dma_wait3A_32] : memref<10000x128xf32, #tpu.memory_space<vmem_shared>> -> memref<520x128xf32, #tpu.memory_space<vmem_shared>>
        %dma_wait3A_34 = arith.constant 9480 : i32
        %dma_wait3A_35 = arith.constant 0 : i32
        %dma_wait3A_36 = tpu.memref_slice %arg6[%dma_wait3A_34, %dma_wait3A_35] : memref<10000x128xf32, #tpu.memory_space<hbm>> -> memref<520x128xf32, #tpu.memory_space<hbm>>
        tpu.wait_dma2 semaphore(%run_scoped3A : memref<!tpu.dma_semaphore, #tpu.memory_space<semaphore_mem>>) src(%dma_wait3A_36 : memref<520x128xf32, #tpu.memory_space<hbm>>) dst(%dma_wait3A_33 : memref<520x128xf32, #tpu.memory_space<vmem_shared>>)
        tpu.yield
      }) : () -> ()
    } else {
    }
    %barrier3A = arith.constant 0 : index
    tpu.barrier barrier_id(%barrier3A)
    %mul3A_9 = arith.constant 10000 : i32
    %mul3A_10 = arith.muli %add3A, %mul3A_9 : i32
    %scan3A = arith.constant 0 : i32
    %scan3A_11 = arith.constant 0 : i32
    %scan3A_12 = arith.constant 125 : i32
    %scan3A_13 = arith.addi %scan3A_11, %scan3A_12 : i32
    %scan3A_14 = arith.constant 1 : i32
    scf.for %scan3A_27 = %scan3A_11 to %scan3A_13 step %scan3A_14  : i32 {
      %mul3A_28 = arith.constant 80 : i32
      %mul3A_29 = arith.muli %scan3A_27, %mul3A_28 : i32
      %add3A_30 = arith.addi %mul3A_10, %mul3A_29 : i32
      %multiple_of3A_31 = tpu.assume_multiple %add3A_30, 8 : i32
      "tpu.region"() ({
        %run_scoped3A = tpu.sem_alloc : memref<!tpu.dma_semaphore, #tpu.memory_space<semaphore_mem>>
        %dma_start3A_42 = tpu.memref_slice %arg4[%multiple_of3A_31] : memref<320000xi32, #tpu.memory_space<hbm>> -> memref<80xi32, #tpu.memory_space<hbm>>
        %dma_start3A_43 = tpu.memref_slice %arg4[%multiple_of3A_31] : memref<320000xi32, #tpu.memory_space<hbm>> -> memref<80xi32, #tpu.memory_space<hbm>>
        tpu.enqueue_dma source(%dma_start3A_43 : memref<80xi32, #tpu.memory_space<hbm>>) target(%arg8 : memref<80xi32, #tpu.memory_space<vmem>>) target_semaphore(%run_scoped3A : memref<!tpu.dma_semaphore, #tpu.memory_space<semaphore_mem>>)
        %dma_wait3A_44 = tpu.memref_slice %arg4[%multiple_of3A_31] : memref<320000xi32, #tpu.memory_space<hbm>> -> memref<80xi32, #tpu.memory_space<hbm>>
        %dma_wait3A_45 = tpu.memref_slice %arg4[%multiple_of3A_31] : memref<320000xi32, #tpu.memory_space<hbm>> -> memref<80xi32, #tpu.memory_space<hbm>>
        tpu.wait_dma2 semaphore(%run_scoped3A : memref<!tpu.dma_semaphore, #tpu.memory_space<semaphore_mem>>) src(%dma_wait3A_45 : memref<80xi32, #tpu.memory_space<hbm>>) dst(%arg8 : memref<80xi32, #tpu.memory_space<vmem>>)
        tpu.yield
      }) : () -> ()
      "tpu.region"() ({
        %run_scoped3A = tpu.sem_alloc : memref<!tpu.dma_semaphore, #tpu.memory_space<semaphore_mem>>
        %dma_start3A_42 = tpu.memref_slice %arg3[%multiple_of3A_31] : memref<320000xi32, #tpu.memory_space<hbm>> -> memref<80xi32, #tpu.memory_space<hbm>>
        %dma_start3A_43 = tpu.memref_slice %arg3[%multiple_of3A_31] : memref<320000xi32, #tpu.memory_space<hbm>> -> memref<80xi32, #tpu.memory_space<hbm>>
        tpu.enqueue_dma source(%dma_start3A_43 : memref<80xi32, #tpu.memory_space<hbm>>) target(%arg9 : memref<80xi32, #tpu.memory_space<vmem>>) target_semaphore(%run_scoped3A : memref<!tpu.dma_semaphore, #tpu.memory_space<semaphore_mem>>)
        %dma_wait3A_44 = tpu.memref_slice %arg3[%multiple_of3A_31] : memref<320000xi32, #tpu.memory_space<hbm>> -> memref<80xi32, #tpu.memory_space<hbm>>
        %dma_wait3A_45 = tpu.memref_slice %arg3[%multiple_of3A_31] : memref<320000xi32, #tpu.memory_space<hbm>> -> memref<80xi32, #tpu.memory_space<hbm>>
        tpu.wait_dma2 semaphore(%run_scoped3A : memref<!tpu.dma_semaphore, #tpu.memory_space<semaphore_mem>>) src(%dma_wait3A_45 : memref<80xi32, #tpu.memory_space<hbm>>) dst(%arg9 : memref<80xi32, #tpu.memory_space<vmem>>)
        tpu.yield
      }) : () -> ()
      "tpu.region"() ({
        %run_scoped3A = tpu.sem_alloc : memref<!tpu.dma_semaphore, #tpu.memory_space<semaphore_mem>>
        %dma_start3A_42 = arith.constant 0 : i32
        %dma_start3A_43 = tpu.memref_slice %arg5[%multiple_of3A_31, %dma_start3A_42] : memref<320000x16xf32, #tpu.memory_space<hbm>> -> memref<80x16xf32, #tpu.memory_space<hbm>>
        %dma_start3A_44 = arith.constant 0 : i32
        %dma_start3A_45 = tpu.memref_slice %arg5[%multiple_of3A_31, %dma_start3A_44] : memref<320000x16xf32, #tpu.memory_space<hbm>> -> memref<80x16xf32, #tpu.memory_space<hbm>>
        tpu.enqueue_dma source(%dma_start3A_45 : memref<80x16xf32, #tpu.memory_space<hbm>>) target(%arg10 : memref<80x16xf32, #tpu.memory_space<vmem>>) target_semaphore(%run_scoped3A : memref<!tpu.dma_semaphore, #tpu.memory_space<semaphore_mem>>)
        %dma_wait3A_46 = arith.constant 0 : i32
        %dma_wait3A_47 = tpu.memref_slice %arg5[%multiple_of3A_31, %dma_wait3A_46] : memref<320000x16xf32, #tpu.memory_space<hbm>> -> memref<80x16xf32, #tpu.memory_space<hbm>>
        %dma_wait3A_48 = arith.constant 0 : i32
        %dma_wait3A_49 = tpu.memref_slice %arg5[%multiple_of3A_31, %dma_wait3A_48] : memref<320000x16xf32, #tpu.memory_space<hbm>> -> memref<80x16xf32, #tpu.memory_space<hbm>>
        tpu.wait_dma2 semaphore(%run_scoped3A : memref<!tpu.dma_semaphore, #tpu.memory_space<semaphore_mem>>) src(%dma_wait3A_49 : memref<80x16xf32, #tpu.memory_space<hbm>>) dst(%arg10 : memref<80x16xf32, #tpu.memory_space<vmem>>)
        tpu.yield
      }) : () -> ()
      %dma_start3A = arith.constant 0 : i32
      %dma_start3A_32 = arith.constant 0 : i32
      %dma_start3A_33 = tpu.memref_slice %arg2[%dma_start3A, %dma_start3A_32] : memref<10000x128xf32, #tpu.memory_space<hbm>> -> memref<10000x128xf32, #tpu.memory_space<hbm>>
      tpu.enqueue_indirect_dma source(%dma_start3A_33 : memref<10000x128xf32, #tpu.memory_space<hbm>>) target(%arg11 : memref<80x128xf32, #tpu.memory_space<vmem>>) offsets(%arg8 : memref<80xi32, #tpu.memory_space<vmem>>) semaphore(%arg13 : memref<!tpu.dma_semaphore, #tpu.memory_space<semaphore_mem>>)
      %dma_wait3A = arith.constant 0 : i32
      %dma_wait3A_34 = arith.constant 0 : i32
      %dma_wait3A_35 = tpu.memref_slice %arg2[%dma_wait3A, %dma_wait3A_34] : memref<10000x128xf32, #tpu.memory_space<hbm>> -> memref<10000x128xf32, #tpu.memory_space<hbm>>
      tpu.wait_indirect_dma semaphore(%arg13 : memref<!tpu.dma_semaphore, #tpu.memory_space<semaphore_mem>>) src(%dma_wait3A_35 : memref<10000x128xf32, #tpu.memory_space<hbm>>) dst(%arg11 : memref<80x128xf32, #tpu.memory_space<vmem>>)
      %scan3A_36 = arith.constant 0 : i32
      %scan3A_37 = arith.constant 0 : i32
      %scan3A_38 = arith.constant 80 : i32
      %scan3A_39 = arith.addi %scan3A_37, %scan3A_38 : i32
      %scan3A_40 = arith.constant 1 : i32
      scf.for %scan3A_42 = %scan3A_37 to %scan3A_39 step %scan3A_40  : i32 {
        %get3A = arith.index_cast %scan3A_42 : i32 to index
        %get3A_43 = arith.constant 0 : index
        %get3A_44 = tpu.vector_load %arg10[%get3A, %get3A_43] {strides = array<i32>} : memref<80x16xf32, #tpu.memory_space<vmem>>, vector<1x16xf32>,
        %get3A_45 = vector.shape_cast %get3A_44 : vector<1x16xf32> to vector<16xf32>
        %get3A_46 = arith.index_cast %scan3A_42 : i32 to index
        %get3A_47 = arith.constant 0 : index
        %get3A_48 = tpu.vector_load %arg11[%get3A_46, %get3A_47] {strides = array<i32>} : memref<80x128xf32, #tpu.memory_space<vmem>>, vector<1x16xf32>,
        %get3A_49 = vector.shape_cast %get3A_48 : vector<1x16xf32> to vector<16xf32>
        %mul3A_50 = arith.mulf %get3A_49, %get3A_45 : vector<16xf32>
        %swap3A = arith.index_cast %scan3A_42 : i32 to index
        %swap3A_51 = arith.constant 0 : index
        %swap3A_52 = tpu.vector_load %arg11[%swap3A, %swap3A_51] {strides = array<i32>} : memref<80x128xf32, #tpu.memory_space<vmem>>, vector<1x16xf32>,
        %swap3A_53 = vector.shape_cast %swap3A_52 : vector<1x16xf32> to vector<16xf32>
        %swap3A_54 = vector.shape_cast %mul3A_50 : vector<16xf32> to vector<1x16xf32>
        tpu.vector_store %arg11[%swap3A, %swap3A_51], %swap3A_54 {strides = array<i32>} : memref<80x128xf32, #tpu.memory_space<vmem>>, vector<1x16xf32>,
        %get3A_55 = arith.index_cast %scan3A_42 : i32 to index
        %get3A_56 = arith.constant 16 : index
        %get3A_57 = tpu.vector_load %arg11[%get3A_55, %get3A_56] {strides = array<i32>} : memref<80x128xf32, #tpu.memory_space<vmem>>, vector<1x16xf32>,
        %get3A_58 = vector.shape_cast %get3A_57 : vector<1x16xf32> to vector<16xf32>
        %mul3A_59 = arith.mulf %get3A_58, %get3A_45 : vector<16xf32>
        %swap3A_60 = arith.index_cast %scan3A_42 : i32 to index
        %swap3A_61 = arith.constant 16 : index
        %swap3A_62 = tpu.vector_load %arg11[%swap3A_60, %swap3A_61] {strides = array<i32>} : memref<80x128xf32, #tpu.memory_space<vmem>>, vector<1x16xf32>,
        %swap3A_63 = vector.shape_cast %swap3A_62 : vector<1x16xf32> to vector<16xf32>
        %swap3A_64 = vector.shape_cast %mul3A_59 : vector<16xf32> to vector<1x16xf32>
        tpu.vector_store %arg11[%swap3A_60, %swap3A_61], %swap3A_64 {strides = array<i32>} : memref<80x128xf32, #tpu.memory_space<vmem>>, vector<1x16xf32>,
        %get3A_65 = arith.index_cast %scan3A_42 : i32 to index
        %get3A_66 = arith.constant 32 : index
        %get3A_67 = tpu.vector_load %arg11[%get3A_65, %get3A_66] {strides = array<i32>} : memref<80x128xf32, #tpu.memory_space<vmem>>, vector<1x16xf32>,
        %get3A_68 = vector.shape_cast %get3A_67 : vector<1x16xf32> to vector<16xf32>
        %mul3A_69 = arith.mulf %get3A_68, %get3A_45 : vector<16xf32>
        %swap3A_70 = arith.index_cast %scan3A_42 : i32 to index
        %swap3A_71 = arith.constant 32 : index
        %swap3A_72 = tpu.vector_load %arg11[%swap3A_70, %swap3A_71] {strides = array<i32>} : memref<80x128xf32, #tpu.memory_space<vmem>>, vector<1x16xf32>,
        %swap3A_73 = vector.shape_cast %swap3A_72 : vector<1x16xf32> to vector<16xf32>
        %swap3A_74 = vector.shape_cast %mul3A_69 : vector<16xf32> to vector<1x16xf32>
        tpu.vector_store %arg11[%swap3A_70, %swap3A_71], %swap3A_74 {strides = array<i32>} : memref<80x128xf32, #tpu.memory_space<vmem>>, vector<1x16xf32>,
        %get3A_75 = arith.index_cast %scan3A_42 : i32 to index
        %get3A_76 = arith.constant 48 : index
        %get3A_77 = tpu.vector_load %arg11[%get3A_75, %get3A_76] {strides = array<i32>} : memref<80x128xf32, #tpu.memory_space<vmem>>, vector<1x16xf32>,
        %get3A_78 = vector.shape_cast %get3A_77 : vector<1x16xf32> to vector<16xf32>
        %mul3A_79 = arith.mulf %get3A_78, %get3A_45 : vector<16xf32>
        %swap3A_80 = arith.index_cast %scan3A_42 : i32 to index
        %swap3A_81 = arith.constant 48 : index
        %swap3A_82 = tpu.vector_load %arg11[%swap3A_80, %swap3A_81] {strides = array<i32>} : memref<80x128xf32, #tpu.memory_space<vmem>>, vector<1x16xf32>,
        %swap3A_83 = vector.shape_cast %swap3A_82 : vector<1x16xf32> to vector<16xf32>
        %swap3A_84 = vector.shape_cast %mul3A_79 : vector<16xf32> to vector<1x16xf32>
        tpu.vector_store %arg11[%swap3A_80, %swap3A_81], %swap3A_84 {strides = array<i32>} : memref<80x128xf32, #tpu.memory_space<vmem>>, vector<1x16xf32>,
        %get3A_85 = arith.index_cast %scan3A_42 : i32 to index
        %get3A_86 = arith.constant 64 : index
        %get3A_87 = tpu.vector_load %arg11[%get3A_85, %get3A_86] {strides = array<i32>} : memref<80x128xf32, #tpu.memory_space<vmem>>, vector<1x16xf32>,
        %get3A_88 = vector.shape_cast %get3A_87 : vector<1x16xf32> to vector<16xf32>
        %mul3A_89 = arith.mulf %get3A_88, %get3A_45 : vector<16xf32>
        %swap3A_90 = arith.index_cast %scan3A_42 : i32 to index
        %swap3A_91 = arith.constant 64 : index
        %swap3A_92 = tpu.vector_load %arg11[%swap3A_90, %swap3A_91] {strides = array<i32>} : memref<80x128xf32, #tpu.memory_space<vmem>>, vector<1x16xf32>,
        %swap3A_93 = vector.shape_cast %swap3A_92 : vector<1x16xf32> to vector<16xf32>
        %swap3A_94 = vector.shape_cast %mul3A_89 : vector<16xf32> to vector<1x16xf32>
        tpu.vector_store %arg11[%swap3A_90, %swap3A_91], %swap3A_94 {strides = array<i32>} : memref<80x128xf32, #tpu.memory_space<vmem>>, vector<1x16xf32>,
        %get3A_95 = arith.index_cast %scan3A_42 : i32 to index
        %get3A_96 = arith.constant 80 : index
        %get3A_97 = tpu.vector_load %arg11[%get3A_95, %get3A_96] {strides = array<i32>} : memref<80x128xf32, #tpu.memory_space<vmem>>, vector<1x16xf32>,
        %get3A_98 = vector.shape_cast %get3A_97 : vector<1x16xf32> to vector<16xf32>
        %mul3A_99 = arith.mulf %get3A_98, %get3A_45 : vector<16xf32>
        %swap3A_100 = arith.index_cast %scan3A_42 : i32 to index
        %swap3A_101 = arith.constant 80 : index
        %swap3A_102 = tpu.vector_load %arg11[%swap3A_100, %swap3A_101] {strides = array<i32>} : memref<80x128xf32, #tpu.memory_space<vmem>>, vector<1x16xf32>,
        %swap3A_103 = vector.shape_cast %swap3A_102 : vector<1x16xf32> to vector<16xf32>
        %swap3A_104 = vector.shape_cast %mul3A_99 : vector<16xf32> to vector<1x16xf32>
        tpu.vector_store %arg11[%swap3A_100, %swap3A_101], %swap3A_104 {strides = array<i32>} : memref<80x128xf32, #tpu.memory_space<vmem>>, vector<1x16xf32>,
        %get3A_105 = arith.index_cast %scan3A_42 : i32 to index
        %get3A_106 = arith.constant 96 : index
        %get3A_107 = tpu.vector_load %arg11[%get3A_105, %get3A_106] {strides = array<i32>} : memref<80x128xf32, #tpu.memory_space<vmem>>, vector<1x16xf32>,
        %get3A_108 = vector.shape_cast %get3A_107 : vector<1x16xf32> to vector<16xf32>
        %mul3A_109 = arith.mulf %get3A_108, %get3A_45 : vector<16xf32>
        %swap3A_110 = arith.index_cast %scan3A_42 : i32 to index
        %swap3A_111 = arith.constant 96 : index
        %swap3A_112 = tpu.vector_load %arg11[%swap3A_110, %swap3A_111] {strides = array<i32>} : memref<80x128xf32, #tpu.memory_space<vmem>>, vector<1x16xf32>,
        %swap3A_113 = vector.shape_cast %swap3A_112 : vector<1x16xf32> to vector<16xf32>
        %swap3A_114 = vector.shape_cast %mul3A_109 : vector<16xf32> to vector<1x16xf32>
        tpu.vector_store %arg11[%swap3A_110, %swap3A_111], %swap3A_114 {strides = array<i32>} : memref<80x128xf32, #tpu.memory_space<vmem>>, vector<1x16xf32>,
        %get3A_115 = arith.index_cast %scan3A_42 : i32 to index
        %get3A_116 = arith.constant 112 : index
        %get3A_117 = tpu.vector_load %arg11[%get3A_115, %get3A_116] {strides = array<i32>} : memref<80x128xf32, #tpu.memory_space<vmem>>, vector<1x16xf32>,
        %get3A_118 = vector.shape_cast %get3A_117 : vector<1x16xf32> to vector<16xf32>
        %mul3A_119 = arith.mulf %get3A_118, %get3A_45 : vector<16xf32>
        %swap3A_120 = arith.index_cast %scan3A_42 : i32 to index
        %swap3A_121 = arith.constant 112 : index
        %swap3A_122 = tpu.vector_load %arg11[%swap3A_120, %swap3A_121] {strides = array<i32>} : memref<80x128xf32, #tpu.memory_space<vmem>>, vector<1x16xf32>,
        %swap3A_123 = vector.shape_cast %swap3A_122 : vector<1x16xf32> to vector<16xf32>
        %swap3A_124 = vector.shape_cast %mul3A_119 : vector<16xf32> to vector<1x16xf32>
        tpu.vector_store %arg11[%swap3A_120, %swap3A_121], %swap3A_124 {strides = array<i32>} : memref<80x128xf32, #tpu.memory_space<vmem>>, vector<1x16xf32>,
      }
      %scan3A_41 = arith.constant 80 : i32
      "tpu.region"() ({
        %run_scoped3A = tpu.sem_alloc : memref<!tpu.dma_semaphore, #tpu.memory_space<semaphore_mem>>
        %dma_start3A_42 = arith.constant 0 : i32
        %dma_start3A_43 = arith.constant 0 : i32
        %dma_start3A_44 = tpu.memref_slice %arg12[%dma_start3A_42, %dma_start3A_43] : memref<10000x128xf32, #tpu.memory_space<vmem_shared>> -> memref<10000x128xf32, #tpu.memory_space<vmem_shared>>
        tpu.enqueue_indirect_dma source(%arg11 : memref<80x128xf32, #tpu.memory_space<vmem>>) target(%dma_start3A_44 : memref<10000x128xf32, #tpu.memory_space<vmem_shared>>) offsets(%arg9 : memref<80xi32, #tpu.memory_space<vmem>>) semaphore(%run_scoped3A : memref<!tpu.dma_semaphore, #tpu.memory_space<semaphore_mem>>) {add = true}
        %dma_wait3A_45 = arith.constant 0 : i32
        %dma_wait3A_46 = arith.constant 0 : i32
        %dma_wait3A_47 = tpu.memref_slice %arg12[%dma_wait3A_45, %dma_wait3A_46] : memref<10000x128xf32, #tpu.memory_space<vmem_shared>> -> memref<10000x128xf32, #tpu.memory_space<vmem_shared>>
        tpu.wait_indirect_dma semaphore(%run_scoped3A : memref<!tpu.dma_semaphore, #tpu.memory_space<semaphore_mem>>) src(%arg11 : memref<80x128xf32, #tpu.memory_space<vmem>>) dst(%dma_wait3A_47 : memref<10000x128xf32, #tpu.memory_space<vmem_shared>>)
        tpu.yield
      }) : () -> ()
    }
    %scan3A_15 = arith.constant 125 : i32
    %barrier3A_16 = arith.constant 0 : index
    tpu.barrier barrier_id(%barrier3A_16)
    %lt3A_17 = arith.constant 15 : i32
    %lt3A_18 = arith.cmpi slt, %arg1, %lt3A_17 : i32
    %convert_element_type3A_19 = arith.extui %lt3A_18 : i1 to i32
    %cond3A_20 = arith.constant 0 : i32
    %cond3A_21 = arith.cmpi ne, %convert_element_type3A_19, %cond3A_20 : i32
    scf.if %cond3A_21 {
      "tpu.region"() ({
        %run_scoped3A = tpu.sem_alloc : memref<!tpu.dma_semaphore, #tpu.memory_space<semaphore_mem>>
        %dma_start3A = arith.constant 0 : i32
        %dma_start3A_27 = tpu.memref_slice %arg7[%arg0, %multiple_of3A, %dma_start3A] : memref<2x10000x128xf32, #tpu.memory_space<hbm>> -> memref<1x632x128xf32, #tpu.memory_space<hbm>>
        %dma_start3A_28 = tpu.memref_squeeze %dma_start3A_27 : memref<1x632x128xf32, #tpu.memory_space<hbm>> -> memref<632x128xf32, #tpu.memory_space<hbm>>
        %dma_start3A_29 = arith.constant 0 : i32
        %dma_start3A_30 = tpu.memref_slice %arg12[%multiple_of3A, %dma_start3A_29] : memref<10000x128xf32, #tpu.memory_space<vmem_shared>> -> memref<632x128xf32, #tpu.memory_space<vmem_shared>>
        tpu.enqueue_dma source(%dma_start3A_30 : memref<632x128xf32, #tpu.memory_space<vmem_shared>>) target(%dma_start3A_28 : memref<632x128xf32, #tpu.memory_space<hbm>>) target_semaphore(%run_scoped3A : memref<!tpu.dma_semaphore, #tpu.memory_space<semaphore_mem>>)
        %dma_wait3A = arith.constant 0 : i32
        %dma_wait3A_31 = tpu.memref_slice %arg7[%arg0, %multiple_of3A, %dma_wait3A] : memref<2x10000x128xf32, #tpu.memory_space<hbm>> -> memref<1x632x128xf32, #tpu.memory_space<hbm>>
        %dma_wait3A_32 = tpu.memref_squeeze %dma_wait3A_31 : memref<1x632x128xf32, #tpu.memory_space<hbm>> -> memref<632x128xf32, #tpu.memory_space<hbm>>
        %dma_wait3A_33 = arith.constant 0 : i32
        %dma_wait3A_34 = tpu.memref_slice %arg12[%multiple_of3A, %dma_wait3A_33] : memref<10000x128xf32, #tpu.memory_space<vmem_shared>> -> memref<632x128xf32, #tpu.memory_space<vmem_shared>>
        tpu.wait_dma2 semaphore(%run_scoped3A : memref<!tpu.dma_semaphore, #tpu.memory_space<semaphore_mem>>) src(%dma_wait3A_34 : memref<632x128xf32, #tpu.memory_space<vmem_shared>>) dst(%dma_wait3A_32 : memref<632x128xf32, #tpu.memory_space<hbm>>)
        tpu.yield
      }) : () -> ()
    } else {
    }
    %eq3A_22 = arith.constant 15 : i32
    %eq3A_23 = arith.cmpi eq, %arg1, %eq3A_22 : i32
    %convert_element_type3A_24 = arith.extui %eq3A_23 : i1 to i32
    %cond3A_25 = arith.constant 0 : i32
    %cond3A_26 = arith.cmpi ne, %convert_element_type3A_24, %cond3A_25 : i32
    scf.if %cond3A_26 {
      "tpu.region"() ({
        %run_scoped3A = tpu.sem_alloc : memref<!tpu.dma_semaphore, #tpu.memory_space<semaphore_mem>>
        %dma_start3A = arith.constant 9480 : i32
        %dma_start3A_27 = arith.constant 0 : i32
        %dma_start3A_28 = tpu.memref_slice %arg7[%arg0, %dma_start3A, %dma_start3A_27] : memref<2x10000x128xf32, #tpu.memory_space<hbm>> -> memref<1x520x128xf32, #tpu.memory_space<hbm>>
        %dma_start3A_29 = tpu.memref_squeeze %dma_start3A_28 : memref<1x520x128xf32, #tpu.memory_space<hbm>> -> memref<520x128xf32, #tpu.memory_space<hbm>>
        %dma_start3A_30 = arith.constant 9480 : i32
        %dma_start3A_31 = arith.constant 0 : i32
        %dma_start3A_32 = tpu.memref_slice %arg12[%dma_start3A_30, %dma_start3A_31] : memref<10000x128xf32, #tpu.memory_space<vmem_shared>> -> memref<520x128xf32, #tpu.memory_space<vmem_shared>>
        tpu.enqueue_dma source(%dma_start3A_32 : memref<520x128xf32, #tpu.memory_space<vmem_shared>>) target(%dma_start3A_29 : memref<520x128xf32, #tpu.memory_space<hbm>>) target_semaphore(%run_scoped3A : memref<!tpu.dma_semaphore, #tpu.memory_space<semaphore_mem>>)
        %dma_wait3A = arith.constant 9480 : i32
        %dma_wait3A_33 = arith.constant 0 : i32
        %dma_wait3A_34 = tpu.memref_slice %arg7[%arg0, %dma_wait3A, %dma_wait3A_33] : memref<2x10000x128xf32, #tpu.memory_space<hbm>> -> memref<1x520x128xf32, #tpu.memory_space<hbm>>
        %dma_wait3A_35 = tpu.memref_squeeze %dma_wait3A_34 : memref<1x520x128xf32, #tpu.memory_space<hbm>> -> memref<520x128xf32, #tpu.memory_space<hbm>>
        %dma_wait3A_36 = arith.constant 9480 : i32
        %dma_wait3A_37 = arith.constant 0 : i32
        %dma_wait3A_38 = tpu.memref_slice %arg12[%dma_wait3A_36, %dma_wait3A_37] : memref<10000x128xf32, #tpu.memory_space<vmem_shared>> -> memref<520x128xf32, #tpu.memory_space<vmem_shared>>
        tpu.wait_dma2 semaphore(%run_scoped3A : memref<!tpu.dma_semaphore, #tpu.memory_space<semaphore_mem>>) src(%dma_wait3A_38 : memref<520x128xf32, #tpu.memory_space<vmem_shared>>) dst(%dma_wait3A_35 : memref<520x128xf32, #tpu.memory_space<hbm>>)
        tpu.yield
      }) : () -> ()
    } else {
    }
    return
  }
}

#map = affine_map<(d0, d1) -> (0, 0)>
#map1 = affine_map<(d0, d1) -> (0)>
#map2 = affine_map<(d0, d1) -> (0, 0, 0)>
module attributes {stable_mosaic.version = 14 : i64} {
  func.func @spmm(%arg0: i32, %arg1: i32, %arg2: memref<10000x128xf32, #tpu.memory_space<hbm>>, %arg3: memref<320000xi32, #tpu.memory_space<hbm>>, %arg4: memref<320000xi32, #tpu.memory_space<hbm>>, %arg5: memref<320000x16xf32, #tpu.memory_space<hbm>>, %arg6: memref<10000x128xf32, #tpu.memory_space<hbm>>, %arg7: memref<2x10000x128xf32, #tpu.memory_space<hbm>>, %arg8: memref<80xi32, #tpu.memory_space<vmem>>, %arg9: memref<80xi32, #tpu.memory_space<vmem>>, %arg10: memref<80x16xf32, #tpu.memory_space<vmem>>, %arg11: memref<80x128xf32, #tpu.memory_space<vmem>>, %arg12: memref<10000x128xf32, #tpu.memory_space<vmem_shared>>, %arg13: memref<!tpu.dma_semaphore, #tpu.memory_space<semaphore_mem>>) attributes {dimension_semantics = [#tpu.dimension_semantics<core_parallel>, #tpu.dimension_semantics<subcore_parallel>], iteration_bounds = array<i64: 2, 16>, scalar_prefetch = 0 : i64, scratch_operands = 6 : i64, tpu.core_type = #tpu.core_type<sc_vector_subcore>, window_params = [{transform_indices = #map}, {transform_indices = #map1}, {transform_indices = #map1}, {transform_indices = #map}, {transform_indices = #map}, {transform_indices = #map2}]} {
    %mul3A = arith.constant 2 : i32
    %mul3A_0 = arith.muli %arg1, %mul3A : i32
    %add3A = arith.addi %mul3A_0, %arg0 : i32
    %mul3A_1 = arith.constant 632 : i32
    %mul3A_2 = arith.muli %arg1, %mul3A_1 : i32
    %multiple_of3A = tpu.assume_multiple %mul3A_2, 8 : i32
    %lt3A = arith.constant 15 : i32
    %lt3A_3 = arith.cmpi slt, %arg1, %lt3A : i32
    %convert_element_type3A = arith.extui %lt3A_3 : i1 to i32
    %cond3A = arith.constant 0 : i32
    %cond3A_4 = arith.cmpi ne, %convert_element_type3A, %cond3A : i32
    scf.if %cond3A_4 {
      "tpu.region"() ({
        %run_scoped3A = tpu.sem_alloc : memref<!tpu.dma_semaphore, #tpu.memory_space<semaphore_mem>>
        %dma_start3A = arith.constant 0 : i32
        %dma_start3A_27 = tpu.memref_slice %arg12[%multiple_of3A, %dma_start3A] : memref<10000x128xf32, #tpu.memory_space<vmem_shared>> -> memref<632x128xf32, #tpu.memory_space<vmem_shared>>
        %dma_start3A_28 = arith.constant 0 : i32
        %dma_start3A_29 = tpu.memref_slice %arg6[%multiple_of3A, %dma_start3A_28] : memref<10000x128xf32, #tpu.memory_space<hbm>> -> memref<632x128xf32, #tpu.memory_space<hbm>>
        tpu.enqueue_dma source(%dma_start3A_29 : memref<632x128xf32, #tpu.memory_space<hbm>>) target(%dma_start3A_27 : memref<632x128xf32, #tpu.memory_space<vmem_shared>>) target_semaphore(%run_scoped3A : memref<!tpu.dma_semaphore, #tpu.memory_space<semaphore_mem>>)
        %dma_wait3A = arith.constant 0 : i32
        %dma_wait3A_30 = tpu.memref_slice %arg12[%multiple_of3A, %dma_wait3A] : memref<10000x128xf32, #tpu.memory_space<vmem_shared>> -> memref<632x128xf32, #tpu.memory_space<vmem_shared>>
        %dma_wait3A_31 = arith.constant 0 : i32
        %dma_wait3A_32 = tpu.memref_slice %arg6[%multiple_of3A, %dma_wait3A_31] : memref<10000x128xf32, #tpu.memory_space<hbm>> -> memref<632x128xf32, #tpu.memory_space<hbm>>
        tpu.wait_dma2 semaphore(%run_scoped3A : memref<!tpu.dma_semaphore, #tpu.memory_space<semaphore_mem>>) src(%dma_wait3A_32 : memref<632x128xf32, #tpu.memory_space<hbm>>) dst(%dma_wait3A_30 : memref<632x128xf32, #tpu.memory_space<vmem_shared>>)
        tpu.yield
      }) : () -> ()
    } else {
    }
    %eq3A = arith.constant 15 : i32
    %eq3A_5 = arith.cmpi eq, %arg1, %eq3A : i32
    %convert_element_type3A_6 = arith.extui %eq3A_5 : i1 to i32
    %cond3A_7 = arith.constant 0 : i32
    %cond3A_8 = arith.cmpi ne, %convert_element_type3A_6, %cond3A_7 : i32
    scf.if %cond3A_8 {
      "tpu.region"() ({
        %run_scoped3A = tpu.sem_alloc : memref<!tpu.dma_semaphore, #tpu.memory_space<semaphore_mem>>
        %dma_start3A = arith.constant 9480 : i32
        %dma_start3A_27 = arith.constant 0 : i32
        %dma_start3A_28 = tpu.memref_slice %arg12[%dma_start3A, %dma_start3A_27] : memref<10000x128xf32, #tpu.memory_space<vmem_shared>> -> memref<520x128xf32, #tpu.memory_space<vmem_shared>>
        %dma_start3A_29 = arith.constant 9480 : i32
        %dma_start3A_30 = arith.constant 0 : i32
        %dma_start3A_31 = tpu.memref_slice %arg6[%dma_start3A_29, %dma_start3A_30] : memref<10000x128xf32, #tpu.memory_space<hbm>> -> memref<520x128xf32, #tpu.memory_space<hbm>>
        tpu.enqueue_dma source(%dma_start3A_31 : memref<520x128xf32, #tpu.memory_space<hbm>>) target(%dma_start3A_28 : memref<520x128xf32, #tpu.memory_space<vmem_shared>>) target_semaphore(%run_scoped3A : memref<!tpu.dma_semaphore, #tpu.memory_space<semaphore_mem>>)
        %dma_wait3A = arith.constant 9480 : i32
        %dma_wait3A_32 = arith.constant 0 : i32
        %dma_wait3A_33 = tpu.memref_slice %arg12[%dma_wait3A, %dma_wait3A_32] : memref<10000x128xf32, #tpu.memory_space<vmem_shared>> -> memref<520x128xf32, #tpu.memory_space<vmem_shared>>
        %dma_wait3A_34 = arith.constant 9480 : i32
        %dma_wait3A_35 = arith.constant 0 : i32
        %dma_wait3A_36 = tpu.memref_slice %arg6[%dma_wait3A_34, %dma_wait3A_35] : memref<10000x128xf32, #tpu.memory_space<hbm>> -> memref<520x128xf32, #tpu.memory_space<hbm>>
        tpu.wait_dma2 semaphore(%run_scoped3A : memref<!tpu.dma_semaphore, #tpu.memory_space<semaphore_mem>>) src(%dma_wait3A_36 : memref<520x128xf32, #tpu.memory_space<hbm>>) dst(%dma_wait3A_33 : memref<520x128xf32, #tpu.memory_space<vmem_shared>>)
        tpu.yield
      }) : () -> ()
    } else {
    }
    %barrier3A = arith.constant 0 : index
    tpu.barrier barrier_id(%barrier3A)
    %mul3A_9 = arith.constant 10000 : i32
    %mul3A_10 = arith.muli %add3A, %mul3A_9 : i32
    %scan3A = arith.constant 0 : i32
    %scan3A_11 = arith.constant 0 : i32
    %scan3A_12 = arith.constant 125 : i32
    %scan3A_13 = arith.addi %scan3A_11, %scan3A_12 : i32
    %scan3A_14 = arith.constant 1 : i32
    scf.for %scan3A_27 = %scan3A_11 to %scan3A_13 step %scan3A_14  : i32 {
      %mul3A_28 = arith.constant 80 : i32
      %mul3A_29 = arith.muli %scan3A_27, %mul3A_28 : i32
      %add3A_30 = arith.addi %mul3A_10, %mul3A_29 : i32
      %multiple_of3A_31 = tpu.assume_multiple %add3A_30, 8 : i32
      "tpu.region"() ({
        %run_scoped3A = tpu.sem_alloc : memref<!tpu.dma_semaphore, #tpu.memory_space<semaphore_mem>>
        %dma_start3A_42 = tpu.memref_slice %arg4[%multiple_of3A_31] : memref<320000xi32, #tpu.memory_space<hbm>> -> memref<80xi32, #tpu.memory_space<hbm>>
        %dma_start3A_43 = tpu.memref_slice %arg4[%multiple_of3A_31] : memref<320000xi32, #tpu.memory_space<hbm>> -> memref<80xi32, #tpu.memory_space<hbm>>
        tpu.enqueue_dma source(%dma_start3A_43 : memref<80xi32, #tpu.memory_space<hbm>>) target(%arg8 : memref<80xi32, #tpu.memory_space<vmem>>) target_semaphore(%run_scoped3A : memref<!tpu.dma_semaphore, #tpu.memory_space<semaphore_mem>>)
        %dma_wait3A_44 = tpu.memref_slice %arg4[%multiple_of3A_31] : memref<320000xi32, #tpu.memory_space<hbm>> -> memref<80xi32, #tpu.memory_space<hbm>>
        %dma_wait3A_45 = tpu.memref_slice %arg4[%multiple_of3A_31] : memref<320000xi32, #tpu.memory_space<hbm>> -> memref<80xi32, #tpu.memory_space<hbm>>
        tpu.wait_dma2 semaphore(%run_scoped3A : memref<!tpu.dma_semaphore, #tpu.memory_space<semaphore_mem>>) src(%dma_wait3A_45 : memref<80xi32, #tpu.memory_space<hbm>>) dst(%arg8 : memref<80xi32, #tpu.memory_space<vmem>>)
        tpu.yield
      }) : () -> ()
      "tpu.region"() ({
        %run_scoped3A = tpu.sem_alloc : memref<!tpu.dma_semaphore, #tpu.memory_space<semaphore_mem>>
        %dma_start3A_42 = tpu.memref_slice %arg3[%multiple_of3A_31] : memref<320000xi32, #tpu.memory_space<hbm>> -> memref<80xi32, #tpu.memory_space<hbm>>
        %dma_start3A_43 = tpu.memref_slice %arg3[%multiple_of3A_31] : memref<320000xi32, #tpu.memory_space<hbm>> -> memref<80xi32, #tpu.memory_space<hbm>>
        tpu.enqueue_dma source(%dma_start3A_43 : memref<80xi32, #tpu.memory_space<hbm>>) target(%arg9 : memref<80xi32, #tpu.memory_space<vmem>>) target_semaphore(%run_scoped3A : memref<!tpu.dma_semaphore, #tpu.memory_space<semaphore_mem>>)
        %dma_wait3A_44 = tpu.memref_slice %arg3[%multiple_of3A_31] : memref<320000xi32, #tpu.memory_space<hbm>> -> memref<80xi32, #tpu.memory_space<hbm>>
        %dma_wait3A_45 = tpu.memref_slice %arg3[%multiple_of3A_31] : memref<320000xi32, #tpu.memory_space<hbm>> -> memref<80xi32, #tpu.memory_space<hbm>>
        tpu.wait_dma2 semaphore(%run_scoped3A : memref<!tpu.dma_semaphore, #tpu.memory_space<semaphore_mem>>) src(%dma_wait3A_45 : memref<80xi32, #tpu.memory_space<hbm>>) dst(%arg9 : memref<80xi32, #tpu.memory_space<vmem>>)
        tpu.yield
      }) : () -> ()
      "tpu.region"() ({
        %run_scoped3A = tpu.sem_alloc : memref<!tpu.dma_semaphore, #tpu.memory_space<semaphore_mem>>
        %dma_start3A_42 = arith.constant 0 : i32
        %dma_start3A_43 = tpu.memref_slice %arg5[%multiple_of3A_31, %dma_start3A_42] : memref<320000x16xf32, #tpu.memory_space<hbm>> -> memref<80x16xf32, #tpu.memory_space<hbm>>
        %dma_start3A_44 = arith.constant 0 : i32
        %dma_start3A_45 = tpu.memref_slice %arg5[%multiple_of3A_31, %dma_start3A_44] : memref<320000x16xf32, #tpu.memory_space<hbm>> -> memref<80x16xf32, #tpu.memory_space<hbm>>
        tpu.enqueue_dma source(%dma_start3A_45 : memref<80x16xf32, #tpu.memory_space<hbm>>) target(%arg10 : memref<80x16xf32, #tpu.memory_space<vmem>>) target_semaphore(%run_scoped3A : memref<!tpu.dma_semaphore, #tpu.memory_space<semaphore_mem>>)
        %dma_wait3A_46 = arith.constant 0 : i32
        %dma_wait3A_47 = tpu.memref_slice %arg5[%multiple_of3A_31, %dma_wait3A_46] : memref<320000x16xf32, #tpu.memory_space<hbm>> -> memref<80x16xf32, #tpu.memory_space<hbm>>
        %dma_wait3A_48 = arith.constant 0 : i32
        %dma_wait3A_49 = tpu.memref_slice %arg5[%multiple_of3A_31, %dma_wait3A_48] : memref<320000x16xf32, #tpu.memory_space<hbm>> -> memref<80x16xf32, #tpu.memory_space<hbm>>
        tpu.wait_dma2 semaphore(%run_scoped3A : memref<!tpu.dma_semaphore, #tpu.memory_space<semaphore_mem>>) src(%dma_wait3A_49 : memref<80x16xf32, #tpu.memory_space<hbm>>) dst(%arg10 : memref<80x16xf32, #tpu.memory_space<vmem>>)
        tpu.yield
      }) : () -> ()
      %dma_start3A = arith.constant 0 : i32
      %dma_start3A_32 = arith.constant 0 : i32
      %dma_start3A_33 = tpu.memref_slice %arg2[%dma_start3A, %dma_start3A_32] : memref<10000x128xf32, #tpu.memory_space<hbm>> -> memref<10000x128xf32, #tpu.memory_space<hbm>>
      tpu.enqueue_indirect_dma source(%dma_start3A_33 : memref<10000x128xf32, #tpu.memory_space<hbm>>) target(%arg11 : memref<80x128xf32, #tpu.memory_space<vmem>>) offsets(%arg8 : memref<80xi32, #tpu.memory_space<vmem>>) semaphore(%arg13 : memref<!tpu.dma_semaphore, #tpu.memory_space<semaphore_mem>>)
      %dma_wait3A = arith.constant 0 : i32
      %dma_wait3A_34 = arith.constant 0 : i32
      %dma_wait3A_35 = tpu.memref_slice %arg2[%dma_wait3A, %dma_wait3A_34] : memref<10000x128xf32, #tpu.memory_space<hbm>> -> memref<10000x128xf32, #tpu.memory_space<hbm>>
      tpu.wait_indirect_dma semaphore(%arg13 : memref<!tpu.dma_semaphore, #tpu.memory_space<semaphore_mem>>) src(%dma_wait3A_35 : memref<10000x128xf32, #tpu.memory_space<hbm>>) dst(%arg11 : memref<80x128xf32, #tpu.memory_space<vmem>>)
      %scan3A_36 = arith.constant 0 : i32
      %scan3A_37 = arith.constant 0 : i32
      %scan3A_38 = arith.constant 80 : i32
      %scan3A_39 = arith.addi %scan3A_37, %scan3A_38 : i32
      %scan3A_40 = arith.constant 1 : i32
      scf.for %scan3A_42 = %scan3A_37 to %scan3A_39 step %scan3A_40  : i32 {
        %get3A = arith.index_cast %scan3A_42 : i32 to index
        %get3A_43 = arith.constant 0 : index
        %get3A_44 = tpu.vector_load %arg10[%get3A, %get3A_43] {strides = array<i32>} : memref<80x16xf32, #tpu.memory_space<vmem>>, vector<1x16xf32>,
        %get3A_45 = vector.shape_cast %get3A_44 : vector<1x16xf32> to vector<16xf32>
        %get3A_46 = arith.index_cast %scan3A_42 : i32 to index
        %get3A_47 = arith.constant 0 : index
        %get3A_48 = tpu.vector_load %arg11[%get3A_46, %get3A_47] {strides = array<i32>} : memref<80x128xf32, #tpu.memory_space<vmem>>, vector<1x16xf32>,
        %get3A_49 = vector.shape_cast %get3A_48 : vector<1x16xf32> to vector<16xf32>
        %mul3A_50 = arith.mulf %get3A_49, %get3A_45 : vector<16xf32>
        %swap3A = arith.index_cast %scan3A_42 : i32 to index
        %swap3A_51 = arith.constant 0 : index
        %swap3A_52 = tpu.vector_load %arg11[%swap3A, %swap3A_51] {strides = array<i32>} : memref<80x128xf32, #tpu.memory_space<vmem>>, vector<1x16xf32>,
        %swap3A_53 = vector.shape_cast %swap3A_52 : vector<1x16xf32> to vector<16xf32>
        %swap3A_54 = vector.shape_cast %mul3A_50 : vector<16xf32> to vector<1x16xf32>
        tpu.vector_store %arg11[%swap3A, %swap3A_51], %swap3A_54 {strides = array<i32>} : memref<80x128xf32, #tpu.memory_space<vmem>>, vector<1x16xf32>,
        %get3A_55 = arith.index_cast %scan3A_42 : i32 to index
        %get3A_56 = arith.constant 16 : index
        %get3A_57 = tpu.vector_load %arg11[%get3A_55, %get3A_56] {strides = array<i32>} : memref<80x128xf32, #tpu.memory_space<vmem>>, vector<1x16xf32>,
        %get3A_58 = vector.shape_cast %get3A_57 : vector<1x16xf32> to vector<16xf32>
        %mul3A_59 = arith.mulf %get3A_58, %get3A_45 : vector<16xf32>
        %swap3A_60 = arith.index_cast %scan3A_42 : i32 to index
        %swap3A_61 = arith.constant 16 : index
        %swap3A_62 = tpu.vector_load %arg11[%swap3A_60, %swap3A_61] {strides = array<i32>} : memref<80x128xf32, #tpu.memory_space<vmem>>, vector<1x16xf32>,
        %swap3A_63 = vector.shape_cast %swap3A_62 : vector<1x16xf32> to vector<16xf32>
        %swap3A_64 = vector.shape_cast %mul3A_59 : vector<16xf32> to vector<1x16xf32>
        tpu.vector_store %arg11[%swap3A_60, %swap3A_61], %swap3A_64 {strides = array<i32>} : memref<80x128xf32, #tpu.memory_space<vmem>>, vector<1x16xf32>,
        %get3A_65 = arith.index_cast %scan3A_42 : i32 to index
        %get3A_66 = arith.constant 32 : index
        %get3A_67 = tpu.vector_load %arg11[%get3A_65, %get3A_66] {strides = array<i32>} : memref<80x128xf32, #tpu.memory_space<vmem>>, vector<1x16xf32>,
        %get3A_68 = vector.shape_cast %get3A_67 : vector<1x16xf32> to vector<16xf32>
        %mul3A_69 = arith.mulf %get3A_68, %get3A_45 : vector<16xf32>
        %swap3A_70 = arith.index_cast %scan3A_42 : i32 to index
        %swap3A_71 = arith.constant 32 : index
        %swap3A_72 = tpu.vector_load %arg11[%swap3A_70, %swap3A_71] {strides = array<i32>} : memref<80x128xf32, #tpu.memory_space<vmem>>, vector<1x16xf32>,
        %swap3A_73 = vector.shape_cast %swap3A_72 : vector<1x16xf32> to vector<16xf32>
        %swap3A_74 = vector.shape_cast %mul3A_69 : vector<16xf32> to vector<1x16xf32>
        tpu.vector_store %arg11[%swap3A_70, %swap3A_71], %swap3A_74 {strides = array<i32>} : memref<80x128xf32, #tpu.memory_space<vmem>>, vector<1x16xf32>,
        %get3A_75 = arith.index_cast %scan3A_42 : i32 to index
        %get3A_76 = arith.constant 48 : index
        %get3A_77 = tpu.vector_load %arg11[%get3A_75, %get3A_76] {strides = array<i32>} : memref<80x128xf32, #tpu.memory_space<vmem>>, vector<1x16xf32>,
        %get3A_78 = vector.shape_cast %get3A_77 : vector<1x16xf32> to vector<16xf32>
        %mul3A_79 = arith.mulf %get3A_78, %get3A_45 : vector<16xf32>
        %swap3A_80 = arith.index_cast %scan3A_42 : i32 to index
        %swap3A_81 = arith.constant 48 : index
        %swap3A_82 = tpu.vector_load %arg11[%swap3A_80, %swap3A_81] {strides = array<i32>} : memref<80x128xf32, #tpu.memory_space<vmem>>, vector<1x16xf32>,
        %swap3A_83 = vector.shape_cast %swap3A_82 : vector<1x16xf32> to vector<16xf32>
        %swap3A_84 = vector.shape_cast %mul3A_79 : vector<16xf32> to vector<1x16xf32>
        tpu.vector_store %arg11[%swap3A_80, %swap3A_81], %swap3A_84 {strides = array<i32>} : memref<80x128xf32, #tpu.memory_space<vmem>>, vector<1x16xf32>,
        %get3A_85 = arith.index_cast %scan3A_42 : i32 to index
        %get3A_86 = arith.constant 64 : index
        %get3A_87 = tpu.vector_load %arg11[%get3A_85, %get3A_86] {strides = array<i32>} : memref<80x128xf32, #tpu.memory_space<vmem>>, vector<1x16xf32>,
        %get3A_88 = vector.shape_cast %get3A_87 : vector<1x16xf32> to vector<16xf32>
        %mul3A_89 = arith.mulf %get3A_88, %get3A_45 : vector<16xf32>
        %swap3A_90 = arith.index_cast %scan3A_42 : i32 to index
        %swap3A_91 = arith.constant 64 : index
        %swap3A_92 = tpu.vector_load %arg11[%swap3A_90, %swap3A_91] {strides = array<i32>} : memref<80x128xf32, #tpu.memory_space<vmem>>, vector<1x16xf32>,
        %swap3A_93 = vector.shape_cast %swap3A_92 : vector<1x16xf32> to vector<16xf32>
        %swap3A_94 = vector.shape_cast %mul3A_89 : vector<16xf32> to vector<1x16xf32>
        tpu.vector_store %arg11[%swap3A_90, %swap3A_91], %swap3A_94 {strides = array<i32>} : memref<80x128xf32, #tpu.memory_space<vmem>>, vector<1x16xf32>,
        %get3A_95 = arith.index_cast %scan3A_42 : i32 to index
        %get3A_96 = arith.constant 80 : index
        %get3A_97 = tpu.vector_load %arg11[%get3A_95, %get3A_96] {strides = array<i32>} : memref<80x128xf32, #tpu.memory_space<vmem>>, vector<1x16xf32>,
        %get3A_98 = vector.shape_cast %get3A_97 : vector<1x16xf32> to vector<16xf32>
        %mul3A_99 = arith.mulf %get3A_98, %get3A_45 : vector<16xf32>
        %swap3A_100 = arith.index_cast %scan3A_42 : i32 to index
        %swap3A_101 = arith.constant 80 : index
        %swap3A_102 = tpu.vector_load %arg11[%swap3A_100, %swap3A_101] {strides = array<i32>} : memref<80x128xf32, #tpu.memory_space<vmem>>, vector<1x16xf32>,
        %swap3A_103 = vector.shape_cast %swap3A_102 : vector<1x16xf32> to vector<16xf32>
        %swap3A_104 = vector.shape_cast %mul3A_99 : vector<16xf32> to vector<1x16xf32>
        tpu.vector_store %arg11[%swap3A_100, %swap3A_101], %swap3A_104 {strides = array<i32>} : memref<80x128xf32, #tpu.memory_space<vmem>>, vector<1x16xf32>,
        %get3A_105 = arith.index_cast %scan3A_42 : i32 to index
        %get3A_106 = arith.constant 96 : index
        %get3A_107 = tpu.vector_load %arg11[%get3A_105, %get3A_106] {strides = array<i32>} : memref<80x128xf32, #tpu.memory_space<vmem>>, vector<1x16xf32>,
        %get3A_108 = vector.shape_cast %get3A_107 : vector<1x16xf32> to vector<16xf32>
        %mul3A_109 = arith.mulf %get3A_108, %get3A_45 : vector<16xf32>
        %swap3A_110 = arith.index_cast %scan3A_42 : i32 to index
        %swap3A_111 = arith.constant 96 : index
        %swap3A_112 = tpu.vector_load %arg11[%swap3A_110, %swap3A_111] {strides = array<i32>} : memref<80x128xf32, #tpu.memory_space<vmem>>, vector<1x16xf32>,
        %swap3A_113 = vector.shape_cast %swap3A_112 : vector<1x16xf32> to vector<16xf32>
        %swap3A_114 = vector.shape_cast %mul3A_109 : vector<16xf32> to vector<1x16xf32>
        tpu.vector_store %arg11[%swap3A_110, %swap3A_111], %swap3A_114 {strides = array<i32>} : memref<80x128xf32, #tpu.memory_space<vmem>>, vector<1x16xf32>,
        %get3A_115 = arith.index_cast %scan3A_42 : i32 to index
        %get3A_116 = arith.constant 112 : index
        %get3A_117 = tpu.vector_load %arg11[%get3A_115, %get3A_116] {strides = array<i32>} : memref<80x128xf32, #tpu.memory_space<vmem>>, vector<1x16xf32>,
        %get3A_118 = vector.shape_cast %get3A_117 : vector<1x16xf32> to vector<16xf32>
        %mul3A_119 = arith.mulf %get3A_118, %get3A_45 : vector<16xf32>
        %swap3A_120 = arith.index_cast %scan3A_42 : i32 to index
        %swap3A_121 = arith.constant 112 : index
        %swap3A_122 = tpu.vector_load %arg11[%swap3A_120, %swap3A_121] {strides = array<i32>} : memref<80x128xf32, #tpu.memory_space<vmem>>, vector<1x16xf32>,
        %swap3A_123 = vector.shape_cast %swap3A_122 : vector<1x16xf32> to vector<16xf32>
        %swap3A_124 = vector.shape_cast %mul3A_119 : vector<16xf32> to vector<1x16xf32>
        tpu.vector_store %arg11[%swap3A_120, %swap3A_121], %swap3A_124 {strides = array<i32>} : memref<80x128xf32, #tpu.memory_space<vmem>>, vector<1x16xf32>,
      }
      %scan3A_41 = arith.constant 80 : i32
      "tpu.region"() ({
        %run_scoped3A = tpu.sem_alloc : memref<!tpu.dma_semaphore, #tpu.memory_space<semaphore_mem>>
        %dma_start3A_42 = arith.constant 0 : i32
        %dma_start3A_43 = arith.constant 0 : i32
        %dma_start3A_44 = tpu.memref_slice %arg12[%dma_start3A_42, %dma_start3A_43] : memref<10000x128xf32, #tpu.memory_space<vmem_shared>> -> memref<10000x128xf32, #tpu.memory_space<vmem_shared>>
        tpu.enqueue_indirect_dma source(%arg11 : memref<80x128xf32, #tpu.memory_space<vmem>>) target(%dma_start3A_44 : memref<10000x128xf32, #tpu.memory_space<vmem_shared>>) offsets(%arg9 : memref<80xi32, #tpu.memory_space<vmem>>) semaphore(%run_scoped3A : memref<!tpu.dma_semaphore, #tpu.memory_space<semaphore_mem>>) {add = true}
        %dma_wait3A_45 = arith.constant 0 : i32
        %dma_wait3A_46 = arith.constant 0 : i32
        %dma_wait3A_47 = tpu.memref_slice %arg12[%dma_wait3A_45, %dma_wait3A_46] : memref<10000x128xf32, #tpu.memory_space<vmem_shared>> -> memref<10000x128xf32, #tpu.memory_space<vmem_shared>>
        tpu.wait_indirect_dma semaphore(%run_scoped3A : memref<!tpu.dma_semaphore, #tpu.memory_space<semaphore_mem>>) src(%arg11 : memref<80x128xf32, #tpu.memory_space<vmem>>) dst(%dma_wait3A_47 : memref<10000x128xf32, #tpu.memory_space<vmem_shared>>)
        tpu.yield
      }) : () -> ()
    }
    %scan3A_15 = arith.constant 125 : i32
    %barrier3A_16 = arith.constant 0 : index
    tpu.barrier barrier_id(%barrier3A_16)
    %lt3A_17 = arith.constant 15 : i32
    %lt3A_18 = arith.cmpi slt, %arg1, %lt3A_17 : i32
    %convert_element_type3A_19 = arith.extui %lt3A_18 : i1 to i32
    %cond3A_20 = arith.constant 0 : i32
    %cond3A_21 = arith.cmpi ne, %convert_element_type3A_19, %cond3A_20 : i32
    scf.if %cond3A_21 {
      "tpu.region"() ({
        %run_scoped3A = tpu.sem_alloc : memref<!tpu.dma_semaphore, #tpu.memory_space<semaphore_mem>>
        %dma_start3A = arith.constant 0 : i32
        %dma_start3A_27 = tpu.memref_slice %arg7[%arg0, %multiple_of3A, %dma_start3A] : memref<2x10000x128xf32, #tpu.memory_space<hbm>> -> memref<1x632x128xf32, #tpu.memory_space<hbm>>
        %dma_start3A_28 = tpu.memref_squeeze %dma_start3A_27 : memref<1x632x128xf32, #tpu.memory_space<hbm>> -> memref<632x128xf32, #tpu.memory_space<hbm>>
        %dma_start3A_29 = arith.constant 0 : i32
        %dma_start3A_30 = tpu.memref_slice %arg12[%multiple_of3A, %dma_start3A_29] : memref<10000x128xf32, #tpu.memory_space<vmem_shared>> -> memref<632x128xf32, #tpu.memory_space<vmem_shared>>
        tpu.enqueue_dma source(%dma_start3A_30 : memref<632x128xf32, #tpu.memory_space<vmem_shared>>) target(%dma_start3A_28 : memref<632x128xf32, #tpu.memory_space<hbm>>) target_semaphore(%run_scoped3A : memref<!tpu.dma_semaphore, #tpu.memory_space<semaphore_mem>>)
        %dma_wait3A = arith.constant 0 : i32
        %dma_wait3A_31 = tpu.memref_slice %arg7[%arg0, %multiple_of3A, %dma_wait3A] : memref<2x10000x128xf32, #tpu.memory_space<hbm>> -> memref<1x632x128xf32, #tpu.memory_space<hbm>>
        %dma_wait3A_32 = tpu.memref_squeeze %dma_wait3A_31 : memref<1x632x128xf32, #tpu.memory_space<hbm>> -> memref<632x128xf32, #tpu.memory_space<hbm>>
        %dma_wait3A_33 = arith.constant 0 : i32
        %dma_wait3A_34 = tpu.memref_slice %arg12[%multiple_of3A, %dma_wait3A_33] : memref<10000x128xf32, #tpu.memory_space<vmem_shared>> -> memref<632x128xf32, #tpu.memory_space<vmem_shared>>
        tpu.wait_dma2 semaphore(%run_scoped3A : memref<!tpu.dma_semaphore, #tpu.memory_space<semaphore_mem>>) src(%dma_wait3A_34 : memref<632x128xf32, #tpu.memory_space<vmem_shared>>) dst(%dma_wait3A_32 : memref<632x128xf32, #tpu.memory_space<hbm>>)
        tpu.yield
      }) : () -> ()
    } else {
    }
    %eq3A_22 = arith.constant 15 : i32
    %eq3A_23 = arith.cmpi eq, %arg1, %eq3A_22 : i32
    %convert_element_type3A_24 = arith.extui %eq3A_23 : i1 to i32
    %cond3A_25 = arith.constant 0 : i32
    %cond3A_26 = arith.cmpi ne, %convert_element_type3A_24, %cond3A_25 : i32
    scf.if %cond3A_26 {
      "tpu.region"() ({
        %run_scoped3A = tpu.sem_alloc : memref<!tpu.dma_semaphore, #tpu.memory_space<semaphore_mem>>
        %dma_start3A = arith.constant 9480 : i32
        %dma_start3A_27 = arith.constant 0 : i32
        %dma_start3A_28 = tpu.memref_slice %arg7[%arg0, %dma_start3A, %dma_start3A_27] : memref<2x10000x128xf32, #tpu.memory_space<hbm>> -> memref<1x520x128xf32, #tpu.memory_space<hbm>>
        %dma_start3A_29 = tpu.memref_squeeze %dma_start3A_28 : memref<1x520x128xf32, #tpu.memory_space<hbm>> -> memref<520x128xf32, #tpu.memory_space<hbm>>
        %dma_start3A_30 = arith.constant 9480 : i32
        %dma_start3A_31 = arith.constant 0 : i32
        %dma_start3A_32 = tpu.memref_slice %arg12[%dma_start3A_30, %dma_start3A_31] : memref<10000x128xf32, #tpu.memory_space<vmem_shared>> -> memref<520x128xf32, #tpu.memory_space<vmem_shared>>
        tpu.enqueue_dma source(%dma_start3A_32 : memref<520x128xf32, #tpu.memory_space<vmem_shared>>) target(%dma_start3A_29 : memref<520x128xf32, #tpu.memory_space<hbm>>) target_semaphore(%run_scoped3A : memref<!tpu.dma_semaphore, #tpu.memory_space<semaphore_mem>>)
        %dma_wait3A = arith.constant 9480 : i32
        %dma_wait3A_33 = arith.constant 0 : i32
        %dma_wait3A_34 = tpu.memref_slice %arg7[%arg0, %dma_wait3A, %dma_wait3A_33] : memref<2x10000x128xf32, #tpu.memory_space<hbm>> -> memref<1x520x128xf32, #tpu.memory_space<hbm>>
        %dma_wait3A_35 = tpu.memref_squeeze %dma_wait3A_34 : memref<1x520x128xf32, #tpu.memory_space<hbm>> -> memref<520x128xf32, #tpu.memory_space<hbm>>
        %dma_wait3A_36 = arith.constant 9480 : i32
        %dma_wait3A_37 = arith.constant 0 : i32
        %dma_wait3A_38 = tpu.memref_slice %arg12[%dma_wait3A_36, %dma_wait3A_37] : memref<10000x128xf32, #tpu.memory_space<vmem_shared>> -> memref<520x128xf32, #tpu.memory_space<vmem_shared>>
        tpu.wait_dma2 semaphore(%run_scoped3A : memref<!tpu.dma_semaphore, #tpu.memory_space<semaphore_mem>>) src(%dma_wait3A_38 : memref<520x128xf32, #tpu.memory_space<vmem_shared>>) dst(%dma_wait3A_35 : memref<520x128xf32, #tpu.memory_space<hbm>>)
        tpu.yield
      }) : () -> ()
    } else {
    }
    return
  }
}

#map = affine_map<(d0, d1) -> (0, 0)>
#map1 = affine_map<(d0, d1) -> (0)>
#map2 = affine_map<(d0, d1) -> (0, 0, 0)>
module attributes {stable_mosaic.version = 14 : i64} {
  func.func @spmm(%arg0: i32, %arg1: i32, %arg2: memref<10000x128xf32, #tpu.memory_space<hbm>>, %arg3: memref<320000xi32, #tpu.memory_space<hbm>>, %arg4: memref<320000xi32, #tpu.memory_space<hbm>>, %arg5: memref<320000x16xf32, #tpu.memory_space<hbm>>, %arg6: memref<10000x128xf32, #tpu.memory_space<hbm>>, %arg7: memref<2x10000x128xf32, #tpu.memory_space<hbm>>, %arg8: memref<80xi32, #tpu.memory_space<vmem>>, %arg9: memref<80xi32, #tpu.memory_space<vmem>>, %arg10: memref<80x16xf32, #tpu.memory_space<vmem>>, %arg11: memref<80x128xf32, #tpu.memory_space<vmem>>, %arg12: memref<10000x128xf32, #tpu.memory_space<vmem_shared>>, %arg13: memref<!tpu.dma_semaphore, #tpu.memory_space<semaphore_mem>>) attributes {dimension_semantics = [#tpu.dimension_semantics<core_parallel>, #tpu.dimension_semantics<subcore_parallel>], iteration_bounds = array<i64: 2, 16>, scalar_prefetch = 0 : i64, scratch_operands = 6 : i64, tpu.core_type = #tpu.core_type<sc_vector_subcore>, window_params = [{transform_indices = #map}, {transform_indices = #map1}, {transform_indices = #map1}, {transform_indices = #map}, {transform_indices = #map}, {transform_indices = #map2}]} {
    %mul3A = arith.constant 2 : i32
    %mul3A_0 = arith.muli %arg1, %mul3A : i32
    %add3A = arith.addi %mul3A_0, %arg0 : i32
    %mul3A_1 = arith.constant 632 : i32
    %mul3A_2 = arith.muli %arg1, %mul3A_1 : i32
    %multiple_of3A = tpu.assume_multiple %mul3A_2, 8 : i32
    %lt3A = arith.constant 15 : i32
    %lt3A_3 = arith.cmpi slt, %arg1, %lt3A : i32
    %convert_element_type3A = arith.extui %lt3A_3 : i1 to i32
    %cond3A = arith.constant 0 : i32
    %cond3A_4 = arith.cmpi ne, %convert_element_type3A, %cond3A : i32
    scf.if %cond3A_4 {
      "tpu.region"() ({
        %run_scoped3A = tpu.sem_alloc : memref<!tpu.dma_semaphore, #tpu.memory_space<semaphore_mem>>
        %dma_start3A = arith.constant 0 : i32
        %dma_start3A_27 = tpu.memref_slice %arg12[%multiple_of3A, %dma_start3A] : memref<10000x128xf32, #tpu.memory_space<vmem_shared>> -> memref<632x128xf32, #tpu.memory_space<vmem_shared>>
        %dma_start3A_28 = arith.constant 0 : i32
        %dma_start3A_29 = tpu.memref_slice %arg6[%multiple_of3A, %dma_start3A_28] : memref<10000x128xf32, #tpu.memory_space<hbm>> -> memref<632x128xf32, #tpu.memory_space<hbm>>
        tpu.enqueue_dma source(%dma_start3A_29 : memref<632x128xf32, #tpu.memory_space<hbm>>) target(%dma_start3A_27 : memref<632x128xf32, #tpu.memory_space<vmem_shared>>) target_semaphore(%run_scoped3A : memref<!tpu.dma_semaphore, #tpu.memory_space<semaphore_mem>>)
        %dma_wait3A = arith.constant 0 : i32
        %dma_wait3A_30 = tpu.memref_slice %arg12[%multiple_of3A, %dma_wait3A] : memref<10000x128xf32, #tpu.memory_space<vmem_shared>> -> memref<632x128xf32, #tpu.memory_space<vmem_shared>>
        %dma_wait3A_31 = arith.constant 0 : i32
        %dma_wait3A_32 = tpu.memref_slice %arg6[%multiple_of3A, %dma_wait3A_31] : memref<10000x128xf32, #tpu.memory_space<hbm>> -> memref<632x128xf32, #tpu.memory_space<hbm>>
        tpu.wait_dma2 semaphore(%run_scoped3A : memref<!tpu.dma_semaphore, #tpu.memory_space<semaphore_mem>>) src(%dma_wait3A_32 : memref<632x128xf32, #tpu.memory_space<hbm>>) dst(%dma_wait3A_30 : memref<632x128xf32, #tpu.memory_space<vmem_shared>>)
        tpu.yield
      }) : () -> ()
    } else {
    }
    %eq3A = arith.constant 15 : i32
    %eq3A_5 = arith.cmpi eq, %arg1, %eq3A : i32
    %convert_element_type3A_6 = arith.extui %eq3A_5 : i1 to i32
    %cond3A_7 = arith.constant 0 : i32
    %cond3A_8 = arith.cmpi ne, %convert_element_type3A_6, %cond3A_7 : i32
    scf.if %cond3A_8 {
      "tpu.region"() ({
        %run_scoped3A = tpu.sem_alloc : memref<!tpu.dma_semaphore, #tpu.memory_space<semaphore_mem>>
        %dma_start3A = arith.constant 9480 : i32
        %dma_start3A_27 = arith.constant 0 : i32
        %dma_start3A_28 = tpu.memref_slice %arg12[%dma_start3A, %dma_start3A_27] : memref<10000x128xf32, #tpu.memory_space<vmem_shared>> -> memref<520x128xf32, #tpu.memory_space<vmem_shared>>
        %dma_start3A_29 = arith.constant 9480 : i32
        %dma_start3A_30 = arith.constant 0 : i32
        %dma_start3A_31 = tpu.memref_slice %arg6[%dma_start3A_29, %dma_start3A_30] : memref<10000x128xf32, #tpu.memory_space<hbm>> -> memref<520x128xf32, #tpu.memory_space<hbm>>
        tpu.enqueue_dma source(%dma_start3A_31 : memref<520x128xf32, #tpu.memory_space<hbm>>) target(%dma_start3A_28 : memref<520x128xf32, #tpu.memory_space<vmem_shared>>) target_semaphore(%run_scoped3A : memref<!tpu.dma_semaphore, #tpu.memory_space<semaphore_mem>>)
        %dma_wait3A = arith.constant 9480 : i32
        %dma_wait3A_32 = arith.constant 0 : i32
        %dma_wait3A_33 = tpu.memref_slice %arg12[%dma_wait3A, %dma_wait3A_32] : memref<10000x128xf32, #tpu.memory_space<vmem_shared>> -> memref<520x128xf32, #tpu.memory_space<vmem_shared>>
        %dma_wait3A_34 = arith.constant 9480 : i32
        %dma_wait3A_35 = arith.constant 0 : i32
        %dma_wait3A_36 = tpu.memref_slice %arg6[%dma_wait3A_34, %dma_wait3A_35] : memref<10000x128xf32, #tpu.memory_space<hbm>> -> memref<520x128xf32, #tpu.memory_space<hbm>>
        tpu.wait_dma2 semaphore(%run_scoped3A : memref<!tpu.dma_semaphore, #tpu.memory_space<semaphore_mem>>) src(%dma_wait3A_36 : memref<520x128xf32, #tpu.memory_space<hbm>>) dst(%dma_wait3A_33 : memref<520x128xf32, #tpu.memory_space<vmem_shared>>)
        tpu.yield
      }) : () -> ()
    } else {
    }
    %barrier3A = arith.constant 0 : index
    tpu.barrier barrier_id(%barrier3A)
    %mul3A_9 = arith.constant 10000 : i32
    %mul3A_10 = arith.muli %add3A, %mul3A_9 : i32
    %scan3A = arith.constant 0 : i32
    %scan3A_11 = arith.constant 0 : i32
    %scan3A_12 = arith.constant 125 : i32
    %scan3A_13 = arith.addi %scan3A_11, %scan3A_12 : i32
    %scan3A_14 = arith.constant 1 : i32
    scf.for %scan3A_27 = %scan3A_11 to %scan3A_13 step %scan3A_14  : i32 {
      %mul3A_28 = arith.constant 80 : i32
      %mul3A_29 = arith.muli %scan3A_27, %mul3A_28 : i32
      %add3A_30 = arith.addi %mul3A_10, %mul3A_29 : i32
      %multiple_of3A_31 = tpu.assume_multiple %add3A_30, 8 : i32
      "tpu.region"() ({
        %run_scoped3A = tpu.sem_alloc : memref<!tpu.dma_semaphore, #tpu.memory_space<semaphore_mem>>
        %dma_start3A_42 = tpu.memref_slice %arg4[%multiple_of3A_31] : memref<320000xi32, #tpu.memory_space<hbm>> -> memref<80xi32, #tpu.memory_space<hbm>>
        %dma_start3A_43 = tpu.memref_slice %arg4[%multiple_of3A_31] : memref<320000xi32, #tpu.memory_space<hbm>> -> memref<80xi32, #tpu.memory_space<hbm>>
        tpu.enqueue_dma source(%dma_start3A_43 : memref<80xi32, #tpu.memory_space<hbm>>) target(%arg8 : memref<80xi32, #tpu.memory_space<vmem>>) target_semaphore(%run_scoped3A : memref<!tpu.dma_semaphore, #tpu.memory_space<semaphore_mem>>)
        %dma_wait3A_44 = tpu.memref_slice %arg4[%multiple_of3A_31] : memref<320000xi32, #tpu.memory_space<hbm>> -> memref<80xi32, #tpu.memory_space<hbm>>
        %dma_wait3A_45 = tpu.memref_slice %arg4[%multiple_of3A_31] : memref<320000xi32, #tpu.memory_space<hbm>> -> memref<80xi32, #tpu.memory_space<hbm>>
        tpu.wait_dma2 semaphore(%run_scoped3A : memref<!tpu.dma_semaphore, #tpu.memory_space<semaphore_mem>>) src(%dma_wait3A_45 : memref<80xi32, #tpu.memory_space<hbm>>) dst(%arg8 : memref<80xi32, #tpu.memory_space<vmem>>)
        tpu.yield
      }) : () -> ()
      "tpu.region"() ({
        %run_scoped3A = tpu.sem_alloc : memref<!tpu.dma_semaphore, #tpu.memory_space<semaphore_mem>>
        %dma_start3A_42 = tpu.memref_slice %arg3[%multiple_of3A_31] : memref<320000xi32, #tpu.memory_space<hbm>> -> memref<80xi32, #tpu.memory_space<hbm>>
        %dma_start3A_43 = tpu.memref_slice %arg3[%multiple_of3A_31] : memref<320000xi32, #tpu.memory_space<hbm>> -> memref<80xi32, #tpu.memory_space<hbm>>
        tpu.enqueue_dma source(%dma_start3A_43 : memref<80xi32, #tpu.memory_space<hbm>>) target(%arg9 : memref<80xi32, #tpu.memory_space<vmem>>) target_semaphore(%run_scoped3A : memref<!tpu.dma_semaphore, #tpu.memory_space<semaphore_mem>>)
        %dma_wait3A_44 = tpu.memref_slice %arg3[%multiple_of3A_31] : memref<320000xi32, #tpu.memory_space<hbm>> -> memref<80xi32, #tpu.memory_space<hbm>>
        %dma_wait3A_45 = tpu.memref_slice %arg3[%multiple_of3A_31] : memref<320000xi32, #tpu.memory_space<hbm>> -> memref<80xi32, #tpu.memory_space<hbm>>
        tpu.wait_dma2 semaphore(%run_scoped3A : memref<!tpu.dma_semaphore, #tpu.memory_space<semaphore_mem>>) src(%dma_wait3A_45 : memref<80xi32, #tpu.memory_space<hbm>>) dst(%arg9 : memref<80xi32, #tpu.memory_space<vmem>>)
        tpu.yield
      }) : () -> ()
      "tpu.region"() ({
        %run_scoped3A = tpu.sem_alloc : memref<!tpu.dma_semaphore, #tpu.memory_space<semaphore_mem>>
        %dma_start3A_42 = arith.constant 0 : i32
        %dma_start3A_43 = tpu.memref_slice %arg5[%multiple_of3A_31, %dma_start3A_42] : memref<320000x16xf32, #tpu.memory_space<hbm>> -> memref<80x16xf32, #tpu.memory_space<hbm>>
        %dma_start3A_44 = arith.constant 0 : i32
        %dma_start3A_45 = tpu.memref_slice %arg5[%multiple_of3A_31, %dma_start3A_44] : memref<320000x16xf32, #tpu.memory_space<hbm>> -> memref<80x16xf32, #tpu.memory_space<hbm>>
        tpu.enqueue_dma source(%dma_start3A_45 : memref<80x16xf32, #tpu.memory_space<hbm>>) target(%arg10 : memref<80x16xf32, #tpu.memory_space<vmem>>) target_semaphore(%run_scoped3A : memref<!tpu.dma_semaphore, #tpu.memory_space<semaphore_mem>>)
        %dma_wait3A_46 = arith.constant 0 : i32
        %dma_wait3A_47 = tpu.memref_slice %arg5[%multiple_of3A_31, %dma_wait3A_46] : memref<320000x16xf32, #tpu.memory_space<hbm>> -> memref<80x16xf32, #tpu.memory_space<hbm>>
        %dma_wait3A_48 = arith.constant 0 : i32
        %dma_wait3A_49 = tpu.memref_slice %arg5[%multiple_of3A_31, %dma_wait3A_48] : memref<320000x16xf32, #tpu.memory_space<hbm>> -> memref<80x16xf32, #tpu.memory_space<hbm>>
        tpu.wait_dma2 semaphore(%run_scoped3A : memref<!tpu.dma_semaphore, #tpu.memory_space<semaphore_mem>>) src(%dma_wait3A_49 : memref<80x16xf32, #tpu.memory_space<hbm>>) dst(%arg10 : memref<80x16xf32, #tpu.memory_space<vmem>>)
        tpu.yield
      }) : () -> ()
      %dma_start3A = arith.constant 0 : i32
      %dma_start3A_32 = arith.constant 0 : i32
      %dma_start3A_33 = tpu.memref_slice %arg2[%dma_start3A, %dma_start3A_32] : memref<10000x128xf32, #tpu.memory_space<hbm>> -> memref<10000x128xf32, #tpu.memory_space<hbm>>
      tpu.enqueue_indirect_dma source(%dma_start3A_33 : memref<10000x128xf32, #tpu.memory_space<hbm>>) target(%arg11 : memref<80x128xf32, #tpu.memory_space<vmem>>) offsets(%arg8 : memref<80xi32, #tpu.memory_space<vmem>>) semaphore(%arg13 : memref<!tpu.dma_semaphore, #tpu.memory_space<semaphore_mem>>)
      %dma_wait3A = arith.constant 0 : i32
      %dma_wait3A_34 = arith.constant 0 : i32
      %dma_wait3A_35 = tpu.memref_slice %arg2[%dma_wait3A, %dma_wait3A_34] : memref<10000x128xf32, #tpu.memory_space<hbm>> -> memref<10000x128xf32, #tpu.memory_space<hbm>>
      tpu.wait_indirect_dma semaphore(%arg13 : memref<!tpu.dma_semaphore, #tpu.memory_space<semaphore_mem>>) src(%dma_wait3A_35 : memref<10000x128xf32, #tpu.memory_space<hbm>>) dst(%arg11 : memref<80x128xf32, #tpu.memory_space<vmem>>)
      %scan3A_36 = arith.constant 0 : i32
      %scan3A_37 = arith.constant 0 : i32
      %scan3A_38 = arith.constant 80 : i32
      %scan3A_39 = arith.addi %scan3A_37, %scan3A_38 : i32
      %scan3A_40 = arith.constant 1 : i32
      scf.for %scan3A_42 = %scan3A_37 to %scan3A_39 step %scan3A_40  : i32 {
        %get3A = arith.index_cast %scan3A_42 : i32 to index
        %get3A_43 = arith.constant 0 : index
        %get3A_44 = tpu.vector_load %arg10[%get3A, %get3A_43] {strides = array<i32>} : memref<80x16xf32, #tpu.memory_space<vmem>>, vector<1x16xf32>,
        %get3A_45 = vector.shape_cast %get3A_44 : vector<1x16xf32> to vector<16xf32>
        %get3A_46 = arith.index_cast %scan3A_42 : i32 to index
        %get3A_47 = arith.constant 0 : index
        %get3A_48 = tpu.vector_load %arg11[%get3A_46, %get3A_47] {strides = array<i32>} : memref<80x128xf32, #tpu.memory_space<vmem>>, vector<1x16xf32>,
        %get3A_49 = vector.shape_cast %get3A_48 : vector<1x16xf32> to vector<16xf32>
        %mul3A_50 = arith.mulf %get3A_49, %get3A_45 : vector<16xf32>
        %swap3A = arith.index_cast %scan3A_42 : i32 to index
        %swap3A_51 = arith.constant 0 : index
        %swap3A_52 = tpu.vector_load %arg11[%swap3A, %swap3A_51] {strides = array<i32>} : memref<80x128xf32, #tpu.memory_space<vmem>>, vector<1x16xf32>,
        %swap3A_53 = vector.shape_cast %swap3A_52 : vector<1x16xf32> to vector<16xf32>
        %swap3A_54 = vector.shape_cast %mul3A_50 : vector<16xf32> to vector<1x16xf32>
        tpu.vector_store %arg11[%swap3A, %swap3A_51], %swap3A_54 {strides = array<i32>} : memref<80x128xf32, #tpu.memory_space<vmem>>, vector<1x16xf32>,
        %get3A_55 = arith.index_cast %scan3A_42 : i32 to index
        %get3A_56 = arith.constant 16 : index
        %get3A_57 = tpu.vector_load %arg11[%get3A_55, %get3A_56] {strides = array<i32>} : memref<80x128xf32, #tpu.memory_space<vmem>>, vector<1x16xf32>,
        %get3A_58 = vector.shape_cast %get3A_57 : vector<1x16xf32> to vector<16xf32>
        %mul3A_59 = arith.mulf %get3A_58, %get3A_45 : vector<16xf32>
        %swap3A_60 = arith.index_cast %scan3A_42 : i32 to index
        %swap3A_61 = arith.constant 16 : index
        %swap3A_62 = tpu.vector_load %arg11[%swap3A_60, %swap3A_61] {strides = array<i32>} : memref<80x128xf32, #tpu.memory_space<vmem>>, vector<1x16xf32>,
        %swap3A_63 = vector.shape_cast %swap3A_62 : vector<1x16xf32> to vector<16xf32>
        %swap3A_64 = vector.shape_cast %mul3A_59 : vector<16xf32> to vector<1x16xf32>
        tpu.vector_store %arg11[%swap3A_60, %swap3A_61], %swap3A_64 {strides = array<i32>} : memref<80x128xf32, #tpu.memory_space<vmem>>, vector<1x16xf32>,
        %get3A_65 = arith.index_cast %scan3A_42 : i32 to index
        %get3A_66 = arith.constant 32 : index
        %get3A_67 = tpu.vector_load %arg11[%get3A_65, %get3A_66] {strides = array<i32>} : memref<80x128xf32, #tpu.memory_space<vmem>>, vector<1x16xf32>,
        %get3A_68 = vector.shape_cast %get3A_67 : vector<1x16xf32> to vector<16xf32>
        %mul3A_69 = arith.mulf %get3A_68, %get3A_45 : vector<16xf32>
        %swap3A_70 = arith.index_cast %scan3A_42 : i32 to index
        %swap3A_71 = arith.constant 32 : index
        %swap3A_72 = tpu.vector_load %arg11[%swap3A_70, %swap3A_71] {strides = array<i32>} : memref<80x128xf32, #tpu.memory_space<vmem>>, vector<1x16xf32>,
        %swap3A_73 = vector.shape_cast %swap3A_72 : vector<1x16xf32> to vector<16xf32>
        %swap3A_74 = vector.shape_cast %mul3A_69 : vector<16xf32> to vector<1x16xf32>
        tpu.vector_store %arg11[%swap3A_70, %swap3A_71], %swap3A_74 {strides = array<i32>} : memref<80x128xf32, #tpu.memory_space<vmem>>, vector<1x16xf32>,
        %get3A_75 = arith.index_cast %scan3A_42 : i32 to index
        %get3A_76 = arith.constant 48 : index
        %get3A_77 = tpu.vector_load %arg11[%get3A_75, %get3A_76] {strides = array<i32>} : memref<80x128xf32, #tpu.memory_space<vmem>>, vector<1x16xf32>,
        %get3A_78 = vector.shape_cast %get3A_77 : vector<1x16xf32> to vector<16xf32>
        %mul3A_79 = arith.mulf %get3A_78, %get3A_45 : vector<16xf32>
        %swap3A_80 = arith.index_cast %scan3A_42 : i32 to index
        %swap3A_81 = arith.constant 48 : index
        %swap3A_82 = tpu.vector_load %arg11[%swap3A_80, %swap3A_81] {strides = array<i32>} : memref<80x128xf32, #tpu.memory_space<vmem>>, vector<1x16xf32>,
        %swap3A_83 = vector.shape_cast %swap3A_82 : vector<1x16xf32> to vector<16xf32>
        %swap3A_84 = vector.shape_cast %mul3A_79 : vector<16xf32> to vector<1x16xf32>
        tpu.vector_store %arg11[%swap3A_80, %swap3A_81], %swap3A_84 {strides = array<i32>} : memref<80x128xf32, #tpu.memory_space<vmem>>, vector<1x16xf32>,
        %get3A_85 = arith.index_cast %scan3A_42 : i32 to index
        %get3A_86 = arith.constant 64 : index
        %get3A_87 = tpu.vector_load %arg11[%get3A_85, %get3A_86] {strides = array<i32>} : memref<80x128xf32, #tpu.memory_space<vmem>>, vector<1x16xf32>,
        %get3A_88 = vector.shape_cast %get3A_87 : vector<1x16xf32> to vector<16xf32>
        %mul3A_89 = arith.mulf %get3A_88, %get3A_45 : vector<16xf32>
        %swap3A_90 = arith.index_cast %scan3A_42 : i32 to index
        %swap3A_91 = arith.constant 64 : index
        %swap3A_92 = tpu.vector_load %arg11[%swap3A_90, %swap3A_91] {strides = array<i32>} : memref<80x128xf32, #tpu.memory_space<vmem>>, vector<1x16xf32>,
        %swap3A_93 = vector.shape_cast %swap3A_92 : vector<1x16xf32> to vector<16xf32>
        %swap3A_94 = vector.shape_cast %mul3A_89 : vector<16xf32> to vector<1x16xf32>
        tpu.vector_store %arg11[%swap3A_90, %swap3A_91], %swap3A_94 {strides = array<i32>} : memref<80x128xf32, #tpu.memory_space<vmem>>, vector<1x16xf32>,
        %get3A_95 = arith.index_cast %scan3A_42 : i32 to index
        %get3A_96 = arith.constant 80 : index
        %get3A_97 = tpu.vector_load %arg11[%get3A_95, %get3A_96] {strides = array<i32>} : memref<80x128xf32, #tpu.memory_space<vmem>>, vector<1x16xf32>,
        %get3A_98 = vector.shape_cast %get3A_97 : vector<1x16xf32> to vector<16xf32>
        %mul3A_99 = arith.mulf %get3A_98, %get3A_45 : vector<16xf32>
        %swap3A_100 = arith.index_cast %scan3A_42 : i32 to index
        %swap3A_101 = arith.constant 80 : index
        %swap3A_102 = tpu.vector_load %arg11[%swap3A_100, %swap3A_101] {strides = array<i32>} : memref<80x128xf32, #tpu.memory_space<vmem>>, vector<1x16xf32>,
        %swap3A_103 = vector.shape_cast %swap3A_102 : vector<1x16xf32> to vector<16xf32>
        %swap3A_104 = vector.shape_cast %mul3A_99 : vector<16xf32> to vector<1x16xf32>
        tpu.vector_store %arg11[%swap3A_100, %swap3A_101], %swap3A_104 {strides = array<i32>} : memref<80x128xf32, #tpu.memory_space<vmem>>, vector<1x16xf32>,
        %get3A_105 = arith.index_cast %scan3A_42 : i32 to index
        %get3A_106 = arith.constant 96 : index
        %get3A_107 = tpu.vector_load %arg11[%get3A_105, %get3A_106] {strides = array<i32>} : memref<80x128xf32, #tpu.memory_space<vmem>>, vector<1x16xf32>,
        %get3A_108 = vector.shape_cast %get3A_107 : vector<1x16xf32> to vector<16xf32>
        %mul3A_109 = arith.mulf %get3A_108, %get3A_45 : vector<16xf32>
        %swap3A_110 = arith.index_cast %scan3A_42 : i32 to index
        %swap3A_111 = arith.constant 96 : index
        %swap3A_112 = tpu.vector_load %arg11[%swap3A_110, %swap3A_111] {strides = array<i32>} : memref<80x128xf32, #tpu.memory_space<vmem>>, vector<1x16xf32>,
        %swap3A_113 = vector.shape_cast %swap3A_112 : vector<1x16xf32> to vector<16xf32>
        %swap3A_114 = vector.shape_cast %mul3A_109 : vector<16xf32> to vector<1x16xf32>
        tpu.vector_store %arg11[%swap3A_110, %swap3A_111], %swap3A_114 {strides = array<i32>} : memref<80x128xf32, #tpu.memory_space<vmem>>, vector<1x16xf32>,
        %get3A_115 = arith.index_cast %scan3A_42 : i32 to index
        %get3A_116 = arith.constant 112 : index
        %get3A_117 = tpu.vector_load %arg11[%get3A_115, %get3A_116] {strides = array<i32>} : memref<80x128xf32, #tpu.memory_space<vmem>>, vector<1x16xf32>,
        %get3A_118 = vector.shape_cast %get3A_117 : vector<1x16xf32> to vector<16xf32>
        %mul3A_119 = arith.mulf %get3A_118, %get3A_45 : vector<16xf32>
        %swap3A_120 = arith.index_cast %scan3A_42 : i32 to index
        %swap3A_121 = arith.constant 112 : index
        %swap3A_122 = tpu.vector_load %arg11[%swap3A_120, %swap3A_121] {strides = array<i32>} : memref<80x128xf32, #tpu.memory_space<vmem>>, vector<1x16xf32>,
        %swap3A_123 = vector.shape_cast %swap3A_122 : vector<1x16xf32> to vector<16xf32>
        %swap3A_124 = vector.shape_cast %mul3A_119 : vector<16xf32> to vector<1x16xf32>
        tpu.vector_store %arg11[%swap3A_120, %swap3A_121], %swap3A_124 {strides = array<i32>} : memref<80x128xf32, #tpu.memory_space<vmem>>, vector<1x16xf32>,
      }
      %scan3A_41 = arith.constant 80 : i32
      "tpu.region"() ({
        %run_scoped3A = tpu.sem_alloc : memref<!tpu.dma_semaphore, #tpu.memory_space<semaphore_mem>>
        %dma_start3A_42 = arith.constant 0 : i32
        %dma_start3A_43 = arith.constant 0 : i32
        %dma_start3A_44 = tpu.memref_slice %arg12[%dma_start3A_42, %dma_start3A_43] : memref<10000x128xf32, #tpu.memory_space<vmem_shared>> -> memref<10000x128xf32, #tpu.memory_space<vmem_shared>>
        tpu.enqueue_indirect_dma source(%arg11 : memref<80x128xf32, #tpu.memory_space<vmem>>) target(%dma_start3A_44 : memref<10000x128xf32, #tpu.memory_space<vmem_shared>>) offsets(%arg9 : memref<80xi32, #tpu.memory_space<vmem>>) semaphore(%run_scoped3A : memref<!tpu.dma_semaphore, #tpu.memory_space<semaphore_mem>>) {add = true}
        %dma_wait3A_45 = arith.constant 0 : i32
        %dma_wait3A_46 = arith.constant 0 : i32
        %dma_wait3A_47 = tpu.memref_slice %arg12[%dma_wait3A_45, %dma_wait3A_46] : memref<10000x128xf32, #tpu.memory_space<vmem_shared>> -> memref<10000x128xf32, #tpu.memory_space<vmem_shared>>
        tpu.wait_indirect_dma semaphore(%run_scoped3A : memref<!tpu.dma_semaphore, #tpu.memory_space<semaphore_mem>>) src(%arg11 : memref<80x128xf32, #tpu.memory_space<vmem>>) dst(%dma_wait3A_47 : memref<10000x128xf32, #tpu.memory_space<vmem_shared>>)
        tpu.yield
      }) : () -> ()
    }
    %scan3A_15 = arith.constant 125 : i32
    %barrier3A_16 = arith.constant 0 : index
    tpu.barrier barrier_id(%barrier3A_16)
    %lt3A_17 = arith.constant 15 : i32
    %lt3A_18 = arith.cmpi slt, %arg1, %lt3A_17 : i32
    %convert_element_type3A_19 = arith.extui %lt3A_18 : i1 to i32
    %cond3A_20 = arith.constant 0 : i32
    %cond3A_21 = arith.cmpi ne, %convert_element_type3A_19, %cond3A_20 : i32
    scf.if %cond3A_21 {
      "tpu.region"() ({
        %run_scoped3A = tpu.sem_alloc : memref<!tpu.dma_semaphore, #tpu.memory_space<semaphore_mem>>
        %dma_start3A = arith.constant 0 : i32
        %dma_start3A_27 = tpu.memref_slice %arg7[%arg0, %multiple_of3A, %dma_start3A] : memref<2x10000x128xf32, #tpu.memory_space<hbm>> -> memref<1x632x128xf32, #tpu.memory_space<hbm>>
        %dma_start3A_28 = tpu.memref_squeeze %dma_start3A_27 : memref<1x632x128xf32, #tpu.memory_space<hbm>> -> memref<632x128xf32, #tpu.memory_space<hbm>>
        %dma_start3A_29 = arith.constant 0 : i32
        %dma_start3A_30 = tpu.memref_slice %arg12[%multiple_of3A, %dma_start3A_29] : memref<10000x128xf32, #tpu.memory_space<vmem_shared>> -> memref<632x128xf32, #tpu.memory_space<vmem_shared>>
        tpu.enqueue_dma source(%dma_start3A_30 : memref<632x128xf32, #tpu.memory_space<vmem_shared>>) target(%dma_start3A_28 : memref<632x128xf32, #tpu.memory_space<hbm>>) target_semaphore(%run_scoped3A : memref<!tpu.dma_semaphore, #tpu.memory_space<semaphore_mem>>)
        %dma_wait3A = arith.constant 0 : i32
        %dma_wait3A_31 = tpu.memref_slice %arg7[%arg0, %multiple_of3A, %dma_wait3A] : memref<2x10000x128xf32, #tpu.memory_space<hbm>> -> memref<1x632x128xf32, #tpu.memory_space<hbm>>
        %dma_wait3A_32 = tpu.memref_squeeze %dma_wait3A_31 : memref<1x632x128xf32, #tpu.memory_space<hbm>> -> memref<632x128xf32, #tpu.memory_space<hbm>>
        %dma_wait3A_33 = arith.constant 0 : i32
        %dma_wait3A_34 = tpu.memref_slice %arg12[%multiple_of3A, %dma_wait3A_33] : memref<10000x128xf32, #tpu.memory_space<vmem_shared>> -> memref<632x128xf32, #tpu.memory_space<vmem_shared>>
        tpu.wait_dma2 semaphore(%run_scoped3A : memref<!tpu.dma_semaphore, #tpu.memory_space<semaphore_mem>>) src(%dma_wait3A_34 : memref<632x128xf32, #tpu.memory_space<vmem_shared>>) dst(%dma_wait3A_32 : memref<632x128xf32, #tpu.memory_space<hbm>>)
        tpu.yield
      }) : () -> ()
    } else {
    }
    %eq3A_22 = arith.constant 15 : i32
    %eq3A_23 = arith.cmpi eq, %arg1, %eq3A_22 : i32
    %convert_element_type3A_24 = arith.extui %eq3A_23 : i1 to i32
    %cond3A_25 = arith.constant 0 : i32
    %cond3A_26 = arith.cmpi ne, %convert_element_type3A_24, %cond3A_25 : i32
    scf.if %cond3A_26 {
      "tpu.region"() ({
        %run_scoped3A = tpu.sem_alloc : memref<!tpu.dma_semaphore, #tpu.memory_space<semaphore_mem>>
        %dma_start3A = arith.constant 9480 : i32
        %dma_start3A_27 = arith.constant 0 : i32
        %dma_start3A_28 = tpu.memref_slice %arg7[%arg0, %dma_start3A, %dma_start3A_27] : memref<2x10000x128xf32, #tpu.memory_space<hbm>> -> memref<1x520x128xf32, #tpu.memory_space<hbm>>
        %dma_start3A_29 = tpu.memref_squeeze %dma_start3A_28 : memref<1x520x128xf32, #tpu.memory_space<hbm>> -> memref<520x128xf32, #tpu.memory_space<hbm>>
        %dma_start3A_30 = arith.constant 9480 : i32
        %dma_start3A_31 = arith.constant 0 : i32
        %dma_start3A_32 = tpu.memref_slice %arg12[%dma_start3A_30, %dma_start3A_31] : memref<10000x128xf32, #tpu.memory_space<vmem_shared>> -> memref<520x128xf32, #tpu.memory_space<vmem_shared>>
        tpu.enqueue_dma source(%dma_start3A_32 : memref<520x128xf32, #tpu.memory_space<vmem_shared>>) target(%dma_start3A_29 : memref<520x128xf32, #tpu.memory_space<hbm>>) target_semaphore(%run_scoped3A : memref<!tpu.dma_semaphore, #tpu.memory_space<semaphore_mem>>)
        %dma_wait3A = arith.constant 9480 : i32
        %dma_wait3A_33 = arith.constant 0 : i32
        %dma_wait3A_34 = tpu.memref_slice %arg7[%arg0, %dma_wait3A, %dma_wait3A_33] : memref<2x10000x128xf32, #tpu.memory_space<hbm>> -> memref<1x520x128xf32, #tpu.memory_space<hbm>>
        %dma_wait3A_35 = tpu.memref_squeeze %dma_wait3A_34 : memref<1x520x128xf32, #tpu.memory_space<hbm>> -> memref<520x128xf32, #tpu.memory_space<hbm>>
        %dma_wait3A_36 = arith.constant 9480 : i32
        %dma_wait3A_37 = arith.constant 0 : i32
        %dma_wait3A_38 = tpu.memref_slice %arg12[%dma_wait3A_36, %dma_wait3A_37] : memref<10000x128xf32, #tpu.memory_space<vmem_shared>> -> memref<520x128xf32, #tpu.memory_space<vmem_shared>>
        tpu.wait_dma2 semaphore(%run_scoped3A : memref<!tpu.dma_semaphore, #tpu.memory_space<semaphore_mem>>) src(%dma_wait3A_38 : memref<520x128xf32, #tpu.memory_space<vmem_shared>>) dst(%dma_wait3A_35 : memref<520x128xf32, #tpu.memory_space<hbm>>)
        tpu.yield
      }) : () -> ()
    } else {
    }
    return
  }
}

module attributes {stable_mosaic.version = 14 : i64} {
  func.func @body(%arg0: i32, %arg1: memref<2x1000x128xf32, #tpu.memory_space<vmem>>, %arg2: memref<1000x128xf32, #tpu.memory_space<vmem>>, %arg3: memref<1000x128xf32, #tpu.memory_space<vmem>>) attributes {dimension_semantics = [#tpu.dimension_semantics<arbitrary>], iteration_bounds = array<i64: 10>, scalar_prefetch = 0 : i64, scratch_operands = 0 : i64, tpu.core_type = #tpu.core_type<tc>, window_params = [{transform_indices = @transform_0, window_bounds = array<i64: 2, 1000, 128>}, {transform_indices = @transform_1, window_bounds = array<i64: 1000, 128>}, {transform_indices = @transform_2, window_bounds = array<i64: 1000, 128>}]} {
    %get3A = arith.constant 0 : index
    %get3A_0 = arith.constant 0 : index
    %get3A_1 = arith.constant 0 : index
    %get3A_2 = vector.load %arg1[%get3A, %get3A_0, %get3A_1] : memref<2x1000x128xf32, #tpu.memory_space<vmem>>, vector<1x1000x128xf32>
    %get3A_3 = vector.shape_cast %get3A_2 : vector<1x1000x128xf32> to vector<1000x128xf32>
    %get3A_4 = arith.constant 1 : index
    %get3A_5 = arith.constant 0 : index
    %get3A_6 = arith.constant 0 : index
    %get3A_7 = vector.load %arg1[%get3A_4, %get3A_5, %get3A_6] : memref<2x1000x128xf32, #tpu.memory_space<vmem>>, vector<1x1000x128xf32>
    %get3A_8 = vector.shape_cast %get3A_7 : vector<1x1000x128xf32> to vector<1000x128xf32>
    %add3A = arith.addf %get3A_3, %get3A_8 : vector<1000x128xf32>
    %mul3A = arith.constant 1.000000e+00 : f32
    %mul3A_9 = vector.broadcast %mul3A : f32 to vector<1000x128xf32>
    %mul3A_10 = arith.mulf %mul3A_9, %add3A : vector<1000x128xf32>
    %get3A_11 = arith.constant 0 : index
    %get3A_12 = arith.constant 0 : index
    %get3A_13 = vector.load %arg2[%get3A_11, %get3A_12] : memref<1000x128xf32, #tpu.memory_space<vmem>>, vector<1000x128xf32>
    %mul3A_14 = arith.constant 0.000000e+00 : f32
    %mul3A_15 = vector.broadcast %mul3A_14 : f32 to vector<1000x128xf32>
    %mul3A_16 = arith.mulf %mul3A_15, %get3A_13 : vector<1000x128xf32>
    %sub3A = arith.subf %mul3A_10, %mul3A_16 : vector<1000x128xf32>
    %swap3A = arith.constant 0 : index
    %swap3A_17 = arith.constant 0 : index
    %swap3A_18 = vector.load %arg3[%swap3A, %swap3A_17] : memref<1000x128xf32, #tpu.memory_space<vmem>>, vector<1000x128xf32>
    tpu.vector_store %arg3[%swap3A, %swap3A_17], %sub3A {strides = array<i32>} : memref<1000x128xf32, #tpu.memory_space<vmem>>, vector<1000x128xf32>,
    return
  }
  func.func @transform_0(%arg0: i32) -> (i32, i32, i32) {
    %c0_i32 = arith.constant 0 : i32
    %c0_i32_0 = arith.constant 0 : i32
    %c0_i32_1 = arith.constant 0 : i32
    return %c0_i32, %arg0, %c0_i32_0 : i32, i32, i32
  }
  func.func @transform_1(%arg0: i32) -> (i32, i32) {
    %c0_i32 = arith.constant 0 : i32
    %c0_i32_0 = arith.constant 0 : i32
    return %arg0, %c0_i32 : i32, i32
  }
  func.func @transform_2(%arg0: i32) -> (i32, i32) {
    %c0_i32 = arith.constant 0 : i32
    %c0_i32_0 = arith.constant 0 : i32
    return %arg0, %c0_i32 : i32, i32
  }
}

module attributes {stable_mosaic.version = 14 : i64} {
  func.func @body(%arg0: i32, %arg1: memref<2x1000x128xf32, #tpu.memory_space<vmem>>, %arg2: memref<1000x128xf32, #tpu.memory_space<vmem>>, %arg3: memref<1000x128xf32, #tpu.memory_space<vmem>>) attributes {dimension_semantics = [#tpu.dimension_semantics<arbitrary>], iteration_bounds = array<i64: 10>, scalar_prefetch = 0 : i64, scratch_operands = 0 : i64, tpu.core_type = #tpu.core_type<tc>, window_params = [{transform_indices = @transform_0, window_bounds = array<i64: 2, 1000, 128>}, {transform_indices = @transform_1, window_bounds = array<i64: 1000, 128>}, {transform_indices = @transform_2, window_bounds = array<i64: 1000, 128>}]} {
    %get3A = arith.constant 0 : index
    %get3A_0 = arith.constant 0 : index
    %get3A_1 = arith.constant 0 : index
    %get3A_2 = vector.load %arg1[%get3A, %get3A_0, %get3A_1] : memref<2x1000x128xf32, #tpu.memory_space<vmem>>, vector<1x1000x128xf32>
    %get3A_3 = vector.shape_cast %get3A_2 : vector<1x1000x128xf32> to vector<1000x128xf32>
    %get3A_4 = arith.constant 1 : index
    %get3A_5 = arith.constant 0 : index
    %get3A_6 = arith.constant 0 : index
    %get3A_7 = vector.load %arg1[%get3A_4, %get3A_5, %get3A_6] : memref<2x1000x128xf32, #tpu.memory_space<vmem>>, vector<1x1000x128xf32>
    %get3A_8 = vector.shape_cast %get3A_7 : vector<1x1000x128xf32> to vector<1000x128xf32>
    %add3A = arith.addf %get3A_3, %get3A_8 : vector<1000x128xf32>
    %mul3A = arith.constant 2.000000e+00 : f32
    %mul3A_9 = vector.broadcast %mul3A : f32 to vector<1000x128xf32>
    %mul3A_10 = arith.mulf %mul3A_9, %add3A : vector<1000x128xf32>
    %get3A_11 = arith.constant 0 : index
    %get3A_12 = arith.constant 0 : index
    %get3A_13 = vector.load %arg2[%get3A_11, %get3A_12] : memref<1000x128xf32, #tpu.memory_space<vmem>>, vector<1000x128xf32>
    %mul3A_14 = arith.constant 1.000000e+00 : f32
    %mul3A_15 = vector.broadcast %mul3A_14 : f32 to vector<1000x128xf32>
    %mul3A_16 = arith.mulf %mul3A_15, %get3A_13 : vector<1000x128xf32>
    %sub3A = arith.subf %mul3A_10, %mul3A_16 : vector<1000x128xf32>
    %swap3A = arith.constant 0 : index
    %swap3A_17 = arith.constant 0 : index
    %swap3A_18 = vector.load %arg3[%swap3A, %swap3A_17] : memref<1000x128xf32, #tpu.memory_space<vmem>>, vector<1000x128xf32>
    tpu.vector_store %arg3[%swap3A, %swap3A_17], %sub3A {strides = array<i32>} : memref<1000x128xf32, #tpu.memory_space<vmem>>, vector<1000x128xf32>,
    return
  }
  func.func @transform_0(%arg0: i32) -> (i32, i32, i32) {
    %c0_i32 = arith.constant 0 : i32
    %c0_i32_0 = arith.constant 0 : i32
    %c0_i32_1 = arith.constant 0 : i32
    return %c0_i32, %arg0, %c0_i32_0 : i32, i32, i32
  }
  func.func @transform_1(%arg0: i32) -> (i32, i32) {
    %c0_i32 = arith.constant 0 : i32
    %c0_i32_0 = arith.constant 0 : i32
    return %arg0, %c0_i32 : i32, i32
  }
  func.func @transform_2(%arg0: i32) -> (i32, i32) {
    %c0_i32 = arith.constant 0 : i32
    %c0_i32_0 = arith.constant 0 : i32
    return %arg0, %c0_i32 : i32, i32
  }
}

module attributes {stable_mosaic.version = 14 : i64} {
  func.func @body(%arg0: i32, %arg1: memref<1000x128xf32, #tpu.memory_space<vmem>>, %arg2: memref<1000x128xf32, #tpu.memory_space<vmem>>, %arg3: memref<1000x128xf32, #tpu.memory_space<vmem>>, %arg4: memref<1000x128xf32, #tpu.memory_space<vmem>>, %arg5: memref<1000x128xf32, #tpu.memory_space<vmem>>, %arg6: memref<1000x128xf32, #tpu.memory_space<vmem>>, %arg7: memref<1000x128xf32, #tpu.memory_space<vmem>>, %arg8: memref<1000x128xf32, #tpu.memory_space<vmem>>, %arg9: memref<1000x128xf32, #tpu.memory_space<vmem>>, %arg10: memref<1000x128xf32, #tpu.memory_space<vmem>>, %arg11: memref<4x128x128xf32, #tpu.memory_space<vmem>>, %arg12: memref<4x128xf32, #tpu.memory_space<vmem>>, %arg13: memref<640x128xf32, #tpu.memory_space<vmem>>, %arg14: memref<1x128xf32, #tpu.memory_space<vmem>>, %arg15: memref<1000x128xf32, #tpu.memory_space<vmem>>) attributes {dimension_semantics = [#tpu.dimension_semantics<arbitrary>], iteration_bounds = array<i64: 10>, scalar_prefetch = 0 : i64, scratch_operands = 0 : i64, tpu.core_type = #tpu.core_type<tc>, window_params = [{transform_indices = @transform_0, window_bounds = array<i64: 1000, 128>}, {transform_indices = @transform_1, window_bounds = array<i64: 1000, 128>}, {transform_indices = @transform_2, window_bounds = array<i64: 1000, 128>}, {transform_indices = @transform_3, window_bounds = array<i64: 1000, 128>}, {transform_indices = @transform_4, window_bounds = array<i64: 1000, 128>}, {transform_indices = @transform_5, window_bounds = array<i64: 1000, 128>}, {transform_indices = @transform_6, window_bounds = array<i64: 1000, 128>}, {transform_indices = @transform_7, window_bounds = array<i64: 1000, 128>}, {transform_indices = @transform_8, window_bounds = array<i64: 1000, 128>}, {transform_indices = @transform_9, window_bounds = array<i64: 1000, 128>}, {pipeline_mode = #tpu.pipeline_mode<synchronous>, transform_indices = @transform_10, window_bounds = array<i64: 4, 128, 128>}, {pipeline_mode = #tpu.pipeline_mode<synchronous>, transform_indices = @transform_11, window_bounds = array<i64: 4, 128>}, {pipeline_mode = #tpu.pipeline_mode<synchronous>, transform_indices = @transform_12, window_bounds = array<i64: 640, 128>}, {pipeline_mode = #tpu.pipeline_mode<synchronous>, transform_indices = @transform_13, window_bounds = array<i64: 1, 128>}, {transform_indices = @transform_14, window_bounds = array<i64: 1000, 128>}]} {
    %get3A = arith.constant 0 : index
    %get3A_0 = arith.constant 0 : index
    %get3A_1 = vector.load %arg1[%get3A, %get3A_0] : memref<1000x128xf32, #tpu.memory_space<vmem>>, vector<1000x128xf32>
    %get3A_2 = arith.constant 0 : index
    %get3A_3 = arith.constant 0 : index
    %get3A_4 = vector.load %arg2[%get3A_2, %get3A_3] : memref<1000x128xf32, #tpu.memory_space<vmem>>, vector<1000x128xf32>
    %get3A_5 = arith.constant 0 : index
    %get3A_6 = arith.constant 0 : index
    %get3A_7 = vector.load %arg3[%get3A_5, %get3A_6] : memref<1000x128xf32, #tpu.memory_space<vmem>>, vector<1000x128xf32>
    %get3A_8 = arith.constant 0 : index
    %get3A_9 = arith.constant 0 : index
    %get3A_10 = vector.load %arg4[%get3A_8, %get3A_9] : memref<1000x128xf32, #tpu.memory_space<vmem>>, vector<1000x128xf32>
    %get3A_11 = arith.constant 0 : index
    %get3A_12 = arith.constant 0 : index
    %get3A_13 = vector.load %arg5[%get3A_11, %get3A_12] : memref<1000x128xf32, #tpu.memory_space<vmem>>, vector<1000x128xf32>
    %get3A_14 = arith.constant 0 : index
    %get3A_15 = arith.constant 0 : index
    %get3A_16 = vector.load %arg6[%get3A_14, %get3A_15] : memref<1000x128xf32, #tpu.memory_space<vmem>>, vector<1000x128xf32>
    %get3A_17 = arith.constant 0 : index
    %get3A_18 = arith.constant 0 : index
    %get3A_19 = vector.load %arg7[%get3A_17, %get3A_18] : memref<1000x128xf32, #tpu.memory_space<vmem>>, vector<1000x128xf32>
    %get3A_20 = arith.constant 0 : index
    %get3A_21 = arith.constant 0 : index
    %get3A_22 = vector.load %arg8[%get3A_20, %get3A_21] : memref<1000x128xf32, #tpu.memory_space<vmem>>, vector<1000x128xf32>
    %get3A_23 = arith.constant 0 : index
    %get3A_24 = arith.constant 0 : index
    %get3A_25 = vector.load %arg9[%get3A_23, %get3A_24] : memref<1000x128xf32, #tpu.memory_space<vmem>>, vector<1000x128xf32>
    %mul3A = arith.constant 1.000000e+00 : f32
    %mul3A_26 = vector.broadcast %mul3A : f32 to vector<1000x128xf32>
    %mul3A_27 = arith.mulf %mul3A_26, %get3A_1 : vector<1000x128xf32>
    %mul3A_28 = arith.constant 0.000000e+00 : f32
    %mul3A_29 = vector.broadcast %mul3A_28 : f32 to vector<1000x128xf32>
    %mul3A_30 = arith.mulf %mul3A_29, %get3A_4 : vector<1000x128xf32>
    %add3A = arith.addf %mul3A_27, %mul3A_30 : vector<1000x128xf32>
    %mul3A_31 = arith.constant 0.000000e+00 : f32
    %mul3A_32 = vector.broadcast %mul3A_31 : f32 to vector<1000x128xf32>
    %mul3A_33 = arith.mulf %mul3A_32, %get3A_7 : vector<1000x128xf32>
    %add3A_34 = arith.addf %add3A, %mul3A_33 : vector<1000x128xf32>
    %mul3A_35 = arith.constant 0.000000e+00 : f32
    %mul3A_36 = vector.broadcast %mul3A_35 : f32 to vector<1000x128xf32>
    %mul3A_37 = arith.mulf %mul3A_36, %get3A_10 : vector<1000x128xf32>
    %add3A_38 = arith.addf %add3A_34, %mul3A_37 : vector<1000x128xf32>
    %mul3A_39 = arith.constant 0.000000e+00 : f32
    %mul3A_40 = vector.broadcast %mul3A_39 : f32 to vector<1000x128xf32>
    %mul3A_41 = arith.mulf %mul3A_40, %get3A_13 : vector<1000x128xf32>
    %add3A_42 = arith.addf %add3A_38, %mul3A_41 : vector<1000x128xf32>
    %mul3A_43 = arith.constant 0.000000e+00 : f32
    %mul3A_44 = vector.broadcast %mul3A_43 : f32 to vector<1000x128xf32>
    %mul3A_45 = arith.mulf %mul3A_44, %get3A_16 : vector<1000x128xf32>
    %add3A_46 = arith.addf %add3A_42, %mul3A_45 : vector<1000x128xf32>
    %mul3A_47 = arith.constant 0.000000e+00 : f32
    %mul3A_48 = vector.broadcast %mul3A_47 : f32 to vector<1000x128xf32>
    %mul3A_49 = arith.mulf %mul3A_48, %get3A_19 : vector<1000x128xf32>
    %add3A_50 = arith.addf %add3A_46, %mul3A_49 : vector<1000x128xf32>
    %mul3A_51 = arith.constant 0.000000e+00 : f32
    %mul3A_52 = vector.broadcast %mul3A_51 : f32 to vector<1000x128xf32>
    %mul3A_53 = arith.mulf %mul3A_52, %get3A_22 : vector<1000x128xf32>
    %add3A_54 = arith.addf %add3A_50, %mul3A_53 : vector<1000x128xf32>
    %mul3A_55 = arith.constant 0.000000e+00 : f32
    %mul3A_56 = vector.broadcast %mul3A_55 : f32 to vector<1000x128xf32>
    %mul3A_57 = arith.mulf %mul3A_56, %get3A_25 : vector<1000x128xf32>
    %add3A_58 = arith.addf %add3A_54, %mul3A_57 : vector<1000x128xf32>
    %mul3A_59 = arith.constant 0.645035266 : f32
    %mul3A_60 = vector.broadcast %mul3A_59 : f32 to vector<1000x128xf32>
    %mul3A_61 = arith.mulf %mul3A_60, %get3A_1 : vector<1000x128xf32>
    %mul3A_62 = arith.constant -0.312841594 : f32
    %mul3A_63 = vector.broadcast %mul3A_62 : f32 to vector<1000x128xf32>
    %mul3A_64 = arith.mulf %mul3A_63, %get3A_4 : vector<1000x128xf32>
    %add3A_65 = arith.addf %mul3A_61, %mul3A_64 : vector<1000x128xf32>
    %mul3A_66 = arith.constant 0.0387041159 : f32
    %mul3A_67 = vector.broadcast %mul3A_66 : f32 to vector<1000x128xf32>
    %mul3A_68 = arith.mulf %mul3A_67, %get3A_7 : vector<1000x128xf32>
    %add3A_69 = arith.addf %add3A_65, %mul3A_68 : vector<1000x128xf32>
    %mul3A_70 = arith.constant -0.00320868311 : f32
    %mul3A_71 = vector.broadcast %mul3A_70 : f32 to vector<1000x128xf32>
    %mul3A_72 = arith.mulf %mul3A_71, %get3A_10 : vector<1000x128xf32>
    %add3A_73 = arith.addf %add3A_69, %mul3A_72 : vector<1000x128xf32>
    %mul3A_74 = arith.constant 1.99919232E-4 : f32
    %mul3A_75 = vector.broadcast %mul3A_74 : f32 to vector<1000x128xf32>
    %mul3A_76 = arith.mulf %mul3A_75, %get3A_13 : vector<1000x128xf32>
    %add3A_77 = arith.addf %add3A_73, %mul3A_76 : vector<1000x128xf32>
    %mul3A_78 = arith.constant -9.97521146E-6 : f32
    %mul3A_79 = vector.broadcast %mul3A_78 : f32 to vector<1000x128xf32>
    %mul3A_80 = arith.mulf %mul3A_79, %get3A_16 : vector<1000x128xf32>
    %add3A_81 = arith.addf %add3A_77, %mul3A_80 : vector<1000x128xf32>
    %mul3A_82 = arith.constant 4.15016899E-7 : f32
    %mul3A_83 = vector.broadcast %mul3A_82 : f32 to vector<1000x128xf32>
    %mul3A_84 = arith.mulf %mul3A_83, %get3A_19 : vector<1000x128xf32>
    %add3A_85 = arith.addf %add3A_81, %mul3A_84 : vector<1000x128xf32>
    %mul3A_86 = arith.constant -1.48055221E-8 : f32
    %mul3A_87 = vector.broadcast %mul3A_86 : f32 to vector<1000x128xf32>
    %mul3A_88 = arith.mulf %mul3A_87, %get3A_22 : vector<1000x128xf32>
    %add3A_89 = arith.addf %add3A_85, %mul3A_88 : vector<1000x128xf32>
    %mul3A_90 = arith.constant 4.62271582E-10 : f32
    %mul3A_91 = vector.broadcast %mul3A_90 : f32 to vector<1000x128xf32>
    %mul3A_92 = arith.mulf %mul3A_91, %get3A_25 : vector<1000x128xf32>
    %add3A_93 = arith.addf %add3A_89, %mul3A_92 : vector<1000x128xf32>
    %mul3A_94 = arith.constant 0.367433608 : f32
    %mul3A_95 = vector.broadcast %mul3A_94 : f32 to vector<1000x128xf32>
    %mul3A_96 = arith.mulf %mul3A_95, %get3A_1 : vector<1000x128xf32>
    %mul3A_97 = arith.constant -0.438078761 : f32
    %mul3A_98 = vector.broadcast %mul3A_97 : f32 to vector<1000x128xf32>
    %mul3A_99 = arith.mulf %mul3A_98, %get3A_4 : vector<1000x128xf32>
    %add3A_100 = arith.addf %mul3A_96, %mul3A_99 : vector<1000x128xf32>
    %mul3A_101 = arith.constant 0.150762185 : f32
    %mul3A_102 = vector.broadcast %mul3A_101 : f32 to vector<1000x128xf32>
    %mul3A_103 = arith.mulf %mul3A_102, %get3A_7 : vector<1000x128xf32>
    %add3A_104 = arith.addf %add3A_100, %mul3A_103 : vector<1000x128xf32>
    %mul3A_105 = arith.constant -0.0360462815 : f32
    %mul3A_106 = vector.broadcast %mul3A_105 : f32 to vector<1000x128xf32>
    %mul3A_107 = arith.mulf %mul3A_106, %get3A_10 : vector<1000x128xf32>
    %add3A_108 = arith.addf %add3A_104, %mul3A_107 : vector<1000x128xf32>
    %mul3A_109 = arith.constant 0.0065770587 : f32
    %mul3A_110 = vector.broadcast %mul3A_109 : f32 to vector<1000x128xf32>
    %mul3A_111 = arith.mulf %mul3A_110, %get3A_13 : vector<1000x128xf32>
    %add3A_112 = arith.addf %add3A_108, %mul3A_111 : vector<1000x128xf32>
    %mul3A_113 = arith.constant -9.68634617E-4 : f32
    %mul3A_114 = vector.broadcast %mul3A_113 : f32 to vector<1000x128xf32>
    %mul3A_115 = arith.mulf %mul3A_114, %get3A_16 : vector<1000x128xf32>
    %add3A_116 = arith.addf %add3A_112, %mul3A_115 : vector<1000x128xf32>
    %mul3A_117 = arith.constant 1.19494747E-4 : f32
    %mul3A_118 = vector.broadcast %mul3A_117 : f32 to vector<1000x128xf32>
    %mul3A_119 = arith.mulf %mul3A_118, %get3A_19 : vector<1000x128xf32>
    %add3A_120 = arith.addf %add3A_116, %mul3A_119 : vector<1000x128xf32>
    %mul3A_121 = arith.constant -1.26766572E-5 : f32
    %mul3A_122 = vector.broadcast %mul3A_121 : f32 to vector<1000x128xf32>
    %mul3A_123 = arith.mulf %mul3A_122, %get3A_22 : vector<1000x128xf32>
    %add3A_124 = arith.addf %add3A_120, %mul3A_123 : vector<1000x128xf32>
    %mul3A_125 = arith.constant 1.17928039E-6 : f32
    %mul3A_126 = vector.broadcast %mul3A_125 : f32 to vector<1000x128xf32>
    %mul3A_127 = arith.mulf %mul3A_126, %get3A_25 : vector<1000x128xf32>
    %add3A_128 = arith.addf %add3A_124, %mul3A_127 : vector<1000x128xf32>
    %mul3A_129 = arith.constant 0.207001925 : f32
    %mul3A_130 = vector.broadcast %mul3A_129 : f32 to vector<1000x128xf32>
    %mul3A_131 = arith.mulf %mul3A_130, %get3A_1 : vector<1000x128xf32>
    %mul3A_132 = arith.constant -0.357501686 : f32
    %mul3A_133 = vector.broadcast %mul3A_132 : f32 to vector<1000x128xf32>
    %mul3A_134 = arith.mulf %mul3A_133, %get3A_4 : vector<1000x128xf32>
    %add3A_135 = arith.addf %mul3A_131, %mul3A_134 : vector<1000x128xf32>
    %mul3A_136 = arith.constant 2.352530e-01 : f32
    %mul3A_137 = vector.broadcast %mul3A_136 : f32 to vector<1000x128xf32>
    %mul3A_138 = arith.mulf %mul3A_137, %get3A_7 : vector<1000x128xf32>
    %add3A_139 = arith.addf %add3A_135, %mul3A_138 : vector<1000x128xf32>
    %mul3A_140 = arith.constant -0.122248679 : f32
    %mul3A_141 = vector.broadcast %mul3A_140 : f32 to vector<1000x128xf32>
    %mul3A_142 = arith.mulf %mul3A_141, %get3A_10 : vector<1000x128xf32>
    %add3A_143 = arith.addf %add3A_139, %mul3A_142 : vector<1000x128xf32>
    %mul3A_144 = arith.constant 0.0518799871 : f32
    %mul3A_145 = vector.broadcast %mul3A_144 : f32 to vector<1000x128xf32>
    %mul3A_146 = arith.mulf %mul3A_145, %get3A_13 : vector<1000x128xf32>
    %add3A_147 = arith.addf %add3A_143, %mul3A_146 : vector<1000x128xf32>
    %mul3A_148 = arith.constant -0.0184886977 : f32
    %mul3A_149 = vector.broadcast %mul3A_148 : f32 to vector<1000x128xf32>
    %mul3A_150 = arith.mulf %mul3A_149, %get3A_16 : vector<1000x128xf32>
    %add3A_151 = arith.addf %add3A_147, %mul3A_150 : vector<1000x128xf32>
    %mul3A_152 = arith.constant 0.00565824285 : f32
    %mul3A_153 = vector.broadcast %mul3A_152 : f32 to vector<1000x128xf32>
    %mul3A_154 = arith.mulf %mul3A_153, %get3A_19 : vector<1000x128xf32>
    %add3A_155 = arith.addf %add3A_151, %mul3A_154 : vector<1000x128xf32>
    %mul3A_156 = arith.constant -0.00151396939 : f32
    %mul3A_157 = vector.broadcast %mul3A_156 : f32 to vector<1000x128xf32>
    %mul3A_158 = arith.mulf %mul3A_157, %get3A_22 : vector<1000x128xf32>
    %add3A_159 = arith.addf %add3A_155, %mul3A_158 : vector<1000x128xf32>
    %mul3A_160 = arith.constant 3.59350175E-4 : f32
    %mul3A_161 = vector.broadcast %mul3A_160 : f32 to vector<1000x128xf32>
    %mul3A_162 = arith.mulf %mul3A_161, %get3A_25 : vector<1000x128xf32>
    %add3A_163 = arith.addf %add3A_159, %mul3A_162 : vector<1000x128xf32>
    %get3A_164 = arith.constant 0 : index
    %get3A_165 = arith.constant 0 : index
    %get3A_166 = vector.load %arg13[%get3A_164, %get3A_165] : memref<640x128xf32, #tpu.memory_space<vmem>>, vector<640x128xf32>
    %broadcast_in_dim3A = arith.constant 0.000000e+00 : f32
    %broadcast_in_dim3A_167 = vector.broadcast %broadcast_in_dim3A : f32 to vector<1000x128xf32>
    %get3A_168 = arith.constant 0 : index
    %get3A_169 = arith.constant 0 : index
    %get3A_170 = vector.load %arg14[%get3A_168, %get3A_169] : memref<1x128xf32, #tpu.memory_space<vmem>>, vector<1x128xf32>
    %get3A_171 = vector.shape_cast %get3A_170 : vector<1x128xf32> to vector<128xf32>
    %broadcast_in_dim3A_172 = vector.shape_cast %get3A_171 : vector<128xf32> to vector<1x128xf32>
    %add3A_173 = vector.broadcast %broadcast_in_dim3A_172 : vector<1x128xf32> to vector<1000x128xf32>
    %add3A_174 = arith.addf %broadcast_in_dim3A_167, %add3A_173 : vector<1000x128xf32>
    %sub3A = arith.subf %add3A_58, %add3A_93 : vector<1000x128xf32>
    %get3A_175 = arith.constant 0 : index
    %get3A_176 = arith.constant 0 : index
    %get3A_177 = arith.constant 0 : index
    %get3A_178 = vector.load %arg11[%get3A_175, %get3A_176, %get3A_177] : memref<4x128x128xf32, #tpu.memory_space<vmem>>, vector<1x128x128xf32>
    %get3A_179 = vector.shape_cast %get3A_178 : vector<1x128x128xf32> to vector<128x128xf32>
    %dot_general3A = arith.constant dense<0.000000e+00> : vector<1000x128xf32>
    %dot_general3A_180 = tpu.matmul %sub3A, %get3A_179, %dot_general3A {dimension_numbers = #tpu.dot_dimension_numbers<[1], [0], [0], [1], [0, 0, 1, 1], [], []>, transpose_lhs_hint = false} : vector<1000x128xf32>, vector<128x128xf32>, vector<1000x128xf32> -> vector<1000x128xf32>
    %get3A_181 = arith.constant 0 : index
    %get3A_182 = arith.constant 0 : index
    %get3A_183 = vector.load %arg12[%get3A_181, %get3A_182] : memref<4x128xf32, #tpu.memory_space<vmem>>, vector<1x128xf32>
    %get3A_184 = vector.shape_cast %get3A_183 : vector<1x128xf32> to vector<128xf32>
    %broadcast_in_dim3A_185 = vector.shape_cast %get3A_184 : vector<128xf32> to vector<1x128xf32>
    %add3A_186 = vector.broadcast %broadcast_in_dim3A_185 : vector<1x128xf32> to vector<1000x128xf32>
    %add3A_187 = arith.addf %dot_general3A_180, %add3A_186 : vector<1000x128xf32>
    %max3A = arith.constant 0.000000e+00 : f32
    %max3A_188 = vector.broadcast %max3A : f32 to vector<1000x128xf32>
    %max3A_189 = arith.maximumf %add3A_187, %max3A_188 : vector<1000x128xf32>
    %slice3A = vector.extract_strided_slice %get3A_166 {offsets = [0, 0], sizes = [128, 128], strides = [1, 1]} : vector<640x128xf32> to vector<128x128xf32>
    %dot_general3A_190 = arith.constant dense<0.000000e+00> : vector<1000x128xf32>
    %dot_general3A_191 = tpu.matmul %max3A_189, %slice3A, %dot_general3A_190 {dimension_numbers = #tpu.dot_dimension_numbers<[1], [0], [0], [1], [0, 0, 1, 1], [], []>, transpose_lhs_hint = false} : vector<1000x128xf32>, vector<128x128xf32>, vector<1000x128xf32> -> vector<1000x128xf32>
    %add3A_192 = arith.addf %add3A_174, %dot_general3A_191 : vector<1000x128xf32>
    %sub3A_193 = arith.subf %add3A_93, %add3A_128 : vector<1000x128xf32>
    %get3A_194 = arith.constant 1 : index
    %get3A_195 = arith.constant 0 : index
    %get3A_196 = arith.constant 0 : index
    %get3A_197 = vector.load %arg11[%get3A_194, %get3A_195, %get3A_196] : memref<4x128x128xf32, #tpu.memory_space<vmem>>, vector<1x128x128xf32>
    %get3A_198 = vector.shape_cast %get3A_197 : vector<1x128x128xf32> to vector<128x128xf32>
    %dot_general3A_199 = arith.constant dense<0.000000e+00> : vector<1000x128xf32>
    %dot_general3A_200 = tpu.matmul %sub3A_193, %get3A_198, %dot_general3A_199 {dimension_numbers = #tpu.dot_dimension_numbers<[1], [0], [0], [1], [0, 0, 1, 1], [], []>, transpose_lhs_hint = false} : vector<1000x128xf32>, vector<128x128xf32>, vector<1000x128xf32> -> vector<1000x128xf32>
    %get3A_201 = arith.constant 1 : index
    %get3A_202 = arith.constant 0 : index
    %get3A_203 = vector.load %arg12[%get3A_201, %get3A_202] : memref<4x128xf32, #tpu.memory_space<vmem>>, vector<1x128xf32>
    %get3A_204 = vector.shape_cast %get3A_203 : vector<1x128xf32> to vector<128xf32>
    %broadcast_in_dim3A_205 = vector.shape_cast %get3A_204 : vector<128xf32> to vector<1x128xf32>
    %add3A_206 = vector.broadcast %broadcast_in_dim3A_205 : vector<1x128xf32> to vector<1000x128xf32>
    %add3A_207 = arith.addf %dot_general3A_200, %add3A_206 : vector<1000x128xf32>
    %max3A_208 = arith.constant 0.000000e+00 : f32
    %max3A_209 = vector.broadcast %max3A_208 : f32 to vector<1000x128xf32>
    %max3A_210 = arith.maximumf %add3A_207, %max3A_209 : vector<1000x128xf32>
    %slice3A_211 = vector.extract_strided_slice %get3A_166 {offsets = [128, 0], sizes = [128, 128], strides = [1, 1]} : vector<640x128xf32> to vector<128x128xf32>
    %dot_general3A_212 = arith.constant dense<0.000000e+00> : vector<1000x128xf32>
    %dot_general3A_213 = tpu.matmul %max3A_210, %slice3A_211, %dot_general3A_212 {dimension_numbers = #tpu.dot_dimension_numbers<[1], [0], [0], [1], [0, 0, 1, 1], [], []>, transpose_lhs_hint = false} : vector<1000x128xf32>, vector<128x128xf32>, vector<1000x128xf32> -> vector<1000x128xf32>
    %add3A_214 = arith.addf %add3A_192, %dot_general3A_213 : vector<1000x128xf32>
    %sub3A_215 = arith.subf %add3A_128, %add3A_163 : vector<1000x128xf32>
    %get3A_216 = arith.constant 2 : index
    %get3A_217 = arith.constant 0 : index
    %get3A_218 = arith.constant 0 : index
    %get3A_219 = vector.load %arg11[%get3A_216, %get3A_217, %get3A_218] : memref<4x128x128xf32, #tpu.memory_space<vmem>>, vector<1x128x128xf32>
    %get3A_220 = vector.shape_cast %get3A_219 : vector<1x128x128xf32> to vector<128x128xf32>
    %dot_general3A_221 = arith.constant dense<0.000000e+00> : vector<1000x128xf32>
    %dot_general3A_222 = tpu.matmul %sub3A_215, %get3A_220, %dot_general3A_221 {dimension_numbers = #tpu.dot_dimension_numbers<[1], [0], [0], [1], [0, 0, 1, 1], [], []>, transpose_lhs_hint = false} : vector<1000x128xf32>, vector<128x128xf32>, vector<1000x128xf32> -> vector<1000x128xf32>
    %get3A_223 = arith.constant 2 : index
    %get3A_224 = arith.constant 0 : index
    %get3A_225 = vector.load %arg12[%get3A_223, %get3A_224] : memref<4x128xf32, #tpu.memory_space<vmem>>, vector<1x128xf32>
    %get3A_226 = vector.shape_cast %get3A_225 : vector<1x128xf32> to vector<128xf32>
    %broadcast_in_dim3A_227 = vector.shape_cast %get3A_226 : vector<128xf32> to vector<1x128xf32>
    %add3A_228 = vector.broadcast %broadcast_in_dim3A_227 : vector<1x128xf32> to vector<1000x128xf32>
    %add3A_229 = arith.addf %dot_general3A_222, %add3A_228 : vector<1000x128xf32>
    %max3A_230 = arith.constant 0.000000e+00 : f32
    %max3A_231 = vector.broadcast %max3A_230 : f32 to vector<1000x128xf32>
    %max3A_232 = arith.maximumf %add3A_229, %max3A_231 : vector<1000x128xf32>
    %slice3A_233 = vector.extract_strided_slice %get3A_166 {offsets = [256, 0], sizes = [128, 128], strides = [1, 1]} : vector<640x128xf32> to vector<128x128xf32>
    %dot_general3A_234 = arith.constant dense<0.000000e+00> : vector<1000x128xf32>
    %dot_general3A_235 = tpu.matmul %max3A_232, %slice3A_233, %dot_general3A_234 {dimension_numbers = #tpu.dot_dimension_numbers<[1], [0], [0], [1], [0, 0, 1, 1], [], []>, transpose_lhs_hint = false} : vector<1000x128xf32>, vector<128x128xf32>, vector<1000x128xf32> -> vector<1000x128xf32>
    %add3A_236 = arith.addf %add3A_214, %dot_general3A_235 : vector<1000x128xf32>
    %get3A_237 = arith.constant 3 : index
    %get3A_238 = arith.constant 0 : index
    %get3A_239 = arith.constant 0 : index
    %get3A_240 = vector.load %arg11[%get3A_237, %get3A_238, %get3A_239] : memref<4x128x128xf32, #tpu.memory_space<vmem>>, vector<1x128x128xf32>
    %get3A_241 = vector.shape_cast %get3A_240 : vector<1x128x128xf32> to vector<128x128xf32>
    %dot_general3A_242 = arith.constant dense<0.000000e+00> : vector<1000x128xf32>
    %dot_general3A_243 = tpu.matmul %add3A_163, %get3A_241, %dot_general3A_242 {dimension_numbers = #tpu.dot_dimension_numbers<[1], [0], [0], [1], [0, 0, 1, 1], [], []>, transpose_lhs_hint = false} : vector<1000x128xf32>, vector<128x128xf32>, vector<1000x128xf32> -> vector<1000x128xf32>
    %get3A_244 = arith.constant 3 : index
    %get3A_245 = arith.constant 0 : index
    %get3A_246 = vector.load %arg12[%get3A_244, %get3A_245] : memref<4x128xf32, #tpu.memory_space<vmem>>, vector<1x128xf32>
    %get3A_247 = vector.shape_cast %get3A_246 : vector<1x128xf32> to vector<128xf32>
    %broadcast_in_dim3A_248 = vector.shape_cast %get3A_247 : vector<128xf32> to vector<1x128xf32>
    %add3A_249 = vector.broadcast %broadcast_in_dim3A_248 : vector<1x128xf32> to vector<1000x128xf32>
    %add3A_250 = arith.addf %dot_general3A_243, %add3A_249 : vector<1000x128xf32>
    %max3A_251 = arith.constant 0.000000e+00 : f32
    %max3A_252 = vector.broadcast %max3A_251 : f32 to vector<1000x128xf32>
    %max3A_253 = arith.maximumf %add3A_250, %max3A_252 : vector<1000x128xf32>
    %slice3A_254 = vector.extract_strided_slice %get3A_166 {offsets = [384, 0], sizes = [128, 128], strides = [1, 1]} : vector<640x128xf32> to vector<128x128xf32>
    %dot_general3A_255 = arith.constant dense<0.000000e+00> : vector<1000x128xf32>
    %dot_general3A_256 = tpu.matmul %max3A_253, %slice3A_254, %dot_general3A_255 {dimension_numbers = #tpu.dot_dimension_numbers<[1], [0], [0], [1], [0, 0, 1, 1], [], []>, transpose_lhs_hint = false} : vector<1000x128xf32>, vector<128x128xf32>, vector<1000x128xf32> -> vector<1000x128xf32>
    %add3A_257 = arith.addf %add3A_236, %dot_general3A_256 : vector<1000x128xf32>
    %get3A_258 = arith.constant 0 : index
    %get3A_259 = arith.constant 0 : index
    %get3A_260 = vector.load %arg10[%get3A_258, %get3A_259] : memref<1000x128xf32, #tpu.memory_space<vmem>>, vector<1000x128xf32>
    %slice3A_261 = vector.extract_strided_slice %get3A_166 {offsets = [512, 0], sizes = [128, 128], strides = [1, 1]} : vector<640x128xf32> to vector<128x128xf32>
    %dot_general3A_262 = arith.constant dense<0.000000e+00> : vector<1000x128xf32>
    %dot_general3A_263 = tpu.matmul %get3A_260, %slice3A_261, %dot_general3A_262 {dimension_numbers = #tpu.dot_dimension_numbers<[1], [0], [0], [1], [0, 0, 1, 1], [], []>, transpose_lhs_hint = false} : vector<1000x128xf32>, vector<128x128xf32>, vector<1000x128xf32> -> vector<1000x128xf32>
    %add3A_264 = arith.addf %add3A_257, %dot_general3A_263 : vector<1000x128xf32>
    %swap3A = arith.constant 0 : index
    %swap3A_265 = arith.constant 0 : index
    %swap3A_266 = vector.load %arg15[%swap3A, %swap3A_265] : memref<1000x128xf32, #tpu.memory_space<vmem>>, vector<1000x128xf32>
    tpu.vector_store %arg15[%swap3A, %swap3A_265], %add3A_264 {strides = array<i32>} : memref<1000x128xf32, #tpu.memory_space<vmem>>, vector<1000x128xf32>,
    return
  }
  func.func @transform_0(%arg0: i32) -> (i32, i32) {
    %c0_i32 = arith.constant 0 : i32
    %c0_i32_0 = arith.constant 0 : i32
    return %arg0, %c0_i32 : i32, i32
  }
  func.func @transform_1(%arg0: i32) -> (i32, i32) {
    %c0_i32 = arith.constant 0 : i32
    %c0_i32_0 = arith.constant 0 : i32
    return %arg0, %c0_i32 : i32, i32
  }
  func.func @transform_2(%arg0: i32) -> (i32, i32) {
    %c0_i32 = arith.constant 0 : i32
    %c0_i32_0 = arith.constant 0 : i32
    return %arg0, %c0_i32 : i32, i32
  }
  func.func @transform_3(%arg0: i32) -> (i32, i32) {
    %c0_i32 = arith.constant 0 : i32
    %c0_i32_0 = arith.constant 0 : i32
    return %arg0, %c0_i32 : i32, i32
  }
  func.func @transform_4(%arg0: i32) -> (i32, i32) {
    %c0_i32 = arith.constant 0 : i32
    %c0_i32_0 = arith.constant 0 : i32
    return %arg0, %c0_i32 : i32, i32
  }
  func.func @transform_5(%arg0: i32) -> (i32, i32) {
    %c0_i32 = arith.constant 0 : i32
    %c0_i32_0 = arith.constant 0 : i32
    return %arg0, %c0_i32 : i32, i32
  }
  func.func @transform_6(%arg0: i32) -> (i32, i32) {
    %c0_i32 = arith.constant 0 : i32
    %c0_i32_0 = arith.constant 0 : i32
    return %arg0, %c0_i32 : i32, i32
  }
  func.func @transform_7(%arg0: i32) -> (i32, i32) {
    %c0_i32 = arith.constant 0 : i32
    %c0_i32_0 = arith.constant 0 : i32
    return %arg0, %c0_i32 : i32, i32
  }
  func.func @transform_8(%arg0: i32) -> (i32, i32) {
    %c0_i32 = arith.constant 0 : i32
    %c0_i32_0 = arith.constant 0 : i32
    return %arg0, %c0_i32 : i32, i32
  }
  func.func @transform_9(%arg0: i32) -> (i32, i32) {
    %c0_i32 = arith.constant 0 : i32
    %c0_i32_0 = arith.constant 0 : i32
    return %arg0, %c0_i32 : i32, i32
  }
  func.func @transform_10(%arg0: i32) -> (i32, i32, i32) {
    %c0_i32 = arith.constant 0 : i32
    %c0_i32_0 = arith.constant 0 : i32
    %c0_i32_1 = arith.constant 0 : i32
    %c0_i32_2 = arith.constant 0 : i32
    return %c0_i32, %c0_i32_0, %c0_i32_1 : i32, i32, i32
  }
  func.func @transform_11(%arg0: i32) -> (i32, i32) {
    %c0_i32 = arith.constant 0 : i32
    %c0_i32_0 = arith.constant 0 : i32
    %c0_i32_1 = arith.constant 0 : i32
    return %c0_i32, %c0_i32_0 : i32, i32
  }
  func.func @transform_12(%arg0: i32) -> (i32, i32) {
    %c0_i32 = arith.constant 0 : i32
    %c0_i32_0 = arith.constant 0 : i32
    %c0_i32_1 = arith.constant 0 : i32
    return %c0_i32, %c0_i32_0 : i32, i32
  }
  func.func @transform_13(%arg0: i32) -> (i32, i32) {
    %c0_i32 = arith.constant 0 : i32
    %c0_i32_0 = arith.constant 0 : i32
    %c0_i32_1 = arith.constant 0 : i32
    return %c0_i32, %c0_i32_0 : i32, i32
  }
  func.func @transform_14(%arg0: i32) -> (i32, i32) {
    %c0_i32 = arith.constant 0 : i32
    %c0_i32_0 = arith.constant 0 : i32
    return %arg0, %c0_i32 : i32, i32
  }
}

</mosaic_0001>

<sc_bundles>
// kernel: kernel.19.cloned.1.call-start
scs
__scs_entry_jumppad:
0x0: {  	(pc) =	sbr.rel $0x88, $3  }
0x1: {  	(tag) =	ssettag $0x0;
	lr =	simm.s32 $0x1  }
0x2: {  	[smem:$0x3F9A] =	sst lr;
	_ =	strace $0xD0000000  }
0x3: {  	_ = 	snop  }
0x4: {  	_ = 	snop  }
0x5: {  	_ = 	snop  }
0x6: {  	_ = 	snop  }
0x7: {  	_ = 	snop  }
__scs_overlays_trampoline_lowered:
0x8: {  	[smem:$0x3FA9] =	sst s0  }
0x9: {  	[smem:$0x3FAA] =	sst s1  }
0xa: {  	[smem:$0x3FAB] =	sst s2  }
0xb: {  	[smem:$0x3FAC] =	sst s3  }
0xc: {  	[smem:$0x3FAD] =	sst s4  }
0xd: {  	[smem:$0x3FAE] =	sst s5  }
0xe: {  	[smem:$0x3FAF] =	sst s6  }
0xf: {  	[smem:$0x3FB0] =	sst s7  }
0x10: {  	[smem:$0x3FB1] =	sst s8  }
0x11: {  	[smem:$0x3FB2] =	sst s9;
	s0 =	simm.s32 @!p0 $0x0  }
0x12: {  	s1 =	sld [smem:$0x3F98];
	s0 =	simm.s32 @p0 $0x1  }
0x13: {  	[smem:$0x3FB3] =	sst s0;
	s0 =	simm.s32 @!p1 $0x0  }
0x14: {  	s2 =	sld [smem:$0x3F97];
	s0 =	simm.s32 @p1 $0x1  }
0x15: {  	[smem:$0x3FB4] =	sst s0;
	s0 =	simm.s32 @!p2 $0x0  }
0x16: {  	s3 =	sld [smem:$0x3FDB];
	s0 =	simm.s32 @p2 $0x1  }
0x17: {  	s4 =	simm.s32 $0x1BF5;
	[smem:$0x3FB6] =	sst s0  }
0x18: {  	s0 =	sld [smem:$0x3F99];
	_ =	swait.ge [sflag:s4], $0x0  }
0x19: {  	s7 =	sld [smem:$0x3F9A]  }
0x1a: {  	s8 =	sadd.s32 $0xFFFFE003, lr  }
0x1b: {  	s9 =	sadd.s32 $0xFFFFFEF7, lr;
	s5 =	simm.s32 $0xFFFFFFFF;
	p2 =	slt.u32 s8, $0xFFFFF086  }
0x1c: {  	p1 =	slt.u32 s9, $0xF7A;
	s5 =	simm.s32 @!p2 $0x0  }
0x1d: {  	s5 =	simm.s32 @p1 $0x1;
	p0 =	seq.s32 s7, s2  }
0x1e: {  	s7 =	smul.u32 @!p0 $0xF7A, s2;
	p2 =	seq.s32 @!p0 s5, $0x0  }
0x1f: {  	s9 =	smul.u32 $0xF7A, s1;
	s8 =	simm.s32 @!p0 $0x1BF5;
	p2 =	por !p2, p0  }
0x20: {  	[sflag:s8] =	ssyncset.s32 @!p0 $0xFFFFF086;
	s6 =	sadd.s32 @!p0 s3, s7;
	s7 =	simm.s32 @!p0 $0x108  }
0x21: {  	s3 =	sadd.s32 s3, s9;
	s6 =	sadd.s32 @!p0 $0x88, s6;
	s7 =	simm.s32 @p2 $0x1082  }
0x22: {  	[simem:s7], [sflag:s8] =	dma.local @!p0 [hbm:s6], $0xF7A  }
0x23: {  	s9 =	sor.u32 $0xD0000000, s2;
	s6 =	simm.s32 $0x108;
	_ =	swait.ge @!p0 [sflag:s8], $0x0  }
0x24: {  	s3 =	sadd.s32 $0x88, s3;
	s6 =	simm.s32 @!p1 $0x1082;
	[sflag:s4] =	ssyncset.s32 $0xFFFFF086  }
0x25: {  	[simem:s6], [sflag:s4] =	dma.local [hbm:s3], $0xF7A  }
0x26: {  	[smem:$0x3F9A] =	sst s1;
	(tag) =	ssettag s2;
	_ =	strace s9  }
0x27: {  	s1 =	sld [smem:$0x3FAA]  }
0x28: {  	s2 =	sld [smem:$0x3FAB]  }
0x29: {  	s4 =	sld [smem:$0x3FAD]  }
0x2a: {  	p0 =	seq.s32 s5, $0x0;
	s5 =	sld [smem:$0x3FAE]  }
0x2b: {  	s6 =	sld [smem:$0x3FAF]  }
0x2c: {  	s7 =	sld [smem:$0x3FB0]  }
0x2d: {  	s3 =	simm.s32 $0x108;
	s8 =	sld [smem:$0x3FB1]  }
0x2e: {  	s3 =	simm.s32 @!p0 $0x1082;
	s9 =	sld [smem:$0x3FB2]  }
0x2f: {  	lr =	sadd.s32 s0, s3;
	s0 =	sld [smem:$0x3FA9]  }
0x30: {  	s3 =	sld [smem:$0x3FAC]  }
0x31: {  	[smem:$0x3FB5] =	sst s10  }
0x32: {  	s10 =	sld [smem:$0x3FB3];
	_ =	sdelay $0x3  }
0x33: {  	p0 =	seq.s32 s10, $0x1;
	s10 =	sld [smem:$0x3FB5];
	_ =	sdelay $0x3  }
0x34: {  	[smem:$0x3FB5] =	sst s10  }
0x35: {  	s10 =	sld [smem:$0x3FB4];
	_ =	sdelay $0x3  }
0x36: {  	p1 =	seq.s32 s10, $0x1;
	s10 =	sld [smem:$0x3FB5];
	_ =	sdelay $0x3  }
0x37: {  	[smem:$0x3FB5] =	sst s10  }
0x38: {  	s10 =	sld [smem:$0x3FB6]  }
0x39: {  	_ = 	snop;
	(pc) =	sbr.ind lr, $3  }
0x3a: {  	_ = 	snop  }
0x3b: {  	_ = 	snop  }
0x3c: {  	p2 =	seq.s32 s10, $0x1;
	s10 =	sld [smem:$0x3FB5]  }
0x3d: {  	_ =	shalt  }
0x3e: {  	_ =	shalt  }
0x3f: {  	_ =	shalt  }
0x40: {  	_ =	shalt  }
0x41: {  	_ =	shalt  }
0x42: {  	_ =	shalt  }
0x43: {  	_ =	shalt  }
0x44: {  	_ =	shalt  }
0x45: {  	_ =	shalt  }
0x46: {  	_ =	shalt  }
0x47: {  	_ =	shalt  }
0x48: {  	_ =	shalt  }
0x49: {  	_ =	shalt  }
0x4a: {  	_ =	shalt  }
0x4b: {  	_ =	shalt  }
0x4c: {  	_ =	shalt  }
0x4d: {  	_ =	shalt  }
0x4e: {  	_ =	shalt  }
0x4f: {  	_ =	shalt  }
0x50: {  	_ =	shalt  }
0x51: {  	_ =	shalt  }
0x52: {  	_ =	shalt  }
0x53: {  	_ =	shalt  }
0x54: {  	_ =	shalt  }
0x55: {  	_ =	shalt  }
0x56: {  	_ =	shalt  }
0x57: {  	_ =	shalt  }
0x58: {  	_ =	shalt  }
0x59: {  	_ =	shalt  }
0x5a: {  	_ =	shalt  }
0x5b: {  	_ =	shalt  }
0x5c: {  	_ =	shalt  }
0x5d: {  	_ =	shalt  }
0x5e: {  	_ =	shalt  }
0x5f: {  	_ =	shalt  }
0x60: {  	_ =	shalt  }
0x61: {  	_ =	shalt  }
0x62: {  	_ =	shalt  }
0x63: {  	_ =	shalt  }
0x64: {  	_ =	shalt  }
0x65: {  	_ =	shalt  }
0x66: {  	_ =	shalt  }
0x67: {  	_ =	shalt  }
0x68: {  	_ =	shalt  }
0x69: {  	_ =	shalt  }
0x6a: {  	_ =	shalt  }
0x6b: {  	_ =	shalt  }
0x6c: {  	_ =	shalt  }
0x6d: {  	_ =	shalt  }
0x6e: {  	_ =	shalt  }
0x6f: {  	_ =	shalt  }
0x70: {  	_ =	shalt  }
0x71: {  	_ =	shalt  }
0x72: {  	_ =	shalt  }
0x73: {  	_ =	shalt  }
0x74: {  	_ =	shalt  }
0x75: {  	_ =	shalt  }
0x76: {  	_ =	shalt  }
0x77: {  	_ =	shalt  }
0x78: {  	_ =	shalt  }
0x79: {  	_ =	shalt  }
0x7a: {  	_ =	shalt  }
0x7b: {  	_ =	shalt  }
0x7c: {  	_ =	shalt  }
0x7d: {  	_ =	shalt  }
0x7e: {  	_ =	shalt  }
0x7f: {  	_ =	shalt  }
0x80: {  	_ =	shalt  }
0x81: {  	_ =	shalt  }
0x82: {  	_ =	shalt  }
0x83: {  	_ =	shalt  }
0x84: {  	_ =	shalt  }
0x85: {  	_ =	shalt  }
0x86: {  	_ =	shalt  }
0x87: {  	_ =	shalt  }
.Lfunc_end0:
.L_simem_size_0:
called_computation_lowered:
.L_overlay_start_0:
0x88: {  	s2 =	sld [smem:$0x3FD9]  }
0x89: {  	s3 =	sld [smem:$0x3FFE];
	_ =	sdelay $0x1  }
0x8a: {  	s1 =	srdreg.scid  }
0x8b: {  	s0 =	sand.u32 $0x1, s1  }
0x8c: {  	s17 =	sshll.u32 s0, $0xA;
	s2 =	sadd.s32 s3, s2  }
0x8d: {  	s2 =	sadd.s32 s2, s17  }
0x8e: {  	[smem:$0x3FC1] =	sst s2  }
0x8f: {  	_ = 	snop  }
0x90: {  	s2 =	sld [smem:$0x3FC9]  }
0x91: {  	s18 =	sld [smem:$0x3FD0];
	(tm) =	ssettm $0x1  }
0x92: {  	s4 =	sld [smem:$0x3FFB];
	_ =	sdelay $0x3  }
0x93: {  	_ =	strace s4  }
0x94: {  	s4 =	sld [smem:$0x3FFC];
	_ =	sdelay $0x3  }
0x95: {  	_ =	strace s4  }
0x96: {  	s4 =	sld [smem:$0x3FFD];
	_ =	sdelay $0x3  }
0x97: {  	_ =	strace s4  }
0x98: {  	_ =	strace $0x8FFFFFFF  }
0x99: {  	s19 =	sld [smem:$0x3FDB];
	_ =	sdelay $0x1  }
0x9a: {  	s5 =	simm.s32 $_scs_section_size  }
0x9b: {  	s6 =	simm.s32 $_size__tile_overlayer_lowered;
	s7 =	simm.s32 $_tile_overlayer_lowered  }
0x9c: {  	s22 =	simm.s32 $0x1BFF;
	s21 =	sshll.u32 s7, $0x1;
	s4 =	sadd.s32 s5, s19  }
0x9d: {  	s8 =	simm.s32 $0x0;
	s20 =	sshll.u32 s6, $0x1;
	s6 =	sadd.s32 s21, s4  }
0x9e: {  	[timem:s8], [sflag:s22] =	dma.local [hbm:s6], s20  }
0x9f: {  	_ =	swait.ge [sflag:s22], s20  }
0xa0: {  	s5 =	ssub.s32 $0x0, s20;
	[sflag:s22] =	ssyncset.done $0x0  }
0xa1: {  	[sflag:s22] =	ssyncadd.s32 s5;
	_ =	sdelay $0x1  }
0xa2: {  	s23 =	simm.s32 $0x1B8B  }
0xa3: {  	_ =	swait.ge [sflag:s23], $0x1  }
0xa4: {  	[sflag:s23] =	ssyncset.done $0x0  }
0xa5: {  	s25 =	simm.s32 $0x1B8E;
	s24 =	sld [smem:$0x3FFE];
	[sflag:s23] =	ssyncadd.s32 $0xFFFFFFFF  }
0xa6: {  	s26 =	simm.s32 $execute0_lowered;
	[smem:$0x3FD2] =	sst s25  }
0xa7: {  	s6 =	sshll.u32 s26, $0x1;
	_ =	strace $0x80000046;
	[dreg:$0x1] =	wrdreg $0xFFFFFFFF  }
0xa8: {  	s28 =	simm.s32 $_size_execute0_lowered;
	s4 =	sadd.s32 s4, s6;
	[dreg:$0x0] =	wrdreg $0x0  }
0xa9: {  	s6 =	sshll.u32 s28, $0x1;
	[dreg:$0x2] =	wrdreg s4  }
0xaa: {  	[dreg:$0x3] =	wrdreg s6  }
0xab: {  	[dreg:$0x4] =	wrdreg $0xC0  }
0xac: {  	_ =	task [dreg:s8], $0x5FFFF  }
0xad: {  	[dreg:$0x1] =	wrdreg $0xFFFFFFFF  }
0xae: {  	[dreg:$0x0] =	wrdreg $0x60  }
0xaf: {  	[dreg:$0x2] =	wrdreg s2  }
0xb0: {  	[dreg:$0x3] =	wrdreg s24  }
0xb1: {  	[dreg:$0x4] =	wrdreg s18  }
0xb2: {  	[dreg:$0x5] =	wrdreg $0x51000  }
0xb3: {  	[dreg:$0x6] =	wrdreg $0x9  }
0xb4: {  	_ =	task.clear_ibuf [dreg:s8], $0x7FFFF;
	_ =	strace $0x90000046  }
0xb5: {  	s29 =	simm.s32 $0x9;
	_ =	strace $0x80000048  }
0xb6: {  	_ =	swait.ge [sflag:s29], $0x1  }
0xb7: {  	[sflag:s29] =	ssyncadd.s32 $0xFFFFFFFF  }
0xb8: {  	_ =	strace $0x90000048  }
0xb9: {  	_ =	sfence  }
0xba: {  	s30 =	sld [smem:$0x0];
	_ =	sdelay $0x2  }
0xbb: {  	s31 =	sshll.u32 s1, $0xD;
	s1 =	sshrl.u32 s1, $0x2  }
0xbc: {  	s3 =	sand.u32 $0x4000, s31;
	s1 =	sadd.s32 s1, s30  }
0xbd: {  	s0 =	sor.u32 s3, s0;
	s1 =	sshll.u32 s1, $0x11  }
0xbe: {  	s0 =	sor.u32 s1, s0  }
0xbf: {  	s0 =	sadd.s32 $0x8F2B, s0  }
0xc0: {  	[sflag:s0] =	ssyncadd.remote.s32 $0x1  }
0xc1: {  	_ =	sfence.sel $0xFFFF  }
0xc2: {  	[dreg:$0x0] =	wrdreg $0xFFFFFFFF;
	(pc) =	sbr.abs _section_cstart, $3  }
0xc3: {  	[dreg:$0x1] =	wrdreg $0xFFFFFFFF  }
0xc4: {  	_ =	task.clear_ibuf [dreg:s8], $0x2FFFF;
	_ =	strace $0x9FFFFFFF  }
0xc5: {  	(tm) =	ssettm $0x7FFFFFFF  }
tec
execute0_lowered:
.L_overlay_start_1:
0x0: {  	(tag) =	ssettag $0x1  }
0x1: {  	s1 =	rddreg [dreg:$0x0]  }
0x2: {  	s8 =	rddreg [dreg:$0x1]  }
0x3: {  	s9 =	rddreg [dreg:$0x2]  }
0x4: {  	s2 =	rddreg [dreg:$0x3]  }
0x5: {  	s0 =	rddreg [dreg:$0x4];
	s3 =	simm.s32 $0x0;
	s6 =	srdreg.scid  }
0x6: {  	s4 =	stileid.u32;
	s18 =	simm.s32 $0x80;
	s19 =	simm.s32 $0x100  }
0x7: {  	s20 =	simm.s32 $0x50;
	s21 =	simm.s32 $0x2900;
	s22 =	simm.s32 $0x1  }
0x8: {  	s28 =	simm.s32 $0x0;
	[smem:$0x7FF] =	sst s3;
	s5 =	sadd.s32 $0xF800, s8  }
0x9: {  	s10 =	sand.u32 $0x1, s6;
	s6 =	sadd.s32 $0x5A00, s8;
	s12 =	smul.u32 $0x4F000, s4  }
0xa: {  	s7 =	sadd.s32 $0x19600, s8;
	s14 =	smul.u32 $0x2780, s4;
	s15 =	sadd.s32 $0x4FB600, s8  }
0xb: {  	s26 =	sshll.u32 s4, $0x1;
	s16 =	smul.u32 $0x13C00, s4;
	p0 =	seq.s32 s4, $0xF  }
0xc: {  	_ =	strace $0x80000047;
	s11 =	ssub.s32 $0x2, s10;
	s25 =	smul.u32 $0x138800, s10  }
0xd: {  	s10 =	sor.u32 s10, s26;
	s13 =	sshrl.u32 s11, $0x1;
	s12 =	sshrl.u32 s12, $0x2  }
0xe: {  	s8 =	sadd.s32 s9, s14;
	s14 =	sadd.s32 $0x128400, s2;
	s9 =	sadd.s32 $0x25080, s9  }
0xf: {  	s10 =	smul.u32 $0x2710, s10;
	s13 =	ssub.s32 s11, s13;
	s17 =	sadd.s32 s12, s2  }
0x10: {  	s29 =	sadd.s32 s16, s25;
	s30 =	sshrl.u32 s25, $0x3;
	s14 =	sshrl.u32 @p0 s14, $0x3  }
0x11: {  	s12 =	sshrl.u32 s29, $0x3;
	s31 =	sadd.s32 s15, s30;
	s13 =	smax.u32 s13, $0x1  }
0x12: {  	s16 =	sshrl.u32 @!p0 s17, $0x3;
	s11 =	sadd.s32 s15, s12;
	s15 =	sshll.u32 @!p0 s4, $0x6  }
0x13: {  	s17 =	simm.s32 $0x2;
	s12 =	sadd.s32 $0x25080, s31;
	s15 =	sor.u32 @!p0 $0x1C02, s15  }
.LBB2_1:
0x14: {  	s23 =	simm.s32 @p0 $0x1FC2  }
0x15: {  	[spmem:s14], [sflag:s23] =	dma.local @p0 [hbm:s9], $0x2080  }
0x16: {  	s23 =	simm.s32 @p0 $0x2  }
0x17: {  	_ =	swait.ge @p0 [sflag:s23], $0x2080  }
0x18: {  	[sflag:s23] =	ssyncset.done @p0 $0x0  }
0x19: {  	[sflag:s23] =	ssyncadd.s32 @p0 $0xFFFFDF80;
	s23 =	simm.s32 @!p0 $0x2  }
0x1a: {  	[spmem:s16], [sflag:s15] =	dma.local @!p0 [hbm:s8], $0x2780  }
0x1b: {  	_ =	swait.ge @!p0 [sflag:s23], $0x2780  }
0x1c: {  	[sflag:s23] =	ssyncset.done @!p0 $0x0  }
0x1d: {  	[sflag:s23] =	ssyncadd.s32 @!p0 $0xFFFFD880  }
0x1e: {  	s23 =	simm.s32 $0x0;
	[bflag:$0x0] =	sbarrier.arrive $0xFFFF  }
.LBB2_2:
0x1f: {  	s24 =	smul.u32 $0x50, s23;
	_ =	sdelay $0x1  }
0x20: {  	s24 =	sadd.s32 s10, s24  }
0x21: {  	s25 =	sshrl.u32 s24, $0x3  }
0x22: {  	s26 =	sadd.s32 s6, s25  }
0x23: {  	[tilespmem:s28], [sflag:$0x2] =	stream.linear.gather [hbm4b:s26+s28], $0x50, $0x38;
	[tilespmem:$0x18980] =	vst v63  }
0x24: {  	_ =	swait.ge [sflag:s17], $0x50  }
0x25: {  	[sflag:s17] =	ssyncset.done $0x0  }
0x26: {  	s25 =	sadd.s32 s5, s25;
	[sflag:s17] =	ssyncadd.s32 $0xFFFFFFB0  }
0x27: {  	[tilespmem:s18], [sflag:$0x2] =	stream.linear.gather [hbm4b:s25+s28], $0x50, $0x38;
	[tilespmem:$0x18980] =	vst v63  }
0x28: {  	_ =	swait.ge [sflag:s17], $0x50  }
0x29: {  	s24 =	sshll.u32 s24, $0x4;
	[sflag:s17] =	ssyncset.done $0x0  }
0x2a: {  	s24 =	sadd.s32 s7, s24;
	[sflag:s17] =	ssyncadd.s32 $0xFFFFFFB0  }
0x2b: {  	[tilespmem:s19], [sflag:$0x2] =	stream.linear.gather [hbm4b:s24+s28], $0x2800, $0x38;
	[tilespmem:$0x18980] =	vst v63  }
0x2c: {  	_ =	swait.ge [sflag:s17], $0x2800  }
0x2d: {  	[sflag:s17] =	ssyncset.done $0x0  }
0x2e: {  	[sflag:s17] =	ssyncadd.s32 $0xFFFFD800  }
0x2f: {  	[tilespmem:s21], [sflag:$0x1] =	stream.indirect.gather [hbm4b:s1+s20], $0x80, s28, s20, $0xb8;
	[tilespmem:$0x18980] =	vst v63  }
0x30: {  	_ =	swait.ge [sflag:s22], $0x2800  }
0x31: {  	[sflag:s22] =	ssyncset.done $0x0  }
0x32: {  	s24 =	simm.s32 $0x0;
	[sflag:s22] =	ssyncadd.s32 $0xFFFFD800  }
0x33: {  	v0 =	vld [tilespmem:s24+$0x100]  }
0x34: {  	v4 =	vld [tilespmem:s24+$0x2900]  }
0x35: {  	v6 =	vld [tilespmem:s24+$0x2910]  }
0x36: {  	v5 =	vld [tilespmem:s24+$0x2920]  }
0x37: {  	v3 =	vld [tilespmem:s24+$0x2930]  }
0x38: {  	v1 =	vld [tilespmem:s24+$0x2940]  }
0x39: {  	v2 =	vld [tilespmem:s24+$0x2950];
	v7 =	vmul.f32 v4, v0  }
0x3a: {  	s25 =	simm.s32 $0x200;
	v6 =	vmul.f32 v6, v0;
	v4 =	vld [tilespmem:s24+$0x2960]  }
.LBB2_3:
0x3b: {  	s26 =	sshra.s32 s25, $0x2;
	p1 =	sne.s32 s25, $0x9E00;
	[tilespmem:s24+$0x2900] =	vst v7;
	v5 =	vmul.f32 v5, v0;
	v7 =	vld [tilespmem:s24+$0x2970]  }
0x3c: {  	v8 =	vld [tilespmem:s26+$0x100];
	[tilespmem:s24+$0x2910] =	vst v6;
	v3 =	vmul.f32 v3, v0  }
0x3d: {  	v6 =	vld [tilespmem:s26+$0x2900];
	[tilespmem:s24+$0x2920] =	vst v5;
	v1 =	vmul.f32 v1, v0  }
0x3e: {  	v9 =	vld [tilespmem:s26+$0x2910];
	[tilespmem:s24+$0x2930] =	vst v3;
	v2 =	vmul.f32 v2, v0  }
.Ltmp0:
0x3f: {  	v5 =	vld [tilespmem:s26+$0x2920];
	[tilespmem:s24+$0x2940] =	vst v1;
	v4 =	vmul.f32 v4, v0;
	(pc) =	sbr.rel @p1 .LBB2_3-.Ltmp0, $4  }
0x40: {  	v3 =	vld [tilespmem:s26+$0x2930];
	[tilespmem:s24+$0x2950] =	vst v2;
	v10 =	vmul.f32 v7, v0  }
0x41: {  	v1 =	vld [tilespmem:s26+$0x2940];
	[tilespmem:s24+$0x2960] =	vst v4;
	v0 =	vmov v8  }
0x42: {  	v7 =	vmul.f32 v6, v0;
	v2 =	vld [tilespmem:s26+$0x2950];
	[tilespmem:s24+$0x2970] =	vst v10;
	s24 =	smov.u32 s26  }
0x43: {  	s25 =	sadd.s32 $0x200, s25;
	v6 =	vmul.f32 v9, v0;
	v4 =	vld [tilespmem:s24+$0x2960]  }
0x44: {  	[tilespmem:s24+$0x2900] =	vst v7;
	v5 =	vmul.f32 v5, v0;
	v61 =	vld [tilespmem:s24+$0x2970]  }
0x45: {  	[tilespmem:s24+$0x2910] =	vst v6;
	v3 =	vmul.f32 v3, v0  }
0x46: {  	[tilespmem:s24+$0x2920] =	vst v5;
	v1 =	vmul.f32 v1, v0  }
0x47: {  	[tilespmem:s24+$0x2930] =	vst v3;
	v2 =	vmul.f32 v2, v0  }
0x48: {  	[tilespmem:s24+$0x2940] =	vst v1;
	v62 =	vmul.f32 v4, v0  }
0x49: {  	s23 =	sadd.s32 $0x1, s23;
	[tilespmem:s24+$0x2950] =	vst v2;
	v63 =	vmul.f32 v61, v0  }
0x4a: {  	p1 =	sne.s32 s23, $0x7D;
	[tilespmem:s24+$0x2960] =	vst v62  }
.Ltmp1:
0x4b: {  	[tilespmem:s24+$0x2970] =	vst v63;
	(pc) =	sbr.rel @p1 .LBB2_2-.Ltmp1, $4  }
0x4c: {  	[spmem:s2] =	stream.indirect.scatter.add.f32 [tilespmem:s21], [sflag:$0x2], $0x80, s18, s20, $0xb8;
	[tilespmem:$0x18980] =	vst v63  }
0x4d: {  	_ =	swait.ge [sflag:s17], $0x2800  }
0x4e: {  	[sflag:s17] =	ssyncset.done $0x0  }
0x4f: {  	[sflag:s17] =	ssyncadd.s32 $0xFFFFD800  }
0x50: {  	[bflag:$0x0] =	sbarrier.arrive $0xFFFF;
	s23 =	simm.s32 @p0 $0x1FC2  }
0x51: {  	[hbm:s12], [sflag:s23] =	dma.local @p0 [spmem:s14], $0x2080  }
0x52: {  	s23 =	simm.s32 @p0 $0x2  }
0x53: {  	s3 =	sadd.s32 $0x1, s3;
	_ =	swait.ge @p0 [sflag:s23], $0x2080  }
0x54: {  	p1 =	sne.s32 s3, s13;
	[sflag:s23] =	ssyncset.done @p0 $0x0  }
.Ltmp2:
0x55: {  	[sflag:s23] =	ssyncadd.s32 @p0 $0xFFFFDF80;
	s23 =	simm.s32 @!p0 $0x2;
	(pc) =	sbr.rel @p1 .LBB2_1-.Ltmp2, $4  }
0x56: {  	[hbm:s11], [sflag:s15] =	dma.local @!p0 [spmem:s16], $0x2780  }
0x57: {  	_ =	swait.ge @!p0 [sflag:s23], $0x2780  }
0x58: {  	[sflag:s23] =	ssyncset.done @!p0 $0x0  }
0x59: {  	[sflag:s23] =	ssyncadd.s32 @!p0 $0xFFFFD880  }
0x5a: {  	_ =	sfence.sel $0x180000  }
0x5b: {  	[bflag:$0x0] =	sbarrier.arrive $0xFFFF  }
0x5c: {  	p0 =	sne.s32 s4, $0x0;
	_ =	strace $0x90000047  }
0x5d: {  	s0 =	sadd.s32 @!p0 $0x100000, s0;
	[bflag:$0x2] =	sbarrier.arrive $0xFFFF  }
0x5e: {  	[sflag:s0] =	ssyncadd.tile.s32 @!p0 $0x1;
	_ =	shalt  }
.Lfunc_end2:
_tile_overlayer_lowered:
.L_overlay_start_2:
0x5f: {  	(tag) =	ssettag $0x2  }
0x60: {  	s0 =	rddreg [dreg:$0x0];
	s2 =	stileid.u32  }
0x61: {  	s1 =	rddreg [dreg:$0x1];
	p0 =	sne.s32 s2, $0x0  }
0x62: {  	s3 =	rddreg [dreg:$0x2];
	[bflag:$0x3] =	sbarrier.arrive $0xFFFF;
	s2 =	simm.s32 @!p0 $0x1C02  }
0x63: {  	[timem:s3], [sflag:s2] =	dma.local @!p0 [hbm:s0], s1  }
0x64: {  	s0 =	simm.s32 @!p0 $0x2  }
0x65: {  	_ =	swait.ge @!p0 [sflag:s0], s1  }
0x66: {  	s1 =	ssub.s32 @!p0 $0x0, s1;
	[sflag:s0] =	ssyncset.done @!p0 $0x0  }
0x67: {  	[sflag:s0] =	ssyncadd.s32 @!p0 s1  }
0x68: {  	[bflag:$0x3] =	sbarrier.arrive $0xFFFF  }
0x69: {  	_ =	shalt  }

// kernel: kernel.22.cloned.1.call-start
scs
__scs_entry_jumppad:
0x0: {  	(pc) =	sbr.rel $0x88, $3  }
0x1: {  	(tag) =	ssettag $0x0;
	lr =	simm.s32 $0x1  }
0x2: {  	[smem:$0x3F9A] =	sst lr;
	_ =	strace $0xD0000000  }
0x3: {  	_ = 	snop  }
0x4: {  	_ = 	snop  }
0x5: {  	_ = 	snop  }
0x6: {  	_ = 	snop  }
0x7: {  	_ = 	snop  }
__scs_overlays_trampoline_lowered:
0x8: {  	[smem:$0x3FA9] =	sst s0  }
0x9: {  	[smem:$0x3FAA] =	sst s1  }
0xa: {  	[smem:$0x3FAB] =	sst s2  }
0xb: {  	[smem:$0x3FAC] =	sst s3  }
0xc: {  	[smem:$0x3FAD] =	sst s4  }
0xd: {  	[smem:$0x3FAE] =	sst s5  }
0xe: {  	[smem:$0x3FAF] =	sst s6  }
0xf: {  	[smem:$0x3FB0] =	sst s7  }
0x10: {  	[smem:$0x3FB1] =	sst s8  }
0x11: {  	[smem:$0x3FB2] =	sst s9;
	s0 =	simm.s32 @!p0 $0x0  }
0x12: {  	s1 =	sld [smem:$0x3F98];
	s0 =	simm.s32 @p0 $0x1  }
0x13: {  	[smem:$0x3FB3] =	sst s0;
	s0 =	simm.s32 @!p1 $0x0  }
0x14: {  	s2 =	sld [smem:$0x3F97];
	s0 =	simm.s32 @p1 $0x1  }
0x15: {  	[smem:$0x3FB4] =	sst s0;
	s0 =	simm.s32 @!p2 $0x0  }
0x16: {  	s3 =	sld [smem:$0x3FDB];
	s0 =	simm.s32 @p2 $0x1  }
0x17: {  	s4 =	simm.s32 $0x1BF5;
	[smem:$0x3FB6] =	sst s0  }
0x18: {  	s0 =	sld [smem:$0x3F99];
	_ =	swait.ge [sflag:s4], $0x0  }
0x19: {  	s7 =	sld [smem:$0x3F9A]  }
0x1a: {  	s8 =	sadd.s32 $0xFFFFE003, lr  }
0x1b: {  	s9 =	sadd.s32 $0xFFFFFEF7, lr;
	s5 =	simm.s32 $0xFFFFFFFF;
	p2 =	slt.u32 s8, $0xFFFFF086  }
0x1c: {  	p1 =	slt.u32 s9, $0xF7A;
	s5 =	simm.s32 @!p2 $0x0  }
0x1d: {  	s5 =	simm.s32 @p1 $0x1;
	p0 =	seq.s32 s7, s2  }
0x1e: {  	s7 =	smul.u32 @!p0 $0xF7A, s2;
	p2 =	seq.s32 @!p0 s5, $0x0  }
0x1f: {  	s9 =	smul.u32 $0xF7A, s1;
	s8 =	simm.s32 @!p0 $0x1BF5;
	p2 =	por !p2, p0  }
0x20: {  	[sflag:s8] =	ssyncset.s32 @!p0 $0xFFFFF086;
	s6 =	sadd.s32 @!p0 s3, s7;
	s7 =	simm.s32 @!p0 $0x108  }
0x21: {  	s3 =	sadd.s32 s3, s9;
	s6 =	sadd.s32 @!p0 $0x88, s6;
	s7 =	simm.s32 @p2 $0x1082  }
0x22: {  	[simem:s7], [sflag:s8] =	dma.local @!p0 [hbm:s6], $0xF7A  }
0x23: {  	s9 =	sor.u32 $0xD0000000, s2;
	s6 =	simm.s32 $0x108;
	_ =	swait.ge @!p0 [sflag:s8], $0x0  }
0x24: {  	s3 =	sadd.s32 $0x88, s3;
	s6 =	simm.s32 @!p1 $0x1082;
	[sflag:s4] =	ssyncset.s32 $0xFFFFF086  }
0x25: {  	[simem:s6], [sflag:s4] =	dma.local [hbm:s3], $0xF7A  }
0x26: {  	[smem:$0x3F9A] =	sst s1;
	(tag) =	ssettag s2;
	_ =	strace s9  }
0x27: {  	s1 =	sld [smem:$0x3FAA]  }
0x28: {  	s2 =	sld [smem:$0x3FAB]  }
0x29: {  	s4 =	sld [smem:$0x3FAD]  }
0x2a: {  	p0 =	seq.s32 s5, $0x0;
	s5 =	sld [smem:$0x3FAE]  }
0x2b: {  	s6 =	sld [smem:$0x3FAF]  }
0x2c: {  	s7 =	sld [smem:$0x3FB0]  }
0x2d: {  	s3 =	simm.s32 $0x108;
	s8 =	sld [smem:$0x3FB1]  }
0x2e: {  	s3 =	simm.s32 @!p0 $0x1082;
	s9 =	sld [smem:$0x3FB2]  }
0x2f: {  	lr =	sadd.s32 s0, s3;
	s0 =	sld [smem:$0x3FA9]  }
0x30: {  	s3 =	sld [smem:$0x3FAC]  }
0x31: {  	[smem:$0x3FB5] =	sst s10  }
0x32: {  	s10 =	sld [smem:$0x3FB3];
	_ =	sdelay $0x3  }
0x33: {  	p0 =	seq.s32 s10, $0x1;
	s10 =	sld [smem:$0x3FB5];
	_ =	sdelay $0x3  }
0x34: {  	[smem:$0x3FB5] =	sst s10  }
0x35: {  	s10 =	sld [smem:$0x3FB4];
	_ =	sdelay $0x3  }
0x36: {  	p1 =	seq.s32 s10, $0x1;
	s10 =	sld [smem:$0x3FB5];
	_ =	sdelay $0x3  }
0x37: {  	[smem:$0x3FB5] =	sst s10  }
0x38: {  	s10 =	sld [smem:$0x3FB6]  }
0x39: {  	_ = 	snop;
	(pc) =	sbr.ind lr, $3  }
0x3a: {  	_ = 	snop  }
0x3b: {  	_ = 	snop  }
0x3c: {  	p2 =	seq.s32 s10, $0x1;
	s10 =	sld [smem:$0x3FB5]  }
0x3d: {  	_ =	shalt  }
0x3e: {  	_ =	shalt  }
0x3f: {  	_ =	shalt  }
0x40: {  	_ =	shalt  }
0x41: {  	_ =	shalt  }
0x42: {  	_ =	shalt  }
0x43: {  	_ =	shalt  }
0x44: {  	_ =	shalt  }
0x45: {  	_ =	shalt  }
0x46: {  	_ =	shalt  }
0x47: {  	_ =	shalt  }
0x48: {  	_ =	shalt  }
0x49: {  	_ =	shalt  }
0x4a: {  	_ =	shalt  }
0x4b: {  	_ =	shalt  }
0x4c: {  	_ =	shalt  }
0x4d: {  	_ =	shalt  }
0x4e: {  	_ =	shalt  }
0x4f: {  	_ =	shalt  }
0x50: {  	_ =	shalt  }
0x51: {  	_ =	shalt  }
0x52: {  	_ =	shalt  }
0x53: {  	_ =	shalt  }
0x54: {  	_ =	shalt  }
0x55: {  	_ =	shalt  }
0x56: {  	_ =	shalt  }
0x57: {  	_ =	shalt  }
0x58: {  	_ =	shalt  }
0x59: {  	_ =	shalt  }
0x5a: {  	_ =	shalt  }
0x5b: {  	_ =	shalt  }
0x5c: {  	_ =	shalt  }
0x5d: {  	_ =	shalt  }
0x5e: {  	_ =	shalt  }
0x5f: {  	_ =	shalt  }
0x60: {  	_ =	shalt  }
0x61: {  	_ =	shalt  }
0x62: {  	_ =	shalt  }
0x63: {  	_ =	shalt  }
0x64: {  	_ =	shalt  }
0x65: {  	_ =	shalt  }
0x66: {  	_ =	shalt  }
0x67: {  	_ =	shalt  }
0x68: {  	_ =	shalt  }
0x69: {  	_ =	shalt  }
0x6a: {  	_ =	shalt  }
0x6b: {  	_ =	shalt  }
0x6c: {  	_ =	shalt  }
0x6d: {  	_ =	shalt  }
0x6e: {  	_ =	shalt  }
0x6f: {  	_ =	shalt  }
0x70: {  	_ =	shalt  }
0x71: {  	_ =	shalt  }
0x72: {  	_ =	shalt  }
0x73: {  	_ =	shalt  }
0x74: {  	_ =	shalt  }
0x75: {  	_ =	shalt  }
0x76: {  	_ =	shalt  }
0x77: {  	_ =	shalt  }
0x78: {  	_ =	shalt  }
0x79: {  	_ =	shalt  }
0x7a: {  	_ =	shalt  }
0x7b: {  	_ =	shalt  }
0x7c: {  	_ =	shalt  }
0x7d: {  	_ =	shalt  }
0x7e: {  	_ =	shalt  }
0x7f: {  	_ =	shalt  }
0x80: {  	_ =	shalt  }
0x81: {  	_ =	shalt  }
0x82: {  	_ =	shalt  }
0x83: {  	_ =	shalt  }
0x84: {  	_ =	shalt  }
0x85: {  	_ =	shalt  }
0x86: {  	_ =	shalt  }
0x87: {  	_ =	shalt  }
.Lfunc_end0:
.L_simem_size_0:
called_computation.1_lowered:
.L_overlay_start_0:
0x88: {  	s2 =	sld [smem:$0x3FD9]  }
0x89: {  	s3 =	sld [smem:$0x3FFE];
	_ =	sdelay $0x1  }
0x8a: {  	s1 =	srdreg.scid  }
0x8b: {  	s0 =	sand.u32 $0x1, s1  }
0x8c: {  	s17 =	sshll.u32 s0, $0xA;
	s2 =	sadd.s32 s3, s2  }
0x8d: {  	s2 =	sadd.s32 s2, s17  }
0x8e: {  	[smem:$0x3FC1] =	sst s2  }
0x8f: {  	_ = 	snop  }
0x90: {  	s2 =	sld [smem:$0x3FD0];
	(tm) =	ssettm $0x1  }
0x91: {  	s18 =	sld [smem:$0x3FFB];
	_ =	sdelay $0x3  }
0x92: {  	_ =	strace s18  }
0x93: {  	s3 =	sld [smem:$0x3FFC];
	_ =	sdelay $0x3  }
0x94: {  	_ =	strace s3  }
0x95: {  	s3 =	sld [smem:$0x3FFD];
	_ =	sdelay $0x3  }
0x96: {  	_ =	strace s3  }
0x97: {  	_ =	strace $0x8FFFFFFF  }
0x98: {  	s19 =	sld [smem:$0x3FDB];
	_ =	sdelay $0x1  }
0x99: {  	s4 =	simm.s32 $_scs_section_size  }
0x9a: {  	s5 =	simm.s32 $_size__tile_overlayer_lowered;
	s6 =	simm.s32 $_tile_overlayer_lowered  }
0x9b: {  	s22 =	simm.s32 $0x1BFF;
	s21 =	sshll.u32 s6, $0x1;
	s3 =	sadd.s32 s4, s19  }
0x9c: {  	s7 =	simm.s32 $0x0;
	s20 =	sshll.u32 s5, $0x1;
	s5 =	sadd.s32 s21, s3  }
0x9d: {  	[timem:s7], [sflag:s22] =	dma.local [hbm:s5], s20  }
0x9e: {  	_ =	swait.ge [sflag:s22], s20  }
0x9f: {  	s4 =	ssub.s32 $0x0, s20;
	[sflag:s22] =	ssyncset.done $0x0  }
0xa0: {  	[sflag:s22] =	ssyncadd.s32 s4;
	_ =	sdelay $0x1  }
0xa1: {  	s23 =	simm.s32 $0x1B8B  }
0xa2: {  	_ =	swait.ge [sflag:s23], $0x1  }
0xa3: {  	[sflag:s23] =	ssyncset.done $0x0  }
0xa4: {  	s25 =	simm.s32 $0x1B8E;
	s24 =	sld [smem:$0x3FFE];
	[sflag:s23] =	ssyncadd.s32 $0xFFFFFFFF  }
0xa5: {  	s26 =	simm.s32 $execute0_lowered;
	[smem:$0x3FD2] =	sst s25  }
0xa6: {  	s5 =	sshll.u32 s26, $0x1;
	_ =	strace $0x80000049;
	[dreg:$0x1] =	wrdreg $0xFFFFFFFF  }
0xa7: {  	s28 =	simm.s32 $_size_execute0_lowered;
	s3 =	sadd.s32 s3, s5;
	[dreg:$0x0] =	wrdreg $0x0  }
0xa8: {  	s5 =	sshll.u32 s28, $0x1;
	[dreg:$0x2] =	wrdreg s3  }
0xa9: {  	[dreg:$0x3] =	wrdreg s5  }
0xaa: {  	[dreg:$0x4] =	wrdreg $0xC0  }
0xab: {  	_ =	task [dreg:s7], $0x5FFFF  }
0xac: {  	[dreg:$0x1] =	wrdreg $0xFFFFFFFF  }
0xad: {  	[dreg:$0x0] =	wrdreg $0x60  }
0xae: {  	[dreg:$0x2] =	wrdreg s24  }
0xaf: {  	[dreg:$0x3] =	wrdreg s2  }
0xb0: {  	[dreg:$0x4] =	wrdreg $0x51000  }
0xb1: {  	[dreg:$0x5] =	wrdreg $0x9  }
0xb2: {  	_ =	task.clear_ibuf [dreg:s7], $0x6FFFF;
	_ =	strace $0x90000049  }
0xb3: {  	s29 =	simm.s32 $0x9;
	_ =	strace $0x8000004B  }
0xb4: {  	_ =	swait.ge [sflag:s29], $0x1  }
0xb5: {  	[sflag:s29] =	ssyncadd.s32 $0xFFFFFFFF  }
0xb6: {  	_ =	strace $0x9000004B  }
0xb7: {  	_ =	sfence  }
0xb8: {  	s30 =	sld [smem:$0x0];
	_ =	sdelay $0x2  }
0xb9: {  	s31 =	sshll.u32 s1, $0xD;
	s1 =	sshrl.u32 s1, $0x2  }
0xba: {  	s3 =	sand.u32 $0x4000, s31;
	s1 =	sadd.s32 s1, s30  }
0xbb: {  	s0 =	sor.u32 s3, s0;
	s1 =	sshll.u32 s1, $0x11  }
0xbc: {  	s0 =	sor.u32 s1, s0  }
0xbd: {  	s0 =	sadd.s32 $0x8F2B, s0  }
0xbe: {  	[sflag:s0] =	ssyncadd.remote.s32 $0x1  }
0xbf: {  	_ =	sfence.sel $0xFFFF  }
0xc0: {  	[dreg:$0x0] =	wrdreg $0xFFFFFFFF;
	(pc) =	sbr.abs _section_cstart, $3  }
0xc1: {  	[dreg:$0x1] =	wrdreg $0xFFFFFFFF  }
0xc2: {  	_ =	task.clear_ibuf [dreg:s7], $0x2FFFF;
	_ =	strace $0x9FFFFFFF  }
0xc3: {  	(tm) =	ssettm $0x7FFFFFFF  }
tec
execute0_lowered:
.L_overlay_start_1:
0x0: {  	(tag) =	ssettag $0x1  }
0x1: {  	s8 =	rddreg [dreg:$0x0]  }
0x2: {  	s9 =	rddreg [dreg:$0x1]  }
0x3: {  	s1 =	rddreg [dreg:$0x2]  }
0x4: {  	s0 =	rddreg [dreg:$0x3]  }
0x5: {  	s2 =	simm.s32 $0x0;
	s6 =	srdreg.scid;
	s3 =	stileid.u32  }
0x6: {  	s18 =	simm.s32 $0x80;
	s19 =	simm.s32 $0x100;
	s20 =	simm.s32 $0x50  }
0x7: {  	s21 =	simm.s32 $0x2900;
	s22 =	simm.s32 $0x1;
	s28 =	simm.s32 $0x0  }
0x8: {  	[smem:$0x7FF] =	sst s2;
	s4 =	sadd.s32 $0x4FB600, s8;
	s5 =	sadd.s32 $0xF800, s8  }
0x9: {  	s10 =	sand.u32 $0x1, s6;
	s6 =	sadd.s32 $0x5A00, s8;
	s12 =	smul.u32 $0x4F000, s3  }
0xa: {  	s7 =	sadd.s32 $0x19600, s8;
	s14 =	smul.u32 $0x2780, s3;
	s15 =	sadd.s32 $0x522800, s8  }
0xb: {  	s26 =	sshll.u32 s3, $0x1;
	s16 =	smul.u32 $0x13C00, s3;
	p0 =	seq.s32 s3, $0xF  }
0xc: {  	_ =	strace $0x8000004A;
	s11 =	ssub.s32 $0x2, s10;
	s25 =	smul.u32 $0x138800, s10  }
0xd: {  	s10 =	sor.u32 s10, s26;
	s13 =	sshrl.u32 s11, $0x1;
	s12 =	sshrl.u32 s12, $0x2  }
0xe: {  	s8 =	sadd.s32 s9, s14;
	s14 =	sadd.s32 $0x128400, s1;
	s9 =	sadd.s32 $0x25080, s9  }
0xf: {  	s10 =	smul.u32 $0x2710, s10;
	s13 =	ssub.s32 s11, s13;
	s17 =	sadd.s32 s12, s1  }
0x10: {  	s29 =	sadd.s32 s16, s25;
	s30 =	sshrl.u32 s25, $0x3;
	s14 =	sshrl.u32 @p0 s14, $0x3  }
0x11: {  	s12 =	sshrl.u32 s29, $0x3;
	s31 =	sadd.s32 s15, s30;
	s13 =	smax.u32 s13, $0x1  }
0x12: {  	s16 =	sshrl.u32 @!p0 s17, $0x3;
	s11 =	sadd.s32 s15, s12;
	s15 =	sshll.u32 @!p0 s3, $0x6  }
0x13: {  	s17 =	simm.s32 $0x2;
	s12 =	sadd.s32 $0x25080, s31;
	s15 =	sor.u32 @!p0 $0x1C02, s15  }
.LBB2_1:
0x14: {  	s23 =	simm.s32 @p0 $0x1FC2  }
0x15: {  	[spmem:s14], [sflag:s23] =	dma.local @p0 [hbm:s9], $0x2080  }
0x16: {  	s23 =	simm.s32 @p0 $0x2  }
0x17: {  	_ =	swait.ge @p0 [sflag:s23], $0x2080  }
0x18: {  	[sflag:s23] =	ssyncset.done @p0 $0x0  }
0x19: {  	[sflag:s23] =	ssyncadd.s32 @p0 $0xFFFFDF80;
	s23 =	simm.s32 @!p0 $0x2  }
0x1a: {  	[spmem:s16], [sflag:s15] =	dma.local @!p0 [hbm:s8], $0x2780  }
0x1b: {  	_ =	swait.ge @!p0 [sflag:s23], $0x2780  }
0x1c: {  	[sflag:s23] =	ssyncset.done @!p0 $0x0  }
0x1d: {  	[sflag:s23] =	ssyncadd.s32 @!p0 $0xFFFFD880  }
0x1e: {  	s23 =	simm.s32 $0x0;
	[bflag:$0x0] =	sbarrier.arrive $0xFFFF  }
.LBB2_2:
0x1f: {  	s24 =	smul.u32 $0x50, s23;
	_ =	sdelay $0x1  }
0x20: {  	s24 =	sadd.s32 s10, s24  }
0x21: {  	s25 =	sshrl.u32 s24, $0x3  }
0x22: {  	s26 =	sadd.s32 s6, s25  }
0x23: {  	[tilespmem:s28], [sflag:$0x2] =	stream.linear.gather [hbm4b:s26+s28], $0x50, $0x38;
	[tilespmem:$0x18980] =	vst v63  }
0x24: {  	_ =	swait.ge [sflag:s17], $0x50  }
0x25: {  	[sflag:s17] =	ssyncset.done $0x0  }
0x26: {  	s25 =	sadd.s32 s5, s25;
	[sflag:s17] =	ssyncadd.s32 $0xFFFFFFB0  }
0x27: {  	[tilespmem:s18], [sflag:$0x2] =	stream.linear.gather [hbm4b:s25+s28], $0x50, $0x38;
	[tilespmem:$0x18980] =	vst v63  }
0x28: {  	_ =	swait.ge [sflag:s17], $0x50  }
0x29: {  	s24 =	sshll.u32 s24, $0x4;
	[sflag:s17] =	ssyncset.done $0x0  }
0x2a: {  	s24 =	sadd.s32 s7, s24;
	[sflag:s17] =	ssyncadd.s32 $0xFFFFFFB0  }
0x2b: {  	[tilespmem:s19], [sflag:$0x2] =	stream.linear.gather [hbm4b:s24+s28], $0x2800, $0x38;
	[tilespmem:$0x18980] =	vst v63  }
0x2c: {  	_ =	swait.ge [sflag:s17], $0x2800  }
0x2d: {  	[sflag:s17] =	ssyncset.done $0x0  }
0x2e: {  	[sflag:s17] =	ssyncadd.s32 $0xFFFFD800  }
0x2f: {  	[tilespmem:s21], [sflag:$0x1] =	stream.indirect.gather [hbm4b:s4+s20], $0x80, s28, s20, $0xb8;
	[tilespmem:$0x18980] =	vst v63  }
0x30: {  	_ =	swait.ge [sflag:s22], $0x2800  }
0x31: {  	[sflag:s22] =	ssyncset.done $0x0  }
0x32: {  	s24 =	simm.s32 $0x0;
	[sflag:s22] =	ssyncadd.s32 $0xFFFFD800  }
0x33: {  	v0 =	vld [tilespmem:s24+$0x100]  }
0x34: {  	v4 =	vld [tilespmem:s24+$0x2900]  }
0x35: {  	v6 =	vld [tilespmem:s24+$0x2910]  }
0x36: {  	v5 =	vld [tilespmem:s24+$0x2920]  }
0x37: {  	v3 =	vld [tilespmem:s24+$0x2930]  }
0x38: {  	v1 =	vld [tilespmem:s24+$0x2940]  }
0x39: {  	v2 =	vld [tilespmem:s24+$0x2950];
	v7 =	vmul.f32 v4, v0  }
0x3a: {  	s25 =	simm.s32 $0x200;
	v6 =	vmul.f32 v6, v0;
	v4 =	vld [tilespmem:s24+$0x2960]  }
.LBB2_3:
0x3b: {  	s26 =	sshra.s32 s25, $0x2;
	p1 =	sne.s32 s25, $0x9E00;
	[tilespmem:s24+$0x2900] =	vst v7;
	v5 =	vmul.f32 v5, v0;
	v7 =	vld [tilespmem:s24+$0x2970]  }
0x3c: {  	v8 =	vld [tilespmem:s26+$0x100];
	[tilespmem:s24+$0x2910] =	vst v6;
	v3 =	vmul.f32 v3, v0  }
0x3d: {  	v6 =	vld [tilespmem:s26+$0x2900];
	[tilespmem:s24+$0x2920] =	vst v5;
	v1 =	vmul.f32 v1, v0  }
0x3e: {  	v9 =	vld [tilespmem:s26+$0x2910];
	[tilespmem:s24+$0x2930] =	vst v3;
	v2 =	vmul.f32 v2, v0  }
.Ltmp0:
0x3f: {  	v5 =	vld [tilespmem:s26+$0x2920];
	[tilespmem:s24+$0x2940] =	vst v1;
	v4 =	vmul.f32 v4, v0;
	(pc) =	sbr.rel @p1 .LBB2_3-.Ltmp0, $4  }
0x40: {  	v3 =	vld [tilespmem:s26+$0x2930];
	[tilespmem:s24+$0x2950] =	vst v2;
	v10 =	vmul.f32 v7, v0  }
0x41: {  	v1 =	vld [tilespmem:s26+$0x2940];
	[tilespmem:s24+$0x2960] =	vst v4;
	v0 =	vmov v8  }
0x42: {  	v7 =	vmul.f32 v6, v0;
	v2 =	vld [tilespmem:s26+$0x2950];
	[tilespmem:s24+$0x2970] =	vst v10;
	s24 =	smov.u32 s26  }
0x43: {  	s25 =	sadd.s32 $0x200, s25;
	v6 =	vmul.f32 v9, v0;
	v4 =	vld [tilespmem:s24+$0x2960]  }
0x44: {  	[tilespmem:s24+$0x2900] =	vst v7;
	v5 =	vmul.f32 v5, v0;
	v61 =	vld [tilespmem:s24+$0x2970]  }
0x45: {  	[tilespmem:s24+$0x2910] =	vst v6;
	v3 =	vmul.f32 v3, v0  }
0x46: {  	[tilespmem:s24+$0x2920] =	vst v5;
	v1 =	vmul.f32 v1, v0  }
0x47: {  	[tilespmem:s24+$0x2930] =	vst v3;
	v2 =	vmul.f32 v2, v0  }
0x48: {  	[tilespmem:s24+$0x2940] =	vst v1;
	v62 =	vmul.f32 v4, v0  }
0x49: {  	s23 =	sadd.s32 $0x1, s23;
	[tilespmem:s24+$0x2950] =	vst v2;
	v63 =	vmul.f32 v61, v0  }
0x4a: {  	p1 =	sne.s32 s23, $0x7D;
	[tilespmem:s24+$0x2960] =	vst v62  }
.Ltmp1:
0x4b: {  	[tilespmem:s24+$0x2970] =	vst v63;
	(pc) =	sbr.rel @p1 .LBB2_2-.Ltmp1, $4  }
0x4c: {  	[spmem:s1] =	stream.indirect.scatter.add.f32 [tilespmem:s21], [sflag:$0x2], $0x80, s18, s20, $0xb8;
	[tilespmem:$0x18980] =	vst v63  }
0x4d: {  	_ =	swait.ge [sflag:s17], $0x2800  }
0x4e: {  	[sflag:s17] =	ssyncset.done $0x0  }
0x4f: {  	[sflag:s17] =	ssyncadd.s32 $0xFFFFD800  }
0x50: {  	[bflag:$0x0] =	sbarrier.arrive $0xFFFF;
	s23 =	simm.s32 @p0 $0x1FC2  }
0x51: {  	[hbm:s12], [sflag:s23] =	dma.local @p0 [spmem:s14], $0x2080  }
0x52: {  	s23 =	simm.s32 @p0 $0x2  }
0x53: {  	s2 =	sadd.s32 $0x1, s2;
	_ =	swait.ge @p0 [sflag:s23], $0x2080  }
0x54: {  	p1 =	sne.s32 s2, s13;
	[sflag:s23] =	ssyncset.done @p0 $0x0  }
.Ltmp2:
0x55: {  	[sflag:s23] =	ssyncadd.s32 @p0 $0xFFFFDF80;
	s23 =	simm.s32 @!p0 $0x2;
	(pc) =	sbr.rel @p1 .LBB2_1-.Ltmp2, $4  }
0x56: {  	[hbm:s11], [sflag:s15] =	dma.local @!p0 [spmem:s16], $0x2780  }
0x57: {  	_ =	swait.ge @!p0 [sflag:s23], $0x2780  }
0x58: {  	[sflag:s23] =	ssyncset.done @!p0 $0x0  }
0x59: {  	[sflag:s23] =	ssyncadd.s32 @!p0 $0xFFFFD880  }
0x5a: {  	_ =	sfence.sel $0x180000  }
0x5b: {  	[bflag:$0x0] =	sbarrier.arrive $0xFFFF  }
0x5c: {  	p0 =	sne.s32 s3, $0x0;
	_ =	strace $0x9000004A  }
0x5d: {  	s0 =	sadd.s32 @!p0 $0x100000, s0;
	[bflag:$0x2] =	sbarrier.arrive $0xFFFF  }
0x5e: {  	[sflag:s0] =	ssyncadd.tile.s32 @!p0 $0x1;
	_ =	shalt  }
.Lfunc_end2:
_tile_overlayer_lowered:
.L_overlay_start_2:
0x5f: {  	(tag) =	ssettag $0x2  }
0x60: {  	s0 =	rddreg [dreg:$0x0];
	s2 =	stileid.u32  }
0x61: {  	s1 =	rddreg [dreg:$0x1];
	p0 =	sne.s32 s2, $0x0  }
0x62: {  	s3 =	rddreg [dreg:$0x2];
	[bflag:$0x3] =	sbarrier.arrive $0xFFFF;
	s2 =	simm.s32 @!p0 $0x1C02  }
0x63: {  	[timem:s3], [sflag:s2] =	dma.local @!p0 [hbm:s0], s1  }
0x64: {  	s0 =	simm.s32 @!p0 $0x2  }
0x65: {  	_ =	swait.ge @!p0 [sflag:s0], s1  }
0x66: {  	s1 =	ssub.s32 @!p0 $0x0, s1;
	[sflag:s0] =	ssyncset.done @!p0 $0x0  }
0x67: {  	[sflag:s0] =	ssyncadd.s32 @!p0 s1  }
0x68: {  	[bflag:$0x3] =	sbarrier.arrive $0xFFFF  }
0x69: {  	_ =	shalt  }

// kernel: kernel.25.cloned.1.call-start
scs
__scs_entry_jumppad:
0x0: {  	(pc) =	sbr.rel $0x88, $3  }
0x1: {  	(tag) =	ssettag $0x0;
	lr =	simm.s32 $0x1  }
0x2: {  	[smem:$0x3F9A] =	sst lr;
	_ =	strace $0xD0000000  }
0x3: {  	_ = 	snop  }
0x4: {  	_ = 	snop  }
0x5: {  	_ = 	snop  }
0x6: {  	_ = 	snop  }
0x7: {  	_ = 	snop  }
__scs_overlays_trampoline_lowered:
0x8: {  	[smem:$0x3FA9] =	sst s0  }
0x9: {  	[smem:$0x3FAA] =	sst s1  }
0xa: {  	[smem:$0x3FAB] =	sst s2  }
0xb: {  	[smem:$0x3FAC] =	sst s3  }
0xc: {  	[smem:$0x3FAD] =	sst s4  }
0xd: {  	[smem:$0x3FAE] =	sst s5  }
0xe: {  	[smem:$0x3FAF] =	sst s6  }
0xf: {  	[smem:$0x3FB0] =	sst s7  }
0x10: {  	[smem:$0x3FB1] =	sst s8  }
0x11: {  	[smem:$0x3FB2] =	sst s9;
	s0 =	simm.s32 @!p0 $0x0  }
0x12: {  	s1 =	sld [smem:$0x3F98];
	s0 =	simm.s32 @p0 $0x1  }
0x13: {  	[smem:$0x3FB3] =	sst s0;
	s0 =	simm.s32 @!p1 $0x0  }
0x14: {  	s2 =	sld [smem:$0x3F97];
	s0 =	simm.s32 @p1 $0x1  }
0x15: {  	[smem:$0x3FB4] =	sst s0;
	s0 =	simm.s32 @!p2 $0x0  }
0x16: {  	s3 =	sld [smem:$0x3FDB];
	s0 =	simm.s32 @p2 $0x1  }
0x17: {  	s4 =	simm.s32 $0x1BF5;
	[smem:$0x3FB6] =	sst s0  }
0x18: {  	s0 =	sld [smem:$0x3F99];
	_ =	swait.ge [sflag:s4], $0x0  }
0x19: {  	s7 =	sld [smem:$0x3F9A]  }
0x1a: {  	s8 =	sadd.s32 $0xFFFFE003, lr  }
0x1b: {  	s9 =	sadd.s32 $0xFFFFFEF7, lr;
	s5 =	simm.s32 $0xFFFFFFFF;
	p2 =	slt.u32 s8, $0xFFFFF086  }
0x1c: {  	p1 =	slt.u32 s9, $0xF7A;
	s5 =	simm.s32 @!p2 $0x0  }
0x1d: {  	s5 =	simm.s32 @p1 $0x1;
	p0 =	seq.s32 s7, s2  }
0x1e: {  	s7 =	smul.u32 @!p0 $0xF7A, s2;
	p2 =	seq.s32 @!p0 s5, $0x0  }
0x1f: {  	s9 =	smul.u32 $0xF7A, s1;
	s8 =	simm.s32 @!p0 $0x1BF5;
	p2 =	por !p2, p0  }
0x20: {  	[sflag:s8] =	ssyncset.s32 @!p0 $0xFFFFF086;
	s6 =	sadd.s32 @!p0 s3, s7;
	s7 =	simm.s32 @!p0 $0x108  }
0x21: {  	s3 =	sadd.s32 s3, s9;
	s6 =	sadd.s32 @!p0 $0x88, s6;
	s7 =	simm.s32 @p2 $0x1082  }
0x22: {  	[simem:s7], [sflag:s8] =	dma.local @!p0 [hbm:s6], $0xF7A  }
0x23: {  	s9 =	sor.u32 $0xD0000000, s2;
	s6 =	simm.s32 $0x108;
	_ =	swait.ge @!p0 [sflag:s8], $0x0  }
0x24: {  	s3 =	sadd.s32 $0x88, s3;
	s6 =	simm.s32 @!p1 $0x1082;
	[sflag:s4] =	ssyncset.s32 $0xFFFFF086  }
0x25: {  	[simem:s6], [sflag:s4] =	dma.local [hbm:s3], $0xF7A  }
0x26: {  	[smem:$0x3F9A] =	sst s1;
	(tag) =	ssettag s2;
	_ =	strace s9  }
0x27: {  	s1 =	sld [smem:$0x3FAA]  }
0x28: {  	s2 =	sld [smem:$0x3FAB]  }
0x29: {  	s4 =	sld [smem:$0x3FAD]  }
0x2a: {  	p0 =	seq.s32 s5, $0x0;
	s5 =	sld [smem:$0x3FAE]  }
0x2b: {  	s6 =	sld [smem:$0x3FAF]  }
0x2c: {  	s7 =	sld [smem:$0x3FB0]  }
0x2d: {  	s3 =	simm.s32 $0x108;
	s8 =	sld [smem:$0x3FB1]  }
0x2e: {  	s3 =	simm.s32 @!p0 $0x1082;
	s9 =	sld [smem:$0x3FB2]  }
0x2f: {  	lr =	sadd.s32 s0, s3;
	s0 =	sld [smem:$0x3FA9]  }
0x30: {  	s3 =	sld [smem:$0x3FAC]  }
0x31: {  	[smem:$0x3FB5] =	sst s10  }
0x32: {  	s10 =	sld [smem:$0x3FB3];
	_ =	sdelay $0x3  }
0x33: {  	p0 =	seq.s32 s10, $0x1;
	s10 =	sld [smem:$0x3FB5];
	_ =	sdelay $0x3  }
0x34: {  	[smem:$0x3FB5] =	sst s10  }
0x35: {  	s10 =	sld [smem:$0x3FB4];
	_ =	sdelay $0x3  }
0x36: {  	p1 =	seq.s32 s10, $0x1;
	s10 =	sld [smem:$0x3FB5];
	_ =	sdelay $0x3  }
0x37: {  	[smem:$0x3FB5] =	sst s10  }
0x38: {  	s10 =	sld [smem:$0x3FB6]  }
0x39: {  	_ = 	snop;
	(pc) =	sbr.ind lr, $3  }
0x3a: {  	_ = 	snop  }
0x3b: {  	_ = 	snop  }
0x3c: {  	p2 =	seq.s32 s10, $0x1;
	s10 =	sld [smem:$0x3FB5]  }
0x3d: {  	_ =	shalt  }
0x3e: {  	_ =	shalt  }
0x3f: {  	_ =	shalt  }
0x40: {  	_ =	shalt  }
0x41: {  	_ =	shalt  }
0x42: {  	_ =	shalt  }
0x43: {  	_ =	shalt  }
0x44: {  	_ =	shalt  }
0x45: {  	_ =	shalt  }
0x46: {  	_ =	shalt  }
0x47: {  	_ =	shalt  }
0x48: {  	_ =	shalt  }
0x49: {  	_ =	shalt  }
0x4a: {  	_ =	shalt  }
0x4b: {  	_ =	shalt  }
0x4c: {  	_ =	shalt  }
0x4d: {  	_ =	shalt  }
0x4e: {  	_ =	shalt  }
0x4f: {  	_ =	shalt  }
0x50: {  	_ =	shalt  }
0x51: {  	_ =	shalt  }
0x52: {  	_ =	shalt  }
0x53: {  	_ =	shalt  }
0x54: {  	_ =	shalt  }
0x55: {  	_ =	shalt  }
0x56: {  	_ =	shalt  }
0x57: {  	_ =	shalt  }
0x58: {  	_ =	shalt  }
0x59: {  	_ =	shalt  }
0x5a: {  	_ =	shalt  }
0x5b: {  	_ =	shalt  }
0x5c: {  	_ =	shalt  }
0x5d: {  	_ =	shalt  }
0x5e: {  	_ =	shalt  }
0x5f: {  	_ =	shalt  }
0x60: {  	_ =	shalt  }
0x61: {  	_ =	shalt  }
0x62: {  	_ =	shalt  }
0x63: {  	_ =	shalt  }
0x64: {  	_ =	shalt  }
0x65: {  	_ =	shalt  }
0x66: {  	_ =	shalt  }
0x67: {  	_ =	shalt  }
0x68: {  	_ =	shalt  }
0x69: {  	_ =	shalt  }
0x6a: {  	_ =	shalt  }
0x6b: {  	_ =	shalt  }
0x6c: {  	_ =	shalt  }
0x6d: {  	_ =	shalt  }
0x6e: {  	_ =	shalt  }
0x6f: {  	_ =	shalt  }
0x70: {  	_ =	shalt  }
0x71: {  	_ =	shalt  }
0x72: {  	_ =	shalt  }
0x73: {  	_ =	shalt  }
0x74: {  	_ =	shalt  }
0x75: {  	_ =	shalt  }
0x76: {  	_ =	shalt  }
0x77: {  	_ =	shalt  }
0x78: {  	_ =	shalt  }
0x79: {  	_ =	shalt  }
0x7a: {  	_ =	shalt  }
0x7b: {  	_ =	shalt  }
0x7c: {  	_ =	shalt  }
0x7d: {  	_ =	shalt  }
0x7e: {  	_ =	shalt  }
0x7f: {  	_ =	shalt  }
0x80: {  	_ =	shalt  }
0x81: {  	_ =	shalt  }
0x82: {  	_ =	shalt  }
0x83: {  	_ =	shalt  }
0x84: {  	_ =	shalt  }
0x85: {  	_ =	shalt  }
0x86: {  	_ =	shalt  }
0x87: {  	_ =	shalt  }
.Lfunc_end0:
.L_simem_size_0:
called_computation.2_lowered:
.L_overlay_start_0:
0x88: {  	s2 =	sld [smem:$0x3FD9]  }
0x89: {  	s3 =	sld [smem:$0x3FFE];
	_ =	sdelay $0x1  }
0x8a: {  	s1 =	srdreg.scid  }
0x8b: {  	s0 =	sand.u32 $0x1, s1  }
0x8c: {  	s17 =	sshll.u32 s0, $0xA;
	s2 =	sadd.s32 s3, s2  }
0x8d: {  	s2 =	sadd.s32 s2, s17  }
0x8e: {  	[smem:$0x3FC1] =	sst s2  }
0x8f: {  	_ = 	snop  }
0x90: {  	s2 =	sld [smem:$0x3FD0];
	(tm) =	ssettm $0x1  }
0x91: {  	s18 =	sld [smem:$0x3FFB];
	_ =	sdelay $0x3  }
0x92: {  	_ =	strace s18  }
0x93: {  	s3 =	sld [smem:$0x3FFC];
	_ =	sdelay $0x3  }
0x94: {  	_ =	strace s3  }
0x95: {  	s3 =	sld [smem:$0x3FFD];
	_ =	sdelay $0x3  }
0x96: {  	_ =	strace s3  }
0x97: {  	_ =	strace $0x8FFFFFFF  }
0x98: {  	s19 =	sld [smem:$0x3FDB];
	_ =	sdelay $0x1  }
0x99: {  	s4 =	simm.s32 $_scs_section_size  }
0x9a: {  	s5 =	simm.s32 $_size__tile_overlayer_lowered;
	s6 =	simm.s32 $_tile_overlayer_lowered  }
0x9b: {  	s22 =	simm.s32 $0x1BFF;
	s21 =	sshll.u32 s6, $0x1;
	s3 =	sadd.s32 s4, s19  }
0x9c: {  	s7 =	simm.s32 $0x0;
	s20 =	sshll.u32 s5, $0x1;
	s5 =	sadd.s32 s21, s3  }
0x9d: {  	[timem:s7], [sflag:s22] =	dma.local [hbm:s5], s20  }
0x9e: {  	_ =	swait.ge [sflag:s22], s20  }
0x9f: {  	s4 =	ssub.s32 $0x0, s20;
	[sflag:s22] =	ssyncset.done $0x0  }
0xa0: {  	[sflag:s22] =	ssyncadd.s32 s4;
	_ =	sdelay $0x1  }
0xa1: {  	s23 =	simm.s32 $0x1B8B  }
0xa2: {  	_ =	swait.ge [sflag:s23], $0x1  }
0xa3: {  	[sflag:s23] =	ssyncset.done $0x0  }
0xa4: {  	s25 =	simm.s32 $0x1B8E;
	s24 =	sld [smem:$0x3FFE];
	[sflag:s23] =	ssyncadd.s32 $0xFFFFFFFF  }
0xa5: {  	s26 =	simm.s32 $execute0_lowered;
	[smem:$0x3FD2] =	sst s25  }
0xa6: {  	s5 =	sshll.u32 s26, $0x1;
	_ =	strace $0x8000004C;
	[dreg:$0x1] =	wrdreg $0xFFFFFFFF  }
0xa7: {  	s28 =	simm.s32 $_size_execute0_lowered;
	s3 =	sadd.s32 s3, s5;
	[dreg:$0x0] =	wrdreg $0x0  }
0xa8: {  	s5 =	sshll.u32 s28, $0x1;
	[dreg:$0x2] =	wrdreg s3  }
0xa9: {  	[dreg:$0x3] =	wrdreg s5  }
0xaa: {  	[dreg:$0x4] =	wrdreg $0xC0  }
0xab: {  	_ =	task [dreg:s7], $0x5FFFF  }
0xac: {  	[dreg:$0x1] =	wrdreg $0xFFFFFFFF  }
0xad: {  	[dreg:$0x0] =	wrdreg $0x60  }
0xae: {  	[dreg:$0x2] =	wrdreg s24  }
0xaf: {  	[dreg:$0x3] =	wrdreg s2  }
0xb0: {  	[dreg:$0x4] =	wrdreg $0x51000  }
0xb1: {  	[dreg:$0x5] =	wrdreg $0x9  }
0xb2: {  	_ =	task.clear_ibuf [dreg:s7], $0x6FFFF;
	_ =	strace $0x9000004C  }
0xb3: {  	s29 =	simm.s32 $0x9;
	_ =	strace $0x8000004E  }
0xb4: {  	_ =	swait.ge [sflag:s29], $0x1  }
0xb5: {  	[sflag:s29] =	ssyncadd.s32 $0xFFFFFFFF  }
0xb6: {  	_ =	strace $0x9000004E  }
0xb7: {  	_ =	sfence  }
0xb8: {  	s30 =	sld [smem:$0x0];
	_ =	sdelay $0x2  }
0xb9: {  	s31 =	sshll.u32 s1, $0xD;
	s1 =	sshrl.u32 s1, $0x2  }
0xba: {  	s3 =	sand.u32 $0x4000, s31;
	s1 =	sadd.s32 s1, s30  }
0xbb: {  	s0 =	sor.u32 s3, s0;
	s1 =	sshll.u32 s1, $0x11  }
0xbc: {  	s0 =	sor.u32 s1, s0  }
0xbd: {  	s0 =	sadd.s32 $0x8F2B, s0  }
0xbe: {  	[sflag:s0] =	ssyncadd.remote.s32 $0x1  }
0xbf: {  	_ =	sfence.sel $0xFFFF  }
0xc0: {  	[dreg:$0x0] =	wrdreg $0xFFFFFFFF;
	(pc) =	sbr.abs _section_cstart, $3  }
0xc1: {  	[dreg:$0x1] =	wrdreg $0xFFFFFFFF  }
0xc2: {  	_ =	task.clear_ibuf [dreg:s7], $0x2FFFF;
	_ =	strace $0x9FFFFFFF  }
0xc3: {  	(tm) =	ssettm $0x7FFFFFFF  }
tec
execute0_lowered:
.L_overlay_start_1:
0x0: {  	(tag) =	ssettag $0x1  }
0x1: {  	s8 =	rddreg [dreg:$0x0]  }
0x2: {  	s9 =	rddreg [dreg:$0x1]  }
0x3: {  	s1 =	rddreg [dreg:$0x2]  }
0x4: {  	s0 =	rddreg [dreg:$0x3]  }
0x5: {  	s2 =	simm.s32 $0x0;
	s6 =	srdreg.scid;
	s3 =	stileid.u32  }
0x6: {  	s18 =	simm.s32 $0x80;
	s19 =	simm.s32 $0x100;
	s20 =	simm.s32 $0x50  }
0x7: {  	s21 =	simm.s32 $0x2900;
	s22 =	simm.s32 $0x1;
	s28 =	simm.s32 $0x0  }
0x8: {  	[smem:$0x7FF] =	sst s2;
	s4 =	sadd.s32 $0x522800, s8;
	s5 =	sadd.s32 $0xF800, s8  }
0x9: {  	s10 =	sand.u32 $0x1, s6;
	s6 =	sadd.s32 $0x5A00, s8;
	s12 =	smul.u32 $0x4F000, s3  }
0xa: {  	s7 =	sadd.s32 $0x19600, s8;
	s14 =	smul.u32 $0x2780, s3;
	s15 =	sadd.s32 $0x549A00, s8  }
0xb: {  	s26 =	sshll.u32 s3, $0x1;
	s16 =	smul.u32 $0x13C00, s3;
	p0 =	seq.s32 s3, $0xF  }
0xc: {  	_ =	strace $0x8000004D;
	s11 =	ssub.s32 $0x2, s10;
	s25 =	smul.u32 $0x138800, s10  }
0xd: {  	s10 =	sor.u32 s10, s26;
	s13 =	sshrl.u32 s11, $0x1;
	s12 =	sshrl.u32 s12, $0x2  }
0xe: {  	s8 =	sadd.s32 s9, s14;
	s14 =	sadd.s32 $0x128400, s1;
	s9 =	sadd.s32 $0x25080, s9  }
0xf: {  	s10 =	smul.u32 $0x2710, s10;
	s13 =	ssub.s32 s11, s13;
	s17 =	sadd.s32 s12, s1  }
0x10: {  	s29 =	sadd.s32 s16, s25;
	s30 =	sshrl.u32 s25, $0x3;
	s14 =	sshrl.u32 @p0 s14, $0x3  }
0x11: {  	s12 =	sshrl.u32 s29, $0x3;
	s31 =	sadd.s32 s15, s30;
	s13 =	smax.u32 s13, $0x1  }
0x12: {  	s16 =	sshrl.u32 @!p0 s17, $0x3;
	s11 =	sadd.s32 s15, s12;
	s15 =	sshll.u32 @!p0 s3, $0x6  }
0x13: {  	s17 =	simm.s32 $0x2;
	s12 =	sadd.s32 $0x25080, s31;
	s15 =	sor.u32 @!p0 $0x1C02, s15  }
.LBB2_1:
0x14: {  	s23 =	simm.s32 @p0 $0x1FC2  }
0x15: {  	[spmem:s14], [sflag:s23] =	dma.local @p0 [hbm:s9], $0x2080  }
0x16: {  	s23 =	simm.s32 @p0 $0x2  }
0x17: {  	_ =	swait.ge @p0 [sflag:s23], $0x2080  }
0x18: {  	[sflag:s23] =	ssyncset.done @p0 $0x0  }
0x19: {  	[sflag:s23] =	ssyncadd.s32 @p0 $0xFFFFDF80;
	s23 =	simm.s32 @!p0 $0x2  }
0x1a: {  	[spmem:s16], [sflag:s15] =	dma.local @!p0 [hbm:s8], $0x2780  }
0x1b: {  	_ =	swait.ge @!p0 [sflag:s23], $0x2780  }
0x1c: {  	[sflag:s23] =	ssyncset.done @!p0 $0x0  }
0x1d: {  	[sflag:s23] =	ssyncadd.s32 @!p0 $0xFFFFD880  }
0x1e: {  	s23 =	simm.s32 $0x0;
	[bflag:$0x0] =	sbarrier.arrive $0xFFFF  }
.LBB2_2:
0x1f: {  	s24 =	smul.u32 $0x50, s23;
	_ =	sdelay $0x1  }
0x20: {  	s24 =	sadd.s32 s10, s24  }
0x21: {  	s25 =	sshrl.u32 s24, $0x3  }
0x22: {  	s26 =	sadd.s32 s6, s25  }
0x23: {  	[tilespmem:s28], [sflag:$0x2] =	stream.linear.gather [hbm4b:s26+s28], $0x50, $0x38;
	[tilespmem:$0x18980] =	vst v63  }
0x24: {  	_ =	swait.ge [sflag:s17], $0x50  }
0x25: {  	[sflag:s17] =	ssyncset.done $0x0  }
0x26: {  	s25 =	sadd.s32 s5, s25;
	[sflag:s17] =	ssyncadd.s32 $0xFFFFFFB0  }
0x27: {  	[tilespmem:s18], [sflag:$0x2] =	stream.linear.gather [hbm4b:s25+s28], $0x50, $0x38;
	[tilespmem:$0x18980] =	vst v63  }
0x28: {  	_ =	swait.ge [sflag:s17], $0x50  }
0x29: {  	s24 =	sshll.u32 s24, $0x4;
	[sflag:s17] =	ssyncset.done $0x0  }
0x2a: {  	s24 =	sadd.s32 s7, s24;
	[sflag:s17] =	ssyncadd.s32 $0xFFFFFFB0  }
0x2b: {  	[tilespmem:s19], [sflag:$0x2] =	stream.linear.gather [hbm4b:s24+s28], $0x2800, $0x38;
	[tilespmem:$0x18980] =	vst v63  }
0x2c: {  	_ =	swait.ge [sflag:s17], $0x2800  }
0x2d: {  	[sflag:s17] =	ssyncset.done $0x0  }
0x2e: {  	[sflag:s17] =	ssyncadd.s32 $0xFFFFD800  }
0x2f: {  	[tilespmem:s21], [sflag:$0x1] =	stream.indirect.gather [hbm4b:s4+s20], $0x80, s28, s20, $0xb8;
	[tilespmem:$0x18980] =	vst v63  }
0x30: {  	_ =	swait.ge [sflag:s22], $0x2800  }
0x31: {  	[sflag:s22] =	ssyncset.done $0x0  }
0x32: {  	s24 =	simm.s32 $0x0;
	[sflag:s22] =	ssyncadd.s32 $0xFFFFD800  }
0x33: {  	v0 =	vld [tilespmem:s24+$0x100]  }
0x34: {  	v4 =	vld [tilespmem:s24+$0x2900]  }
0x35: {  	v6 =	vld [tilespmem:s24+$0x2910]  }
0x36: {  	v5 =	vld [tilespmem:s24+$0x2920]  }
0x37: {  	v3 =	vld [tilespmem:s24+$0x2930]  }
0x38: {  	v1 =	vld [tilespmem:s24+$0x2940]  }
0x39: {  	v2 =	vld [tilespmem:s24+$0x2950];
	v7 =	vmul.f32 v4, v0  }
0x3a: {  	s25 =	simm.s32 $0x200;
	v6 =	vmul.f32 v6, v0;
	v4 =	vld [tilespmem:s24+$0x2960]  }
.LBB2_3:
0x3b: {  	s26 =	sshra.s32 s25, $0x2;
	p1 =	sne.s32 s25, $0x9E00;
	[tilespmem:s24+$0x2900] =	vst v7;
	v5 =	vmul.f32 v5, v0;
	v7 =	vld [tilespmem:s24+$0x2970]  }
0x3c: {  	v8 =	vld [tilespmem:s26+$0x100];
	[tilespmem:s24+$0x2910] =	vst v6;
	v3 =	vmul.f32 v3, v0  }
0x3d: {  	v6 =	vld [tilespmem:s26+$0x2900];
	[tilespmem:s24+$0x2920] =	vst v5;
	v1 =	vmul.f32 v1, v0  }
0x3e: {  	v9 =	vld [tilespmem:s26+$0x2910];
	[tilespmem:s24+$0x2930] =	vst v3;
	v2 =	vmul.f32 v2, v0  }
.Ltmp0:
0x3f: {  	v5 =	vld [tilespmem:s26+$0x2920];
	[tilespmem:s24+$0x2940] =	vst v1;
	v4 =	vmul.f32 v4, v0;
	(pc) =	sbr.rel @p1 .LBB2_3-.Ltmp0, $4  }
0x40: {  	v3 =	vld [tilespmem:s26+$0x2930];
	[tilespmem:s24+$0x2950] =	vst v2;
	v10 =	vmul.f32 v7, v0  }
0x41: {  	v1 =	vld [tilespmem:s26+$0x2940];
	[tilespmem:s24+$0x2960] =	vst v4;
	v0 =	vmov v8  }
0x42: {  	v7 =	vmul.f32 v6, v0;
	v2 =	vld [tilespmem:s26+$0x2950];
	[tilespmem:s24+$0x2970] =	vst v10;
	s24 =	smov.u32 s26  }
0x43: {  	s25 =	sadd.s32 $0x200, s25;
	v6 =	vmul.f32 v9, v0;
	v4 =	vld [tilespmem:s24+$0x2960]  }
0x44: {  	[tilespmem:s24+$0x2900] =	vst v7;
	v5 =	vmul.f32 v5, v0;
	v61 =	vld [tilespmem:s24+$0x2970]  }
0x45: {  	[tilespmem:s24+$0x2910] =	vst v6;
	v3 =	vmul.f32 v3, v0  }
0x46: {  	[tilespmem:s24+$0x2920] =	vst v5;
	v1 =	vmul.f32 v1, v0  }
0x47: {  	[tilespmem:s24+$0x2930] =	vst v3;
	v2 =	vmul.f32 v2, v0  }
0x48: {  	[tilespmem:s24+$0x2940] =	vst v1;
	v62 =	vmul.f32 v4, v0  }
0x49: {  	s23 =	sadd.s32 $0x1, s23;
	[tilespmem:s24+$0x2950] =	vst v2;
	v63 =	vmul.f32 v61, v0  }
0x4a: {  	p1 =	sne.s32 s23, $0x7D;
	[tilespmem:s24+$0x2960] =	vst v62  }
.Ltmp1:
0x4b: {  	[tilespmem:s24+$0x2970] =	vst v63;
	(pc) =	sbr.rel @p1 .LBB2_2-.Ltmp1, $4  }
0x4c: {  	[spmem:s1] =	stream.indirect.scatter.add.f32 [tilespmem:s21], [sflag:$0x2], $0x80, s18, s20, $0xb8;
	[tilespmem:$0x18980] =	vst v63  }
0x4d: {  	_ =	swait.ge [sflag:s17], $0x2800  }
0x4e: {  	[sflag:s17] =	ssyncset.done $0x0  }
0x4f: {  	[sflag:s17] =	ssyncadd.s32 $0xFFFFD800  }
0x50: {  	[bflag:$0x0] =	sbarrier.arrive $0xFFFF;
	s23 =	simm.s32 @p0 $0x1FC2  }
0x51: {  	[hbm:s12], [sflag:s23] =	dma.local @p0 [spmem:s14], $0x2080  }
0x52: {  	s23 =	simm.s32 @p0 $0x2  }
0x53: {  	s2 =	sadd.s32 $0x1, s2;
	_ =	swait.ge @p0 [sflag:s23], $0x2080  }
0x54: {  	p1 =	sne.s32 s2, s13;
	[sflag:s23] =	ssyncset.done @p0 $0x0  }
.Ltmp2:
0x55: {  	[sflag:s23] =	ssyncadd.s32 @p0 $0xFFFFDF80;
	s23 =	simm.s32 @!p0 $0x2;
	(pc) =	sbr.rel @p1 .LBB2_1-.Ltmp2, $4  }
0x56: {  	[hbm:s11], [sflag:s15] =	dma.local @!p0 [spmem:s16], $0x2780  }
0x57: {  	_ =	swait.ge @!p0 [sflag:s23], $0x2780  }
0x58: {  	[sflag:s23] =	ssyncset.done @!p0 $0x0  }
0x59: {  	[sflag:s23] =	ssyncadd.s32 @!p0 $0xFFFFD880  }
0x5a: {  	_ =	sfence.sel $0x180000  }
0x5b: {  	[bflag:$0x0] =	sbarrier.arrive $0xFFFF  }
0x5c: {  	p0 =	sne.s32 s3, $0x0;
	_ =	strace $0x9000004D  }
0x5d: {  	s0 =	sadd.s32 @!p0 $0x100000, s0;
	[bflag:$0x2] =	sbarrier.arrive $0xFFFF  }
0x5e: {  	[sflag:s0] =	ssyncadd.tile.s32 @!p0 $0x1;
	_ =	shalt  }
.Lfunc_end2:
_tile_overlayer_lowered:
.L_overlay_start_2:
0x5f: {  	(tag) =	ssettag $0x2  }
0x60: {  	s0 =	rddreg [dreg:$0x0];
	s2 =	stileid.u32  }
0x61: {  	s1 =	rddreg [dreg:$0x1];
	p0 =	sne.s32 s2, $0x0  }
0x62: {  	s3 =	rddreg [dreg:$0x2];
	[bflag:$0x3] =	sbarrier.arrive $0xFFFF;
	s2 =	simm.s32 @!p0 $0x1C02  }
0x63: {  	[timem:s3], [sflag:s2] =	dma.local @!p0 [hbm:s0], s1  }
0x64: {  	s0 =	simm.s32 @!p0 $0x2  }
0x65: {  	_ =	swait.ge @!p0 [sflag:s0], s1  }
0x66: {  	s1 =	ssub.s32 @!p0 $0x0, s1;
	[sflag:s0] =	ssyncset.done @!p0 $0x0  }
0x67: {  	[sflag:s0] =	ssyncadd.s32 @!p0 s1  }
0x68: {  	[bflag:$0x3] =	sbarrier.arrive $0xFFFF  }
0x69: {  	_ =	shalt  }

// kernel: kernel.28.cloned.1.call-start
scs
__scs_entry_jumppad:
0x0: {  	(pc) =	sbr.rel $0x88, $3  }
0x1: {  	(tag) =	ssettag $0x0;
	lr =	simm.s32 $0x1  }
0x2: {  	[smem:$0x3F9A] =	sst lr;
	_ =	strace $0xD0000000  }
0x3: {  	_ = 	snop  }
0x4: {  	_ = 	snop  }
0x5: {  	_ = 	snop  }
0x6: {  	_ = 	snop  }
0x7: {  	_ = 	snop  }
__scs_overlays_trampoline_lowered:
0x8: {  	[smem:$0x3FA9] =	sst s0  }
0x9: {  	[smem:$0x3FAA] =	sst s1  }
0xa: {  	[smem:$0x3FAB] =	sst s2  }
0xb: {  	[smem:$0x3FAC] =	sst s3  }
0xc: {  	[smem:$0x3FAD] =	sst s4  }
0xd: {  	[smem:$0x3FAE] =	sst s5  }
0xe: {  	[smem:$0x3FAF] =	sst s6  }
0xf: {  	[smem:$0x3FB0] =	sst s7  }
0x10: {  	[smem:$0x3FB1] =	sst s8  }
0x11: {  	[smem:$0x3FB2] =	sst s9;
	s0 =	simm.s32 @!p0 $0x0  }
0x12: {  	s1 =	sld [smem:$0x3F98];
	s0 =	simm.s32 @p0 $0x1  }
0x13: {  	[smem:$0x3FB3] =	sst s0;
	s0 =	simm.s32 @!p1 $0x0  }
0x14: {  	s2 =	sld [smem:$0x3F97];
	s0 =	simm.s32 @p1 $0x1  }
0x15: {  	[smem:$0x3FB4] =	sst s0;
	s0 =	simm.s32 @!p2 $0x0  }
0x16: {  	s3 =	sld [smem:$0x3FDB];
	s0 =	simm.s32 @p2 $0x1  }
0x17: {  	s4 =	simm.s32 $0x1BF5;
	[smem:$0x3FB6] =	sst s0  }
0x18: {  	s0 =	sld [smem:$0x3F99];
	_ =	swait.ge [sflag:s4], $0x0  }
0x19: {  	s7 =	sld [smem:$0x3F9A]  }
0x1a: {  	s8 =	sadd.s32 $0xFFFFE003, lr  }
0x1b: {  	s9 =	sadd.s32 $0xFFFFFEF7, lr;
	s5 =	simm.s32 $0xFFFFFFFF;
	p2 =	slt.u32 s8, $0xFFFFF086  }
0x1c: {  	p1 =	slt.u32 s9, $0xF7A;
	s5 =	simm.s32 @!p2 $0x0  }
0x1d: {  	s5 =	simm.s32 @p1 $0x1;
	p0 =	seq.s32 s7, s2  }
0x1e: {  	s7 =	smul.u32 @!p0 $0xF7A, s2;
	p2 =	seq.s32 @!p0 s5, $0x0  }
0x1f: {  	s9 =	smul.u32 $0xF7A, s1;
	s8 =	simm.s32 @!p0 $0x1BF5;
	p2 =	por !p2, p0  }
0x20: {  	[sflag:s8] =	ssyncset.s32 @!p0 $0xFFFFF086;
	s6 =	sadd.s32 @!p0 s3, s7;
	s7 =	simm.s32 @!p0 $0x108  }
0x21: {  	s3 =	sadd.s32 s3, s9;
	s6 =	sadd.s32 @!p0 $0x88, s6;
	s7 =	simm.s32 @p2 $0x1082  }
0x22: {  	[simem:s7], [sflag:s8] =	dma.local @!p0 [hbm:s6], $0xF7A  }
0x23: {  	s9 =	sor.u32 $0xD0000000, s2;
	s6 =	simm.s32 $0x108;
	_ =	swait.ge @!p0 [sflag:s8], $0x0  }
0x24: {  	s3 =	sadd.s32 $0x88, s3;
	s6 =	simm.s32 @!p1 $0x1082;
	[sflag:s4] =	ssyncset.s32 $0xFFFFF086  }
0x25: {  	[simem:s6], [sflag:s4] =	dma.local [hbm:s3], $0xF7A  }
0x26: {  	[smem:$0x3F9A] =	sst s1;
	(tag) =	ssettag s2;
	_ =	strace s9  }
0x27: {  	s1 =	sld [smem:$0x3FAA]  }
0x28: {  	s2 =	sld [smem:$0x3FAB]  }
0x29: {  	s4 =	sld [smem:$0x3FAD]  }
0x2a: {  	p0 =	seq.s32 s5, $0x0;
	s5 =	sld [smem:$0x3FAE]  }
0x2b: {  	s6 =	sld [smem:$0x3FAF]  }
0x2c: {  	s7 =	sld [smem:$0x3FB0]  }
0x2d: {  	s3 =	simm.s32 $0x108;
	s8 =	sld [smem:$0x3FB1]  }
0x2e: {  	s3 =	simm.s32 @!p0 $0x1082;
	s9 =	sld [smem:$0x3FB2]  }
0x2f: {  	lr =	sadd.s32 s0, s3;
	s0 =	sld [smem:$0x3FA9]  }
0x30: {  	s3 =	sld [smem:$0x3FAC]  }
0x31: {  	[smem:$0x3FB5] =	sst s10  }
0x32: {  	s10 =	sld [smem:$0x3FB3];
	_ =	sdelay $0x3  }
0x33: {  	p0 =	seq.s32 s10, $0x1;
	s10 =	sld [smem:$0x3FB5];
	_ =	sdelay $0x3  }
0x34: {  	[smem:$0x3FB5] =	sst s10  }
0x35: {  	s10 =	sld [smem:$0x3FB4];
	_ =	sdelay $0x3  }
0x36: {  	p1 =	seq.s32 s10, $0x1;
	s10 =	sld [smem:$0x3FB5];
	_ =	sdelay $0x3  }
0x37: {  	[smem:$0x3FB5] =	sst s10  }
0x38: {  	s10 =	sld [smem:$0x3FB6]  }
0x39: {  	_ = 	snop;
	(pc) =	sbr.ind lr, $3  }
0x3a: {  	_ = 	snop  }
0x3b: {  	_ = 	snop  }
0x3c: {  	p2 =	seq.s32 s10, $0x1;
	s10 =	sld [smem:$0x3FB5]  }
0x3d: {  	_ =	shalt  }
0x3e: {  	_ =	shalt  }
0x3f: {  	_ =	shalt  }
0x40: {  	_ =	shalt  }
0x41: {  	_ =	shalt  }
0x42: {  	_ =	shalt  }
0x43: {  	_ =	shalt  }
0x44: {  	_ =	shalt  }
0x45: {  	_ =	shalt  }
0x46: {  	_ =	shalt  }
0x47: {  	_ =	shalt  }
0x48: {  	_ =	shalt  }
0x49: {  	_ =	shalt  }
0x4a: {  	_ =	shalt  }
0x4b: {  	_ =	shalt  }
0x4c: {  	_ =	shalt  }
0x4d: {  	_ =	shalt  }
0x4e: {  	_ =	shalt  }
0x4f: {  	_ =	shalt  }
0x50: {  	_ =	shalt  }
0x51: {  	_ =	shalt  }
0x52: {  	_ =	shalt  }
0x53: {  	_ =	shalt  }
0x54: {  	_ =	shalt  }
0x55: {  	_ =	shalt  }
0x56: {  	_ =	shalt  }
0x57: {  	_ =	shalt  }
0x58: {  	_ =	shalt  }
0x59: {  	_ =	shalt  }
0x5a: {  	_ =	shalt  }
0x5b: {  	_ =	shalt  }
0x5c: {  	_ =	shalt  }
0x5d: {  	_ =	shalt  }
0x5e: {  	_ =	shalt  }
0x5f: {  	_ =	shalt  }
0x60: {  	_ =	shalt  }
0x61: {  	_ =	shalt  }
0x62: {  	_ =	shalt  }
0x63: {  	_ =	shalt  }
0x64: {  	_ =	shalt  }
0x65: {  	_ =	shalt  }
0x66: {  	_ =	shalt  }
0x67: {  	_ =	shalt  }
0x68: {  	_ =	shalt  }
0x69: {  	_ =	shalt  }
0x6a: {  	_ =	shalt  }
0x6b: {  	_ =	shalt  }
0x6c: {  	_ =	shalt  }
0x6d: {  	_ =	shalt  }
0x6e: {  	_ =	shalt  }
0x6f: {  	_ =	shalt  }
0x70: {  	_ =	shalt  }
0x71: {  	_ =	shalt  }
0x72: {  	_ =	shalt  }
0x73: {  	_ =	shalt  }
0x74: {  	_ =	shalt  }
0x75: {  	_ =	shalt  }
0x76: {  	_ =	shalt  }
0x77: {  	_ =	shalt  }
0x78: {  	_ =	shalt  }
0x79: {  	_ =	shalt  }
0x7a: {  	_ =	shalt  }
0x7b: {  	_ =	shalt  }
0x7c: {  	_ =	shalt  }
0x7d: {  	_ =	shalt  }
0x7e: {  	_ =	shalt  }
0x7f: {  	_ =	shalt  }
0x80: {  	_ =	shalt  }
0x81: {  	_ =	shalt  }
0x82: {  	_ =	shalt  }
0x83: {  	_ =	shalt  }
0x84: {  	_ =	shalt  }
0x85: {  	_ =	shalt  }
0x86: {  	_ =	shalt  }
0x87: {  	_ =	shalt  }
.Lfunc_end0:
.L_simem_size_0:
called_computation.3_lowered:
.L_overlay_start_0:
0x88: {  	s2 =	sld [smem:$0x3FD9]  }
0x89: {  	s3 =	sld [smem:$0x3FFE];
	_ =	sdelay $0x1  }
0x8a: {  	s1 =	srdreg.scid  }
0x8b: {  	s0 =	sand.u32 $0x1, s1  }
0x8c: {  	s17 =	sshll.u32 s0, $0xA;
	s2 =	sadd.s32 s3, s2  }
0x8d: {  	s2 =	sadd.s32 s2, s17  }
0x8e: {  	[smem:$0x3FC1] =	sst s2  }
0x8f: {  	_ = 	snop  }
0x90: {  	s2 =	sld [smem:$0x3FD0];
	(tm) =	ssettm $0x1  }
0x91: {  	s18 =	sld [smem:$0x3FFB];
	_ =	sdelay $0x3  }
0x92: {  	_ =	strace s18  }
0x93: {  	s3 =	sld [smem:$0x3FFC];
	_ =	sdelay $0x3  }
0x94: {  	_ =	strace s3  }
0x95: {  	s3 =	sld [smem:$0x3FFD];
	_ =	sdelay $0x3  }
0x96: {  	_ =	strace s3  }
0x97: {  	_ =	strace $0x8FFFFFFF  }
0x98: {  	s19 =	sld [smem:$0x3FDB];
	_ =	sdelay $0x1  }
0x99: {  	s4 =	simm.s32 $_scs_section_size  }
0x9a: {  	s5 =	simm.s32 $_size__tile_overlayer_lowered;
	s6 =	simm.s32 $_tile_overlayer_lowered  }
0x9b: {  	s22 =	simm.s32 $0x1BFF;
	s21 =	sshll.u32 s6, $0x1;
	s3 =	sadd.s32 s4, s19  }
0x9c: {  	s7 =	simm.s32 $0x0;
	s20 =	sshll.u32 s5, $0x1;
	s5 =	sadd.s32 s21, s3  }
0x9d: {  	[timem:s7], [sflag:s22] =	dma.local [hbm:s5], s20  }
0x9e: {  	_ =	swait.ge [sflag:s22], s20  }
0x9f: {  	s4 =	ssub.s32 $0x0, s20;
	[sflag:s22] =	ssyncset.done $0x0  }
0xa0: {  	[sflag:s22] =	ssyncadd.s32 s4;
	_ =	sdelay $0x1  }
0xa1: {  	s23 =	simm.s32 $0x1B8B  }
0xa2: {  	_ =	swait.ge [sflag:s23], $0x1  }
0xa3: {  	[sflag:s23] =	ssyncset.done $0x0  }
0xa4: {  	s25 =	simm.s32 $0x1B8E;
	s24 =	sld [smem:$0x3FFE];
	[sflag:s23] =	ssyncadd.s32 $0xFFFFFFFF  }
0xa5: {  	s26 =	simm.s32 $execute0_lowered;
	[smem:$0x3FD2] =	sst s25  }
0xa6: {  	s5 =	sshll.u32 s26, $0x1;
	_ =	strace $0x8000004F;
	[dreg:$0x1] =	wrdreg $0xFFFFFFFF  }
0xa7: {  	s28 =	simm.s32 $_size_execute0_lowered;
	s3 =	sadd.s32 s3, s5;
	[dreg:$0x0] =	wrdreg $0x0  }
0xa8: {  	s5 =	sshll.u32 s28, $0x1;
	[dreg:$0x2] =	wrdreg s3  }
0xa9: {  	[dreg:$0x3] =	wrdreg s5  }
0xaa: {  	[dreg:$0x4] =	wrdreg $0xC0  }
0xab: {  	_ =	task [dreg:s7], $0x5FFFF  }
0xac: {  	[dreg:$0x1] =	wrdreg $0xFFFFFFFF  }
0xad: {  	[dreg:$0x0] =	wrdreg $0x60  }
0xae: {  	[dreg:$0x2] =	wrdreg s24  }
0xaf: {  	[dreg:$0x3] =	wrdreg s2  }
0xb0: {  	[dreg:$0x4] =	wrdreg $0x51000  }
0xb1: {  	[dreg:$0x5] =	wrdreg $0x9  }
0xb2: {  	_ =	task.clear_ibuf [dreg:s7], $0x6FFFF;
	_ =	strace $0x9000004F  }
0xb3: {  	s29 =	simm.s32 $0x9;
	_ =	strace $0x80000051  }
0xb4: {  	_ =	swait.ge [sflag:s29], $0x1  }
0xb5: {  	[sflag:s29] =	ssyncadd.s32 $0xFFFFFFFF  }
0xb6: {  	_ =	strace $0x90000051  }
0xb7: {  	_ =	sfence  }
0xb8: {  	s30 =	sld [smem:$0x0];
	_ =	sdelay $0x2  }
0xb9: {  	s31 =	sshll.u32 s1, $0xD;
	s1 =	sshrl.u32 s1, $0x2  }
0xba: {  	s3 =	sand.u32 $0x4000, s31;
	s1 =	sadd.s32 s1, s30  }
0xbb: {  	s0 =	sor.u32 s3, s0;
	s1 =	sshll.u32 s1, $0x11  }
0xbc: {  	s0 =	sor.u32 s1, s0  }
0xbd: {  	s0 =	sadd.s32 $0x8F2B, s0  }
0xbe: {  	[sflag:s0] =	ssyncadd.remote.s32 $0x1  }
0xbf: {  	_ =	sfence.sel $0xFFFF  }
0xc0: {  	[dreg:$0x0] =	wrdreg $0xFFFFFFFF;
	(pc) =	sbr.abs _section_cstart, $3  }
0xc1: {  	[dreg:$0x1] =	wrdreg $0xFFFFFFFF  }
0xc2: {  	_ =	task.clear_ibuf [dreg:s7], $0x2FFFF;
	_ =	strace $0x9FFFFFFF  }
0xc3: {  	(tm) =	ssettm $0x7FFFFFFF  }
tec
execute0_lowered:
.L_overlay_start_1:
0x0: {  	(tag) =	ssettag $0x1  }
0x1: {  	s8 =	rddreg [dreg:$0x0]  }
0x2: {  	s9 =	rddreg [dreg:$0x1]  }
0x3: {  	s1 =	rddreg [dreg:$0x2]  }
0x4: {  	s0 =	rddreg [dreg:$0x3]  }
0x5: {  	s2 =	simm.s32 $0x0;
	s6 =	srdreg.scid;
	s3 =	stileid.u32  }
0x6: {  	s18 =	simm.s32 $0x80;
	s19 =	simm.s32 $0x100;
	s20 =	simm.s32 $0x50  }
0x7: {  	s21 =	simm.s32 $0x2900;
	s22 =	simm.s32 $0x1;
	s28 =	simm.s32 $0x0  }
0x8: {  	[smem:$0x7FF] =	sst s2;
	s4 =	sadd.s32 $0x549A00, s8;
	s5 =	sadd.s32 $0xF800, s8  }
0x9: {  	s10 =	sand.u32 $0x1, s6;
	s6 =	sadd.s32 $0x5A00, s8;
	s12 =	smul.u32 $0x4F000, s3  }
0xa: {  	s7 =	sadd.s32 $0x19600, s8;
	s14 =	smul.u32 $0x2780, s3;
	s15 =	sadd.s32 $0x570C00, s8  }
0xb: {  	s26 =	sshll.u32 s3, $0x1;
	s16 =	smul.u32 $0x13C00, s3;
	p0 =	seq.s32 s3, $0xF  }
0xc: {  	_ =	strace $0x80000050;
	s11 =	ssub.s32 $0x2, s10;
	s25 =	smul.u32 $0x138800, s10  }
0xd: {  	s10 =	sor.u32 s10, s26;
	s13 =	sshrl.u32 s11, $0x1;
	s12 =	sshrl.u32 s12, $0x2  }
0xe: {  	s8 =	sadd.s32 s9, s14;
	s14 =	sadd.s32 $0x128400, s1;
	s9 =	sadd.s32 $0x25080, s9  }
0xf: {  	s10 =	smul.u32 $0x2710, s10;
	s13 =	ssub.s32 s11, s13;
	s17 =	sadd.s32 s12, s1  }
0x10: {  	s29 =	sadd.s32 s16, s25;
	s30 =	sshrl.u32 s25, $0x3;
	s14 =	sshrl.u32 @p0 s14, $0x3  }
0x11: {  	s12 =	sshrl.u32 s29, $0x3;
	s31 =	sadd.s32 s15, s30;
	s13 =	smax.u32 s13, $0x1  }
0x12: {  	s16 =	sshrl.u32 @!p0 s17, $0x3;
	s11 =	sadd.s32 s15, s12;
	s15 =	sshll.u32 @!p0 s3, $0x6  }
0x13: {  	s17 =	simm.s32 $0x2;
	s12 =	sadd.s32 $0x25080, s31;
	s15 =	sor.u32 @!p0 $0x1C02, s15  }
.LBB2_1:
0x14: {  	s23 =	simm.s32 @p0 $0x1FC2  }
0x15: {  	[spmem:s14], [sflag:s23] =	dma.local @p0 [hbm:s9], $0x2080  }
0x16: {  	s23 =	simm.s32 @p0 $0x2  }
0x17: {  	_ =	swait.ge @p0 [sflag:s23], $0x2080  }
0x18: {  	[sflag:s23] =	ssyncset.done @p0 $0x0  }
0x19: {  	[sflag:s23] =	ssyncadd.s32 @p0 $0xFFFFDF80;
	s23 =	simm.s32 @!p0 $0x2  }
0x1a: {  	[spmem:s16], [sflag:s15] =	dma.local @!p0 [hbm:s8], $0x2780  }
0x1b: {  	_ =	swait.ge @!p0 [sflag:s23], $0x2780  }
0x1c: {  	[sflag:s23] =	ssyncset.done @!p0 $0x0  }
0x1d: {  	[sflag:s23] =	ssyncadd.s32 @!p0 $0xFFFFD880  }
0x1e: {  	s23 =	simm.s32 $0x0;
	[bflag:$0x0] =	sbarrier.arrive $0xFFFF  }
.LBB2_2:
0x1f: {  	s24 =	smul.u32 $0x50, s23;
	_ =	sdelay $0x1  }
0x20: {  	s24 =	sadd.s32 s10, s24  }
0x21: {  	s25 =	sshrl.u32 s24, $0x3  }
0x22: {  	s26 =	sadd.s32 s6, s25  }
0x23: {  	[tilespmem:s28], [sflag:$0x2] =	stream.linear.gather [hbm4b:s26+s28], $0x50, $0x38;
	[tilespmem:$0x18980] =	vst v63  }
0x24: {  	_ =	swait.ge [sflag:s17], $0x50  }
0x25: {  	[sflag:s17] =	ssyncset.done $0x0  }
0x26: {  	s25 =	sadd.s32 s5, s25;
	[sflag:s17] =	ssyncadd.s32 $0xFFFFFFB0  }
0x27: {  	[tilespmem:s18], [sflag:$0x2] =	stream.linear.gather [hbm4b:s25+s28], $0x50, $0x38;
	[tilespmem:$0x18980] =	vst v63  }
0x28: {  	_ =	swait.ge [sflag:s17], $0x50  }
0x29: {  	s24 =	sshll.u32 s24, $0x4;
	[sflag:s17] =	ssyncset.done $0x0  }
0x2a: {  	s24 =	sadd.s32 s7, s24;
	[sflag:s17] =	ssyncadd.s32 $0xFFFFFFB0  }
0x2b: {  	[tilespmem:s19], [sflag:$0x2] =	stream.linear.gather [hbm4b:s24+s28], $0x2800, $0x38;
	[tilespmem:$0x18980] =	vst v63  }
0x2c: {  	_ =	swait.ge [sflag:s17], $0x2800  }
0x2d: {  	[sflag:s17] =	ssyncset.done $0x0  }
0x2e: {  	[sflag:s17] =	ssyncadd.s32 $0xFFFFD800  }
0x2f: {  	[tilespmem:s21], [sflag:$0x1] =	stream.indirect.gather [hbm4b:s4+s20], $0x80, s28, s20, $0xb8;
	[tilespmem:$0x18980] =	vst v63  }
0x30: {  	_ =	swait.ge [sflag:s22], $0x2800  }
0x31: {  	[sflag:s22] =	ssyncset.done $0x0  }
0x32: {  	s24 =	simm.s32 $0x0;
	[sflag:s22] =	ssyncadd.s32 $0xFFFFD800  }
0x33: {  	v0 =	vld [tilespmem:s24+$0x100]  }
0x34: {  	v4 =	vld [tilespmem:s24+$0x2900]  }
0x35: {  	v6 =	vld [tilespmem:s24+$0x2910]  }
0x36: {  	v5 =	vld [tilespmem:s24+$0x2920]  }
0x37: {  	v3 =	vld [tilespmem:s24+$0x2930]  }
0x38: {  	v1 =	vld [tilespmem:s24+$0x2940]  }
0x39: {  	v2 =	vld [tilespmem:s24+$0x2950];
	v7 =	vmul.f32 v4, v0  }
0x3a: {  	s25 =	simm.s32 $0x200;
	v6 =	vmul.f32 v6, v0;
	v4 =	vld [tilespmem:s24+$0x2960]  }
.LBB2_3:
0x3b: {  	s26 =	sshra.s32 s25, $0x2;
	p1 =	sne.s32 s25, $0x9E00;
	[tilespmem:s24+$0x2900] =	vst v7;
	v5 =	vmul.f32 v5, v0;
	v7 =	vld [tilespmem:s24+$0x2970]  }
0x3c: {  	v8 =	vld [tilespmem:s26+$0x100];
	[tilespmem:s24+$0x2910] =	vst v6;
	v3 =	vmul.f32 v3, v0  }
0x3d: {  	v6 =	vld [tilespmem:s26+$0x2900];
	[tilespmem:s24+$0x2920] =	vst v5;
	v1 =	vmul.f32 v1, v0  }
0x3e: {  	v9 =	vld [tilespmem:s26+$0x2910];
	[tilespmem:s24+$0x2930] =	vst v3;
	v2 =	vmul.f32 v2, v0  }
.Ltmp0:
0x3f: {  	v5 =	vld [tilespmem:s26+$0x2920];
	[tilespmem:s24+$0x2940] =	vst v1;
	v4 =	vmul.f32 v4, v0;
	(pc) =	sbr.rel @p1 .LBB2_3-.Ltmp0, $4  }
0x40: {  	v3 =	vld [tilespmem:s26+$0x2930];
	[tilespmem:s24+$0x2950] =	vst v2;
	v10 =	vmul.f32 v7, v0  }
0x41: {  	v1 =	vld [tilespmem:s26+$0x2940];
	[tilespmem:s24+$0x2960] =	vst v4;
	v0 =	vmov v8  }
0x42: {  	v7 =	vmul.f32 v6, v0;
	v2 =	vld [tilespmem:s26+$0x2950];
	[tilespmem:s24+$0x2970] =	vst v10;
	s24 =	smov.u32 s26  }
0x43: {  	s25 =	sadd.s32 $0x200, s25;
	v6 =	vmul.f32 v9, v0;
	v4 =	vld [tilespmem:s24+$0x2960]  }
0x44: {  	[tilespmem:s24+$0x2900] =	vst v7;
	v5 =	vmul.f32 v5, v0;
	v61 =	vld [tilespmem:s24+$0x2970]  }
0x45: {  	[tilespmem:s24+$0x2910] =	vst v6;
	v3 =	vmul.f32 v3, v0  }
0x46: {  	[tilespmem:s24+$0x2920] =	vst v5;
	v1 =	vmul.f32 v1, v0  }
0x47: {  	[tilespmem:s24+$0x2930] =	vst v3;
	v2 =	vmul.f32 v2, v0  }
0x48: {  	[tilespmem:s24+$0x2940] =	vst v1;
	v62 =	vmul.f32 v4, v0  }
0x49: {  	s23 =	sadd.s32 $0x1, s23;
	[tilespmem:s24+$0x2950] =	vst v2;
	v63 =	vmul.f32 v61, v0  }
0x4a: {  	p1 =	sne.s32 s23, $0x7D;
	[tilespmem:s24+$0x2960] =	vst v62  }
.Ltmp1:
0x4b: {  	[tilespmem:s24+$0x2970] =	vst v63;
	(pc) =	sbr.rel @p1 .LBB2_2-.Ltmp1, $4  }
0x4c: {  	[spmem:s1] =	stream.indirect.scatter.add.f32 [tilespmem:s21], [sflag:$0x2], $0x80, s18, s20, $0xb8;
	[tilespmem:$0x18980] =	vst v63  }
0x4d: {  	_ =	swait.ge [sflag:s17], $0x2800  }
0x4e: {  	[sflag:s17] =	ssyncset.done $0x0  }
0x4f: {  	[sflag:s17] =	ssyncadd.s32 $0xFFFFD800  }
0x50: {  	[bflag:$0x0] =	sbarrier.arrive $0xFFFF;
	s23 =	simm.s32 @p0 $0x1FC2  }
0x51: {  	[hbm:s12], [sflag:s23] =	dma.local @p0 [spmem:s14], $0x2080  }
0x52: {  	s23 =	simm.s32 @p0 $0x2  }
0x53: {  	s2 =	sadd.s32 $0x1, s2;
	_ =	swait.ge @p0 [sflag:s23], $0x2080  }
0x54: {  	p1 =	sne.s32 s2, s13;
	[sflag:s23] =	ssyncset.done @p0 $0x0  }
.Ltmp2:
0x55: {  	[sflag:s23] =	ssyncadd.s32 @p0 $0xFFFFDF80;
	s23 =	simm.s32 @!p0 $0x2;
	(pc) =	sbr.rel @p1 .LBB2_1-.Ltmp2, $4  }
0x56: {  	[hbm:s11], [sflag:s15] =	dma.local @!p0 [spmem:s16], $0x2780  }
0x57: {  	_ =	swait.ge @!p0 [sflag:s23], $0x2780  }
0x58: {  	[sflag:s23] =	ssyncset.done @!p0 $0x0  }
0x59: {  	[sflag:s23] =	ssyncadd.s32 @!p0 $0xFFFFD880  }
0x5a: {  	_ =	sfence.sel $0x180000  }
0x5b: {  	[bflag:$0x0] =	sbarrier.arrive $0xFFFF  }
0x5c: {  	p0 =	sne.s32 s3, $0x0;
	_ =	strace $0x90000050  }
0x5d: {  	s0 =	sadd.s32 @!p0 $0x100000, s0;
	[bflag:$0x2] =	sbarrier.arrive $0xFFFF  }
0x5e: {  	[sflag:s0] =	ssyncadd.tile.s32 @!p0 $0x1;
	_ =	shalt  }
.Lfunc_end2:
_tile_overlayer_lowered:
.L_overlay_start_2:
0x5f: {  	(tag) =	ssettag $0x2  }
0x60: {  	s0 =	rddreg [dreg:$0x0];
	s2 =	stileid.u32  }
0x61: {  	s1 =	rddreg [dreg:$0x1];
	p0 =	sne.s32 s2, $0x0  }
0x62: {  	s3 =	rddreg [dreg:$0x2];
	[bflag:$0x3] =	sbarrier.arrive $0xFFFF;
	s2 =	simm.s32 @!p0 $0x1C02  }
0x63: {  	[timem:s3], [sflag:s2] =	dma.local @!p0 [hbm:s0], s1  }
0x64: {  	s0 =	simm.s32 @!p0 $0x2  }
0x65: {  	_ =	swait.ge @!p0 [sflag:s0], s1  }
0x66: {  	s1 =	ssub.s32 @!p0 $0x0, s1;
	[sflag:s0] =	ssyncset.done @!p0 $0x0  }
0x67: {  	[sflag:s0] =	ssyncadd.s32 @!p0 s1  }
0x68: {  	[bflag:$0x3] =	sbarrier.arrive $0xFFFF  }
0x69: {  	_ =	shalt  }

// kernel: kernel.31.cloned.1.call-start
scs
__scs_entry_jumppad:
0x0: {  	(pc) =	sbr.rel $0x88, $3  }
0x1: {  	(tag) =	ssettag $0x0;
	lr =	simm.s32 $0x1  }
0x2: {  	[smem:$0x3F9A] =	sst lr;
	_ =	strace $0xD0000000  }
0x3: {  	_ = 	snop  }
0x4: {  	_ = 	snop  }
0x5: {  	_ = 	snop  }
0x6: {  	_ = 	snop  }
0x7: {  	_ = 	snop  }
__scs_overlays_trampoline_lowered:
0x8: {  	[smem:$0x3FA9] =	sst s0  }
0x9: {  	[smem:$0x3FAA] =	sst s1  }
0xa: {  	[smem:$0x3FAB] =	sst s2  }
0xb: {  	[smem:$0x3FAC] =	sst s3  }
0xc: {  	[smem:$0x3FAD] =	sst s4  }
0xd: {  	[smem:$0x3FAE] =	sst s5  }
0xe: {  	[smem:$0x3FAF] =	sst s6  }
0xf: {  	[smem:$0x3FB0] =	sst s7  }
0x10: {  	[smem:$0x3FB1] =	sst s8  }
0x11: {  	[smem:$0x3FB2] =	sst s9;
	s0 =	simm.s32 @!p0 $0x0  }
0x12: {  	s1 =	sld [smem:$0x3F98];
	s0 =	simm.s32 @p0 $0x1  }
0x13: {  	[smem:$0x3FB3] =	sst s0;
	s0 =	simm.s32 @!p1 $0x0  }
0x14: {  	s2 =	sld [smem:$0x3F97];
	s0 =	simm.s32 @p1 $0x1  }
0x15: {  	[smem:$0x3FB4] =	sst s0;
	s0 =	simm.s32 @!p2 $0x0  }
0x16: {  	s3 =	sld [smem:$0x3FDB];
	s0 =	simm.s32 @p2 $0x1  }
0x17: {  	s4 =	simm.s32 $0x1BF5;
	[smem:$0x3FB6] =	sst s0  }
0x18: {  	s0 =	sld [smem:$0x3F99];
	_ =	swait.ge [sflag:s4], $0x0  }
0x19: {  	s7 =	sld [smem:$0x3F9A]  }
0x1a: {  	s8 =	sadd.s32 $0xFFFFE003, lr  }
0x1b: {  	s9 =	sadd.s32 $0xFFFFFEF7, lr;
	s5 =	simm.s32 $0xFFFFFFFF;
	p2 =	slt.u32 s8, $0xFFFFF086  }
0x1c: {  	p1 =	slt.u32 s9, $0xF7A;
	s5 =	simm.s32 @!p2 $0x0  }
0x1d: {  	s5 =	simm.s32 @p1 $0x1;
	p0 =	seq.s32 s7, s2  }
0x1e: {  	s7 =	smul.u32 @!p0 $0xF7A, s2;
	p2 =	seq.s32 @!p0 s5, $0x0  }
0x1f: {  	s9 =	smul.u32 $0xF7A, s1;
	s8 =	simm.s32 @!p0 $0x1BF5;
	p2 =	por !p2, p0  }
0x20: {  	[sflag:s8] =	ssyncset.s32 @!p0 $0xFFFFF086;
	s6 =	sadd.s32 @!p0 s3, s7;
	s7 =	simm.s32 @!p0 $0x108  }
0x21: {  	s3 =	sadd.s32 s3, s9;
	s6 =	sadd.s32 @!p0 $0x88, s6;
	s7 =	simm.s32 @p2 $0x1082  }
0x22: {  	[simem:s7], [sflag:s8] =	dma.local @!p0 [hbm:s6], $0xF7A  }
0x23: {  	s9 =	sor.u32 $0xD0000000, s2;
	s6 =	simm.s32 $0x108;
	_ =	swait.ge @!p0 [sflag:s8], $0x0  }
0x24: {  	s3 =	sadd.s32 $0x88, s3;
	s6 =	simm.s32 @!p1 $0x1082;
	[sflag:s4] =	ssyncset.s32 $0xFFFFF086  }
0x25: {  	[simem:s6], [sflag:s4] =	dma.local [hbm:s3], $0xF7A  }
0x26: {  	[smem:$0x3F9A] =	sst s1;
	(tag) =	ssettag s2;
	_ =	strace s9  }
0x27: {  	s1 =	sld [smem:$0x3FAA]  }
0x28: {  	s2 =	sld [smem:$0x3FAB]  }
0x29: {  	s4 =	sld [smem:$0x3FAD]  }
0x2a: {  	p0 =	seq.s32 s5, $0x0;
	s5 =	sld [smem:$0x3FAE]  }
0x2b: {  	s6 =	sld [smem:$0x3FAF]  }
0x2c: {  	s7 =	sld [smem:$0x3FB0]  }
0x2d: {  	s3 =	simm.s32 $0x108;
	s8 =	sld [smem:$0x3FB1]  }
0x2e: {  	s3 =	simm.s32 @!p0 $0x1082;
	s9 =	sld [smem:$0x3FB2]  }
0x2f: {  	lr =	sadd.s32 s0, s3;
	s0 =	sld [smem:$0x3FA9]  }
0x30: {  	s3 =	sld [smem:$0x3FAC]  }
0x31: {  	[smem:$0x3FB5] =	sst s10  }
0x32: {  	s10 =	sld [smem:$0x3FB3];
	_ =	sdelay $0x3  }
0x33: {  	p0 =	seq.s32 s10, $0x1;
	s10 =	sld [smem:$0x3FB5];
	_ =	sdelay $0x3  }
0x34: {  	[smem:$0x3FB5] =	sst s10  }
0x35: {  	s10 =	sld [smem:$0x3FB4];
	_ =	sdelay $0x3  }
0x36: {  	p1 =	seq.s32 s10, $0x1;
	s10 =	sld [smem:$0x3FB5];
	_ =	sdelay $0x3  }
0x37: {  	[smem:$0x3FB5] =	sst s10  }
0x38: {  	s10 =	sld [smem:$0x3FB6]  }
0x39: {  	_ = 	snop;
	(pc) =	sbr.ind lr, $3  }
0x3a: {  	_ = 	snop  }
0x3b: {  	_ = 	snop  }
0x3c: {  	p2 =	seq.s32 s10, $0x1;
	s10 =	sld [smem:$0x3FB5]  }
0x3d: {  	_ =	shalt  }
0x3e: {  	_ =	shalt  }
0x3f: {  	_ =	shalt  }
0x40: {  	_ =	shalt  }
0x41: {  	_ =	shalt  }
0x42: {  	_ =	shalt  }
0x43: {  	_ =	shalt  }
0x44: {  	_ =	shalt  }
0x45: {  	_ =	shalt  }
0x46: {  	_ =	shalt  }
0x47: {  	_ =	shalt  }
0x48: {  	_ =	shalt  }
0x49: {  	_ =	shalt  }
0x4a: {  	_ =	shalt  }
0x4b: {  	_ =	shalt  }
0x4c: {  	_ =	shalt  }
0x4d: {  	_ =	shalt  }
0x4e: {  	_ =	shalt  }
0x4f: {  	_ =	shalt  }
0x50: {  	_ =	shalt  }
0x51: {  	_ =	shalt  }
0x52: {  	_ =	shalt  }
0x53: {  	_ =	shalt  }
0x54: {  	_ =	shalt  }
0x55: {  	_ =	shalt  }
0x56: {  	_ =	shalt  }
0x57: {  	_ =	shalt  }
0x58: {  	_ =	shalt  }
0x59: {  	_ =	shalt  }
0x5a: {  	_ =	shalt  }
0x5b: {  	_ =	shalt  }
0x5c: {  	_ =	shalt  }
0x5d: {  	_ =	shalt  }
0x5e: {  	_ =	shalt  }
0x5f: {  	_ =	shalt  }
0x60: {  	_ =	shalt  }
0x61: {  	_ =	shalt  }
0x62: {  	_ =	shalt  }
0x63: {  	_ =	shalt  }
0x64: {  	_ =	shalt  }
0x65: {  	_ =	shalt  }
0x66: {  	_ =	shalt  }
0x67: {  	_ =	shalt  }
0x68: {  	_ =	shalt  }
0x69: {  	_ =	shalt  }
0x6a: {  	_ =	shalt  }
0x6b: {  	_ =	shalt  }
0x6c: {  	_ =	shalt  }
0x6d: {  	_ =	shalt  }
0x6e: {  	_ =	shalt  }
0x6f: {  	_ =	shalt  }
0x70: {  	_ =	shalt  }
0x71: {  	_ =	shalt  }
0x72: {  	_ =	shalt  }
0x73: {  	_ =	shalt  }
0x74: {  	_ =	shalt  }
0x75: {  	_ =	shalt  }
0x76: {  	_ =	shalt  }
0x77: {  	_ =	shalt  }
0x78: {  	_ =	shalt  }
0x79: {  	_ =	shalt  }
0x7a: {  	_ =	shalt  }
0x7b: {  	_ =	shalt  }
0x7c: {  	_ =	shalt  }
0x7d: {  	_ =	shalt  }
0x7e: {  	_ =	shalt  }
0x7f: {  	_ =	shalt  }
0x80: {  	_ =	shalt  }
0x81: {  	_ =	shalt  }
0x82: {  	_ =	shalt  }
0x83: {  	_ =	shalt  }
0x84: {  	_ =	shalt  }
0x85: {  	_ =	shalt  }
0x86: {  	_ =	shalt  }
0x87: {  	_ =	shalt  }
.Lfunc_end0:
.L_simem_size_0:
called_computation.4_lowered:
.L_overlay_start_0:
0x88: {  	s2 =	sld [smem:$0x3FD9]  }
0x89: {  	s3 =	sld [smem:$0x3FFE];
	_ =	sdelay $0x1  }
0x8a: {  	s1 =	srdreg.scid  }
0x8b: {  	s0 =	sand.u32 $0x1, s1  }
0x8c: {  	s17 =	sshll.u32 s0, $0xA;
	s2 =	sadd.s32 s3, s2  }
0x8d: {  	s2 =	sadd.s32 s2, s17  }
0x8e: {  	[smem:$0x3FC1] =	sst s2  }
0x8f: {  	_ = 	snop  }
0x90: {  	s2 =	sld [smem:$0x3FD0];
	(tm) =	ssettm $0x1  }
0x91: {  	s18 =	sld [smem:$0x3FFB];
	_ =	sdelay $0x3  }
0x92: {  	_ =	strace s18  }
0x93: {  	s3 =	sld [smem:$0x3FFC];
	_ =	sdelay $0x3  }
0x94: {  	_ =	strace s3  }
0x95: {  	s3 =	sld [smem:$0x3FFD];
	_ =	sdelay $0x3  }
0x96: {  	_ =	strace s3  }
0x97: {  	_ =	strace $0x8FFFFFFF  }
0x98: {  	s19 =	sld [smem:$0x3FDB];
	_ =	sdelay $0x1  }
0x99: {  	s4 =	simm.s32 $_scs_section_size  }
0x9a: {  	s5 =	simm.s32 $_size__tile_overlayer_lowered;
	s6 =	simm.s32 $_tile_overlayer_lowered  }
0x9b: {  	s22 =	simm.s32 $0x1BFF;
	s21 =	sshll.u32 s6, $0x1;
	s3 =	sadd.s32 s4, s19  }
0x9c: {  	s7 =	simm.s32 $0x0;
	s20 =	sshll.u32 s5, $0x1;
	s5 =	sadd.s32 s21, s3  }
0x9d: {  	[timem:s7], [sflag:s22] =	dma.local [hbm:s5], s20  }
0x9e: {  	_ =	swait.ge [sflag:s22], s20  }
0x9f: {  	s4 =	ssub.s32 $0x0, s20;
	[sflag:s22] =	ssyncset.done $0x0  }
0xa0: {  	[sflag:s22] =	ssyncadd.s32 s4;
	_ =	sdelay $0x1  }
0xa1: {  	s23 =	simm.s32 $0x1B8B  }
0xa2: {  	_ =	swait.ge [sflag:s23], $0x1  }
0xa3: {  	[sflag:s23] =	ssyncset.done $0x0  }
0xa4: {  	s25 =	simm.s32 $0x1B8E;
	s24 =	sld [smem:$0x3FFE];
	[sflag:s23] =	ssyncadd.s32 $0xFFFFFFFF  }
0xa5: {  	s26 =	simm.s32 $execute0_lowered;
	[smem:$0x3FD2] =	sst s25  }
0xa6: {  	s5 =	sshll.u32 s26, $0x1;
	_ =	strace $0x80000052;
	[dreg:$0x1] =	wrdreg $0xFFFFFFFF  }
0xa7: {  	s28 =	simm.s32 $_size_execute0_lowered;
	s3 =	sadd.s32 s3, s5;
	[dreg:$0x0] =	wrdreg $0x0  }
0xa8: {  	s5 =	sshll.u32 s28, $0x1;
	[dreg:$0x2] =	wrdreg s3  }
0xa9: {  	[dreg:$0x3] =	wrdreg s5  }
0xaa: {  	[dreg:$0x4] =	wrdreg $0xC0  }
0xab: {  	_ =	task [dreg:s7], $0x5FFFF  }
0xac: {  	[dreg:$0x1] =	wrdreg $0xFFFFFFFF  }
0xad: {  	[dreg:$0x0] =	wrdreg $0x60  }
0xae: {  	[dreg:$0x2] =	wrdreg s24  }
0xaf: {  	[dreg:$0x3] =	wrdreg s2  }
0xb0: {  	[dreg:$0x4] =	wrdreg $0x51000  }
0xb1: {  	[dreg:$0x5] =	wrdreg $0x9  }
0xb2: {  	_ =	task.clear_ibuf [dreg:s7], $0x6FFFF;
	_ =	strace $0x90000052  }
0xb3: {  	s29 =	simm.s32 $0x9;
	_ =	strace $0x80000054  }
0xb4: {  	_ =	swait.ge [sflag:s29], $0x1  }
0xb5: {  	[sflag:s29] =	ssyncadd.s32 $0xFFFFFFFF  }
0xb6: {  	_ =	strace $0x90000054  }
0xb7: {  	_ =	sfence  }
0xb8: {  	s30 =	sld [smem:$0x0];
	_ =	sdelay $0x2  }
0xb9: {  	s31 =	sshll.u32 s1, $0xD;
	s1 =	sshrl.u32 s1, $0x2  }
0xba: {  	s3 =	sand.u32 $0x4000, s31;
	s1 =	sadd.s32 s1, s30  }
0xbb: {  	s0 =	sor.u32 s3, s0;
	s1 =	sshll.u32 s1, $0x11  }
0xbc: {  	s0 =	sor.u32 s1, s0  }
0xbd: {  	s0 =	sadd.s32 $0x8F2B, s0  }
0xbe: {  	[sflag:s0] =	ssyncadd.remote.s32 $0x1  }
0xbf: {  	_ =	sfence.sel $0xFFFF  }
0xc0: {  	[dreg:$0x0] =	wrdreg $0xFFFFFFFF;
	(pc) =	sbr.abs _section_cstart, $3  }
0xc1: {  	[dreg:$0x1] =	wrdreg $0xFFFFFFFF  }
0xc2: {  	_ =	task.clear_ibuf [dreg:s7], $0x2FFFF;
	_ =	strace $0x9FFFFFFF  }
0xc3: {  	(tm) =	ssettm $0x7FFFFFFF  }
tec
execute0_lowered:
.L_overlay_start_1:
0x0: {  	(tag) =	ssettag $0x1  }
0x1: {  	s8 =	rddreg [dreg:$0x0]  }
0x2: {  	s9 =	rddreg [dreg:$0x1]  }
0x3: {  	s1 =	rddreg [dreg:$0x2]  }
0x4: {  	s0 =	rddreg [dreg:$0x3]  }
0x5: {  	s2 =	simm.s32 $0x0;
	s6 =	srdreg.scid;
	s3 =	stileid.u32  }
0x6: {  	s18 =	simm.s32 $0x80;
	s19 =	simm.s32 $0x100;
	s20 =	simm.s32 $0x50  }
0x7: {  	s21 =	simm.s32 $0x2900;
	s22 =	simm.s32 $0x1;
	s28 =	simm.s32 $0x0  }
0x8: {  	[smem:$0x7FF] =	sst s2;
	s4 =	sadd.s32 $0x570C00, s8;
	s5 =	sadd.s32 $0xF800, s8  }
0x9: {  	s10 =	sand.u32 $0x1, s6;
	s6 =	sadd.s32 $0x5A00, s8;
	s12 =	smul.u32 $0x4F000, s3  }
0xa: {  	s7 =	sadd.s32 $0x19600, s8;
	s14 =	smul.u32 $0x2780, s3;
	s15 =	sadd.s32 $0x597E00, s8  }
0xb: {  	s26 =	sshll.u32 s3, $0x1;
	s16 =	smul.u32 $0x13C00, s3;
	p0 =	seq.s32 s3, $0xF  }
0xc: {  	_ =	strace $0x80000053;
	s11 =	ssub.s32 $0x2, s10;
	s25 =	smul.u32 $0x138800, s10  }
0xd: {  	s10 =	sor.u32 s10, s26;
	s13 =	sshrl.u32 s11, $0x1;
	s12 =	sshrl.u32 s12, $0x2  }
0xe: {  	s8 =	sadd.s32 s9, s14;
	s14 =	sadd.s32 $0x128400, s1;
	s9 =	sadd.s32 $0x25080, s9  }
0xf: {  	s10 =	smul.u32 $0x2710, s10;
	s13 =	ssub.s32 s11, s13;
	s17 =	sadd.s32 s12, s1  }
0x10: {  	s29 =	sadd.s32 s16, s25;
	s30 =	sshrl.u32 s25, $0x3;
	s14 =	sshrl.u32 @p0 s14, $0x3  }
0x11: {  	s12 =	sshrl.u32 s29, $0x3;
	s31 =	sadd.s32 s15, s30;
	s13 =	smax.u32 s13, $0x1  }
0x12: {  	s16 =	sshrl.u32 @!p0 s17, $0x3;
	s11 =	sadd.s32 s15, s12;
	s15 =	sshll.u32 @!p0 s3, $0x6  }
0x13: {  	s17 =	simm.s32 $0x2;
	s12 =	sadd.s32 $0x25080, s31;
	s15 =	sor.u32 @!p0 $0x1C02, s15  }
.LBB2_1:
0x14: {  	s23 =	simm.s32 @p0 $0x1FC2  }
0x15: {  	[spmem:s14], [sflag:s23] =	dma.local @p0 [hbm:s9], $0x2080  }
0x16: {  	s23 =	simm.s32 @p0 $0x2  }
0x17: {  	_ =	swait.ge @p0 [sflag:s23], $0x2080  }
0x18: {  	[sflag:s23] =	ssyncset.done @p0 $0x0  }
0x19: {  	[sflag:s23] =	ssyncadd.s32 @p0 $0xFFFFDF80;
	s23 =	simm.s32 @!p0 $0x2  }
0x1a: {  	[spmem:s16], [sflag:s15] =	dma.local @!p0 [hbm:s8], $0x2780  }
0x1b: {  	_ =	swait.ge @!p0 [sflag:s23], $0x2780  }
0x1c: {  	[sflag:s23] =	ssyncset.done @!p0 $0x0  }
0x1d: {  	[sflag:s23] =	ssyncadd.s32 @!p0 $0xFFFFD880  }
0x1e: {  	s23 =	simm.s32 $0x0;
	[bflag:$0x0] =	sbarrier.arrive $0xFFFF  }
.LBB2_2:
0x1f: {  	s24 =	smul.u32 $0x50, s23;
	_ =	sdelay $0x1  }
0x20: {  	s24 =	sadd.s32 s10, s24  }
0x21: {  	s25 =	sshrl.u32 s24, $0x3  }
0x22: {  	s26 =	sadd.s32 s6, s25  }
0x23: {  	[tilespmem:s28], [sflag:$0x2] =	stream.linear.gather [hbm4b:s26+s28], $0x50, $0x38;
	[tilespmem:$0x18980] =	vst v63  }
0x24: {  	_ =	swait.ge [sflag:s17], $0x50  }
0x25: {  	[sflag:s17] =	ssyncset.done $0x0  }
0x26: {  	s25 =	sadd.s32 s5, s25;
	[sflag:s17] =	ssyncadd.s32 $0xFFFFFFB0  }
0x27: {  	[tilespmem:s18], [sflag:$0x2] =	stream.linear.gather [hbm4b:s25+s28], $0x50, $0x38;
	[tilespmem:$0x18980] =	vst v63  }
0x28: {  	_ =	swait.ge [sflag:s17], $0x50  }
0x29: {  	s24 =	sshll.u32 s24, $0x4;
	[sflag:s17] =	ssyncset.done $0x0  }
0x2a: {  	s24 =	sadd.s32 s7, s24;
	[sflag:s17] =	ssyncadd.s32 $0xFFFFFFB0  }
0x2b: {  	[tilespmem:s19], [sflag:$0x2] =	stream.linear.gather [hbm4b:s24+s28], $0x2800, $0x38;
	[tilespmem:$0x18980] =	vst v63  }
0x2c: {  	_ =	swait.ge [sflag:s17], $0x2800  }
0x2d: {  	[sflag:s17] =	ssyncset.done $0x0  }
0x2e: {  	[sflag:s17] =	ssyncadd.s32 $0xFFFFD800  }
0x2f: {  	[tilespmem:s21], [sflag:$0x1] =	stream.indirect.gather [hbm4b:s4+s20], $0x80, s28, s20, $0xb8;
	[tilespmem:$0x18980] =	vst v63  }
0x30: {  	_ =	swait.ge [sflag:s22], $0x2800  }
0x31: {  	[sflag:s22] =	ssyncset.done $0x0  }
0x32: {  	s24 =	simm.s32 $0x0;
	[sflag:s22] =	ssyncadd.s32 $0xFFFFD800  }
0x33: {  	v0 =	vld [tilespmem:s24+$0x100]  }
0x34: {  	v4 =	vld [tilespmem:s24+$0x2900]  }
0x35: {  	v6 =	vld [tilespmem:s24+$0x2910]  }
0x36: {  	v5 =	vld [tilespmem:s24+$0x2920]  }
0x37: {  	v3 =	vld [tilespmem:s24+$0x2930]  }
0x38: {  	v1 =	vld [tilespmem:s24+$0x2940]  }
0x39: {  	v2 =	vld [tilespmem:s24+$0x2950];
	v7 =	vmul.f32 v4, v0  }
0x3a: {  	s25 =	simm.s32 $0x200;
	v6 =	vmul.f32 v6, v0;
	v4 =	vld [tilespmem:s24+$0x2960]  }
.LBB2_3:
0x3b: {  	s26 =	sshra.s32 s25, $0x2;
	p1 =	sne.s32 s25, $0x9E00;
	[tilespmem:s24+$0x2900] =	vst v7;
	v5 =	vmul.f32 v5, v0;
	v7 =	vld [tilespmem:s24+$0x2970]  }
0x3c: {  	v8 =	vld [tilespmem:s26+$0x100];
	[tilespmem:s24+$0x2910] =	vst v6;
	v3 =	vmul.f32 v3, v0  }
0x3d: {  	v6 =	vld [tilespmem:s26+$0x2900];
	[tilespmem:s24+$0x2920] =	vst v5;
	v1 =	vmul.f32 v1, v0  }
0x3e: {  	v9 =	vld [tilespmem:s26+$0x2910];
	[tilespmem:s24+$0x2930] =	vst v3;
	v2 =	vmul.f32 v2, v0  }
.Ltmp0:
0x3f: {  	v5 =	vld [tilespmem:s26+$0x2920];
	[tilespmem:s24+$0x2940] =	vst v1;
	v4 =	vmul.f32 v4, v0;
	(pc) =	sbr.rel @p1 .LBB2_3-.Ltmp0, $4  }
0x40: {  	v3 =	vld [tilespmem:s26+$0x2930];
	[tilespmem:s24+$0x2950] =	vst v2;
	v10 =	vmul.f32 v7, v0  }
0x41: {  	v1 =	vld [tilespmem:s26+$0x2940];
	[tilespmem:s24+$0x2960] =	vst v4;
	v0 =	vmov v8  }
0x42: {  	v7 =	vmul.f32 v6, v0;
	v2 =	vld [tilespmem:s26+$0x2950];
	[tilespmem:s24+$0x2970] =	vst v10;
	s24 =	smov.u32 s26  }
0x43: {  	s25 =	sadd.s32 $0x200, s25;
	v6 =	vmul.f32 v9, v0;
	v4 =	vld [tilespmem:s24+$0x2960]  }
0x44: {  	[tilespmem:s24+$0x2900] =	vst v7;
	v5 =	vmul.f32 v5, v0;
	v61 =	vld [tilespmem:s24+$0x2970]  }
0x45: {  	[tilespmem:s24+$0x2910] =	vst v6;
	v3 =	vmul.f32 v3, v0  }
0x46: {  	[tilespmem:s24+$0x2920] =	vst v5;
	v1 =	vmul.f32 v1, v0  }
0x47: {  	[tilespmem:s24+$0x2930] =	vst v3;
	v2 =	vmul.f32 v2, v0  }
0x48: {  	[tilespmem:s24+$0x2940] =	vst v1;
	v62 =	vmul.f32 v4, v0  }
0x49: {  	s23 =	sadd.s32 $0x1, s23;
	[tilespmem:s24+$0x2950] =	vst v2;
	v63 =	vmul.f32 v61, v0  }
0x4a: {  	p1 =	sne.s32 s23, $0x7D;
	[tilespmem:s24+$0x2960] =	vst v62  }
.Ltmp1:
0x4b: {  	[tilespmem:s24+$0x2970] =	vst v63;
	(pc) =	sbr.rel @p1 .LBB2_2-.Ltmp1, $4  }
0x4c: {  	[spmem:s1] =	stream.indirect.scatter.add.f32 [tilespmem:s21], [sflag:$0x2], $0x80, s18, s20, $0xb8;
	[tilespmem:$0x18980] =	vst v63  }
0x4d: {  	_ =	swait.ge [sflag:s17], $0x2800  }
0x4e: {  	[sflag:s17] =	ssyncset.done $0x0  }
0x4f: {  	[sflag:s17] =	ssyncadd.s32 $0xFFFFD800  }
0x50: {  	[bflag:$0x0] =	sbarrier.arrive $0xFFFF;
	s23 =	simm.s32 @p0 $0x1FC2  }
0x51: {  	[hbm:s12], [sflag:s23] =	dma.local @p0 [spmem:s14], $0x2080  }
0x52: {  	s23 =	simm.s32 @p0 $0x2  }
0x53: {  	s2 =	sadd.s32 $0x1, s2;
	_ =	swait.ge @p0 [sflag:s23], $0x2080  }
0x54: {  	p1 =	sne.s32 s2, s13;
	[sflag:s23] =	ssyncset.done @p0 $0x0  }
.Ltmp2:
0x55: {  	[sflag:s23] =	ssyncadd.s32 @p0 $0xFFFFDF80;
	s23 =	simm.s32 @!p0 $0x2;
	(pc) =	sbr.rel @p1 .LBB2_1-.Ltmp2, $4  }
0x56: {  	[hbm:s11], [sflag:s15] =	dma.local @!p0 [spmem:s16], $0x2780  }
0x57: {  	_ =	swait.ge @!p0 [sflag:s23], $0x2780  }
0x58: {  	[sflag:s23] =	ssyncset.done @!p0 $0x0  }
0x59: {  	[sflag:s23] =	ssyncadd.s32 @!p0 $0xFFFFD880  }
0x5a: {  	_ =	sfence.sel $0x180000  }
0x5b: {  	[bflag:$0x0] =	sbarrier.arrive $0xFFFF  }
0x5c: {  	p0 =	sne.s32 s3, $0x0;
	_ =	strace $0x90000053  }
0x5d: {  	s0 =	sadd.s32 @!p0 $0x100000, s0;
	[bflag:$0x2] =	sbarrier.arrive $0xFFFF  }
0x5e: {  	[sflag:s0] =	ssyncadd.tile.s32 @!p0 $0x1;
	_ =	shalt  }
.Lfunc_end2:
_tile_overlayer_lowered:
.L_overlay_start_2:
0x5f: {  	(tag) =	ssettag $0x2  }
0x60: {  	s0 =	rddreg [dreg:$0x0];
	s2 =	stileid.u32  }
0x61: {  	s1 =	rddreg [dreg:$0x1];
	p0 =	sne.s32 s2, $0x0  }
0x62: {  	s3 =	rddreg [dreg:$0x2];
	[bflag:$0x3] =	sbarrier.arrive $0xFFFF;
	s2 =	simm.s32 @!p0 $0x1C02  }
0x63: {  	[timem:s3], [sflag:s2] =	dma.local @!p0 [hbm:s0], s1  }
0x64: {  	s0 =	simm.s32 @!p0 $0x2  }
0x65: {  	_ =	swait.ge @!p0 [sflag:s0], s1  }
0x66: {  	s1 =	ssub.s32 @!p0 $0x0, s1;
	[sflag:s0] =	ssyncset.done @!p0 $0x0  }
0x67: {  	[sflag:s0] =	ssyncadd.s32 @!p0 s1  }
0x68: {  	[bflag:$0x3] =	sbarrier.arrive $0xFFFF  }
0x69: {  	_ =	shalt  }

// kernel: kernel.34.cloned.1.call-start
scs
__scs_entry_jumppad:
0x0: {  	(pc) =	sbr.rel $0x88, $3  }
0x1: {  	(tag) =	ssettag $0x0;
	lr =	simm.s32 $0x1  }
0x2: {  	[smem:$0x3F9A] =	sst lr;
	_ =	strace $0xD0000000  }
0x3: {  	_ = 	snop  }
0x4: {  	_ = 	snop  }
0x5: {  	_ = 	snop  }
0x6: {  	_ = 	snop  }
0x7: {  	_ = 	snop  }
__scs_overlays_trampoline_lowered:
0x8: {  	[smem:$0x3FA9] =	sst s0  }
0x9: {  	[smem:$0x3FAA] =	sst s1  }
0xa: {  	[smem:$0x3FAB] =	sst s2  }
0xb: {  	[smem:$0x3FAC] =	sst s3  }
0xc: {  	[smem:$0x3FAD] =	sst s4  }
0xd: {  	[smem:$0x3FAE] =	sst s5  }
0xe: {  	[smem:$0x3FAF] =	sst s6  }
0xf: {  	[smem:$0x3FB0] =	sst s7  }
0x10: {  	[smem:$0x3FB1] =	sst s8  }
0x11: {  	[smem:$0x3FB2] =	sst s9;
	s0 =	simm.s32 @!p0 $0x0  }
0x12: {  	s1 =	sld [smem:$0x3F98];
	s0 =	simm.s32 @p0 $0x1  }
0x13: {  	[smem:$0x3FB3] =	sst s0;
	s0 =	simm.s32 @!p1 $0x0  }
0x14: {  	s2 =	sld [smem:$0x3F97];
	s0 =	simm.s32 @p1 $0x1  }
0x15: {  	[smem:$0x3FB4] =	sst s0;
	s0 =	simm.s32 @!p2 $0x0  }
0x16: {  	s3 =	sld [smem:$0x3FDB];
	s0 =	simm.s32 @p2 $0x1  }
0x17: {  	s4 =	simm.s32 $0x1BF5;
	[smem:$0x3FB6] =	sst s0  }
0x18: {  	s0 =	sld [smem:$0x3F99];
	_ =	swait.ge [sflag:s4], $0x0  }
0x19: {  	s7 =	sld [smem:$0x3F9A]  }
0x1a: {  	s8 =	sadd.s32 $0xFFFFE003, lr  }
0x1b: {  	s9 =	sadd.s32 $0xFFFFFEF7, lr;
	s5 =	simm.s32 $0xFFFFFFFF;
	p2 =	slt.u32 s8, $0xFFFFF086  }
0x1c: {  	p1 =	slt.u32 s9, $0xF7A;
	s5 =	simm.s32 @!p2 $0x0  }
0x1d: {  	s5 =	simm.s32 @p1 $0x1;
	p0 =	seq.s32 s7, s2  }
0x1e: {  	s7 =	smul.u32 @!p0 $0xF7A, s2;
	p2 =	seq.s32 @!p0 s5, $0x0  }
0x1f: {  	s9 =	smul.u32 $0xF7A, s1;
	s8 =	simm.s32 @!p0 $0x1BF5;
	p2 =	por !p2, p0  }
0x20: {  	[sflag:s8] =	ssyncset.s32 @!p0 $0xFFFFF086;
	s6 =	sadd.s32 @!p0 s3, s7;
	s7 =	simm.s32 @!p0 $0x108  }
0x21: {  	s3 =	sadd.s32 s3, s9;
	s6 =	sadd.s32 @!p0 $0x88, s6;
	s7 =	simm.s32 @p2 $0x1082  }
0x22: {  	[simem:s7], [sflag:s8] =	dma.local @!p0 [hbm:s6], $0xF7A  }
0x23: {  	s9 =	sor.u32 $0xD0000000, s2;
	s6 =	simm.s32 $0x108;
	_ =	swait.ge @!p0 [sflag:s8], $0x0  }
0x24: {  	s3 =	sadd.s32 $0x88, s3;
	s6 =	simm.s32 @!p1 $0x1082;
	[sflag:s4] =	ssyncset.s32 $0xFFFFF086  }
0x25: {  	[simem:s6], [sflag:s4] =	dma.local [hbm:s3], $0xF7A  }
0x26: {  	[smem:$0x3F9A] =	sst s1;
	(tag) =	ssettag s2;
	_ =	strace s9  }
0x27: {  	s1 =	sld [smem:$0x3FAA]  }
0x28: {  	s2 =	sld [smem:$0x3FAB]  }
0x29: {  	s4 =	sld [smem:$0x3FAD]  }
0x2a: {  	p0 =	seq.s32 s5, $0x0;
	s5 =	sld [smem:$0x3FAE]  }
0x2b: {  	s6 =	sld [smem:$0x3FAF]  }
0x2c: {  	s7 =	sld [smem:$0x3FB0]  }
0x2d: {  	s3 =	simm.s32 $0x108;
	s8 =	sld [smem:$0x3FB1]  }
0x2e: {  	s3 =	simm.s32 @!p0 $0x1082;
	s9 =	sld [smem:$0x3FB2]  }
0x2f: {  	lr =	sadd.s32 s0, s3;
	s0 =	sld [smem:$0x3FA9]  }
0x30: {  	s3 =	sld [smem:$0x3FAC]  }
0x31: {  	[smem:$0x3FB5] =	sst s10  }
0x32: {  	s10 =	sld [smem:$0x3FB3];
	_ =	sdelay $0x3  }
0x33: {  	p0 =	seq.s32 s10, $0x1;
	s10 =	sld [smem:$0x3FB5];
	_ =	sdelay $0x3  }
0x34: {  	[smem:$0x3FB5] =	sst s10  }
0x35: {  	s10 =	sld [smem:$0x3FB4];
	_ =	sdelay $0x3  }
0x36: {  	p1 =	seq.s32 s10, $0x1;
	s10 =	sld [smem:$0x3FB5];
	_ =	sdelay $0x3  }
0x37: {  	[smem:$0x3FB5] =	sst s10  }
0x38: {  	s10 =	sld [smem:$0x3FB6]  }
0x39: {  	_ = 	snop;
	(pc) =	sbr.ind lr, $3  }
0x3a: {  	_ = 	snop  }
0x3b: {  	_ = 	snop  }
0x3c: {  	p2 =	seq.s32 s10, $0x1;
	s10 =	sld [smem:$0x3FB5]  }
0x3d: {  	_ =	shalt  }
0x3e: {  	_ =	shalt  }
0x3f: {  	_ =	shalt  }
0x40: {  	_ =	shalt  }
0x41: {  	_ =	shalt  }
0x42: {  	_ =	shalt  }
0x43: {  	_ =	shalt  }
0x44: {  	_ =	shalt  }
0x45: {  	_ =	shalt  }
0x46: {  	_ =	shalt  }
0x47: {  	_ =	shalt  }
0x48: {  	_ =	shalt  }
0x49: {  	_ =	shalt  }
0x4a: {  	_ =	shalt  }
0x4b: {  	_ =	shalt  }
0x4c: {  	_ =	shalt  }
0x4d: {  	_ =	shalt  }
0x4e: {  	_ =	shalt  }
0x4f: {  	_ =	shalt  }
0x50: {  	_ =	shalt  }
0x51: {  	_ =	shalt  }
0x52: {  	_ =	shalt  }
0x53: {  	_ =	shalt  }
0x54: {  	_ =	shalt  }
0x55: {  	_ =	shalt  }
0x56: {  	_ =	shalt  }
0x57: {  	_ =	shalt  }
0x58: {  	_ =	shalt  }
0x59: {  	_ =	shalt  }
0x5a: {  	_ =	shalt  }
0x5b: {  	_ =	shalt  }
0x5c: {  	_ =	shalt  }
0x5d: {  	_ =	shalt  }
0x5e: {  	_ =	shalt  }
0x5f: {  	_ =	shalt  }
0x60: {  	_ =	shalt  }
0x61: {  	_ =	shalt  }
0x62: {  	_ =	shalt  }
0x63: {  	_ =	shalt  }
0x64: {  	_ =	shalt  }
0x65: {  	_ =	shalt  }
0x66: {  	_ =	shalt  }
0x67: {  	_ =	shalt  }
0x68: {  	_ =	shalt  }
0x69: {  	_ =	shalt  }
0x6a: {  	_ =	shalt  }
0x6b: {  	_ =	shalt  }
0x6c: {  	_ =	shalt  }
0x6d: {  	_ =	shalt  }
0x6e: {  	_ =	shalt  }
0x6f: {  	_ =	shalt  }
0x70: {  	_ =	shalt  }
0x71: {  	_ =	shalt  }
0x72: {  	_ =	shalt  }
0x73: {  	_ =	shalt  }
0x74: {  	_ =	shalt  }
0x75: {  	_ =	shalt  }
0x76: {  	_ =	shalt  }
0x77: {  	_ =	shalt  }
0x78: {  	_ =	shalt  }
0x79: {  	_ =	shalt  }
0x7a: {  	_ =	shalt  }
0x7b: {  	_ =	shalt  }
0x7c: {  	_ =	shalt  }
0x7d: {  	_ =	shalt  }
0x7e: {  	_ =	shalt  }
0x7f: {  	_ =	shalt  }
0x80: {  	_ =	shalt  }
0x81: {  	_ =	shalt  }
0x82: {  	_ =	shalt  }
0x83: {  	_ =	shalt  }
0x84: {  	_ =	shalt  }
0x85: {  	_ =	shalt  }
0x86: {  	_ =	shalt  }
0x87: {  	_ =	shalt  }
.Lfunc_end0:
.L_simem_size_0:
called_computation.5_lowered:
.L_overlay_start_0:
0x88: {  	s2 =	sld [smem:$0x3FD9]  }
0x89: {  	s3 =	sld [smem:$0x3FFE];
	_ =	sdelay $0x1  }
0x8a: {  	s1 =	srdreg.scid  }
0x8b: {  	s0 =	sand.u32 $0x1, s1  }
0x8c: {  	s17 =	sshll.u32 s0, $0xA;
	s2 =	sadd.s32 s3, s2  }
0x8d: {  	s2 =	sadd.s32 s2, s17  }
0x8e: {  	[smem:$0x3FC1] =	sst s2  }
0x8f: {  	_ = 	snop  }
0x90: {  	s2 =	sld [smem:$0x3FD0];
	(tm) =	ssettm $0x1  }
0x91: {  	s18 =	sld [smem:$0x3FFB];
	_ =	sdelay $0x3  }
0x92: {  	_ =	strace s18  }
0x93: {  	s3 =	sld [smem:$0x3FFC];
	_ =	sdelay $0x3  }
0x94: {  	_ =	strace s3  }
0x95: {  	s3 =	sld [smem:$0x3FFD];
	_ =	sdelay $0x3  }
0x96: {  	_ =	strace s3  }
0x97: {  	_ =	strace $0x8FFFFFFF  }
0x98: {  	s19 =	sld [smem:$0x3FDB];
	_ =	sdelay $0x1  }
0x99: {  	s4 =	simm.s32 $_scs_section_size  }
0x9a: {  	s5 =	simm.s32 $_size__tile_overlayer_lowered;
	s6 =	simm.s32 $_tile_overlayer_lowered  }
0x9b: {  	s22 =	simm.s32 $0x1BFF;
	s21 =	sshll.u32 s6, $0x1;
	s3 =	sadd.s32 s4, s19  }
0x9c: {  	s7 =	simm.s32 $0x0;
	s20 =	sshll.u32 s5, $0x1;
	s5 =	sadd.s32 s21, s3  }
0x9d: {  	[timem:s7], [sflag:s22] =	dma.local [hbm:s5], s20  }
0x9e: {  	_ =	swait.ge [sflag:s22], s20  }
0x9f: {  	s4 =	ssub.s32 $0x0, s20;
	[sflag:s22] =	ssyncset.done $0x0  }
0xa0: {  	[sflag:s22] =	ssyncadd.s32 s4;
	_ =	sdelay $0x1  }
0xa1: {  	s23 =	simm.s32 $0x1B8B  }
0xa2: {  	_ =	swait.ge [sflag:s23], $0x1  }
0xa3: {  	[sflag:s23] =	ssyncset.done $0x0  }
0xa4: {  	s25 =	simm.s32 $0x1B8E;
	s24 =	sld [smem:$0x3FFE];
	[sflag:s23] =	ssyncadd.s32 $0xFFFFFFFF  }
0xa5: {  	s26 =	simm.s32 $execute0_lowered;
	[smem:$0x3FD2] =	sst s25  }
0xa6: {  	s5 =	sshll.u32 s26, $0x1;
	_ =	strace $0x80000055;
	[dreg:$0x1] =	wrdreg $0xFFFFFFFF  }
0xa7: {  	s28 =	simm.s32 $_size_execute0_lowered;
	s3 =	sadd.s32 s3, s5;
	[dreg:$0x0] =	wrdreg $0x0  }
0xa8: {  	s5 =	sshll.u32 s28, $0x1;
	[dreg:$0x2] =	wrdreg s3  }
0xa9: {  	[dreg:$0x3] =	wrdreg s5  }
0xaa: {  	[dreg:$0x4] =	wrdreg $0xC0  }
0xab: {  	_ =	task [dreg:s7], $0x5FFFF  }
0xac: {  	[dreg:$0x1] =	wrdreg $0xFFFFFFFF  }
0xad: {  	[dreg:$0x0] =	wrdreg $0x60  }
0xae: {  	[dreg:$0x2] =	wrdreg s24  }
0xaf: {  	[dreg:$0x3] =	wrdreg s2  }
0xb0: {  	[dreg:$0x4] =	wrdreg $0x51000  }
0xb1: {  	[dreg:$0x5] =	wrdreg $0x9  }
0xb2: {  	_ =	task.clear_ibuf [dreg:s7], $0x6FFFF;
	_ =	strace $0x90000055  }
0xb3: {  	s29 =	simm.s32 $0x9;
	_ =	strace $0x80000057  }
0xb4: {  	_ =	swait.ge [sflag:s29], $0x1  }
0xb5: {  	[sflag:s29] =	ssyncadd.s32 $0xFFFFFFFF  }
0xb6: {  	_ =	strace $0x90000057  }
0xb7: {  	_ =	sfence  }
0xb8: {  	s30 =	sld [smem:$0x0];
	_ =	sdelay $0x2  }
0xb9: {  	s31 =	sshll.u32 s1, $0xD;
	s1 =	sshrl.u32 s1, $0x2  }
0xba: {  	s3 =	sand.u32 $0x4000, s31;
	s1 =	sadd.s32 s1, s30  }
0xbb: {  	s0 =	sor.u32 s3, s0;
	s1 =	sshll.u32 s1, $0x11  }
0xbc: {  	s0 =	sor.u32 s1, s0  }
0xbd: {  	s0 =	sadd.s32 $0x8F2B, s0  }
0xbe: {  	[sflag:s0] =	ssyncadd.remote.s32 $0x1  }
0xbf: {  	_ =	sfence.sel $0xFFFF  }
0xc0: {  	[dreg:$0x0] =	wrdreg $0xFFFFFFFF;
	(pc) =	sbr.abs _section_cstart, $3  }
0xc1: {  	[dreg:$0x1] =	wrdreg $0xFFFFFFFF  }
0xc2: {  	_ =	task.clear_ibuf [dreg:s7], $0x2FFFF;
	_ =	strace $0x9FFFFFFF  }
0xc3: {  	(tm) =	ssettm $0x7FFFFFFF  }
tec
execute0_lowered:
.L_overlay_start_1:
0x0: {  	(tag) =	ssettag $0x1  }
0x1: {  	s8 =	rddreg [dreg:$0x0]  }
0x2: {  	s9 =	rddreg [dreg:$0x1]  }
0x3: {  	s1 =	rddreg [dreg:$0x2]  }
0x4: {  	s0 =	rddreg [dreg:$0x3]  }
0x5: {  	s2 =	simm.s32 $0x0;
	s6 =	srdreg.scid;
	s3 =	stileid.u32  }
0x6: {  	s18 =	simm.s32 $0x80;
	s19 =	simm.s32 $0x100;
	s20 =	simm.s32 $0x50  }
0x7: {  	s21 =	simm.s32 $0x2900;
	s22 =	simm.s32 $0x1;
	s28 =	simm.s32 $0x0  }
0x8: {  	[smem:$0x7FF] =	sst s2;
	s4 =	sadd.s32 $0x597E00, s8;
	s5 =	sadd.s32 $0xF800, s8  }
0x9: {  	s10 =	sand.u32 $0x1, s6;
	s6 =	sadd.s32 $0x5A00, s8;
	s12 =	smul.u32 $0x4F000, s3  }
0xa: {  	s7 =	sadd.s32 $0x19600, s8;
	s14 =	smul.u32 $0x2780, s3;
	s15 =	sadd.s32 $0x5BF000, s8  }
0xb: {  	s26 =	sshll.u32 s3, $0x1;
	s16 =	smul.u32 $0x13C00, s3;
	p0 =	seq.s32 s3, $0xF  }
0xc: {  	_ =	strace $0x80000056;
	s11 =	ssub.s32 $0x2, s10;
	s25 =	smul.u32 $0x138800, s10  }
0xd: {  	s10 =	sor.u32 s10, s26;
	s13 =	sshrl.u32 s11, $0x1;
	s12 =	sshrl.u32 s12, $0x2  }
0xe: {  	s8 =	sadd.s32 s9, s14;
	s14 =	sadd.s32 $0x128400, s1;
	s9 =	sadd.s32 $0x25080, s9  }
0xf: {  	s10 =	smul.u32 $0x2710, s10;
	s13 =	ssub.s32 s11, s13;
	s17 =	sadd.s32 s12, s1  }
0x10: {  	s29 =	sadd.s32 s16, s25;
	s30 =	sshrl.u32 s25, $0x3;
	s14 =	sshrl.u32 @p0 s14, $0x3  }
0x11: {  	s12 =	sshrl.u32 s29, $0x3;
	s31 =	sadd.s32 s15, s30;
	s13 =	smax.u32 s13, $0x1  }
0x12: {  	s16 =	sshrl.u32 @!p0 s17, $0x3;
	s11 =	sadd.s32 s15, s12;
	s15 =	sshll.u32 @!p0 s3, $0x6  }
0x13: {  	s17 =	simm.s32 $0x2;
	s12 =	sadd.s32 $0x25080, s31;
	s15 =	sor.u32 @!p0 $0x1C02, s15  }
.LBB2_1:
0x14: {  	s23 =	simm.s32 @p0 $0x1FC2  }
0x15: {  	[spmem:s14], [sflag:s23] =	dma.local @p0 [hbm:s9], $0x2080  }
0x16: {  	s23 =	simm.s32 @p0 $0x2  }
0x17: {  	_ =	swait.ge @p0 [sflag:s23], $0x2080  }
0x18: {  	[sflag:s23] =	ssyncset.done @p0 $0x0  }
0x19: {  	[sflag:s23] =	ssyncadd.s32 @p0 $0xFFFFDF80;
	s23 =	simm.s32 @!p0 $0x2  }
0x1a: {  	[spmem:s16], [sflag:s15] =	dma.local @!p0 [hbm:s8], $0x2780  }
0x1b: {  	_ =	swait.ge @!p0 [sflag:s23], $0x2780  }
0x1c: {  	[sflag:s23] =	ssyncset.done @!p0 $0x0  }
0x1d: {  	[sflag:s23] =	ssyncadd.s32 @!p0 $0xFFFFD880  }
0x1e: {  	s23 =	simm.s32 $0x0;
	[bflag:$0x0] =	sbarrier.arrive $0xFFFF  }
.LBB2_2:
0x1f: {  	s24 =	smul.u32 $0x50, s23;
	_ =	sdelay $0x1  }
0x20: {  	s24 =	sadd.s32 s10, s24  }
0x21: {  	s25 =	sshrl.u32 s24, $0x3  }
0x22: {  	s26 =	sadd.s32 s6, s25  }
0x23: {  	[tilespmem:s28], [sflag:$0x2] =	stream.linear.gather [hbm4b:s26+s28], $0x50, $0x38;
	[tilespmem:$0x18980] =	vst v63  }
0x24: {  	_ =	swait.ge [sflag:s17], $0x50  }
0x25: {  	[sflag:s17] =	ssyncset.done $0x0  }
0x26: {  	s25 =	sadd.s32 s5, s25;
	[sflag:s17] =	ssyncadd.s32 $0xFFFFFFB0  }
0x27: {  	[tilespmem:s18], [sflag:$0x2] =	stream.linear.gather [hbm4b:s25+s28], $0x50, $0x38;
	[tilespmem:$0x18980] =	vst v63  }
0x28: {  	_ =	swait.ge [sflag:s17], $0x50  }
0x29: {  	s24 =	sshll.u32 s24, $0x4;
	[sflag:s17] =	ssyncset.done $0x0  }
0x2a: {  	s24 =	sadd.s32 s7, s24;
	[sflag:s17] =	ssyncadd.s32 $0xFFFFFFB0  }
0x2b: {  	[tilespmem:s19], [sflag:$0x2] =	stream.linear.gather [hbm4b:s24+s28], $0x2800, $0x38;
	[tilespmem:$0x18980] =	vst v63  }
0x2c: {  	_ =	swait.ge [sflag:s17], $0x2800  }
0x2d: {  	[sflag:s17] =	ssyncset.done $0x0  }
0x2e: {  	[sflag:s17] =	ssyncadd.s32 $0xFFFFD800  }
0x2f: {  	[tilespmem:s21], [sflag:$0x1] =	stream.indirect.gather [hbm4b:s4+s20], $0x80, s28, s20, $0xb8;
	[tilespmem:$0x18980] =	vst v63  }
0x30: {  	_ =	swait.ge [sflag:s22], $0x2800  }
0x31: {  	[sflag:s22] =	ssyncset.done $0x0  }
0x32: {  	s24 =	simm.s32 $0x0;
	[sflag:s22] =	ssyncadd.s32 $0xFFFFD800  }
0x33: {  	v0 =	vld [tilespmem:s24+$0x100]  }
0x34: {  	v4 =	vld [tilespmem:s24+$0x2900]  }
0x35: {  	v6 =	vld [tilespmem:s24+$0x2910]  }
0x36: {  	v5 =	vld [tilespmem:s24+$0x2920]  }
0x37: {  	v3 =	vld [tilespmem:s24+$0x2930]  }
0x38: {  	v1 =	vld [tilespmem:s24+$0x2940]  }
0x39: {  	v2 =	vld [tilespmem:s24+$0x2950];
	v7 =	vmul.f32 v4, v0  }
0x3a: {  	s25 =	simm.s32 $0x200;
	v6 =	vmul.f32 v6, v0;
	v4 =	vld [tilespmem:s24+$0x2960]  }
.LBB2_3:
0x3b: {  	s26 =	sshra.s32 s25, $0x2;
	p1 =	sne.s32 s25, $0x9E00;
	[tilespmem:s24+$0x2900] =	vst v7;
	v5 =	vmul.f32 v5, v0;
	v7 =	vld [tilespmem:s24+$0x2970]  }
0x3c: {  	v8 =	vld [tilespmem:s26+$0x100];
	[tilespmem:s24+$0x2910] =	vst v6;
	v3 =	vmul.f32 v3, v0  }
0x3d: {  	v6 =	vld [tilespmem:s26+$0x2900];
	[tilespmem:s24+$0x2920] =	vst v5;
	v1 =	vmul.f32 v1, v0  }
0x3e: {  	v9 =	vld [tilespmem:s26+$0x2910];
	[tilespmem:s24+$0x2930] =	vst v3;
	v2 =	vmul.f32 v2, v0  }
.Ltmp0:
0x3f: {  	v5 =	vld [tilespmem:s26+$0x2920];
	[tilespmem:s24+$0x2940] =	vst v1;
	v4 =	vmul.f32 v4, v0;
	(pc) =	sbr.rel @p1 .LBB2_3-.Ltmp0, $4  }
0x40: {  	v3 =	vld [tilespmem:s26+$0x2930];
	[tilespmem:s24+$0x2950] =	vst v2;
	v10 =	vmul.f32 v7, v0  }
0x41: {  	v1 =	vld [tilespmem:s26+$0x2940];
	[tilespmem:s24+$0x2960] =	vst v4;
	v0 =	vmov v8  }
0x42: {  	v7 =	vmul.f32 v6, v0;
	v2 =	vld [tilespmem:s26+$0x2950];
	[tilespmem:s24+$0x2970] =	vst v10;
	s24 =	smov.u32 s26  }
0x43: {  	s25 =	sadd.s32 $0x200, s25;
	v6 =	vmul.f32 v9, v0;
	v4 =	vld [tilespmem:s24+$0x2960]  }
0x44: {  	[tilespmem:s24+$0x2900] =	vst v7;
	v5 =	vmul.f32 v5, v0;
	v61 =	vld [tilespmem:s24+$0x2970]  }
0x45: {  	[tilespmem:s24+$0x2910] =	vst v6;
	v3 =	vmul.f32 v3, v0  }
0x46: {  	[tilespmem:s24+$0x2920] =	vst v5;
	v1 =	vmul.f32 v1, v0  }
0x47: {  	[tilespmem:s24+$0x2930] =	vst v3;
	v2 =	vmul.f32 v2, v0  }
0x48: {  	[tilespmem:s24+$0x2940] =	vst v1;
	v62 =	vmul.f32 v4, v0  }
0x49: {  	s23 =	sadd.s32 $0x1, s23;
	[tilespmem:s24+$0x2950] =	vst v2;
	v63 =	vmul.f32 v61, v0  }
0x4a: {  	p1 =	sne.s32 s23, $0x7D;
	[tilespmem:s24+$0x2960] =	vst v62  }
.Ltmp1:
0x4b: {  	[tilespmem:s24+$0x2970] =	vst v63;
	(pc) =	sbr.rel @p1 .LBB2_2-.Ltmp1, $4  }
0x4c: {  	[spmem:s1] =	stream.indirect.scatter.add.f32 [tilespmem:s21], [sflag:$0x2], $0x80, s18, s20, $0xb8;
	[tilespmem:$0x18980] =	vst v63  }
0x4d: {  	_ =	swait.ge [sflag:s17], $0x2800  }
0x4e: {  	[sflag:s17] =	ssyncset.done $0x0  }
0x4f: {  	[sflag:s17] =	ssyncadd.s32 $0xFFFFD800  }
0x50: {  	[bflag:$0x0] =	sbarrier.arrive $0xFFFF;
	s23 =	simm.s32 @p0 $0x1FC2  }
0x51: {  	[hbm:s12], [sflag:s23] =	dma.local @p0 [spmem:s14], $0x2080  }
0x52: {  	s23 =	simm.s32 @p0 $0x2  }
0x53: {  	s2 =	sadd.s32 $0x1, s2;
	_ =	swait.ge @p0 [sflag:s23], $0x2080  }
0x54: {  	p1 =	sne.s32 s2, s13;
	[sflag:s23] =	ssyncset.done @p0 $0x0  }
.Ltmp2:
0x55: {  	[sflag:s23] =	ssyncadd.s32 @p0 $0xFFFFDF80;
	s23 =	simm.s32 @!p0 $0x2;
	(pc) =	sbr.rel @p1 .LBB2_1-.Ltmp2, $4  }
0x56: {  	[hbm:s11], [sflag:s15] =	dma.local @!p0 [spmem:s16], $0x2780  }
0x57: {  	_ =	swait.ge @!p0 [sflag:s23], $0x2780  }
0x58: {  	[sflag:s23] =	ssyncset.done @!p0 $0x0  }
0x59: {  	[sflag:s23] =	ssyncadd.s32 @!p0 $0xFFFFD880  }
0x5a: {  	_ =	sfence.sel $0x180000  }
0x5b: {  	[bflag:$0x0] =	sbarrier.arrive $0xFFFF  }
0x5c: {  	p0 =	sne.s32 s3, $0x0;
	_ =	strace $0x90000056  }
0x5d: {  	s0 =	sadd.s32 @!p0 $0x100000, s0;
	[bflag:$0x2] =	sbarrier.arrive $0xFFFF  }
0x5e: {  	[sflag:s0] =	ssyncadd.tile.s32 @!p0 $0x1;
	_ =	shalt  }
.Lfunc_end2:
_tile_overlayer_lowered:
.L_overlay_start_2:
0x5f: {  	(tag) =	ssettag $0x2  }
0x60: {  	s0 =	rddreg [dreg:$0x0];
	s2 =	stileid.u32  }
0x61: {  	s1 =	rddreg [dreg:$0x1];
	p0 =	sne.s32 s2, $0x0  }
0x62: {  	s3 =	rddreg [dreg:$0x2];
	[bflag:$0x3] =	sbarrier.arrive $0xFFFF;
	s2 =	simm.s32 @!p0 $0x1C02  }
0x63: {  	[timem:s3], [sflag:s2] =	dma.local @!p0 [hbm:s0], s1  }
0x64: {  	s0 =	simm.s32 @!p0 $0x2  }
0x65: {  	_ =	swait.ge @!p0 [sflag:s0], s1  }
0x66: {  	s1 =	ssub.s32 @!p0 $0x0, s1;
	[sflag:s0] =	ssyncset.done @!p0 $0x0  }
0x67: {  	[sflag:s0] =	ssyncadd.s32 @!p0 s1  }
0x68: {  	[bflag:$0x3] =	sbarrier.arrive $0xFFFF  }
0x69: {  	_ =	shalt  }

// kernel: kernel.37.cloned.1.call-start
scs
__scs_entry_jumppad:
0x0: {  	(pc) =	sbr.rel $0x88, $3  }
0x1: {  	(tag) =	ssettag $0x0;
	lr =	simm.s32 $0x1  }
0x2: {  	[smem:$0x3F9A] =	sst lr;
	_ =	strace $0xD0000000  }
0x3: {  	_ = 	snop  }
0x4: {  	_ = 	snop  }
0x5: {  	_ = 	snop  }
0x6: {  	_ = 	snop  }
0x7: {  	_ = 	snop  }
__scs_overlays_trampoline_lowered:
0x8: {  	[smem:$0x3FA9] =	sst s0  }
0x9: {  	[smem:$0x3FAA] =	sst s1  }
0xa: {  	[smem:$0x3FAB] =	sst s2  }
0xb: {  	[smem:$0x3FAC] =	sst s3  }
0xc: {  	[smem:$0x3FAD] =	sst s4  }
0xd: {  	[smem:$0x3FAE] =	sst s5  }
0xe: {  	[smem:$0x3FAF] =	sst s6  }
0xf: {  	[smem:$0x3FB0] =	sst s7  }
0x10: {  	[smem:$0x3FB1] =	sst s8  }
0x11: {  	[smem:$0x3FB2] =	sst s9;
	s0 =	simm.s32 @!p0 $0x0  }
0x12: {  	s1 =	sld [smem:$0x3F98];
	s0 =	simm.s32 @p0 $0x1  }
0x13: {  	[smem:$0x3FB3] =	sst s0;
	s0 =	simm.s32 @!p1 $0x0  }
0x14: {  	s2 =	sld [smem:$0x3F97];
	s0 =	simm.s32 @p1 $0x1  }
0x15: {  	[smem:$0x3FB4] =	sst s0;
	s0 =	simm.s32 @!p2 $0x0  }
0x16: {  	s3 =	sld [smem:$0x3FDB];
	s0 =	simm.s32 @p2 $0x1  }
0x17: {  	s4 =	simm.s32 $0x1BF5;
	[smem:$0x3FB6] =	sst s0  }
0x18: {  	s0 =	sld [smem:$0x3F99];
	_ =	swait.ge [sflag:s4], $0x0  }
0x19: {  	s7 =	sld [smem:$0x3F9A]  }
0x1a: {  	s8 =	sadd.s32 $0xFFFFE003, lr  }
0x1b: {  	s9 =	sadd.s32 $0xFFFFFEF7, lr;
	s5 =	simm.s32 $0xFFFFFFFF;
	p2 =	slt.u32 s8, $0xFFFFF086  }
0x1c: {  	p1 =	slt.u32 s9, $0xF7A;
	s5 =	simm.s32 @!p2 $0x0  }
0x1d: {  	s5 =	simm.s32 @p1 $0x1;
	p0 =	seq.s32 s7, s2  }
0x1e: {  	s7 =	smul.u32 @!p0 $0xF7A, s2;
	p2 =	seq.s32 @!p0 s5, $0x0  }
0x1f: {  	s9 =	smul.u32 $0xF7A, s1;
	s8 =	simm.s32 @!p0 $0x1BF5;
	p2 =	por !p2, p0  }
0x20: {  	[sflag:s8] =	ssyncset.s32 @!p0 $0xFFFFF086;
	s6 =	sadd.s32 @!p0 s3, s7;
	s7 =	simm.s32 @!p0 $0x108  }
0x21: {  	s3 =	sadd.s32 s3, s9;
	s6 =	sadd.s32 @!p0 $0x88, s6;
	s7 =	simm.s32 @p2 $0x1082  }
0x22: {  	[simem:s7], [sflag:s8] =	dma.local @!p0 [hbm:s6], $0xF7A  }
0x23: {  	s9 =	sor.u32 $0xD0000000, s2;
	s6 =	simm.s32 $0x108;
	_ =	swait.ge @!p0 [sflag:s8], $0x0  }
0x24: {  	s3 =	sadd.s32 $0x88, s3;
	s6 =	simm.s32 @!p1 $0x1082;
	[sflag:s4] =	ssyncset.s32 $0xFFFFF086  }
0x25: {  	[simem:s6], [sflag:s4] =	dma.local [hbm:s3], $0xF7A  }
0x26: {  	[smem:$0x3F9A] =	sst s1;
	(tag) =	ssettag s2;
	_ =	strace s9  }
0x27: {  	s1 =	sld [smem:$0x3FAA]  }
0x28: {  	s2 =	sld [smem:$0x3FAB]  }
0x29: {  	s4 =	sld [smem:$0x3FAD]  }
0x2a: {  	p0 =	seq.s32 s5, $0x0;
	s5 =	sld [smem:$0x3FAE]  }
0x2b: {  	s6 =	sld [smem:$0x3FAF]  }
0x2c: {  	s7 =	sld [smem:$0x3FB0]  }
0x2d: {  	s3 =	simm.s32 $0x108;
	s8 =	sld [smem:$0x3FB1]  }
0x2e: {  	s3 =	simm.s32 @!p0 $0x1082;
	s9 =	sld [smem:$0x3FB2]  }
0x2f: {  	lr =	sadd.s32 s0, s3;
	s0 =	sld [smem:$0x3FA9]  }
0x30: {  	s3 =	sld [smem:$0x3FAC]  }
0x31: {  	[smem:$0x3FB5] =	sst s10  }
0x32: {  	s10 =	sld [smem:$0x3FB3];
	_ =	sdelay $0x3  }
0x33: {  	p0 =	seq.s32 s10, $0x1;
	s10 =	sld [smem:$0x3FB5];
	_ =	sdelay $0x3  }
0x34: {  	[smem:$0x3FB5] =	sst s10  }
0x35: {  	s10 =	sld [smem:$0x3FB4];
	_ =	sdelay $0x3  }
0x36: {  	p1 =	seq.s32 s10, $0x1;
	s10 =	sld [smem:$0x3FB5];
	_ =	sdelay $0x3  }
0x37: {  	[smem:$0x3FB5] =	sst s10  }
0x38: {  	s10 =	sld [smem:$0x3FB6]  }
0x39: {  	_ = 	snop;
	(pc) =	sbr.ind lr, $3  }
0x3a: {  	_ = 	snop  }
0x3b: {  	_ = 	snop  }
0x3c: {  	p2 =	seq.s32 s10, $0x1;
	s10 =	sld [smem:$0x3FB5]  }
0x3d: {  	_ =	shalt  }
0x3e: {  	_ =	shalt  }
0x3f: {  	_ =	shalt  }
0x40: {  	_ =	shalt  }
0x41: {  	_ =	shalt  }
0x42: {  	_ =	shalt  }
0x43: {  	_ =	shalt  }
0x44: {  	_ =	shalt  }
0x45: {  	_ =	shalt  }
0x46: {  	_ =	shalt  }
0x47: {  	_ =	shalt  }
0x48: {  	_ =	shalt  }
0x49: {  	_ =	shalt  }
0x4a: {  	_ =	shalt  }
0x4b: {  	_ =	shalt  }
0x4c: {  	_ =	shalt  }
0x4d: {  	_ =	shalt  }
0x4e: {  	_ =	shalt  }
0x4f: {  	_ =	shalt  }
0x50: {  	_ =	shalt  }
0x51: {  	_ =	shalt  }
0x52: {  	_ =	shalt  }
0x53: {  	_ =	shalt  }
0x54: {  	_ =	shalt  }
0x55: {  	_ =	shalt  }
0x56: {  	_ =	shalt  }
0x57: {  	_ =	shalt  }
0x58: {  	_ =	shalt  }
0x59: {  	_ =	shalt  }
0x5a: {  	_ =	shalt  }
0x5b: {  	_ =	shalt  }
0x5c: {  	_ =	shalt  }
0x5d: {  	_ =	shalt  }
0x5e: {  	_ =	shalt  }
0x5f: {  	_ =	shalt  }
0x60: {  	_ =	shalt  }
0x61: {  	_ =	shalt  }
0x62: {  	_ =	shalt  }
0x63: {  	_ =	shalt  }
0x64: {  	_ =	shalt  }
0x65: {  	_ =	shalt  }
0x66: {  	_ =	shalt  }
0x67: {  	_ =	shalt  }
0x68: {  	_ =	shalt  }
0x69: {  	_ =	shalt  }
0x6a: {  	_ =	shalt  }
0x6b: {  	_ =	shalt  }
0x6c: {  	_ =	shalt  }
0x6d: {  	_ =	shalt  }
0x6e: {  	_ =	shalt  }
0x6f: {  	_ =	shalt  }
0x70: {  	_ =	shalt  }
0x71: {  	_ =	shalt  }
0x72: {  	_ =	shalt  }
0x73: {  	_ =	shalt  }
0x74: {  	_ =	shalt  }
0x75: {  	_ =	shalt  }
0x76: {  	_ =	shalt  }
0x77: {  	_ =	shalt  }
0x78: {  	_ =	shalt  }
0x79: {  	_ =	shalt  }
0x7a: {  	_ =	shalt  }
0x7b: {  	_ =	shalt  }
0x7c: {  	_ =	shalt  }
0x7d: {  	_ =	shalt  }
0x7e: {  	_ =	shalt  }
0x7f: {  	_ =	shalt  }
0x80: {  	_ =	shalt  }
0x81: {  	_ =	shalt  }
0x82: {  	_ =	shalt  }
0x83: {  	_ =	shalt  }
0x84: {  	_ =	shalt  }
0x85: {  	_ =	shalt  }
0x86: {  	_ =	shalt  }
0x87: {  	_ =	shalt  }
.Lfunc_end0:
.L_simem_size_0:
called_computation.6_lowered:
.L_overlay_start_0:
0x88: {  	s2 =	sld [smem:$0x3FD9]  }
0x89: {  	s3 =	sld [smem:$0x3FFE];
	_ =	sdelay $0x1  }
0x8a: {  	s1 =	srdreg.scid  }
0x8b: {  	s0 =	sand.u32 $0x1, s1  }
0x8c: {  	s17 =	sshll.u32 s0, $0xA;
	s2 =	sadd.s32 s3, s2  }
0x8d: {  	s2 =	sadd.s32 s2, s17  }
0x8e: {  	[smem:$0x3FC1] =	sst s2  }
0x8f: {  	_ = 	snop  }
0x90: {  	s2 =	sld [smem:$0x3FD0];
	(tm) =	ssettm $0x1  }
0x91: {  	s18 =	sld [smem:$0x3FFB];
	_ =	sdelay $0x3  }
0x92: {  	_ =	strace s18  }
0x93: {  	s3 =	sld [smem:$0x3FFC];
	_ =	sdelay $0x3  }
0x94: {  	_ =	strace s3  }
0x95: {  	s3 =	sld [smem:$0x3FFD];
	_ =	sdelay $0x3  }
0x96: {  	_ =	strace s3  }
0x97: {  	_ =	strace $0x8FFFFFFF  }
0x98: {  	s19 =	sld [smem:$0x3FDB];
	_ =	sdelay $0x1  }
0x99: {  	s4 =	simm.s32 $_scs_section_size  }
0x9a: {  	s5 =	simm.s32 $_size__tile_overlayer_lowered;
	s6 =	simm.s32 $_tile_overlayer_lowered  }
0x9b: {  	s22 =	simm.s32 $0x1BFF;
	s21 =	sshll.u32 s6, $0x1;
	s3 =	sadd.s32 s4, s19  }
0x9c: {  	s7 =	simm.s32 $0x0;
	s20 =	sshll.u32 s5, $0x1;
	s5 =	sadd.s32 s21, s3  }
0x9d: {  	[timem:s7], [sflag:s22] =	dma.local [hbm:s5], s20  }
0x9e: {  	_ =	swait.ge [sflag:s22], s20  }
0x9f: {  	s4 =	ssub.s32 $0x0, s20;
	[sflag:s22] =	ssyncset.done $0x0  }
0xa0: {  	[sflag:s22] =	ssyncadd.s32 s4;
	_ =	sdelay $0x1  }
0xa1: {  	s23 =	simm.s32 $0x1B8B  }
0xa2: {  	_ =	swait.ge [sflag:s23], $0x1  }
0xa3: {  	[sflag:s23] =	ssyncset.done $0x0  }
0xa4: {  	s25 =	simm.s32 $0x1B8E;
	s24 =	sld [smem:$0x3FFE];
	[sflag:s23] =	ssyncadd.s32 $0xFFFFFFFF  }
0xa5: {  	s26 =	simm.s32 $execute0_lowered;
	[smem:$0x3FD2] =	sst s25  }
0xa6: {  	s5 =	sshll.u32 s26, $0x1;
	_ =	strace $0x80000058;
	[dreg:$0x1] =	wrdreg $0xFFFFFFFF  }
0xa7: {  	s28 =	simm.s32 $_size_execute0_lowered;
	s3 =	sadd.s32 s3, s5;
	[dreg:$0x0] =	wrdreg $0x0  }
0xa8: {  	s5 =	sshll.u32 s28, $0x1;
	[dreg:$0x2] =	wrdreg s3  }
0xa9: {  	[dreg:$0x3] =	wrdreg s5  }
0xaa: {  	[dreg:$0x4] =	wrdreg $0xC0  }
0xab: {  	_ =	task [dreg:s7], $0x5FFFF  }
0xac: {  	[dreg:$0x1] =	wrdreg $0xFFFFFFFF  }
0xad: {  	[dreg:$0x0] =	wrdreg $0x60  }
0xae: {  	[dreg:$0x2] =	wrdreg s24  }
0xaf: {  	[dreg:$0x3] =	wrdreg s2  }
0xb0: {  	[dreg:$0x4] =	wrdreg $0x51000  }
0xb1: {  	[dreg:$0x5] =	wrdreg $0x9  }
0xb2: {  	_ =	task.clear_ibuf [dreg:s7], $0x6FFFF;
	_ =	strace $0x90000058  }
0xb3: {  	s29 =	simm.s32 $0x9;
	_ =	strace $0x8000005A  }
0xb4: {  	_ =	swait.ge [sflag:s29], $0x1  }
0xb5: {  	[sflag:s29] =	ssyncadd.s32 $0xFFFFFFFF  }
0xb6: {  	_ =	strace $0x9000005A  }
0xb7: {  	_ =	sfence  }
0xb8: {  	s30 =	sld [smem:$0x0];
	_ =	sdelay $0x2  }
0xb9: {  	s31 =	sshll.u32 s1, $0xD;
	s1 =	sshrl.u32 s1, $0x2  }
0xba: {  	s3 =	sand.u32 $0x4000, s31;
	s1 =	sadd.s32 s1, s30  }
0xbb: {  	s0 =	sor.u32 s3, s0;
	s1 =	sshll.u32 s1, $0x11  }
0xbc: {  	s0 =	sor.u32 s1, s0  }
0xbd: {  	s0 =	sadd.s32 $0x8F2B, s0  }
0xbe: {  	[sflag:s0] =	ssyncadd.remote.s32 $0x1  }
0xbf: {  	_ =	sfence.sel $0xFFFF  }
0xc0: {  	[dreg:$0x0] =	wrdreg $0xFFFFFFFF;
	(pc) =	sbr.abs _section_cstart, $3  }
0xc1: {  	[dreg:$0x1] =	wrdreg $0xFFFFFFFF  }
0xc2: {  	_ =	task.clear_ibuf [dreg:s7], $0x2FFFF;
	_ =	strace $0x9FFFFFFF  }
0xc3: {  	(tm) =	ssettm $0x7FFFFFFF  }
tec
execute0_lowered:
.L_overlay_start_1:
0x0: {  	(tag) =	ssettag $0x1  }
0x1: {  	s8 =	rddreg [dreg:$0x0]  }
0x2: {  	s9 =	rddreg [dreg:$0x1]  }
0x3: {  	s1 =	rddreg [dreg:$0x2]  }
0x4: {  	s0 =	rddreg [dreg:$0x3]  }
0x5: {  	s2 =	simm.s32 $0x0;
	s6 =	srdreg.scid;
	s3 =	stileid.u32  }
0x6: {  	s18 =	simm.s32 $0x80;
	s19 =	simm.s32 $0x100;
	s20 =	simm.s32 $0x50  }
0x7: {  	s21 =	simm.s32 $0x2900;
	s22 =	simm.s32 $0x1;
	s28 =	simm.s32 $0x0  }
0x8: {  	[smem:$0x7FF] =	sst s2;
	s4 =	sadd.s32 $0x5BF000, s8;
	s5 =	sadd.s32 $0xF800, s8  }
0x9: {  	s10 =	sand.u32 $0x1, s6;
	s6 =	sadd.s32 $0x5A00, s8;
	s12 =	smul.u32 $0x4F000, s3  }
0xa: {  	s7 =	sadd.s32 $0x19600, s8;
	s14 =	smul.u32 $0x2780, s3;
	s15 =	sadd.s32 $0x5E6200, s8  }
0xb: {  	s26 =	sshll.u32 s3, $0x1;
	s16 =	smul.u32 $0x13C00, s3;
	p0 =	seq.s32 s3, $0xF  }
0xc: {  	_ =	strace $0x80000059;
	s11 =	ssub.s32 $0x2, s10;
	s25 =	smul.u32 $0x138800, s10  }
0xd: {  	s10 =	sor.u32 s10, s26;
	s13 =	sshrl.u32 s11, $0x1;
	s12 =	sshrl.u32 s12, $0x2  }
0xe: {  	s8 =	sadd.s32 s9, s14;
	s14 =	sadd.s32 $0x128400, s1;
	s9 =	sadd.s32 $0x25080, s9  }
0xf: {  	s10 =	smul.u32 $0x2710, s10;
	s13 =	ssub.s32 s11, s13;
	s17 =	sadd.s32 s12, s1  }
0x10: {  	s29 =	sadd.s32 s16, s25;
	s30 =	sshrl.u32 s25, $0x3;
	s14 =	sshrl.u32 @p0 s14, $0x3  }
0x11: {  	s12 =	sshrl.u32 s29, $0x3;
	s31 =	sadd.s32 s15, s30;
	s13 =	smax.u32 s13, $0x1  }
0x12: {  	s16 =	sshrl.u32 @!p0 s17, $0x3;
	s11 =	sadd.s32 s15, s12;
	s15 =	sshll.u32 @!p0 s3, $0x6  }
0x13: {  	s17 =	simm.s32 $0x2;
	s12 =	sadd.s32 $0x25080, s31;
	s15 =	sor.u32 @!p0 $0x1C02, s15  }
.LBB2_1:
0x14: {  	s23 =	simm.s32 @p0 $0x1FC2  }
0x15: {  	[spmem:s14], [sflag:s23] =	dma.local @p0 [hbm:s9], $0x2080  }
0x16: {  	s23 =	simm.s32 @p0 $0x2  }
0x17: {  	_ =	swait.ge @p0 [sflag:s23], $0x2080  }
0x18: {  	[sflag:s23] =	ssyncset.done @p0 $0x0  }
0x19: {  	[sflag:s23] =	ssyncadd.s32 @p0 $0xFFFFDF80;
	s23 =	simm.s32 @!p0 $0x2  }
0x1a: {  	[spmem:s16], [sflag:s15] =	dma.local @!p0 [hbm:s8], $0x2780  }
0x1b: {  	_ =	swait.ge @!p0 [sflag:s23], $0x2780  }
0x1c: {  	[sflag:s23] =	ssyncset.done @!p0 $0x0  }
0x1d: {  	[sflag:s23] =	ssyncadd.s32 @!p0 $0xFFFFD880  }
0x1e: {  	s23 =	simm.s32 $0x0;
	[bflag:$0x0] =	sbarrier.arrive $0xFFFF  }
.LBB2_2:
0x1f: {  	s24 =	smul.u32 $0x50, s23;
	_ =	sdelay $0x1  }
0x20: {  	s24 =	sadd.s32 s10, s24  }
0x21: {  	s25 =	sshrl.u32 s24, $0x3  }
0x22: {  	s26 =	sadd.s32 s6, s25  }
0x23: {  	[tilespmem:s28], [sflag:$0x2] =	stream.linear.gather [hbm4b:s26+s28], $0x50, $0x38;
	[tilespmem:$0x18980] =	vst v63  }
0x24: {  	_ =	swait.ge [sflag:s17], $0x50  }
0x25: {  	[sflag:s17] =	ssyncset.done $0x0  }
0x26: {  	s25 =	sadd.s32 s5, s25;
	[sflag:s17] =	ssyncadd.s32 $0xFFFFFFB0  }
0x27: {  	[tilespmem:s18], [sflag:$0x2] =	stream.linear.gather [hbm4b:s25+s28], $0x50, $0x38;
	[tilespmem:$0x18980] =	vst v63  }
0x28: {  	_ =	swait.ge [sflag:s17], $0x50  }
0x29: {  	s24 =	sshll.u32 s24, $0x4;
	[sflag:s17] =	ssyncset.done $0x0  }
0x2a: {  	s24 =	sadd.s32 s7, s24;
	[sflag:s17] =	ssyncadd.s32 $0xFFFFFFB0  }
0x2b: {  	[tilespmem:s19], [sflag:$0x2] =	stream.linear.gather [hbm4b:s24+s28], $0x2800, $0x38;
	[tilespmem:$0x18980] =	vst v63  }
0x2c: {  	_ =	swait.ge [sflag:s17], $0x2800  }
0x2d: {  	[sflag:s17] =	ssyncset.done $0x0  }
0x2e: {  	[sflag:s17] =	ssyncadd.s32 $0xFFFFD800  }
0x2f: {  	[tilespmem:s21], [sflag:$0x1] =	stream.indirect.gather [hbm4b:s4+s20], $0x80, s28, s20, $0xb8;
	[tilespmem:$0x18980] =	vst v63  }
0x30: {  	_ =	swait.ge [sflag:s22], $0x2800  }
0x31: {  	[sflag:s22] =	ssyncset.done $0x0  }
0x32: {  	s24 =	simm.s32 $0x0;
	[sflag:s22] =	ssyncadd.s32 $0xFFFFD800  }
0x33: {  	v0 =	vld [tilespmem:s24+$0x100]  }
0x34: {  	v4 =	vld [tilespmem:s24+$0x2900]  }
0x35: {  	v6 =	vld [tilespmem:s24+$0x2910]  }
0x36: {  	v5 =	vld [tilespmem:s24+$0x2920]  }
0x37: {  	v3 =	vld [tilespmem:s24+$0x2930]  }
0x38: {  	v1 =	vld [tilespmem:s24+$0x2940]  }
0x39: {  	v2 =	vld [tilespmem:s24+$0x2950];
	v7 =	vmul.f32 v4, v0  }
0x3a: {  	s25 =	simm.s32 $0x200;
	v6 =	vmul.f32 v6, v0;
	v4 =	vld [tilespmem:s24+$0x2960]  }
.LBB2_3:
0x3b: {  	s26 =	sshra.s32 s25, $0x2;
	p1 =	sne.s32 s25, $0x9E00;
	[tilespmem:s24+$0x2900] =	vst v7;
	v5 =	vmul.f32 v5, v0;
	v7 =	vld [tilespmem:s24+$0x2970]  }
0x3c: {  	v8 =	vld [tilespmem:s26+$0x100];
	[tilespmem:s24+$0x2910] =	vst v6;
	v3 =	vmul.f32 v3, v0  }
0x3d: {  	v6 =	vld [tilespmem:s26+$0x2900];
	[tilespmem:s24+$0x2920] =	vst v5;
	v1 =	vmul.f32 v1, v0  }
0x3e: {  	v9 =	vld [tilespmem:s26+$0x2910];
	[tilespmem:s24+$0x2930] =	vst v3;
	v2 =	vmul.f32 v2, v0  }
.Ltmp0:
0x3f: {  	v5 =	vld [tilespmem:s26+$0x2920];
	[tilespmem:s24+$0x2940] =	vst v1;
	v4 =	vmul.f32 v4, v0;
	(pc) =	sbr.rel @p1 .LBB2_3-.Ltmp0, $4  }
0x40: {  	v3 =	vld [tilespmem:s26+$0x2930];
	[tilespmem:s24+$0x2950] =	vst v2;
	v10 =	vmul.f32 v7, v0  }
0x41: {  	v1 =	vld [tilespmem:s26+$0x2940];
	[tilespmem:s24+$0x2960] =	vst v4;
	v0 =	vmov v8  }
0x42: {  	v7 =	vmul.f32 v6, v0;
	v2 =	vld [tilespmem:s26+$0x2950];
	[tilespmem:s24+$0x2970] =	vst v10;
	s24 =	smov.u32 s26  }
0x43: {  	s25 =	sadd.s32 $0x200, s25;
	v6 =	vmul.f32 v9, v0;
	v4 =	vld [tilespmem:s24+$0x2960]  }
0x44: {  	[tilespmem:s24+$0x2900] =	vst v7;
	v5 =	vmul.f32 v5, v0;
	v61 =	vld [tilespmem:s24+$0x2970]  }
0x45: {  	[tilespmem:s24+$0x2910] =	vst v6;
	v3 =	vmul.f32 v3, v0  }
0x46: {  	[tilespmem:s24+$0x2920] =	vst v5;
	v1 =	vmul.f32 v1, v0  }
0x47: {  	[tilespmem:s24+$0x2930] =	vst v3;
	v2 =	vmul.f32 v2, v0  }
0x48: {  	[tilespmem:s24+$0x2940] =	vst v1;
	v62 =	vmul.f32 v4, v0  }
0x49: {  	s23 =	sadd.s32 $0x1, s23;
	[tilespmem:s24+$0x2950] =	vst v2;
	v63 =	vmul.f32 v61, v0  }
0x4a: {  	p1 =	sne.s32 s23, $0x7D;
	[tilespmem:s24+$0x2960] =	vst v62  }
.Ltmp1:
0x4b: {  	[tilespmem:s24+$0x2970] =	vst v63;
	(pc) =	sbr.rel @p1 .LBB2_2-.Ltmp1, $4  }
0x4c: {  	[spmem:s1] =	stream.indirect.scatter.add.f32 [tilespmem:s21], [sflag:$0x2], $0x80, s18, s20, $0xb8;
	[tilespmem:$0x18980] =	vst v63  }
0x4d: {  	_ =	swait.ge [sflag:s17], $0x2800  }
0x4e: {  	[sflag:s17] =	ssyncset.done $0x0  }
0x4f: {  	[sflag:s17] =	ssyncadd.s32 $0xFFFFD800  }
0x50: {  	[bflag:$0x0] =	sbarrier.arrive $0xFFFF;
	s23 =	simm.s32 @p0 $0x1FC2  }
0x51: {  	[hbm:s12], [sflag:s23] =	dma.local @p0 [spmem:s14], $0x2080  }
0x52: {  	s23 =	simm.s32 @p0 $0x2  }
0x53: {  	s2 =	sadd.s32 $0x1, s2;
	_ =	swait.ge @p0 [sflag:s23], $0x2080  }
0x54: {  	p1 =	sne.s32 s2, s13;
	[sflag:s23] =	ssyncset.done @p0 $0x0  }
.Ltmp2:
0x55: {  	[sflag:s23] =	ssyncadd.s32 @p0 $0xFFFFDF80;
	s23 =	simm.s32 @!p0 $0x2;
	(pc) =	sbr.rel @p1 .LBB2_1-.Ltmp2, $4  }
0x56: {  	[hbm:s11], [sflag:s15] =	dma.local @!p0 [spmem:s16], $0x2780  }
0x57: {  	_ =	swait.ge @!p0 [sflag:s23], $0x2780  }
0x58: {  	[sflag:s23] =	ssyncset.done @!p0 $0x0  }
0x59: {  	[sflag:s23] =	ssyncadd.s32 @!p0 $0xFFFFD880  }
0x5a: {  	_ =	sfence.sel $0x180000  }
0x5b: {  	[bflag:$0x0] =	sbarrier.arrive $0xFFFF  }
0x5c: {  	p0 =	sne.s32 s3, $0x0;
	_ =	strace $0x90000059  }
0x5d: {  	s0 =	sadd.s32 @!p0 $0x100000, s0;
	[bflag:$0x2] =	sbarrier.arrive $0xFFFF  }
0x5e: {  	[sflag:s0] =	ssyncadd.tile.s32 @!p0 $0x1;
	_ =	shalt  }
.Lfunc_end2:
_tile_overlayer_lowered:
.L_overlay_start_2:
0x5f: {  	(tag) =	ssettag $0x2  }
0x60: {  	s0 =	rddreg [dreg:$0x0];
	s2 =	stileid.u32  }
0x61: {  	s1 =	rddreg [dreg:$0x1];
	p0 =	sne.s32 s2, $0x0  }
0x62: {  	s3 =	rddreg [dreg:$0x2];
	[bflag:$0x3] =	sbarrier.arrive $0xFFFF;
	s2 =	simm.s32 @!p0 $0x1C02  }
0x63: {  	[timem:s3], [sflag:s2] =	dma.local @!p0 [hbm:s0], s1  }
0x64: {  	s0 =	simm.s32 @!p0 $0x2  }
0x65: {  	_ =	swait.ge @!p0 [sflag:s0], s1  }
0x66: {  	s1 =	ssub.s32 @!p0 $0x0, s1;
	[sflag:s0] =	ssyncset.done @!p0 $0x0  }
0x67: {  	[sflag:s0] =	ssyncadd.s32 @!p0 s1  }
0x68: {  	[bflag:$0x3] =	sbarrier.arrive $0xFFFF  }
0x69: {  	_ =	shalt  }

// kernel: kernel.40.cloned.1.call-start
scs
__scs_entry_jumppad:
0x0: {  	(pc) =	sbr.rel $0x88, $3  }
0x1: {  	(tag) =	ssettag $0x0;
	lr =	simm.s32 $0x1  }
0x2: {  	[smem:$0x3F9A] =	sst lr;
	_ =	strace $0xD0000000  }
0x3: {  	_ = 	snop  }
0x4: {  	_ = 	snop  }
0x5: {  	_ = 	snop  }
0x6: {  	_ = 	snop  }
0x7: {  	_ = 	snop  }
__scs_overlays_trampoline_lowered:
0x8: {  	[smem:$0x3FA9] =	sst s0  }
0x9: {  	[smem:$0x3FAA] =	sst s1  }
0xa: {  	[smem:$0x3FAB] =	sst s2  }
0xb: {  	[smem:$0x3FAC] =	sst s3  }
0xc: {  	[smem:$0x3FAD] =	sst s4  }
0xd: {  	[smem:$0x3FAE] =	sst s5  }
0xe: {  	[smem:$0x3FAF] =	sst s6  }
0xf: {  	[smem:$0x3FB0] =	sst s7  }
0x10: {  	[smem:$0x3FB1] =	sst s8  }
0x11: {  	[smem:$0x3FB2] =	sst s9;
	s0 =	simm.s32 @!p0 $0x0  }
0x12: {  	s1 =	sld [smem:$0x3F98];
	s0 =	simm.s32 @p0 $0x1  }
0x13: {  	[smem:$0x3FB3] =	sst s0;
	s0 =	simm.s32 @!p1 $0x0  }
0x14: {  	s2 =	sld [smem:$0x3F97];
	s0 =	simm.s32 @p1 $0x1  }
0x15: {  	[smem:$0x3FB4] =	sst s0;
	s0 =	simm.s32 @!p2 $0x0  }
0x16: {  	s3 =	sld [smem:$0x3FDB];
	s0 =	simm.s32 @p2 $0x1  }
0x17: {  	s4 =	simm.s32 $0x1BF5;
	[smem:$0x3FB6] =	sst s0  }
0x18: {  	s0 =	sld [smem:$0x3F99];
	_ =	swait.ge [sflag:s4], $0x0  }
0x19: {  	s7 =	sld [smem:$0x3F9A]  }
0x1a: {  	s8 =	sadd.s32 $0xFFFFE003, lr  }
0x1b: {  	s9 =	sadd.s32 $0xFFFFFEF7, lr;
	s5 =	simm.s32 $0xFFFFFFFF;
	p2 =	slt.u32 s8, $0xFFFFF086  }
0x1c: {  	p1 =	slt.u32 s9, $0xF7A;
	s5 =	simm.s32 @!p2 $0x0  }
0x1d: {  	s5 =	simm.s32 @p1 $0x1;
	p0 =	seq.s32 s7, s2  }
0x1e: {  	s7 =	smul.u32 @!p0 $0xF7A, s2;
	p2 =	seq.s32 @!p0 s5, $0x0  }
0x1f: {  	s9 =	smul.u32 $0xF7A, s1;
	s8 =	simm.s32 @!p0 $0x1BF5;
	p2 =	por !p2, p0  }
0x20: {  	[sflag:s8] =	ssyncset.s32 @!p0 $0xFFFFF086;
	s6 =	sadd.s32 @!p0 s3, s7;
	s7 =	simm.s32 @!p0 $0x108  }
0x21: {  	s3 =	sadd.s32 s3, s9;
	s6 =	sadd.s32 @!p0 $0x88, s6;
	s7 =	simm.s32 @p2 $0x1082  }
0x22: {  	[simem:s7], [sflag:s8] =	dma.local @!p0 [hbm:s6], $0xF7A  }
0x23: {  	s9 =	sor.u32 $0xD0000000, s2;
	s6 =	simm.s32 $0x108;
	_ =	swait.ge @!p0 [sflag:s8], $0x0  }
0x24: {  	s3 =	sadd.s32 $0x88, s3;
	s6 =	simm.s32 @!p1 $0x1082;
	[sflag:s4] =	ssyncset.s32 $0xFFFFF086  }
0x25: {  	[simem:s6], [sflag:s4] =	dma.local [hbm:s3], $0xF7A  }
0x26: {  	[smem:$0x3F9A] =	sst s1;
	(tag) =	ssettag s2;
	_ =	strace s9  }
0x27: {  	s1 =	sld [smem:$0x3FAA]  }
0x28: {  	s2 =	sld [smem:$0x3FAB]  }
0x29: {  	s4 =	sld [smem:$0x3FAD]  }
0x2a: {  	p0 =	seq.s32 s5, $0x0;
	s5 =	sld [smem:$0x3FAE]  }
0x2b: {  	s6 =	sld [smem:$0x3FAF]  }
0x2c: {  	s7 =	sld [smem:$0x3FB0]  }
0x2d: {  	s3 =	simm.s32 $0x108;
	s8 =	sld [smem:$0x3FB1]  }
0x2e: {  	s3 =	simm.s32 @!p0 $0x1082;
	s9 =	sld [smem:$0x3FB2]  }
0x2f: {  	lr =	sadd.s32 s0, s3;
	s0 =	sld [smem:$0x3FA9]  }
0x30: {  	s3 =	sld [smem:$0x3FAC]  }
0x31: {  	[smem:$0x3FB5] =	sst s10  }
0x32: {  	s10 =	sld [smem:$0x3FB3];
	_ =	sdelay $0x3  }
0x33: {  	p0 =	seq.s32 s10, $0x1;
	s10 =	sld [smem:$0x3FB5];
	_ =	sdelay $0x3  }
0x34: {  	[smem:$0x3FB5] =	sst s10  }
0x35: {  	s10 =	sld [smem:$0x3FB4];
	_ =	sdelay $0x3  }
0x36: {  	p1 =	seq.s32 s10, $0x1;
	s10 =	sld [smem:$0x3FB5];
	_ =	sdelay $0x3  }
0x37: {  	[smem:$0x3FB5] =	sst s10  }
0x38: {  	s10 =	sld [smem:$0x3FB6]  }
0x39: {  	_ = 	snop;
	(pc) =	sbr.ind lr, $3  }
0x3a: {  	_ = 	snop  }
0x3b: {  	_ = 	snop  }
0x3c: {  	p2 =	seq.s32 s10, $0x1;
	s10 =	sld [smem:$0x3FB5]  }
0x3d: {  	_ =	shalt  }
0x3e: {  	_ =	shalt  }
0x3f: {  	_ =	shalt  }
0x40: {  	_ =	shalt  }
0x41: {  	_ =	shalt  }
0x42: {  	_ =	shalt  }
0x43: {  	_ =	shalt  }
0x44: {  	_ =	shalt  }
0x45: {  	_ =	shalt  }
0x46: {  	_ =	shalt  }
0x47: {  	_ =	shalt  }
0x48: {  	_ =	shalt  }
0x49: {  	_ =	shalt  }
0x4a: {  	_ =	shalt  }
0x4b: {  	_ =	shalt  }
0x4c: {  	_ =	shalt  }
0x4d: {  	_ =	shalt  }
0x4e: {  	_ =	shalt  }
0x4f: {  	_ =	shalt  }
0x50: {  	_ =	shalt  }
0x51: {  	_ =	shalt  }
0x52: {  	_ =	shalt  }
0x53: {  	_ =	shalt  }
0x54: {  	_ =	shalt  }
0x55: {  	_ =	shalt  }
0x56: {  	_ =	shalt  }
0x57: {  	_ =	shalt  }
0x58: {  	_ =	shalt  }
0x59: {  	_ =	shalt  }
0x5a: {  	_ =	shalt  }
0x5b: {  	_ =	shalt  }
0x5c: {  	_ =	shalt  }
0x5d: {  	_ =	shalt  }
0x5e: {  	_ =	shalt  }
0x5f: {  	_ =	shalt  }
0x60: {  	_ =	shalt  }
0x61: {  	_ =	shalt  }
0x62: {  	_ =	shalt  }
0x63: {  	_ =	shalt  }
0x64: {  	_ =	shalt  }
0x65: {  	_ =	shalt  }
0x66: {  	_ =	shalt  }
0x67: {  	_ =	shalt  }
0x68: {  	_ =	shalt  }
0x69: {  	_ =	shalt  }
0x6a: {  	_ =	shalt  }
0x6b: {  	_ =	shalt  }
0x6c: {  	_ =	shalt  }
0x6d: {  	_ =	shalt  }
0x6e: {  	_ =	shalt  }
0x6f: {  	_ =	shalt  }
0x70: {  	_ =	shalt  }
0x71: {  	_ =	shalt  }
0x72: {  	_ =	shalt  }
0x73: {  	_ =	shalt  }
0x74: {  	_ =	shalt  }
0x75: {  	_ =	shalt  }
0x76: {  	_ =	shalt  }
0x77: {  	_ =	shalt  }
0x78: {  	_ =	shalt  }
0x79: {  	_ =	shalt  }
0x7a: {  	_ =	shalt  }
0x7b: {  	_ =	shalt  }
0x7c: {  	_ =	shalt  }
0x7d: {  	_ =	shalt  }
0x7e: {  	_ =	shalt  }
0x7f: {  	_ =	shalt  }
0x80: {  	_ =	shalt  }
0x81: {  	_ =	shalt  }
0x82: {  	_ =	shalt  }
0x83: {  	_ =	shalt  }
0x84: {  	_ =	shalt  }
0x85: {  	_ =	shalt  }
0x86: {  	_ =	shalt  }
0x87: {  	_ =	shalt  }
.Lfunc_end0:
.L_simem_size_0:
called_computation.7_lowered:
.L_overlay_start_0:
0x88: {  	s2 =	sld [smem:$0x3FD9]  }
0x89: {  	s3 =	sld [smem:$0x3FFE];
	_ =	sdelay $0x1  }
0x8a: {  	s1 =	srdreg.scid  }
0x8b: {  	s0 =	sand.u32 $0x1, s1  }
0x8c: {  	s17 =	sshll.u32 s0, $0xA;
	s2 =	sadd.s32 s3, s2  }
0x8d: {  	s2 =	sadd.s32 s2, s17  }
0x8e: {  	[smem:$0x3FC1] =	sst s2  }
0x8f: {  	_ = 	snop  }
0x90: {  	s2 =	sld [smem:$0x3FD0];
	(tm) =	ssettm $0x1  }
0x91: {  	s18 =	sld [smem:$0x3FFB];
	_ =	sdelay $0x3  }
0x92: {  	_ =	strace s18  }
0x93: {  	s3 =	sld [smem:$0x3FFC];
	_ =	sdelay $0x3  }
0x94: {  	_ =	strace s3  }
0x95: {  	s3 =	sld [smem:$0x3FFD];
	_ =	sdelay $0x3  }
0x96: {  	_ =	strace s3  }
0x97: {  	_ =	strace $0x8FFFFFFF  }
0x98: {  	s19 =	sld [smem:$0x3FDB];
	_ =	sdelay $0x1  }
0x99: {  	s4 =	simm.s32 $_scs_section_size  }
0x9a: {  	s5 =	simm.s32 $_size__tile_overlayer_lowered;
	s6 =	simm.s32 $_tile_overlayer_lowered  }
0x9b: {  	s22 =	simm.s32 $0x1BFF;
	s21 =	sshll.u32 s6, $0x1;
	s3 =	sadd.s32 s4, s19  }
0x9c: {  	s7 =	simm.s32 $0x0;
	s20 =	sshll.u32 s5, $0x1;
	s5 =	sadd.s32 s21, s3  }
0x9d: {  	[timem:s7], [sflag:s22] =	dma.local [hbm:s5], s20  }
0x9e: {  	_ =	swait.ge [sflag:s22], s20  }
0x9f: {  	s4 =	ssub.s32 $0x0, s20;
	[sflag:s22] =	ssyncset.done $0x0  }
0xa0: {  	[sflag:s22] =	ssyncadd.s32 s4;
	_ =	sdelay $0x1  }
0xa1: {  	s23 =	simm.s32 $0x1B8B  }
0xa2: {  	_ =	swait.ge [sflag:s23], $0x1  }
0xa3: {  	[sflag:s23] =	ssyncset.done $0x0  }
0xa4: {  	s25 =	simm.s32 $0x1B8E;
	s24 =	sld [smem:$0x3FFE];
	[sflag:s23] =	ssyncadd.s32 $0xFFFFFFFF  }
0xa5: {  	s26 =	simm.s32 $execute0_lowered;
	[smem:$0x3FD2] =	sst s25  }
0xa6: {  	s5 =	sshll.u32 s26, $0x1;
	_ =	strace $0x8000005B;
	[dreg:$0x1] =	wrdreg $0xFFFFFFFF  }
0xa7: {  	s28 =	simm.s32 $_size_execute0_lowered;
	s3 =	sadd.s32 s3, s5;
	[dreg:$0x0] =	wrdreg $0x0  }
0xa8: {  	s5 =	sshll.u32 s28, $0x1;
	[dreg:$0x2] =	wrdreg s3  }
0xa9: {  	[dreg:$0x3] =	wrdreg s5  }
0xaa: {  	[dreg:$0x4] =	wrdreg $0xC0  }
0xab: {  	_ =	task [dreg:s7], $0x5FFFF  }
0xac: {  	[dreg:$0x1] =	wrdreg $0xFFFFFFFF  }
0xad: {  	[dreg:$0x0] =	wrdreg $0x60  }
0xae: {  	[dreg:$0x2] =	wrdreg s24  }
0xaf: {  	[dreg:$0x3] =	wrdreg s2  }
0xb0: {  	[dreg:$0x4] =	wrdreg $0x51000  }
0xb1: {  	[dreg:$0x5] =	wrdreg $0x9  }
0xb2: {  	_ =	task.clear_ibuf [dreg:s7], $0x6FFFF;
	_ =	strace $0x9000005B  }
0xb3: {  	s29 =	simm.s32 $0x9;
	_ =	strace $0x8000005D  }
0xb4: {  	_ =	swait.ge [sflag:s29], $0x1  }
0xb5: {  	[sflag:s29] =	ssyncadd.s32 $0xFFFFFFFF  }
0xb6: {  	_ =	strace $0x9000005D  }
0xb7: {  	_ =	sfence  }
0xb8: {  	s30 =	sld [smem:$0x0];
	_ =	sdelay $0x2  }
0xb9: {  	s31 =	sshll.u32 s1, $0xD;
	s1 =	sshrl.u32 s1, $0x2  }
0xba: {  	s3 =	sand.u32 $0x4000, s31;
	s1 =	sadd.s32 s1, s30  }
0xbb: {  	s0 =	sor.u32 s3, s0;
	s1 =	sshll.u32 s1, $0x11  }
0xbc: {  	s0 =	sor.u32 s1, s0  }
0xbd: {  	s0 =	sadd.s32 $0x8F2B, s0  }
0xbe: {  	[sflag:s0] =	ssyncadd.remote.s32 $0x1  }
0xbf: {  	_ =	sfence.sel $0xFFFF  }
0xc0: {  	[dreg:$0x0] =	wrdreg $0xFFFFFFFF;
	(pc) =	sbr.abs _section_cstart, $3  }
0xc1: {  	[dreg:$0x1] =	wrdreg $0xFFFFFFFF  }
0xc2: {  	_ =	task.clear_ibuf [dreg:s7], $0x2FFFF;
	_ =	strace $0x9FFFFFFF  }
0xc3: {  	(tm) =	ssettm $0x7FFFFFFF  }
tec
execute0_lowered:
.L_overlay_start_1:
0x0: {  	(tag) =	ssettag $0x1  }
0x1: {  	s8 =	rddreg [dreg:$0x0]  }
0x2: {  	s9 =	rddreg [dreg:$0x1]  }
0x3: {  	s1 =	rddreg [dreg:$0x2]  }
0x4: {  	s0 =	rddreg [dreg:$0x3]  }
0x5: {  	s2 =	simm.s32 $0x0;
	s6 =	srdreg.scid;
	s3 =	stileid.u32  }
0x6: {  	s18 =	simm.s32 $0x80;
	s19 =	simm.s32 $0x100;
	s20 =	simm.s32 $0x50  }
0x7: {  	s21 =	simm.s32 $0x2900;
	s22 =	simm.s32 $0x1;
	s28 =	simm.s32 $0x0  }
0x8: {  	[smem:$0x7FF] =	sst s2;
	s4 =	sadd.s32 $0x5E6200, s8;
	s5 =	sadd.s32 $0xF800, s8  }
0x9: {  	s10 =	sand.u32 $0x1, s6;
	s6 =	sadd.s32 $0x5A00, s8;
	s12 =	smul.u32 $0x4F000, s3  }
0xa: {  	s7 =	sadd.s32 $0x19600, s8;
	s14 =	smul.u32 $0x2780, s3;
	s15 =	sadd.s32 $0x60D400, s8  }
0xb: {  	s26 =	sshll.u32 s3, $0x1;
	s16 =	smul.u32 $0x13C00, s3;
	p0 =	seq.s32 s3, $0xF  }
0xc: {  	_ =	strace $0x8000005C;
	s11 =	ssub.s32 $0x2, s10;
	s25 =	smul.u32 $0x138800, s10  }
0xd: {  	s10 =	sor.u32 s10, s26;
	s13 =	sshrl.u32 s11, $0x1;
	s12 =	sshrl.u32 s12, $0x2  }
0xe: {  	s8 =	sadd.s32 s9, s14;
	s14 =	sadd.s32 $0x128400, s1;
	s9 =	sadd.s32 $0x25080, s9  }
0xf: {  	s10 =	smul.u32 $0x2710, s10;
	s13 =	ssub.s32 s11, s13;
	s17 =	sadd.s32 s12, s1  }
0x10: {  	s29 =	sadd.s32 s16, s25;
	s30 =	sshrl.u32 s25, $0x3;
	s14 =	sshrl.u32 @p0 s14, $0x3  }
0x11: {  	s12 =	sshrl.u32 s29, $0x3;
	s31 =	sadd.s32 s15, s30;
	s13 =	smax.u32 s13, $0x1  }
0x12: {  	s16 =	sshrl.u32 @!p0 s17, $0x3;
	s11 =	sadd.s32 s15, s12;
	s15 =	sshll.u32 @!p0 s3, $0x6  }
0x13: {  	s17 =	simm.s32 $0x2;
	s12 =	sadd.s32 $0x25080, s31;
	s15 =	sor.u32 @!p0 $0x1C02, s15  }
.LBB2_1:
0x14: {  	s23 =	simm.s32 @p0 $0x1FC2  }
0x15: {  	[spmem:s14], [sflag:s23] =	dma.local @p0 [hbm:s9], $0x2080  }
0x16: {  	s23 =	simm.s32 @p0 $0x2  }
0x17: {  	_ =	swait.ge @p0 [sflag:s23], $0x2080  }
0x18: {  	[sflag:s23] =	ssyncset.done @p0 $0x0  }
0x19: {  	[sflag:s23] =	ssyncadd.s32 @p0 $0xFFFFDF80;
	s23 =	simm.s32 @!p0 $0x2  }
0x1a: {  	[spmem:s16], [sflag:s15] =	dma.local @!p0 [hbm:s8], $0x2780  }
0x1b: {  	_ =	swait.ge @!p0 [sflag:s23], $0x2780  }
0x1c: {  	[sflag:s23] =	ssyncset.done @!p0 $0x0  }
0x1d: {  	[sflag:s23] =	ssyncadd.s32 @!p0 $0xFFFFD880  }
0x1e: {  	s23 =	simm.s32 $0x0;
	[bflag:$0x0] =	sbarrier.arrive $0xFFFF  }
.LBB2_2:
0x1f: {  	s24 =	smul.u32 $0x50, s23;
	_ =	sdelay $0x1  }
0x20: {  	s24 =	sadd.s32 s10, s24  }
0x21: {  	s25 =	sshrl.u32 s24, $0x3  }
0x22: {  	s26 =	sadd.s32 s6, s25  }
0x23: {  	[tilespmem:s28], [sflag:$0x2] =	stream.linear.gather [hbm4b:s26+s28], $0x50, $0x38;
	[tilespmem:$0x18980] =	vst v63  }
0x24: {  	_ =	swait.ge [sflag:s17], $0x50  }
0x25: {  	[sflag:s17] =	ssyncset.done $0x0  }
0x26: {  	s25 =	sadd.s32 s5, s25;
	[sflag:s17] =	ssyncadd.s32 $0xFFFFFFB0  }
0x27: {  	[tilespmem:s18], [sflag:$0x2] =	stream.linear.gather [hbm4b:s25+s28], $0x50, $0x38;
	[tilespmem:$0x18980] =	vst v63  }
0x28: {  	_ =	swait.ge [sflag:s17], $0x50  }
0x29: {  	s24 =	sshll.u32 s24, $0x4;
	[sflag:s17] =	ssyncset.done $0x0  }
0x2a: {  	s24 =	sadd.s32 s7, s24;
	[sflag:s17] =	ssyncadd.s32 $0xFFFFFFB0  }
0x2b: {  	[tilespmem:s19], [sflag:$0x2] =	stream.linear.gather [hbm4b:s24+s28], $0x2800, $0x38;
	[tilespmem:$0x18980] =	vst v63  }
0x2c: {  	_ =	swait.ge [sflag:s17], $0x2800  }
0x2d: {  	[sflag:s17] =	ssyncset.done $0x0  }
0x2e: {  	[sflag:s17] =	ssyncadd.s32 $0xFFFFD800  }
0x2f: {  	[tilespmem:s21], [sflag:$0x1] =	stream.indirect.gather [hbm4b:s4+s20], $0x80, s28, s20, $0xb8;
	[tilespmem:$0x18980] =	vst v63  }
0x30: {  	_ =	swait.ge [sflag:s22], $0x2800  }
0x31: {  	[sflag:s22] =	ssyncset.done $0x0  }
0x32: {  	s24 =	simm.s32 $0x0;
	[sflag:s22] =	ssyncadd.s32 $0xFFFFD800  }
0x33: {  	v0 =	vld [tilespmem:s24+$0x100]  }
0x34: {  	v4 =	vld [tilespmem:s24+$0x2900]  }
0x35: {  	v6 =	vld [tilespmem:s24+$0x2910]  }
0x36: {  	v5 =	vld [tilespmem:s24+$0x2920]  }
0x37: {  	v3 =	vld [tilespmem:s24+$0x2930]  }
0x38: {  	v1 =	vld [tilespmem:s24+$0x2940]  }
0x39: {  	v2 =	vld [tilespmem:s24+$0x2950];
	v7 =	vmul.f32 v4, v0  }
0x3a: {  	s25 =	simm.s32 $0x200;
	v6 =	vmul.f32 v6, v0;
	v4 =	vld [tilespmem:s24+$0x2960]  }
.LBB2_3:
0x3b: {  	s26 =	sshra.s32 s25, $0x2;
	p1 =	sne.s32 s25, $0x9E00;
	[tilespmem:s24+$0x2900] =	vst v7;
	v5 =	vmul.f32 v5, v0;
	v7 =	vld [tilespmem:s24+$0x2970]  }
0x3c: {  	v8 =	vld [tilespmem:s26+$0x100];
	[tilespmem:s24+$0x2910] =	vst v6;
	v3 =	vmul.f32 v3, v0  }
0x3d: {  	v6 =	vld [tilespmem:s26+$0x2900];
	[tilespmem:s24+$0x2920] =	vst v5;
	v1 =	vmul.f32 v1, v0  }
0x3e: {  	v9 =	vld [tilespmem:s26+$0x2910];
	[tilespmem:s24+$0x2930] =	vst v3;
	v2 =	vmul.f32 v2, v0  }
.Ltmp0:
0x3f: {  	v5 =	vld [tilespmem:s26+$0x2920];
	[tilespmem:s24+$0x2940] =	vst v1;
	v4 =	vmul.f32 v4, v0;
	(pc) =	sbr.rel @p1 .LBB2_3-.Ltmp0, $4  }
0x40: {  	v3 =	vld [tilespmem:s26+$0x2930];
	[tilespmem:s24+$0x2950] =	vst v2;
	v10 =	vmul.f32 v7, v0  }
0x41: {  	v1 =	vld [tilespmem:s26+$0x2940];
	[tilespmem:s24+$0x2960] =	vst v4;
	v0 =	vmov v8  }
0x42: {  	v7 =	vmul.f32 v6, v0;
	v2 =	vld [tilespmem:s26+$0x2950];
	[tilespmem:s24+$0x2970] =	vst v10;
	s24 =	smov.u32 s26  }
0x43: {  	s25 =	sadd.s32 $0x200, s25;
	v6 =	vmul.f32 v9, v0;
	v4 =	vld [tilespmem:s24+$0x2960]  }
0x44: {  	[tilespmem:s24+$0x2900] =	vst v7;
	v5 =	vmul.f32 v5, v0;
	v61 =	vld [tilespmem:s24+$0x2970]  }
0x45: {  	[tilespmem:s24+$0x2910] =	vst v6;
	v3 =	vmul.f32 v3, v0  }
0x46: {  	[tilespmem:s24+$0x2920] =	vst v5;
	v1 =	vmul.f32 v1, v0  }
0x47: {  	[tilespmem:s24+$0x2930] =	vst v3;
	v2 =	vmul.f32 v2, v0  }
0x48: {  	[tilespmem:s24+$0x2940] =	vst v1;
	v62 =	vmul.f32 v4, v0  }
0x49: {  	s23 =	sadd.s32 $0x1, s23;
	[tilespmem:s24+$0x2950] =	vst v2;
	v63 =	vmul.f32 v61, v0  }
0x4a: {  	p1 =	sne.s32 s23, $0x7D;
	[tilespmem:s24+$0x2960] =	vst v62  }
.Ltmp1:
0x4b: {  	[tilespmem:s24+$0x2970] =	vst v63;
	(pc) =	sbr.rel @p1 .LBB2_2-.Ltmp1, $4  }
0x4c: {  	[spmem:s1] =	stream.indirect.scatter.add.f32 [tilespmem:s21], [sflag:$0x2], $0x80, s18, s20, $0xb8;
	[tilespmem:$0x18980] =	vst v63  }
0x4d: {  	_ =	swait.ge [sflag:s17], $0x2800  }
0x4e: {  	[sflag:s17] =	ssyncset.done $0x0  }
0x4f: {  	[sflag:s17] =	ssyncadd.s32 $0xFFFFD800  }
0x50: {  	[bflag:$0x0] =	sbarrier.arrive $0xFFFF;
	s23 =	simm.s32 @p0 $0x1FC2  }
0x51: {  	[hbm:s12], [sflag:s23] =	dma.local @p0 [spmem:s14], $0x2080  }
0x52: {  	s23 =	simm.s32 @p0 $0x2  }
0x53: {  	s2 =	sadd.s32 $0x1, s2;
	_ =	swait.ge @p0 [sflag:s23], $0x2080  }
0x54: {  	p1 =	sne.s32 s2, s13;
	[sflag:s23] =	ssyncset.done @p0 $0x0  }
.Ltmp2:
0x55: {  	[sflag:s23] =	ssyncadd.s32 @p0 $0xFFFFDF80;
	s23 =	simm.s32 @!p0 $0x2;
	(pc) =	sbr.rel @p1 .LBB2_1-.Ltmp2, $4  }
0x56: {  	[hbm:s11], [sflag:s15] =	dma.local @!p0 [spmem:s16], $0x2780  }
0x57: {  	_ =	swait.ge @!p0 [sflag:s23], $0x2780  }
0x58: {  	[sflag:s23] =	ssyncset.done @!p0 $0x0  }
0x59: {  	[sflag:s23] =	ssyncadd.s32 @!p0 $0xFFFFD880  }
0x5a: {  	_ =	sfence.sel $0x180000  }
0x5b: {  	[bflag:$0x0] =	sbarrier.arrive $0xFFFF  }
0x5c: {  	p0 =	sne.s32 s3, $0x0;
	_ =	strace $0x9000005C  }
0x5d: {  	s0 =	sadd.s32 @!p0 $0x100000, s0;
	[bflag:$0x2] =	sbarrier.arrive $0xFFFF  }
0x5e: {  	[sflag:s0] =	ssyncadd.tile.s32 @!p0 $0x1;
	_ =	shalt  }
.Lfunc_end2:
_tile_overlayer_lowered:
.L_overlay_start_2:
0x5f: {  	(tag) =	ssettag $0x2  }
0x60: {  	s0 =	rddreg [dreg:$0x0];
	s2 =	stileid.u32  }
0x61: {  	s1 =	rddreg [dreg:$0x1];
	p0 =	sne.s32 s2, $0x0  }
0x62: {  	s3 =	rddreg [dreg:$0x2];
	[bflag:$0x3] =	sbarrier.arrive $0xFFFF;
	s2 =	simm.s32 @!p0 $0x1C02  }
0x63: {  	[timem:s3], [sflag:s2] =	dma.local @!p0 [hbm:s0], s1  }
0x64: {  	s0 =	simm.s32 @!p0 $0x2  }
0x65: {  	_ =	swait.ge @!p0 [sflag:s0], s1  }
0x66: {  	s1 =	ssub.s32 @!p0 $0x0, s1;
	[sflag:s0] =	ssyncset.done @!p0 $0x0  }
0x67: {  	[sflag:s0] =	ssyncadd.s32 @!p0 s1  }
0x68: {  	[bflag:$0x3] =	sbarrier.arrive $0xFFFF  }
0x69: {  	_ =	shalt  }

</sc_bundles>
